<compile_context>
chip_gen: v7x
topology: tpu7x:2x2x1
jax: 0.10.2.dev20260603
libtpu: 0.0.44.dev20260713+nightly
codegen_flags: <defaults>
</compile_context>

<pallas_src>
import functools

import jax
import jax.numpy as jnp
import numpy as np
from jax import lax
from jax.experimental import pallas as pl
from jax.experimental.pallas import tpu as pltpu
from jax.experimental.pallas import tpu_sc as plsc

_NUM_CLASSES = 100000
_DIM = 128
_BATCH = 16384
_NC, _NS, _L = 2, 16, 16
_NW = _NC * _NS
_ROWS_W = _BATCH // _NW
_CHUNK = 128
_NCHUNK = _ROWS_W // _CHUNK
_HIST_W = 6272
_HIST_PAD = _NS * _HIST_W
_Y_PER_TILE = _BATCH // _NS


def _sc_body(y, hidden, centers, part_out,
             hist, y1_v, ones2_v, y2_v, cnt_v, w_exp, svec_v,
             cen0, cen1, cen2, hid0, hid1, hid2, zbuf,
             sem_h, sem_c0, sem_c1, sem_c2, sem_d0, sem_d1, sem_d2, sem_z):
  cid = lax.axis_index("c")
  sid = lax.axis_index("s")
  wid = sid * _NC + cid
  base = wid * _ROWS_W

  ydescs = [pltpu.async_copy(y.at[pl.ds(base + j * _CHUNK, _CHUNK)],
                             y2_v.at[j], sem_h) for j in range(_NCHUNK)]

  def _zfill(i, carry):
    zbuf[pl.ds(i * _L, _L)] = jnp.zeros((_L,), jnp.float32)
    return carry
  lax.fori_loop(0, _HIST_W // _L, _zfill, 0, unroll=4)
  for j in range(_Y_PER_TILE // _CHUNK):
    for q in range(_CHUNK // _L):
      ones2_v[j, pl.ds(q * _L, _L)] = jnp.ones((_L,), jnp.float32)

  zdesc = pltpu.make_async_copy(
      zbuf, hist.at[pl.ds(sid * _HIST_W, _HIST_W)], sem_z)
  zdesc.start()
  for dsc in ydescs:
    dsc.wait()

  cen_bufs = (cen0, cen1, cen2)
  hid_bufs = (hid0, hid1, hid2)
  sem_cs = (sem_c0, sem_c1, sem_c2)
  sem_ds = (sem_d0, sem_d1, sem_d2)

  def _start(j):
    b = j % 3
    cc = pltpu.async_copy(centers.at[y2_v.at[j]], cen_bufs[b], sem_cs[b])
    hh = pltpu.async_copy(
        hidden.at[pl.ds(base + j * _CHUNK, _CHUNK)], hid_bufs[b], sem_ds[b])
    return cc, hh

  pending = {0: _start(0)}

  sc1 = jax.named_scope("hist_phase"); sc1.__enter__()
  y1descs = [pltpu.async_copy(
      y.at[pl.ds(sid * _Y_PER_TILE + j * _CHUNK, _CHUNK)], y1_v.at[j], sem_h)
      for j in range(_Y_PER_TILE // _CHUNK)]
  for dsc in y1descs:
    dsc.wait()
  zdesc.wait()
  plsc.subcore_barrier()
  adds = [pltpu.make_async_copy(ones2_v.at[j], hist.at[y1_v.at[j]], sem_h)
          for j in range(_Y_PER_TILE // _CHUNK)]
  for dsc in adds:
    dsc.start(add=True)
  for dsc in adds:
    dsc.wait()
  plsc.subcore_barrier()
  sc1.__exit__(None, None, None)

  sc2 = jax.named_scope("weights_phase"); sc2.__enter__()
  descs = [pltpu.async_copy(hist.at[y2_v.at[j]],
                            cnt_v.at[pl.ds(j * _CHUNK, _CHUNK)], sem_h)
           for j in range(_NCHUNK)]
  for dsc in descs:
    dsc.wait()
  ones = jnp.ones((_L,), jnp.float32)

  def _wexp(g, carry):
    cv = cnt_v[pl.ds(g * _L, _L)]
    wv = 1.0 / (cv + 1.0)
    bi = g * (_L * _L)
    for l in range(_L):
      w_exp[pl.ds(bi + l * _L, _L)] = ones * wv[l]
    return carry
  lax.fori_loop(0, _ROWS_W // _L, _wexp, 0, unroll=2)
  sc2.__exit__(None, None, None)

  sc3 = jax.named_scope("compute_phase"); sc3.__enter__()
  svec = jnp.zeros((_L,), jnp.float32)
  for j in range(_NCHUNK):
    b = j % 3
    cc, hh = pending.pop(j)
    if j + 1 < _NCHUNK:
      pending[j + 1] = _start(j + 1)
    cc.wait()
    hh.wait()
    cen = cen_bufs[b]
    hid = hid_bufs[b]

    def _row(r, sv, j=j, cen=cen, hid=hid):
      acc = jnp.zeros((_L,), jnp.float32)
      for q in range(_DIM // _L):
        h = hid[r, pl.ds(q * _L, _L)]
        c = cen[r, pl.ds(q * _L, _L)]
        dif = h - c
        acc = acc + dif * dif
      return sv + acc * w_exp[pl.ds((j * _CHUNK + r) * _L, _L)]
    svec = lax.fori_loop(0, _CHUNK, _row, svec, unroll=2)

  svec_v[...] = svec
  pltpu.sync_copy(svec_v, part_out.at[pl.ds(wid * _L, _L)])
  sc3.__exit__(None, None, None)


_sc_kernel = functools.partial(
    pl.kernel,
    out_type=jax.ShapeDtypeStruct((_NW * _L,), jnp.float32),
    mesh=plsc.VectorSubcoreMesh(core_axis_name="c", subcore_axis_name="s"),
    scratch_types=[
        pltpu.VMEM_SHARED((_HIST_PAD,), jnp.float32),
        pltpu.VMEM((_Y_PER_TILE // _CHUNK, _CHUNK), jnp.int32),
        pltpu.VMEM((_Y_PER_TILE // _CHUNK, _CHUNK), jnp.float32),
        pltpu.VMEM((_NCHUNK, _CHUNK), jnp.int32),
        pltpu.VMEM((_ROWS_W,), jnp.float32),
        pltpu.VMEM((_ROWS_W * _L,), jnp.float32),
        pltpu.VMEM((_L,), jnp.float32),
        pltpu.VMEM((_CHUNK, _DIM), jnp.float32),
        pltpu.VMEM((_CHUNK, _DIM), jnp.float32),
        pltpu.VMEM((_CHUNK, _DIM), jnp.float32),
        pltpu.VMEM((_CHUNK, _DIM), jnp.float32),
        pltpu.VMEM((_CHUNK, _DIM), jnp.float32),
        pltpu.VMEM((_CHUNK, _DIM), jnp.float32),
        pltpu.VMEM((_HIST_W,), jnp.float32),
        pltpu.SemaphoreType.DMA,
        pltpu.SemaphoreType.DMA,
        pltpu.SemaphoreType.DMA,
        pltpu.SemaphoreType.DMA,
        pltpu.SemaphoreType.DMA,
        pltpu.SemaphoreType.DMA,
        pltpu.SemaphoreType.DMA,
        pltpu.SemaphoreType.DMA,
    ],
)(_sc_body)


def _finish_body(p_ref, o_ref):
  s = jnp.sum(p_ref[...])
  o_ref[0, 0] = 0.5 * s / (s + 1e-6)


def kernel(y, hidden, centers):
  part = _sc_kernel(y, hidden, centers)
  out = pl.pallas_call(
      _finish_body,
      out_shape=jax.ShapeDtypeStruct((1, 1), jnp.float32),
      out_specs=pl.BlockSpec(memory_space=pltpu.SMEM),
  )(part)
  return out[0, 0]

# --- scband reference (transcript-rebuilt; emitter-appended) ---
"""Pipeline reference for scband-contrastive-center-loss-70437463654503 (READ-ONLY COPY).

The authoritative reference and input builder live on the scoring server;
editing this copy changes nothing except your own understanding.
"""

import jax, jax.numpy as jnp
import numpy as np

NUM_CLASSES = 100000
DIM_HIDDEN = 128
BATCH = 16384
LAMBDA_C = 1.0


def setup_inputs(seed: int = 0) -> dict:
    key = jax.random.key(seed)
    k1, k2, k3 = jax.random.split(key, 3)
    y = jax.random.randint(k1, (BATCH,), 0, NUM_CLASSES, dtype=jnp.int64 if jax.config.jax_enable_x64 else jnp.int32).astype(jnp.int32)
    hidden = jax.random.normal(k2, (BATCH, DIM_HIDDEN), dtype=jnp.float32)
    centers = jax.random.normal(k3, (NUM_CLASSES, DIM_HIDDEN), dtype=jnp.float32)
    return {"y": y, "hidden": hidden, "centers": centers}


def reference(y, hidden, centers):
    # torch.histc(y, bins=num_classes, min=0, max=num_classes-1) + 1
    # labels are integers in [0, num_classes), so histc == bincount here
    hist = jnp.bincount(y, length=NUM_CLASSES).astype(jnp.float32) + 1.0
    centers_count = jnp.take(hist, y, axis=0)
    # hidden.view(B,1,1,-1).squeeze() -> (B, dim_hidden)
    h = jnp.reshape(hidden, (hidden.shape[0], -1))
    centers_pred = jnp.take(centers, y, axis=0)
    diff = h - centers_pred
    intra_distance = jnp.sum(diff ** 2, axis=1)
    inter_distance = jnp.sum(diff ** 2, axis=1)
    epsilon = 1e-06
    loss = (LAMBDA_C / 2.0) * jnp.sum(intra_distance / centers_count) / (jnp.sum(inter_distance / centers_count) + epsilon)
    return loss

if __name__ == "__main__":
    import jax
    _d = setup_inputs()
    print(jax.jit(kernel)(*tuple(_d.values())))

</pallas_src>

<mosaic_0001>
#map = affine_map<(d0, d1) -> (0)>
#map1 = affine_map<(d0, d1) -> (0, 0)>
module attributes {stable_mosaic.version = 14 : i64} {
  func.func @_sc_body(%arg0: i32, %arg1: i32, %arg2: memref<16384xi32, #tpu.memory_space<hbm>>, %arg3: memref<16384x128xf32, #tpu.memory_space<hbm>>, %arg4: memref<100000x128xf32, #tpu.memory_space<hbm>>, %arg5: memref<512xf32, #tpu.memory_space<hbm>>, %arg6: memref<100352xf32, #tpu.memory_space<vmem_shared>>, %arg7: memref<8x128xi32, #tpu.memory_space<vmem>>, %arg8: memref<8x128xf32, #tpu.memory_space<vmem>>, %arg9: memref<4x128xi32, #tpu.memory_space<vmem>>, %arg10: memref<512xf32, #tpu.memory_space<vmem>>, %arg11: memref<8192xf32, #tpu.memory_space<vmem>>, %arg12: memref<16xf32, #tpu.memory_space<vmem>>, %arg13: memref<128x128xf32, #tpu.memory_space<vmem>>, %arg14: memref<128x128xf32, #tpu.memory_space<vmem>>, %arg15: memref<128x128xf32, #tpu.memory_space<vmem>>, %arg16: memref<128x128xf32, #tpu.memory_space<vmem>>, %arg17: memref<128x128xf32, #tpu.memory_space<vmem>>, %arg18: memref<128x128xf32, #tpu.memory_space<vmem>>, %arg19: memref<6272xf32, #tpu.memory_space<vmem>>, %arg20: memref<!tpu.dma_semaphore, #tpu.memory_space<semaphore_mem>>, %arg21: memref<!tpu.dma_semaphore, #tpu.memory_space<semaphore_mem>>, %arg22: memref<!tpu.dma_semaphore, #tpu.memory_space<semaphore_mem>>, %arg23: memref<!tpu.dma_semaphore, #tpu.memory_space<semaphore_mem>>, %arg24: memref<!tpu.dma_semaphore, #tpu.memory_space<semaphore_mem>>, %arg25: memref<!tpu.dma_semaphore, #tpu.memory_space<semaphore_mem>>, %arg26: memref<!tpu.dma_semaphore, #tpu.memory_space<semaphore_mem>>, %arg27: memref<!tpu.dma_semaphore, #tpu.memory_space<semaphore_mem>>) attributes {dimension_semantics = [#tpu.dimension_semantics<core_parallel>, #tpu.dimension_semantics<subcore_parallel>], iteration_bounds = array<i64: 2, 16>, scalar_prefetch = 0 : i64, scratch_operands = 22 : i64, tpu.core_type = #tpu.core_type<sc_vector_subcore>, window_params = [{transform_indices = #map}, {transform_indices = #map1}, {transform_indices = #map1}, {transform_indices = #map}]} {
    %mul3A = arith.constant 2 : i32
    %mul3A_0 = arith.muli %arg1, %mul3A : i32
    %add3A = arith.addi %mul3A_0, %arg0 : i32
    %mul3A_1 = arith.constant 512 : i32
    %mul3A_2 = arith.muli %add3A, %mul3A_1 : i32
    %add3A_3 = arith.constant 0 : i32
    %add3A_4 = arith.addi %mul3A_2, %add3A_3 : i32
    %dma_start3A = arith.constant 0 : i32
    %dma_start3A_5 = arith.constant 0 : i32
    %dma_start3A_6 = tpu.memref_slice %arg9[%dma_start3A, %dma_start3A_5] : memref<4x128xi32, #tpu.memory_space<vmem>> -> memref<1x128xi32, #tpu.memory_space<vmem>>
    %dma_start3A_7 = tpu.memref_squeeze %dma_start3A_6 : memref<1x128xi32, #tpu.memory_space<vmem>> -> memref<128xi32, #tpu.memory_space<vmem>>
    %dma_start3A_8 = tpu.memref_slice %arg2[%add3A_4] : memref<16384xi32, #tpu.memory_space<hbm>> -> memref<128xi32, #tpu.memory_space<hbm>>
    %dma_start3A_9 = arith.constant 0 : i32
    %dma_start3A_10 = tpu.memref_slice %arg9[%dma_start3A, %dma_start3A_9] : memref<4x128xi32, #tpu.memory_space<vmem>> -> memref<1x128xi32, #tpu.memory_space<vmem>>
    %dma_start3A_11 = tpu.memref_squeeze %dma_start3A_10 : memref<1x128xi32, #tpu.memory_space<vmem>> -> memref<128xi32, #tpu.memory_space<vmem>>
    %dma_start3A_12 = tpu.memref_slice %arg2[%add3A_4] : memref<16384xi32, #tpu.memory_space<hbm>> -> memref<128xi32, #tpu.memory_space<hbm>>
    tpu.enqueue_dma source(%dma_start3A_12 : memref<128xi32, #tpu.memory_space<hbm>>) target(%dma_start3A_11 : memref<128xi32, #tpu.memory_space<vmem>>) target_semaphore(%arg20 : memref<!tpu.dma_semaphore, #tpu.memory_space<semaphore_mem>>)
    %add3A_13 = arith.constant 128 : i32
    %add3A_14 = arith.addi %mul3A_2, %add3A_13 : i32
    %dma_start3A_15 = arith.constant 1 : i32
    %dma_start3A_16 = arith.constant 0 : i32
    %dma_start3A_17 = tpu.memref_slice %arg9[%dma_start3A_15, %dma_start3A_16] : memref<4x128xi32, #tpu.memory_space<vmem>> -> memref<1x128xi32, #tpu.memory_space<vmem>>
    %dma_start3A_18 = tpu.memref_squeeze %dma_start3A_17 : memref<1x128xi32, #tpu.memory_space<vmem>> -> memref<128xi32, #tpu.memory_space<vmem>>
    %dma_start3A_19 = tpu.memref_slice %arg2[%add3A_14] : memref<16384xi32, #tpu.memory_space<hbm>> -> memref<128xi32, #tpu.memory_space<hbm>>
    %dma_start3A_20 = arith.constant 0 : i32
    %dma_start3A_21 = tpu.memref_slice %arg9[%dma_start3A_15, %dma_start3A_20] : memref<4x128xi32, #tpu.memory_space<vmem>> -> memref<1x128xi32, #tpu.memory_space<vmem>>
    %dma_start3A_22 = tpu.memref_squeeze %dma_start3A_21 : memref<1x128xi32, #tpu.memory_space<vmem>> -> memref<128xi32, #tpu.memory_space<vmem>>
    %dma_start3A_23 = tpu.memref_slice %arg2[%add3A_14] : memref<16384xi32, #tpu.memory_space<hbm>> -> memref<128xi32, #tpu.memory_space<hbm>>
    tpu.enqueue_dma source(%dma_start3A_23 : memref<128xi32, #tpu.memory_space<hbm>>) target(%dma_start3A_22 : memref<128xi32, #tpu.memory_space<vmem>>) target_semaphore(%arg20 : memref<!tpu.dma_semaphore, #tpu.memory_space<semaphore_mem>>)
    %add3A_24 = arith.constant 256 : i32
    %add3A_25 = arith.addi %mul3A_2, %add3A_24 : i32
    %dma_start3A_26 = arith.constant 2 : i32
    %dma_start3A_27 = arith.constant 0 : i32
    %dma_start3A_28 = tpu.memref_slice %arg9[%dma_start3A_26, %dma_start3A_27] : memref<4x128xi32, #tpu.memory_space<vmem>> -> memref<1x128xi32, #tpu.memory_space<vmem>>
    %dma_start3A_29 = tpu.memref_squeeze %dma_start3A_28 : memref<1x128xi32, #tpu.memory_space<vmem>> -> memref<128xi32, #tpu.memory_space<vmem>>
    %dma_start3A_30 = tpu.memref_slice %arg2[%add3A_25] : memref<16384xi32, #tpu.memory_space<hbm>> -> memref<128xi32, #tpu.memory_space<hbm>>
    %dma_start3A_31 = arith.constant 0 : i32
    %dma_start3A_32 = tpu.memref_slice %arg9[%dma_start3A_26, %dma_start3A_31] : memref<4x128xi32, #tpu.memory_space<vmem>> -> memref<1x128xi32, #tpu.memory_space<vmem>>
    %dma_start3A_33 = tpu.memref_squeeze %dma_start3A_32 : memref<1x128xi32, #tpu.memory_space<vmem>> -> memref<128xi32, #tpu.memory_space<vmem>>
    %dma_start3A_34 = tpu.memref_slice %arg2[%add3A_25] : memref<16384xi32, #tpu.memory_space<hbm>> -> memref<128xi32, #tpu.memory_space<hbm>>
    tpu.enqueue_dma source(%dma_start3A_34 : memref<128xi32, #tpu.memory_space<hbm>>) target(%dma_start3A_33 : memref<128xi32, #tpu.memory_space<vmem>>) target_semaphore(%arg20 : memref<!tpu.dma_semaphore, #tpu.memory_space<semaphore_mem>>)
    %add3A_35 = arith.constant 384 : i32
    %add3A_36 = arith.addi %mul3A_2, %add3A_35 : i32
    %dma_start3A_37 = arith.constant 3 : i32
    %dma_start3A_38 = arith.constant 0 : i32
    %dma_start3A_39 = tpu.memref_slice %arg9[%dma_start3A_37, %dma_start3A_38] : memref<4x128xi32, #tpu.memory_space<vmem>> -> memref<1x128xi32, #tpu.memory_space<vmem>>
    %dma_start3A_40 = tpu.memref_squeeze %dma_start3A_39 : memref<1x128xi32, #tpu.memory_space<vmem>> -> memref<128xi32, #tpu.memory_space<vmem>>
    %dma_start3A_41 = tpu.memref_slice %arg2[%add3A_36] : memref<16384xi32, #tpu.memory_space<hbm>> -> memref<128xi32, #tpu.memory_space<hbm>>
    %dma_start3A_42 = arith.constant 0 : i32
    %dma_start3A_43 = tpu.memref_slice %arg9[%dma_start3A_37, %dma_start3A_42] : memref<4x128xi32, #tpu.memory_space<vmem>> -> memref<1x128xi32, #tpu.memory_space<vmem>>
    %dma_start3A_44 = tpu.memref_squeeze %dma_start3A_43 : memref<1x128xi32, #tpu.memory_space<vmem>> -> memref<128xi32, #tpu.memory_space<vmem>>
    %dma_start3A_45 = tpu.memref_slice %arg2[%add3A_36] : memref<16384xi32, #tpu.memory_space<hbm>> -> memref<128xi32, #tpu.memory_space<hbm>>
    tpu.enqueue_dma source(%dma_start3A_45 : memref<128xi32, #tpu.memory_space<hbm>>) target(%dma_start3A_44 : memref<128xi32, #tpu.memory_space<vmem>>) target_semaphore(%arg20 : memref<!tpu.dma_semaphore, #tpu.memory_space<semaphore_mem>>)
    %scan3A = arith.constant 0 : i32
    %scan3A_46 = arith.constant 0 : i32
    %scan3A_47 = arith.constant 392 : i32
    %scan3A_48 = arith.addi %scan3A_46, %scan3A_47 : i32
    %scan3A_49 = arith.constant 4 : i32
    scf.for %scan3A_1139 = %scan3A_46 to %scan3A_48 step %scan3A_49  : i32 {
      %broadcast_in_dim3A_1140 = arith.constant 0.000000e+00 : f32
      %broadcast_in_dim3A_1141 = vector.broadcast %broadcast_in_dim3A_1140 : f32 to vector<16xf32>
      %mul3A_1142 = arith.constant 16 : i32
      %mul3A_1143 = arith.muli %scan3A_1139, %mul3A_1142 : i32
      %swap3A_1144 = arith.index_cast %mul3A_1143 : i32 to index
      %swap3A_1145 = tpu.vector_load %arg19[%swap3A_1144] {strides = array<i32>} : memref<6272xf32, #tpu.memory_space<vmem>>, vector<16xf32>,
      %swap3A_1146 = vector.shape_cast %swap3A_1145 : vector<16xf32> to vector<16xf32>
      %swap3A_1147 = vector.shape_cast %broadcast_in_dim3A_1141 : vector<16xf32> to vector<16xf32>
      tpu.vector_store %arg19[%swap3A_1144], %swap3A_1147 {strides = array<i32>} : memref<6272xf32, #tpu.memory_space<vmem>>, vector<16xf32>,
      %scan3A_1148 = arith.constant 1 : i32
      %scan3A_1149 = arith.addi %scan3A_1139, %scan3A_1148 : i32
      %broadcast_in_dim3A_1150 = arith.constant 0.000000e+00 : f32
      %broadcast_in_dim3A_1151 = vector.broadcast %broadcast_in_dim3A_1150 : f32 to vector<16xf32>
      %mul3A_1152 = arith.constant 16 : i32
      %mul3A_1153 = arith.muli %scan3A_1149, %mul3A_1152 : i32
      %swap3A_1154 = arith.index_cast %mul3A_1153 : i32 to index
      %swap3A_1155 = tpu.vector_load %arg19[%swap3A_1154] {strides = array<i32>} : memref<6272xf32, #tpu.memory_space<vmem>>, vector<16xf32>,
      %swap3A_1156 = vector.shape_cast %swap3A_1155 : vector<16xf32> to vector<16xf32>
      %swap3A_1157 = vector.shape_cast %broadcast_in_dim3A_1151 : vector<16xf32> to vector<16xf32>
      tpu.vector_store %arg19[%swap3A_1154], %swap3A_1157 {strides = array<i32>} : memref<6272xf32, #tpu.memory_space<vmem>>, vector<16xf32>,
      %scan3A_1158 = arith.constant 2 : i32
      %scan3A_1159 = arith.addi %scan3A_1139, %scan3A_1158 : i32
      %broadcast_in_dim3A_1160 = arith.constant 0.000000e+00 : f32
      %broadcast_in_dim3A_1161 = vector.broadcast %broadcast_in_dim3A_1160 : f32 to vector<16xf32>
      %mul3A_1162 = arith.constant 16 : i32
      %mul3A_1163 = arith.muli %scan3A_1159, %mul3A_1162 : i32
      %swap3A_1164 = arith.index_cast %mul3A_1163 : i32 to index
      %swap3A_1165 = tpu.vector_load %arg19[%swap3A_1164] {strides = array<i32>} : memref<6272xf32, #tpu.memory_space<vmem>>, vector<16xf32>,
      %swap3A_1166 = vector.shape_cast %swap3A_1165 : vector<16xf32> to vector<16xf32>
      %swap3A_1167 = vector.shape_cast %broadcast_in_dim3A_1161 : vector<16xf32> to vector<16xf32>
      tpu.vector_store %arg19[%swap3A_1164], %swap3A_1167 {strides = array<i32>} : memref<6272xf32, #tpu.memory_space<vmem>>, vector<16xf32>,
      %scan3A_1168 = arith.constant 3 : i32
      %scan3A_1169 = arith.addi %scan3A_1139, %scan3A_1168 : i32
      %broadcast_in_dim3A_1170 = arith.constant 0.000000e+00 : f32
      %broadcast_in_dim3A_1171 = vector.broadcast %broadcast_in_dim3A_1170 : f32 to vector<16xf32>
      %mul3A_1172 = arith.constant 16 : i32
      %mul3A_1173 = arith.muli %scan3A_1169, %mul3A_1172 : i32
      %swap3A_1174 = arith.index_cast %mul3A_1173 : i32 to index
      %swap3A_1175 = tpu.vector_load %arg19[%swap3A_1174] {strides = array<i32>} : memref<6272xf32, #tpu.memory_space<vmem>>, vector<16xf32>,
      %swap3A_1176 = vector.shape_cast %swap3A_1175 : vector<16xf32> to vector<16xf32>
      %swap3A_1177 = vector.shape_cast %broadcast_in_dim3A_1171 : vector<16xf32> to vector<16xf32>
      tpu.vector_store %arg19[%swap3A_1174], %swap3A_1177 {strides = array<i32>} : memref<6272xf32, #tpu.memory_space<vmem>>, vector<16xf32>,
    }
    %scan3A_50 = arith.constant 392 : i32
    %broadcast_in_dim3A = arith.constant 1.000000e+00 : f32
    %broadcast_in_dim3A_51 = vector.broadcast %broadcast_in_dim3A : f32 to vector<16xf32>
    %swap3A = arith.constant 0 : i32
    %swap3A_52 = arith.index_cast %swap3A : i32 to index
    %swap3A_53 = arith.constant 0 : index
    %swap3A_54 = tpu.vector_load %arg8[%swap3A_52, %swap3A_53] {strides = array<i32>} : memref<8x128xf32, #tpu.memory_space<vmem>>, vector<1x16xf32>,
    %swap3A_55 = vector.shape_cast %swap3A_54 : vector<1x16xf32> to vector<16xf32>
    %swap3A_56 = vector.shape_cast %broadcast_in_dim3A_51 : vector<16xf32> to vector<1x16xf32>
    tpu.vector_store %arg8[%swap3A_52, %swap3A_53], %swap3A_56 {strides = array<i32>} : memref<8x128xf32, #tpu.memory_space<vmem>>, vector<1x16xf32>,
    %broadcast_in_dim3A_57 = arith.constant 1.000000e+00 : f32
    %broadcast_in_dim3A_58 = vector.broadcast %broadcast_in_dim3A_57 : f32 to vector<16xf32>
    %swap3A_59 = arith.constant 0 : i32
    %swap3A_60 = arith.index_cast %swap3A_59 : i32 to index
    %swap3A_61 = arith.constant 16 : index
    %swap3A_62 = tpu.vector_load %arg8[%swap3A_60, %swap3A_61] {strides = array<i32>} : memref<8x128xf32, #tpu.memory_space<vmem>>, vector<1x16xf32>,
    %swap3A_63 = vector.shape_cast %swap3A_62 : vector<1x16xf32> to vector<16xf32>
    %swap3A_64 = vector.shape_cast %broadcast_in_dim3A_58 : vector<16xf32> to vector<1x16xf32>
    tpu.vector_store %arg8[%swap3A_60, %swap3A_61], %swap3A_64 {strides = array<i32>} : memref<8x128xf32, #tpu.memory_space<vmem>>, vector<1x16xf32>,
    %broadcast_in_dim3A_65 = arith.constant 1.000000e+00 : f32
    %broadcast_in_dim3A_66 = vector.broadcast %broadcast_in_dim3A_65 : f32 to vector<16xf32>
    %swap3A_67 = arith.constant 0 : i32
    %swap3A_68 = arith.index_cast %swap3A_67 : i32 to index
    %swap3A_69 = arith.constant 32 : index
    %swap3A_70 = tpu.vector_load %arg8[%swap3A_68, %swap3A_69] {strides = array<i32>} : memref<8x128xf32, #tpu.memory_space<vmem>>, vector<1x16xf32>,
    %swap3A_71 = vector.shape_cast %swap3A_70 : vector<1x16xf32> to vector<16xf32>
    %swap3A_72 = vector.shape_cast %broadcast_in_dim3A_66 : vector<16xf32> to vector<1x16xf32>
    tpu.vector_store %arg8[%swap3A_68, %swap3A_69], %swap3A_72 {strides = array<i32>} : memref<8x128xf32, #tpu.memory_space<vmem>>, vector<1x16xf32>,
    %broadcast_in_dim3A_73 = arith.constant 1.000000e+00 : f32
    %broadcast_in_dim3A_74 = vector.broadcast %broadcast_in_dim3A_73 : f32 to vector<16xf32>
    %swap3A_75 = arith.constant 0 : i32
    %swap3A_76 = arith.index_cast %swap3A_75 : i32 to index
    %swap3A_77 = arith.constant 48 : index
    %swap3A_78 = tpu.vector_load %arg8[%swap3A_76, %swap3A_77] {strides = array<i32>} : memref<8x128xf32, #tpu.memory_space<vmem>>, vector<1x16xf32>,
    %swap3A_79 = vector.shape_cast %swap3A_78 : vector<1x16xf32> to vector<16xf32>
    %swap3A_80 = vector.shape_cast %broadcast_in_dim3A_74 : vector<16xf32> to vector<1x16xf32>
    tpu.vector_store %arg8[%swap3A_76, %swap3A_77], %swap3A_80 {strides = array<i32>} : memref<8x128xf32, #tpu.memory_space<vmem>>, vector<1x16xf32>,
    %broadcast_in_dim3A_81 = arith.constant 1.000000e+00 : f32
    %broadcast_in_dim3A_82 = vector.broadcast %broadcast_in_dim3A_81 : f32 to vector<16xf32>
    %swap3A_83 = arith.constant 0 : i32
    %swap3A_84 = arith.index_cast %swap3A_83 : i32 to index
    %swap3A_85 = arith.constant 64 : index
    %swap3A_86 = tpu.vector_load %arg8[%swap3A_84, %swap3A_85] {strides = array<i32>} : memref<8x128xf32, #tpu.memory_space<vmem>>, vector<1x16xf32>,
    %swap3A_87 = vector.shape_cast %swap3A_86 : vector<1x16xf32> to vector<16xf32>
    %swap3A_88 = vector.shape_cast %broadcast_in_dim3A_82 : vector<16xf32> to vector<1x16xf32>
    tpu.vector_store %arg8[%swap3A_84, %swap3A_85], %swap3A_88 {strides = array<i32>} : memref<8x128xf32, #tpu.memory_space<vmem>>, vector<1x16xf32>,
    %broadcast_in_dim3A_89 = arith.constant 1.000000e+00 : f32
    %broadcast_in_dim3A_90 = vector.broadcast %broadcast_in_dim3A_89 : f32 to vector<16xf32>
    %swap3A_91 = arith.constant 0 : i32
    %swap3A_92 = arith.index_cast %swap3A_91 : i32 to index
    %swap3A_93 = arith.constant 80 : index
    %swap3A_94 = tpu.vector_load %arg8[%swap3A_92, %swap3A_93] {strides = array<i32>} : memref<8x128xf32, #tpu.memory_space<vmem>>, vector<1x16xf32>,
    %swap3A_95 = vector.shape_cast %swap3A_94 : vector<1x16xf32> to vector<16xf32>
    %swap3A_96 = vector.shape_cast %broadcast_in_dim3A_90 : vector<16xf32> to vector<1x16xf32>
    tpu.vector_store %arg8[%swap3A_92, %swap3A_93], %swap3A_96 {strides = array<i32>} : memref<8x128xf32, #tpu.memory_space<vmem>>, vector<1x16xf32>,
    %broadcast_in_dim3A_97 = arith.constant 1.000000e+00 : f32
    %broadcast_in_dim3A_98 = vector.broadcast %broadcast_in_dim3A_97 : f32 to vector<16xf32>
    %swap3A_99 = arith.constant 0 : i32
    %swap3A_100 = arith.index_cast %swap3A_99 : i32 to index
    %swap3A_101 = arith.constant 96 : index
    %swap3A_102 = tpu.vector_load %arg8[%swap3A_100, %swap3A_101] {strides = array<i32>} : memref<8x128xf32, #tpu.memory_space<vmem>>, vector<1x16xf32>,
    %swap3A_103 = vector.shape_cast %swap3A_102 : vector<1x16xf32> to vector<16xf32>
    %swap3A_104 = vector.shape_cast %broadcast_in_dim3A_98 : vector<16xf32> to vector<1x16xf32>
    tpu.vector_store %arg8[%swap3A_100, %swap3A_101], %swap3A_104 {strides = array<i32>} : memref<8x128xf32, #tpu.memory_space<vmem>>, vector<1x16xf32>,
    %broadcast_in_dim3A_105 = arith.constant 1.000000e+00 : f32
    %broadcast_in_dim3A_106 = vector.broadcast %broadcast_in_dim3A_105 : f32 to vector<16xf32>
    %swap3A_107 = arith.constant 0 : i32
    %swap3A_108 = arith.index_cast %swap3A_107 : i32 to index
    %swap3A_109 = arith.constant 112 : index
    %swap3A_110 = tpu.vector_load %arg8[%swap3A_108, %swap3A_109] {strides = array<i32>} : memref<8x128xf32, #tpu.memory_space<vmem>>, vector<1x16xf32>,
    %swap3A_111 = vector.shape_cast %swap3A_110 : vector<1x16xf32> to vector<16xf32>
    %swap3A_112 = vector.shape_cast %broadcast_in_dim3A_106 : vector<16xf32> to vector<1x16xf32>
    tpu.vector_store %arg8[%swap3A_108, %swap3A_109], %swap3A_112 {strides = array<i32>} : memref<8x128xf32, #tpu.memory_space<vmem>>, vector<1x16xf32>,
    %broadcast_in_dim3A_113 = arith.constant 1.000000e+00 : f32
    %broadcast_in_dim3A_114 = vector.broadcast %broadcast_in_dim3A_113 : f32 to vector<16xf32>
    %swap3A_115 = arith.constant 1 : i32
    %swap3A_116 = arith.index_cast %swap3A_115 : i32 to index
    %swap3A_117 = arith.constant 0 : index
    %swap3A_118 = tpu.vector_load %arg8[%swap3A_116, %swap3A_117] {strides = array<i32>} : memref<8x128xf32, #tpu.memory_space<vmem>>, vector<1x16xf32>,
    %swap3A_119 = vector.shape_cast %swap3A_118 : vector<1x16xf32> to vector<16xf32>
    %swap3A_120 = vector.shape_cast %broadcast_in_dim3A_114 : vector<16xf32> to vector<1x16xf32>
    tpu.vector_store %arg8[%swap3A_116, %swap3A_117], %swap3A_120 {strides = array<i32>} : memref<8x128xf32, #tpu.memory_space<vmem>>, vector<1x16xf32>,
    %broadcast_in_dim3A_121 = arith.constant 1.000000e+00 : f32
    %broadcast_in_dim3A_122 = vector.broadcast %broadcast_in_dim3A_121 : f32 to vector<16xf32>
    %swap3A_123 = arith.constant 1 : i32
    %swap3A_124 = arith.index_cast %swap3A_123 : i32 to index
    %swap3A_125 = arith.constant 16 : index
    %swap3A_126 = tpu.vector_load %arg8[%swap3A_124, %swap3A_125] {strides = array<i32>} : memref<8x128xf32, #tpu.memory_space<vmem>>, vector<1x16xf32>,
    %swap3A_127 = vector.shape_cast %swap3A_126 : vector<1x16xf32> to vector<16xf32>
    %swap3A_128 = vector.shape_cast %broadcast_in_dim3A_122 : vector<16xf32> to vector<1x16xf32>
    tpu.vector_store %arg8[%swap3A_124, %swap3A_125], %swap3A_128 {strides = array<i32>} : memref<8x128xf32, #tpu.memory_space<vmem>>, vector<1x16xf32>,
    %broadcast_in_dim3A_129 = arith.constant 1.000000e+00 : f32
    %broadcast_in_dim3A_130 = vector.broadcast %broadcast_in_dim3A_129 : f32 to vector<16xf32>
    %swap3A_131 = arith.constant 1 : i32
    %swap3A_132 = arith.index_cast %swap3A_131 : i32 to index
    %swap3A_133 = arith.constant 32 : index
    %swap3A_134 = tpu.vector_load %arg8[%swap3A_132, %swap3A_133] {strides = array<i32>} : memref<8x128xf32, #tpu.memory_space<vmem>>, vector<1x16xf32>,
    %swap3A_135 = vector.shape_cast %swap3A_134 : vector<1x16xf32> to vector<16xf32>
    %swap3A_136 = vector.shape_cast %broadcast_in_dim3A_130 : vector<16xf32> to vector<1x16xf32>
    tpu.vector_store %arg8[%swap3A_132, %swap3A_133], %swap3A_136 {strides = array<i32>} : memref<8x128xf32, #tpu.memory_space<vmem>>, vector<1x16xf32>,
    %broadcast_in_dim3A_137 = arith.constant 1.000000e+00 : f32
    %broadcast_in_dim3A_138 = vector.broadcast %broadcast_in_dim3A_137 : f32 to vector<16xf32>
    %swap3A_139 = arith.constant 1 : i32
    %swap3A_140 = arith.index_cast %swap3A_139 : i32 to index
    %swap3A_141 = arith.constant 48 : index
    %swap3A_142 = tpu.vector_load %arg8[%swap3A_140, %swap3A_141] {strides = array<i32>} : memref<8x128xf32, #tpu.memory_space<vmem>>, vector<1x16xf32>,
    %swap3A_143 = vector.shape_cast %swap3A_142 : vector<1x16xf32> to vector<16xf32>
    %swap3A_144 = vector.shape_cast %broadcast_in_dim3A_138 : vector<16xf32> to vector<1x16xf32>
    tpu.vector_store %arg8[%swap3A_140, %swap3A_141], %swap3A_144 {strides = array<i32>} : memref<8x128xf32, #tpu.memory_space<vmem>>, vector<1x16xf32>,
    %broadcast_in_dim3A_145 = arith.constant 1.000000e+00 : f32
    %broadcast_in_dim3A_146 = vector.broadcast %broadcast_in_dim3A_145 : f32 to vector<16xf32>
    %swap3A_147 = arith.constant 1 : i32
    %swap3A_148 = arith.index_cast %swap3A_147 : i32 to index
    %swap3A_149 = arith.constant 64 : index
    %swap3A_150 = tpu.vector_load %arg8[%swap3A_148, %swap3A_149] {strides = array<i32>} : memref<8x128xf32, #tpu.memory_space<vmem>>, vector<1x16xf32>,
    %swap3A_151 = vector.shape_cast %swap3A_150 : vector<1x16xf32> to vector<16xf32>
    %swap3A_152 = vector.shape_cast %broadcast_in_dim3A_146 : vector<16xf32> to vector<1x16xf32>
    tpu.vector_store %arg8[%swap3A_148, %swap3A_149], %swap3A_152 {strides = array<i32>} : memref<8x128xf32, #tpu.memory_space<vmem>>, vector<1x16xf32>,
    %broadcast_in_dim3A_153 = arith.constant 1.000000e+00 : f32
    %broadcast_in_dim3A_154 = vector.broadcast %broadcast_in_dim3A_153 : f32 to vector<16xf32>
    %swap3A_155 = arith.constant 1 : i32
    %swap3A_156 = arith.index_cast %swap3A_155 : i32 to index
    %swap3A_157 = arith.constant 80 : index
    %swap3A_158 = tpu.vector_load %arg8[%swap3A_156, %swap3A_157] {strides = array<i32>} : memref<8x128xf32, #tpu.memory_space<vmem>>, vector<1x16xf32>,
    %swap3A_159 = vector.shape_cast %swap3A_158 : vector<1x16xf32> to vector<16xf32>
    %swap3A_160 = vector.shape_cast %broadcast_in_dim3A_154 : vector<16xf32> to vector<1x16xf32>
    tpu.vector_store %arg8[%swap3A_156, %swap3A_157], %swap3A_160 {strides = array<i32>} : memref<8x128xf32, #tpu.memory_space<vmem>>, vector<1x16xf32>,
    %broadcast_in_dim3A_161 = arith.constant 1.000000e+00 : f32
    %broadcast_in_dim3A_162 = vector.broadcast %broadcast_in_dim3A_161 : f32 to vector<16xf32>
    %swap3A_163 = arith.constant 1 : i32
    %swap3A_164 = arith.index_cast %swap3A_163 : i32 to index
    %swap3A_165 = arith.constant 96 : index
    %swap3A_166 = tpu.vector_load %arg8[%swap3A_164, %swap3A_165] {strides = array<i32>} : memref<8x128xf32, #tpu.memory_space<vmem>>, vector<1x16xf32>,
    %swap3A_167 = vector.shape_cast %swap3A_166 : vector<1x16xf32> to vector<16xf32>
    %swap3A_168 = vector.shape_cast %broadcast_in_dim3A_162 : vector<16xf32> to vector<1x16xf32>
    tpu.vector_store %arg8[%swap3A_164, %swap3A_165], %swap3A_168 {strides = array<i32>} : memref<8x128xf32, #tpu.memory_space<vmem>>, vector<1x16xf32>,
    %broadcast_in_dim3A_169 = arith.constant 1.000000e+00 : f32
    %broadcast_in_dim3A_170 = vector.broadcast %broadcast_in_dim3A_169 : f32 to vector<16xf32>
    %swap3A_171 = arith.constant 1 : i32
    %swap3A_172 = arith.index_cast %swap3A_171 : i32 to index
    %swap3A_173 = arith.constant 112 : index
    %swap3A_174 = tpu.vector_load %arg8[%swap3A_172, %swap3A_173] {strides = array<i32>} : memref<8x128xf32, #tpu.memory_space<vmem>>, vector<1x16xf32>,
    %swap3A_175 = vector.shape_cast %swap3A_174 : vector<1x16xf32> to vector<16xf32>
    %swap3A_176 = vector.shape_cast %broadcast_in_dim3A_170 : vector<16xf32> to vector<1x16xf32>
    tpu.vector_store %arg8[%swap3A_172, %swap3A_173], %swap3A_176 {strides = array<i32>} : memref<8x128xf32, #tpu.memory_space<vmem>>, vector<1x16xf32>,
    %broadcast_in_dim3A_177 = arith.constant 1.000000e+00 : f32
    %broadcast_in_dim3A_178 = vector.broadcast %broadcast_in_dim3A_177 : f32 to vector<16xf32>
    %swap3A_179 = arith.constant 2 : i32
    %swap3A_180 = arith.index_cast %swap3A_179 : i32 to index
    %swap3A_181 = arith.constant 0 : index
    %swap3A_182 = tpu.vector_load %arg8[%swap3A_180, %swap3A_181] {strides = array<i32>} : memref<8x128xf32, #tpu.memory_space<vmem>>, vector<1x16xf32>,
    %swap3A_183 = vector.shape_cast %swap3A_182 : vector<1x16xf32> to vector<16xf32>
    %swap3A_184 = vector.shape_cast %broadcast_in_dim3A_178 : vector<16xf32> to vector<1x16xf32>
    tpu.vector_store %arg8[%swap3A_180, %swap3A_181], %swap3A_184 {strides = array<i32>} : memref<8x128xf32, #tpu.memory_space<vmem>>, vector<1x16xf32>,
    %broadcast_in_dim3A_185 = arith.constant 1.000000e+00 : f32
    %broadcast_in_dim3A_186 = vector.broadcast %broadcast_in_dim3A_185 : f32 to vector<16xf32>
    %swap3A_187 = arith.constant 2 : i32
    %swap3A_188 = arith.index_cast %swap3A_187 : i32 to index
    %swap3A_189 = arith.constant 16 : index
    %swap3A_190 = tpu.vector_load %arg8[%swap3A_188, %swap3A_189] {strides = array<i32>} : memref<8x128xf32, #tpu.memory_space<vmem>>, vector<1x16xf32>,
    %swap3A_191 = vector.shape_cast %swap3A_190 : vector<1x16xf32> to vector<16xf32>
    %swap3A_192 = vector.shape_cast %broadcast_in_dim3A_186 : vector<16xf32> to vector<1x16xf32>
    tpu.vector_store %arg8[%swap3A_188, %swap3A_189], %swap3A_192 {strides = array<i32>} : memref<8x128xf32, #tpu.memory_space<vmem>>, vector<1x16xf32>,
    %broadcast_in_dim3A_193 = arith.constant 1.000000e+00 : f32
    %broadcast_in_dim3A_194 = vector.broadcast %broadcast_in_dim3A_193 : f32 to vector<16xf32>
    %swap3A_195 = arith.constant 2 : i32
    %swap3A_196 = arith.index_cast %swap3A_195 : i32 to index
    %swap3A_197 = arith.constant 32 : index
    %swap3A_198 = tpu.vector_load %arg8[%swap3A_196, %swap3A_197] {strides = array<i32>} : memref<8x128xf32, #tpu.memory_space<vmem>>, vector<1x16xf32>,
    %swap3A_199 = vector.shape_cast %swap3A_198 : vector<1x16xf32> to vector<16xf32>
    %swap3A_200 = vector.shape_cast %broadcast_in_dim3A_194 : vector<16xf32> to vector<1x16xf32>
    tpu.vector_store %arg8[%swap3A_196, %swap3A_197], %swap3A_200 {strides = array<i32>} : memref<8x128xf32, #tpu.memory_space<vmem>>, vector<1x16xf32>,
    %broadcast_in_dim3A_201 = arith.constant 1.000000e+00 : f32
    %broadcast_in_dim3A_202 = vector.broadcast %broadcast_in_dim3A_201 : f32 to vector<16xf32>
    %swap3A_203 = arith.constant 2 : i32
    %swap3A_204 = arith.index_cast %swap3A_203 : i32 to index
    %swap3A_205 = arith.constant 48 : index
    %swap3A_206 = tpu.vector_load %arg8[%swap3A_204, %swap3A_205] {strides = array<i32>} : memref<8x128xf32, #tpu.memory_space<vmem>>, vector<1x16xf32>,
    %swap3A_207 = vector.shape_cast %swap3A_206 : vector<1x16xf32> to vector<16xf32>
    %swap3A_208 = vector.shape_cast %broadcast_in_dim3A_202 : vector<16xf32> to vector<1x16xf32>
    tpu.vector_store %arg8[%swap3A_204, %swap3A_205], %swap3A_208 {strides = array<i32>} : memref<8x128xf32, #tpu.memory_space<vmem>>, vector<1x16xf32>,
    %broadcast_in_dim3A_209 = arith.constant 1.000000e+00 : f32
    %broadcast_in_dim3A_210 = vector.broadcast %broadcast_in_dim3A_209 : f32 to vector<16xf32>
    %swap3A_211 = arith.constant 2 : i32
    %swap3A_212 = arith.index_cast %swap3A_211 : i32 to index
    %swap3A_213 = arith.constant 64 : index
    %swap3A_214 = tpu.vector_load %arg8[%swap3A_212, %swap3A_213] {strides = array<i32>} : memref<8x128xf32, #tpu.memory_space<vmem>>, vector<1x16xf32>,
    %swap3A_215 = vector.shape_cast %swap3A_214 : vector<1x16xf32> to vector<16xf32>
    %swap3A_216 = vector.shape_cast %broadcast_in_dim3A_210 : vector<16xf32> to vector<1x16xf32>
    tpu.vector_store %arg8[%swap3A_212, %swap3A_213], %swap3A_216 {strides = array<i32>} : memref<8x128xf32, #tpu.memory_space<vmem>>, vector<1x16xf32>,
    %broadcast_in_dim3A_217 = arith.constant 1.000000e+00 : f32
    %broadcast_in_dim3A_218 = vector.broadcast %broadcast_in_dim3A_217 : f32 to vector<16xf32>
    %swap3A_219 = arith.constant 2 : i32
    %swap3A_220 = arith.index_cast %swap3A_219 : i32 to index
    %swap3A_221 = arith.constant 80 : index
    %swap3A_222 = tpu.vector_load %arg8[%swap3A_220, %swap3A_221] {strides = array<i32>} : memref<8x128xf32, #tpu.memory_space<vmem>>, vector<1x16xf32>,
    %swap3A_223 = vector.shape_cast %swap3A_222 : vector<1x16xf32> to vector<16xf32>
    %swap3A_224 = vector.shape_cast %broadcast_in_dim3A_218 : vector<16xf32> to vector<1x16xf32>
    tpu.vector_store %arg8[%swap3A_220, %swap3A_221], %swap3A_224 {strides = array<i32>} : memref<8x128xf32, #tpu.memory_space<vmem>>, vector<1x16xf32>,
    %broadcast_in_dim3A_225 = arith.constant 1.000000e+00 : f32
    %broadcast_in_dim3A_226 = vector.broadcast %broadcast_in_dim3A_225 : f32 to vector<16xf32>
    %swap3A_227 = arith.constant 2 : i32
    %swap3A_228 = arith.index_cast %swap3A_227 : i32 to index
    %swap3A_229 = arith.constant 96 : index
    %swap3A_230 = tpu.vector_load %arg8[%swap3A_228, %swap3A_229] {strides = array<i32>} : memref<8x128xf32, #tpu.memory_space<vmem>>, vector<1x16xf32>,
    %swap3A_231 = vector.shape_cast %swap3A_230 : vector<1x16xf32> to vector<16xf32>
    %swap3A_232 = vector.shape_cast %broadcast_in_dim3A_226 : vector<16xf32> to vector<1x16xf32>
    tpu.vector_store %arg8[%swap3A_228, %swap3A_229], %swap3A_232 {strides = array<i32>} : memref<8x128xf32, #tpu.memory_space<vmem>>, vector<1x16xf32>,
    %broadcast_in_dim3A_233 = arith.constant 1.000000e+00 : f32
    %broadcast_in_dim3A_234 = vector.broadcast %broadcast_in_dim3A_233 : f32 to vector<16xf32>
    %swap3A_235 = arith.constant 2 : i32
    %swap3A_236 = arith.index_cast %swap3A_235 : i32 to index
    %swap3A_237 = arith.constant 112 : index
    %swap3A_238 = tpu.vector_load %arg8[%swap3A_236, %swap3A_237] {strides = array<i32>} : memref<8x128xf32, #tpu.memory_space<vmem>>, vector<1x16xf32>,
    %swap3A_239 = vector.shape_cast %swap3A_238 : vector<1x16xf32> to vector<16xf32>
    %swap3A_240 = vector.shape_cast %broadcast_in_dim3A_234 : vector<16xf32> to vector<1x16xf32>
    tpu.vector_store %arg8[%swap3A_236, %swap3A_237], %swap3A_240 {strides = array<i32>} : memref<8x128xf32, #tpu.memory_space<vmem>>, vector<1x16xf32>,
    %broadcast_in_dim3A_241 = arith.constant 1.000000e+00 : f32
    %broadcast_in_dim3A_242 = vector.broadcast %broadcast_in_dim3A_241 : f32 to vector<16xf32>
    %swap3A_243 = arith.constant 3 : i32
    %swap3A_244 = arith.index_cast %swap3A_243 : i32 to index
    %swap3A_245 = arith.constant 0 : index
    %swap3A_246 = tpu.vector_load %arg8[%swap3A_244, %swap3A_245] {strides = array<i32>} : memref<8x128xf32, #tpu.memory_space<vmem>>, vector<1x16xf32>,
    %swap3A_247 = vector.shape_cast %swap3A_246 : vector<1x16xf32> to vector<16xf32>
    %swap3A_248 = vector.shape_cast %broadcast_in_dim3A_242 : vector<16xf32> to vector<1x16xf32>
    tpu.vector_store %arg8[%swap3A_244, %swap3A_245], %swap3A_248 {strides = array<i32>} : memref<8x128xf32, #tpu.memory_space<vmem>>, vector<1x16xf32>,
    %broadcast_in_dim3A_249 = arith.constant 1.000000e+00 : f32
    %broadcast_in_dim3A_250 = vector.broadcast %broadcast_in_dim3A_249 : f32 to vector<16xf32>
    %swap3A_251 = arith.constant 3 : i32
    %swap3A_252 = arith.index_cast %swap3A_251 : i32 to index
    %swap3A_253 = arith.constant 16 : index
    %swap3A_254 = tpu.vector_load %arg8[%swap3A_252, %swap3A_253] {strides = array<i32>} : memref<8x128xf32, #tpu.memory_space<vmem>>, vector<1x16xf32>,
    %swap3A_255 = vector.shape_cast %swap3A_254 : vector<1x16xf32> to vector<16xf32>
    %swap3A_256 = vector.shape_cast %broadcast_in_dim3A_250 : vector<16xf32> to vector<1x16xf32>
    tpu.vector_store %arg8[%swap3A_252, %swap3A_253], %swap3A_256 {strides = array<i32>} : memref<8x128xf32, #tpu.memory_space<vmem>>, vector<1x16xf32>,
    %broadcast_in_dim3A_257 = arith.constant 1.000000e+00 : f32
    %broadcast_in_dim3A_258 = vector.broadcast %broadcast_in_dim3A_257 : f32 to vector<16xf32>
    %swap3A_259 = arith.constant 3 : i32
    %swap3A_260 = arith.index_cast %swap3A_259 : i32 to index
    %swap3A_261 = arith.constant 32 : index
    %swap3A_262 = tpu.vector_load %arg8[%swap3A_260, %swap3A_261] {strides = array<i32>} : memref<8x128xf32, #tpu.memory_space<vmem>>, vector<1x16xf32>,
    %swap3A_263 = vector.shape_cast %swap3A_262 : vector<1x16xf32> to vector<16xf32>
    %swap3A_264 = vector.shape_cast %broadcast_in_dim3A_258 : vector<16xf32> to vector<1x16xf32>
    tpu.vector_store %arg8[%swap3A_260, %swap3A_261], %swap3A_264 {strides = array<i32>} : memref<8x128xf32, #tpu.memory_space<vmem>>, vector<1x16xf32>,
    %broadcast_in_dim3A_265 = arith.constant 1.000000e+00 : f32
    %broadcast_in_dim3A_266 = vector.broadcast %broadcast_in_dim3A_265 : f32 to vector<16xf32>
    %swap3A_267 = arith.constant 3 : i32
    %swap3A_268 = arith.index_cast %swap3A_267 : i32 to index
    %swap3A_269 = arith.constant 48 : index
    %swap3A_270 = tpu.vector_load %arg8[%swap3A_268, %swap3A_269] {strides = array<i32>} : memref<8x128xf32, #tpu.memory_space<vmem>>, vector<1x16xf32>,
    %swap3A_271 = vector.shape_cast %swap3A_270 : vector<1x16xf32> to vector<16xf32>
    %swap3A_272 = vector.shape_cast %broadcast_in_dim3A_266 : vector<16xf32> to vector<1x16xf32>
    tpu.vector_store %arg8[%swap3A_268, %swap3A_269], %swap3A_272 {strides = array<i32>} : memref<8x128xf32, #tpu.memory_space<vmem>>, vector<1x16xf32>,
    %broadcast_in_dim3A_273 = arith.constant 1.000000e+00 : f32
    %broadcast_in_dim3A_274 = vector.broadcast %broadcast_in_dim3A_273 : f32 to vector<16xf32>
    %swap3A_275 = arith.constant 3 : i32
    %swap3A_276 = arith.index_cast %swap3A_275 : i32 to index
    %swap3A_277 = arith.constant 64 : index
    %swap3A_278 = tpu.vector_load %arg8[%swap3A_276, %swap3A_277] {strides = array<i32>} : memref<8x128xf32, #tpu.memory_space<vmem>>, vector<1x16xf32>,
    %swap3A_279 = vector.shape_cast %swap3A_278 : vector<1x16xf32> to vector<16xf32>
    %swap3A_280 = vector.shape_cast %broadcast_in_dim3A_274 : vector<16xf32> to vector<1x16xf32>
    tpu.vector_store %arg8[%swap3A_276, %swap3A_277], %swap3A_280 {strides = array<i32>} : memref<8x128xf32, #tpu.memory_space<vmem>>, vector<1x16xf32>,
    %broadcast_in_dim3A_281 = arith.constant 1.000000e+00 : f32
    %broadcast_in_dim3A_282 = vector.broadcast %broadcast_in_dim3A_281 : f32 to vector<16xf32>
    %swap3A_283 = arith.constant 3 : i32
    %swap3A_284 = arith.index_cast %swap3A_283 : i32 to index
    %swap3A_285 = arith.constant 80 : index
    %swap3A_286 = tpu.vector_load %arg8[%swap3A_284, %swap3A_285] {strides = array<i32>} : memref<8x128xf32, #tpu.memory_space<vmem>>, vector<1x16xf32>,
    %swap3A_287 = vector.shape_cast %swap3A_286 : vector<1x16xf32> to vector<16xf32>
    %swap3A_288 = vector.shape_cast %broadcast_in_dim3A_282 : vector<16xf32> to vector<1x16xf32>
    tpu.vector_store %arg8[%swap3A_284, %swap3A_285], %swap3A_288 {strides = array<i32>} : memref<8x128xf32, #tpu.memory_space<vmem>>, vector<1x16xf32>,
    %broadcast_in_dim3A_289 = arith.constant 1.000000e+00 : f32
    %broadcast_in_dim3A_290 = vector.broadcast %broadcast_in_dim3A_289 : f32 to vector<16xf32>
    %swap3A_291 = arith.constant 3 : i32
    %swap3A_292 = arith.index_cast %swap3A_291 : i32 to index
    %swap3A_293 = arith.constant 96 : index
    %swap3A_294 = tpu.vector_load %arg8[%swap3A_292, %swap3A_293] {strides = array<i32>} : memref<8x128xf32, #tpu.memory_space<vmem>>, vector<1x16xf32>,
    %swap3A_295 = vector.shape_cast %swap3A_294 : vector<1x16xf32> to vector<16xf32>
    %swap3A_296 = vector.shape_cast %broadcast_in_dim3A_290 : vector<16xf32> to vector<1x16xf32>
    tpu.vector_store %arg8[%swap3A_292, %swap3A_293], %swap3A_296 {strides = array<i32>} : memref<8x128xf32, #tpu.memory_space<vmem>>, vector<1x16xf32>,
    %broadcast_in_dim3A_297 = arith.constant 1.000000e+00 : f32
    %broadcast_in_dim3A_298 = vector.broadcast %broadcast_in_dim3A_297 : f32 to vector<16xf32>
    %swap3A_299 = arith.constant 3 : i32
    %swap3A_300 = arith.index_cast %swap3A_299 : i32 to index
    %swap3A_301 = arith.constant 112 : index
    %swap3A_302 = tpu.vector_load %arg8[%swap3A_300, %swap3A_301] {strides = array<i32>} : memref<8x128xf32, #tpu.memory_space<vmem>>, vector<1x16xf32>,
    %swap3A_303 = vector.shape_cast %swap3A_302 : vector<1x16xf32> to vector<16xf32>
    %swap3A_304 = vector.shape_cast %broadcast_in_dim3A_298 : vector<16xf32> to vector<1x16xf32>
    tpu.vector_store %arg8[%swap3A_300, %swap3A_301], %swap3A_304 {strides = array<i32>} : memref<8x128xf32, #tpu.memory_space<vmem>>, vector<1x16xf32>,
    %broadcast_in_dim3A_305 = arith.constant 1.000000e+00 : f32
    %broadcast_in_dim3A_306 = vector.broadcast %broadcast_in_dim3A_305 : f32 to vector<16xf32>
    %swap3A_307 = arith.constant 4 : i32
    %swap3A_308 = arith.index_cast %swap3A_307 : i32 to index
    %swap3A_309 = arith.constant 0 : index
    %swap3A_310 = tpu.vector_load %arg8[%swap3A_308, %swap3A_309] {strides = array<i32>} : memref<8x128xf32, #tpu.memory_space<vmem>>, vector<1x16xf32>,
    %swap3A_311 = vector.shape_cast %swap3A_310 : vector<1x16xf32> to vector<16xf32>
    %swap3A_312 = vector.shape_cast %broadcast_in_dim3A_306 : vector<16xf32> to vector<1x16xf32>
    tpu.vector_store %arg8[%swap3A_308, %swap3A_309], %swap3A_312 {strides = array<i32>} : memref<8x128xf32, #tpu.memory_space<vmem>>, vector<1x16xf32>,
    %broadcast_in_dim3A_313 = arith.constant 1.000000e+00 : f32
    %broadcast_in_dim3A_314 = vector.broadcast %broadcast_in_dim3A_313 : f32 to vector<16xf32>
    %swap3A_315 = arith.constant 4 : i32
    %swap3A_316 = arith.index_cast %swap3A_315 : i32 to index
    %swap3A_317 = arith.constant 16 : index
    %swap3A_318 = tpu.vector_load %arg8[%swap3A_316, %swap3A_317] {strides = array<i32>} : memref<8x128xf32, #tpu.memory_space<vmem>>, vector<1x16xf32>,
    %swap3A_319 = vector.shape_cast %swap3A_318 : vector<1x16xf32> to vector<16xf32>
    %swap3A_320 = vector.shape_cast %broadcast_in_dim3A_314 : vector<16xf32> to vector<1x16xf32>
    tpu.vector_store %arg8[%swap3A_316, %swap3A_317], %swap3A_320 {strides = array<i32>} : memref<8x128xf32, #tpu.memory_space<vmem>>, vector<1x16xf32>,
    %broadcast_in_dim3A_321 = arith.constant 1.000000e+00 : f32
    %broadcast_in_dim3A_322 = vector.broadcast %broadcast_in_dim3A_321 : f32 to vector<16xf32>
    %swap3A_323 = arith.constant 4 : i32
    %swap3A_324 = arith.index_cast %swap3A_323 : i32 to index
    %swap3A_325 = arith.constant 32 : index
    %swap3A_326 = tpu.vector_load %arg8[%swap3A_324, %swap3A_325] {strides = array<i32>} : memref<8x128xf32, #tpu.memory_space<vmem>>, vector<1x16xf32>,
    %swap3A_327 = vector.shape_cast %swap3A_326 : vector<1x16xf32> to vector<16xf32>
    %swap3A_328 = vector.shape_cast %broadcast_in_dim3A_322 : vector<16xf32> to vector<1x16xf32>
    tpu.vector_store %arg8[%swap3A_324, %swap3A_325], %swap3A_328 {strides = array<i32>} : memref<8x128xf32, #tpu.memory_space<vmem>>, vector<1x16xf32>,
    %broadcast_in_dim3A_329 = arith.constant 1.000000e+00 : f32
    %broadcast_in_dim3A_330 = vector.broadcast %broadcast_in_dim3A_329 : f32 to vector<16xf32>
    %swap3A_331 = arith.constant 4 : i32
    %swap3A_332 = arith.index_cast %swap3A_331 : i32 to index
    %swap3A_333 = arith.constant 48 : index
    %swap3A_334 = tpu.vector_load %arg8[%swap3A_332, %swap3A_333] {strides = array<i32>} : memref<8x128xf32, #tpu.memory_space<vmem>>, vector<1x16xf32>,
    %swap3A_335 = vector.shape_cast %swap3A_334 : vector<1x16xf32> to vector<16xf32>
    %swap3A_336 = vector.shape_cast %broadcast_in_dim3A_330 : vector<16xf32> to vector<1x16xf32>
    tpu.vector_store %arg8[%swap3A_332, %swap3A_333], %swap3A_336 {strides = array<i32>} : memref<8x128xf32, #tpu.memory_space<vmem>>, vector<1x16xf32>,
    %broadcast_in_dim3A_337 = arith.constant 1.000000e+00 : f32
    %broadcast_in_dim3A_338 = vector.broadcast %broadcast_in_dim3A_337 : f32 to vector<16xf32>
    %swap3A_339 = arith.constant 4 : i32
    %swap3A_340 = arith.index_cast %swap3A_339 : i32 to index
    %swap3A_341 = arith.constant 64 : index
    %swap3A_342 = tpu.vector_load %arg8[%swap3A_340, %swap3A_341] {strides = array<i32>} : memref<8x128xf32, #tpu.memory_space<vmem>>, vector<1x16xf32>,
    %swap3A_343 = vector.shape_cast %swap3A_342 : vector<1x16xf32> to vector<16xf32>
    %swap3A_344 = vector.shape_cast %broadcast_in_dim3A_338 : vector<16xf32> to vector<1x16xf32>
    tpu.vector_store %arg8[%swap3A_340, %swap3A_341], %swap3A_344 {strides = array<i32>} : memref<8x128xf32, #tpu.memory_space<vmem>>, vector<1x16xf32>,
    %broadcast_in_dim3A_345 = arith.constant 1.000000e+00 : f32
    %broadcast_in_dim3A_346 = vector.broadcast %broadcast_in_dim3A_345 : f32 to vector<16xf32>
    %swap3A_347 = arith.constant 4 : i32
    %swap3A_348 = arith.index_cast %swap3A_347 : i32 to index
    %swap3A_349 = arith.constant 80 : index
    %swap3A_350 = tpu.vector_load %arg8[%swap3A_348, %swap3A_349] {strides = array<i32>} : memref<8x128xf32, #tpu.memory_space<vmem>>, vector<1x16xf32>,
    %swap3A_351 = vector.shape_cast %swap3A_350 : vector<1x16xf32> to vector<16xf32>
    %swap3A_352 = vector.shape_cast %broadcast_in_dim3A_346 : vector<16xf32> to vector<1x16xf32>
    tpu.vector_store %arg8[%swap3A_348, %swap3A_349], %swap3A_352 {strides = array<i32>} : memref<8x128xf32, #tpu.memory_space<vmem>>, vector<1x16xf32>,
    %broadcast_in_dim3A_353 = arith.constant 1.000000e+00 : f32
    %broadcast_in_dim3A_354 = vector.broadcast %broadcast_in_dim3A_353 : f32 to vector<16xf32>
    %swap3A_355 = arith.constant 4 : i32
    %swap3A_356 = arith.index_cast %swap3A_355 : i32 to index
    %swap3A_357 = arith.constant 96 : index
    %swap3A_358 = tpu.vector_load %arg8[%swap3A_356, %swap3A_357] {strides = array<i32>} : memref<8x128xf32, #tpu.memory_space<vmem>>, vector<1x16xf32>,
    %swap3A_359 = vector.shape_cast %swap3A_358 : vector<1x16xf32> to vector<16xf32>
    %swap3A_360 = vector.shape_cast %broadcast_in_dim3A_354 : vector<16xf32> to vector<1x16xf32>
    tpu.vector_store %arg8[%swap3A_356, %swap3A_357], %swap3A_360 {strides = array<i32>} : memref<8x128xf32, #tpu.memory_space<vmem>>, vector<1x16xf32>,
    %broadcast_in_dim3A_361 = arith.constant 1.000000e+00 : f32
    %broadcast_in_dim3A_362 = vector.broadcast %broadcast_in_dim3A_361 : f32 to vector<16xf32>
    %swap3A_363 = arith.constant 4 : i32
    %swap3A_364 = arith.index_cast %swap3A_363 : i32 to index
    %swap3A_365 = arith.constant 112 : index
    %swap3A_366 = tpu.vector_load %arg8[%swap3A_364, %swap3A_365] {strides = array<i32>} : memref<8x128xf32, #tpu.memory_space<vmem>>, vector<1x16xf32>,
    %swap3A_367 = vector.shape_cast %swap3A_366 : vector<1x16xf32> to vector<16xf32>
    %swap3A_368 = vector.shape_cast %broadcast_in_dim3A_362 : vector<16xf32> to vector<1x16xf32>
    tpu.vector_store %arg8[%swap3A_364, %swap3A_365], %swap3A_368 {strides = array<i32>} : memref<8x128xf32, #tpu.memory_space<vmem>>, vector<1x16xf32>,
    %broadcast_in_dim3A_369 = arith.constant 1.000000e+00 : f32
    %broadcast_in_dim3A_370 = vector.broadcast %broadcast_in_dim3A_369 : f32 to vector<16xf32>
    %swap3A_371 = arith.constant 5 : i32
    %swap3A_372 = arith.index_cast %swap3A_371 : i32 to index
    %swap3A_373 = arith.constant 0 : index
    %swap3A_374 = tpu.vector_load %arg8[%swap3A_372, %swap3A_373] {strides = array<i32>} : memref<8x128xf32, #tpu.memory_space<vmem>>, vector<1x16xf32>,
    %swap3A_375 = vector.shape_cast %swap3A_374 : vector<1x16xf32> to vector<16xf32>
    %swap3A_376 = vector.shape_cast %broadcast_in_dim3A_370 : vector<16xf32> to vector<1x16xf32>
    tpu.vector_store %arg8[%swap3A_372, %swap3A_373], %swap3A_376 {strides = array<i32>} : memref<8x128xf32, #tpu.memory_space<vmem>>, vector<1x16xf32>,
    %broadcast_in_dim3A_377 = arith.constant 1.000000e+00 : f32
    %broadcast_in_dim3A_378 = vector.broadcast %broadcast_in_dim3A_377 : f32 to vector<16xf32>
    %swap3A_379 = arith.constant 5 : i32
    %swap3A_380 = arith.index_cast %swap3A_379 : i32 to index
    %swap3A_381 = arith.constant 16 : index
    %swap3A_382 = tpu.vector_load %arg8[%swap3A_380, %swap3A_381] {strides = array<i32>} : memref<8x128xf32, #tpu.memory_space<vmem>>, vector<1x16xf32>,
    %swap3A_383 = vector.shape_cast %swap3A_382 : vector<1x16xf32> to vector<16xf32>
    %swap3A_384 = vector.shape_cast %broadcast_in_dim3A_378 : vector<16xf32> to vector<1x16xf32>
    tpu.vector_store %arg8[%swap3A_380, %swap3A_381], %swap3A_384 {strides = array<i32>} : memref<8x128xf32, #tpu.memory_space<vmem>>, vector<1x16xf32>,
    %broadcast_in_dim3A_385 = arith.constant 1.000000e+00 : f32
    %broadcast_in_dim3A_386 = vector.broadcast %broadcast_in_dim3A_385 : f32 to vector<16xf32>
    %swap3A_387 = arith.constant 5 : i32
    %swap3A_388 = arith.index_cast %swap3A_387 : i32 to index
    %swap3A_389 = arith.constant 32 : index
    %swap3A_390 = tpu.vector_load %arg8[%swap3A_388, %swap3A_389] {strides = array<i32>} : memref<8x128xf32, #tpu.memory_space<vmem>>, vector<1x16xf32>,
    %swap3A_391 = vector.shape_cast %swap3A_390 : vector<1x16xf32> to vector<16xf32>
    %swap3A_392 = vector.shape_cast %broadcast_in_dim3A_386 : vector<16xf32> to vector<1x16xf32>
    tpu.vector_store %arg8[%swap3A_388, %swap3A_389], %swap3A_392 {strides = array<i32>} : memref<8x128xf32, #tpu.memory_space<vmem>>, vector<1x16xf32>,
    %broadcast_in_dim3A_393 = arith.constant 1.000000e+00 : f32
    %broadcast_in_dim3A_394 = vector.broadcast %broadcast_in_dim3A_393 : f32 to vector<16xf32>
    %swap3A_395 = arith.constant 5 : i32
    %swap3A_396 = arith.index_cast %swap3A_395 : i32 to index
    %swap3A_397 = arith.constant 48 : index
    %swap3A_398 = tpu.vector_load %arg8[%swap3A_396, %swap3A_397] {strides = array<i32>} : memref<8x128xf32, #tpu.memory_space<vmem>>, vector<1x16xf32>,
    %swap3A_399 = vector.shape_cast %swap3A_398 : vector<1x16xf32> to vector<16xf32>
    %swap3A_400 = vector.shape_cast %broadcast_in_dim3A_394 : vector<16xf32> to vector<1x16xf32>
    tpu.vector_store %arg8[%swap3A_396, %swap3A_397], %swap3A_400 {strides = array<i32>} : memref<8x128xf32, #tpu.memory_space<vmem>>, vector<1x16xf32>,
    %broadcast_in_dim3A_401 = arith.constant 1.000000e+00 : f32
    %broadcast_in_dim3A_402 = vector.broadcast %broadcast_in_dim3A_401 : f32 to vector<16xf32>
    %swap3A_403 = arith.constant 5 : i32
    %swap3A_404 = arith.index_cast %swap3A_403 : i32 to index
    %swap3A_405 = arith.constant 64 : index
    %swap3A_406 = tpu.vector_load %arg8[%swap3A_404, %swap3A_405] {strides = array<i32>} : memref<8x128xf32, #tpu.memory_space<vmem>>, vector<1x16xf32>,
    %swap3A_407 = vector.shape_cast %swap3A_406 : vector<1x16xf32> to vector<16xf32>
    %swap3A_408 = vector.shape_cast %broadcast_in_dim3A_402 : vector<16xf32> to vector<1x16xf32>
    tpu.vector_store %arg8[%swap3A_404, %swap3A_405], %swap3A_408 {strides = array<i32>} : memref<8x128xf32, #tpu.memory_space<vmem>>, vector<1x16xf32>,
    %broadcast_in_dim3A_409 = arith.constant 1.000000e+00 : f32
    %broadcast_in_dim3A_410 = vector.broadcast %broadcast_in_dim3A_409 : f32 to vector<16xf32>
    %swap3A_411 = arith.constant 5 : i32
    %swap3A_412 = arith.index_cast %swap3A_411 : i32 to index
    %swap3A_413 = arith.constant 80 : index
    %swap3A_414 = tpu.vector_load %arg8[%swap3A_412, %swap3A_413] {strides = array<i32>} : memref<8x128xf32, #tpu.memory_space<vmem>>, vector<1x16xf32>,
    %swap3A_415 = vector.shape_cast %swap3A_414 : vector<1x16xf32> to vector<16xf32>
    %swap3A_416 = vector.shape_cast %broadcast_in_dim3A_410 : vector<16xf32> to vector<1x16xf32>
    tpu.vector_store %arg8[%swap3A_412, %swap3A_413], %swap3A_416 {strides = array<i32>} : memref<8x128xf32, #tpu.memory_space<vmem>>, vector<1x16xf32>,
    %broadcast_in_dim3A_417 = arith.constant 1.000000e+00 : f32
    %broadcast_in_dim3A_418 = vector.broadcast %broadcast_in_dim3A_417 : f32 to vector<16xf32>
    %swap3A_419 = arith.constant 5 : i32
    %swap3A_420 = arith.index_cast %swap3A_419 : i32 to index
    %swap3A_421 = arith.constant 96 : index
    %swap3A_422 = tpu.vector_load %arg8[%swap3A_420, %swap3A_421] {strides = array<i32>} : memref<8x128xf32, #tpu.memory_space<vmem>>, vector<1x16xf32>,
    %swap3A_423 = vector.shape_cast %swap3A_422 : vector<1x16xf32> to vector<16xf32>
    %swap3A_424 = vector.shape_cast %broadcast_in_dim3A_418 : vector<16xf32> to vector<1x16xf32>
    tpu.vector_store %arg8[%swap3A_420, %swap3A_421], %swap3A_424 {strides = array<i32>} : memref<8x128xf32, #tpu.memory_space<vmem>>, vector<1x16xf32>,
    %broadcast_in_dim3A_425 = arith.constant 1.000000e+00 : f32
    %broadcast_in_dim3A_426 = vector.broadcast %broadcast_in_dim3A_425 : f32 to vector<16xf32>
    %swap3A_427 = arith.constant 5 : i32
    %swap3A_428 = arith.index_cast %swap3A_427 : i32 to index
    %swap3A_429 = arith.constant 112 : index
    %swap3A_430 = tpu.vector_load %arg8[%swap3A_428, %swap3A_429] {strides = array<i32>} : memref<8x128xf32, #tpu.memory_space<vmem>>, vector<1x16xf32>,
    %swap3A_431 = vector.shape_cast %swap3A_430 : vector<1x16xf32> to vector<16xf32>
    %swap3A_432 = vector.shape_cast %broadcast_in_dim3A_426 : vector<16xf32> to vector<1x16xf32>
    tpu.vector_store %arg8[%swap3A_428, %swap3A_429], %swap3A_432 {strides = array<i32>} : memref<8x128xf32, #tpu.memory_space<vmem>>, vector<1x16xf32>,
    %broadcast_in_dim3A_433 = arith.constant 1.000000e+00 : f32
    %broadcast_in_dim3A_434 = vector.broadcast %broadcast_in_dim3A_433 : f32 to vector<16xf32>
    %swap3A_435 = arith.constant 6 : i32
    %swap3A_436 = arith.index_cast %swap3A_435 : i32 to index
    %swap3A_437 = arith.constant 0 : index
    %swap3A_438 = tpu.vector_load %arg8[%swap3A_436, %swap3A_437] {strides = array<i32>} : memref<8x128xf32, #tpu.memory_space<vmem>>, vector<1x16xf32>,
    %swap3A_439 = vector.shape_cast %swap3A_438 : vector<1x16xf32> to vector<16xf32>
    %swap3A_440 = vector.shape_cast %broadcast_in_dim3A_434 : vector<16xf32> to vector<1x16xf32>
    tpu.vector_store %arg8[%swap3A_436, %swap3A_437], %swap3A_440 {strides = array<i32>} : memref<8x128xf32, #tpu.memory_space<vmem>>, vector<1x16xf32>,
    %broadcast_in_dim3A_441 = arith.constant 1.000000e+00 : f32
    %broadcast_in_dim3A_442 = vector.broadcast %broadcast_in_dim3A_441 : f32 to vector<16xf32>
    %swap3A_443 = arith.constant 6 : i32
    %swap3A_444 = arith.index_cast %swap3A_443 : i32 to index
    %swap3A_445 = arith.constant 16 : index
    %swap3A_446 = tpu.vector_load %arg8[%swap3A_444, %swap3A_445] {strides = array<i32>} : memref<8x128xf32, #tpu.memory_space<vmem>>, vector<1x16xf32>,
    %swap3A_447 = vector.shape_cast %swap3A_446 : vector<1x16xf32> to vector<16xf32>
    %swap3A_448 = vector.shape_cast %broadcast_in_dim3A_442 : vector<16xf32> to vector<1x16xf32>
    tpu.vector_store %arg8[%swap3A_444, %swap3A_445], %swap3A_448 {strides = array<i32>} : memref<8x128xf32, #tpu.memory_space<vmem>>, vector<1x16xf32>,
    %broadcast_in_dim3A_449 = arith.constant 1.000000e+00 : f32
    %broadcast_in_dim3A_450 = vector.broadcast %broadcast_in_dim3A_449 : f32 to vector<16xf32>
    %swap3A_451 = arith.constant 6 : i32
    %swap3A_452 = arith.index_cast %swap3A_451 : i32 to index
    %swap3A_453 = arith.constant 32 : index
    %swap3A_454 = tpu.vector_load %arg8[%swap3A_452, %swap3A_453] {strides = array<i32>} : memref<8x128xf32, #tpu.memory_space<vmem>>, vector<1x16xf32>,
    %swap3A_455 = vector.shape_cast %swap3A_454 : vector<1x16xf32> to vector<16xf32>
    %swap3A_456 = vector.shape_cast %broadcast_in_dim3A_450 : vector<16xf32> to vector<1x16xf32>
    tpu.vector_store %arg8[%swap3A_452, %swap3A_453], %swap3A_456 {strides = array<i32>} : memref<8x128xf32, #tpu.memory_space<vmem>>, vector<1x16xf32>,
    %broadcast_in_dim3A_457 = arith.constant 1.000000e+00 : f32
    %broadcast_in_dim3A_458 = vector.broadcast %broadcast_in_dim3A_457 : f32 to vector<16xf32>
    %swap3A_459 = arith.constant 6 : i32
    %swap3A_460 = arith.index_cast %swap3A_459 : i32 to index
    %swap3A_461 = arith.constant 48 : index
    %swap3A_462 = tpu.vector_load %arg8[%swap3A_460, %swap3A_461] {strides = array<i32>} : memref<8x128xf32, #tpu.memory_space<vmem>>, vector<1x16xf32>,
    %swap3A_463 = vector.shape_cast %swap3A_462 : vector<1x16xf32> to vector<16xf32>
    %swap3A_464 = vector.shape_cast %broadcast_in_dim3A_458 : vector<16xf32> to vector<1x16xf32>
    tpu.vector_store %arg8[%swap3A_460, %swap3A_461], %swap3A_464 {strides = array<i32>} : memref<8x128xf32, #tpu.memory_space<vmem>>, vector<1x16xf32>,
    %broadcast_in_dim3A_465 = arith.constant 1.000000e+00 : f32
    %broadcast_in_dim3A_466 = vector.broadcast %broadcast_in_dim3A_465 : f32 to vector<16xf32>
    %swap3A_467 = arith.constant 6 : i32
    %swap3A_468 = arith.index_cast %swap3A_467 : i32 to index
    %swap3A_469 = arith.constant 64 : index
    %swap3A_470 = tpu.vector_load %arg8[%swap3A_468, %swap3A_469] {strides = array<i32>} : memref<8x128xf32, #tpu.memory_space<vmem>>, vector<1x16xf32>,
    %swap3A_471 = vector.shape_cast %swap3A_470 : vector<1x16xf32> to vector<16xf32>
    %swap3A_472 = vector.shape_cast %broadcast_in_dim3A_466 : vector<16xf32> to vector<1x16xf32>
    tpu.vector_store %arg8[%swap3A_468, %swap3A_469], %swap3A_472 {strides = array<i32>} : memref<8x128xf32, #tpu.memory_space<vmem>>, vector<1x16xf32>,
    %broadcast_in_dim3A_473 = arith.constant 1.000000e+00 : f32
    %broadcast_in_dim3A_474 = vector.broadcast %broadcast_in_dim3A_473 : f32 to vector<16xf32>
    %swap3A_475 = arith.constant 6 : i32
    %swap3A_476 = arith.index_cast %swap3A_475 : i32 to index
    %swap3A_477 = arith.constant 80 : index
    %swap3A_478 = tpu.vector_load %arg8[%swap3A_476, %swap3A_477] {strides = array<i32>} : memref<8x128xf32, #tpu.memory_space<vmem>>, vector<1x16xf32>,
    %swap3A_479 = vector.shape_cast %swap3A_478 : vector<1x16xf32> to vector<16xf32>
    %swap3A_480 = vector.shape_cast %broadcast_in_dim3A_474 : vector<16xf32> to vector<1x16xf32>
    tpu.vector_store %arg8[%swap3A_476, %swap3A_477], %swap3A_480 {strides = array<i32>} : memref<8x128xf32, #tpu.memory_space<vmem>>, vector<1x16xf32>,
    %broadcast_in_dim3A_481 = arith.constant 1.000000e+00 : f32
    %broadcast_in_dim3A_482 = vector.broadcast %broadcast_in_dim3A_481 : f32 to vector<16xf32>
    %swap3A_483 = arith.constant 6 : i32
    %swap3A_484 = arith.index_cast %swap3A_483 : i32 to index
    %swap3A_485 = arith.constant 96 : index
    %swap3A_486 = tpu.vector_load %arg8[%swap3A_484, %swap3A_485] {strides = array<i32>} : memref<8x128xf32, #tpu.memory_space<vmem>>, vector<1x16xf32>,
    %swap3A_487 = vector.shape_cast %swap3A_486 : vector<1x16xf32> to vector<16xf32>
    %swap3A_488 = vector.shape_cast %broadcast_in_dim3A_482 : vector<16xf32> to vector<1x16xf32>
    tpu.vector_store %arg8[%swap3A_484, %swap3A_485], %swap3A_488 {strides = array<i32>} : memref<8x128xf32, #tpu.memory_space<vmem>>, vector<1x16xf32>,
    %broadcast_in_dim3A_489 = arith.constant 1.000000e+00 : f32
    %broadcast_in_dim3A_490 = vector.broadcast %broadcast_in_dim3A_489 : f32 to vector<16xf32>
    %swap3A_491 = arith.constant 6 : i32
    %swap3A_492 = arith.index_cast %swap3A_491 : i32 to index
    %swap3A_493 = arith.constant 112 : index
    %swap3A_494 = tpu.vector_load %arg8[%swap3A_492, %swap3A_493] {strides = array<i32>} : memref<8x128xf32, #tpu.memory_space<vmem>>, vector<1x16xf32>,
    %swap3A_495 = vector.shape_cast %swap3A_494 : vector<1x16xf32> to vector<16xf32>
    %swap3A_496 = vector.shape_cast %broadcast_in_dim3A_490 : vector<16xf32> to vector<1x16xf32>
    tpu.vector_store %arg8[%swap3A_492, %swap3A_493], %swap3A_496 {strides = array<i32>} : memref<8x128xf32, #tpu.memory_space<vmem>>, vector<1x16xf32>,
    %broadcast_in_dim3A_497 = arith.constant 1.000000e+00 : f32
    %broadcast_in_dim3A_498 = vector.broadcast %broadcast_in_dim3A_497 : f32 to vector<16xf32>
    %swap3A_499 = arith.constant 7 : i32
    %swap3A_500 = arith.index_cast %swap3A_499 : i32 to index
    %swap3A_501 = arith.constant 0 : index
    %swap3A_502 = tpu.vector_load %arg8[%swap3A_500, %swap3A_501] {strides = array<i32>} : memref<8x128xf32, #tpu.memory_space<vmem>>, vector<1x16xf32>,
    %swap3A_503 = vector.shape_cast %swap3A_502 : vector<1x16xf32> to vector<16xf32>
    %swap3A_504 = vector.shape_cast %broadcast_in_dim3A_498 : vector<16xf32> to vector<1x16xf32>
    tpu.vector_store %arg8[%swap3A_500, %swap3A_501], %swap3A_504 {strides = array<i32>} : memref<8x128xf32, #tpu.memory_space<vmem>>, vector<1x16xf32>,
    %broadcast_in_dim3A_505 = arith.constant 1.000000e+00 : f32
    %broadcast_in_dim3A_506 = vector.broadcast %broadcast_in_dim3A_505 : f32 to vector<16xf32>
    %swap3A_507 = arith.constant 7 : i32
    %swap3A_508 = arith.index_cast %swap3A_507 : i32 to index
    %swap3A_509 = arith.constant 16 : index
    %swap3A_510 = tpu.vector_load %arg8[%swap3A_508, %swap3A_509] {strides = array<i32>} : memref<8x128xf32, #tpu.memory_space<vmem>>, vector<1x16xf32>,
    %swap3A_511 = vector.shape_cast %swap3A_510 : vector<1x16xf32> to vector<16xf32>
    %swap3A_512 = vector.shape_cast %broadcast_in_dim3A_506 : vector<16xf32> to vector<1x16xf32>
    tpu.vector_store %arg8[%swap3A_508, %swap3A_509], %swap3A_512 {strides = array<i32>} : memref<8x128xf32, #tpu.memory_space<vmem>>, vector<1x16xf32>,
    %broadcast_in_dim3A_513 = arith.constant 1.000000e+00 : f32
    %broadcast_in_dim3A_514 = vector.broadcast %broadcast_in_dim3A_513 : f32 to vector<16xf32>
    %swap3A_515 = arith.constant 7 : i32
    %swap3A_516 = arith.index_cast %swap3A_515 : i32 to index
    %swap3A_517 = arith.constant 32 : index
    %swap3A_518 = tpu.vector_load %arg8[%swap3A_516, %swap3A_517] {strides = array<i32>} : memref<8x128xf32, #tpu.memory_space<vmem>>, vector<1x16xf32>,
    %swap3A_519 = vector.shape_cast %swap3A_518 : vector<1x16xf32> to vector<16xf32>
    %swap3A_520 = vector.shape_cast %broadcast_in_dim3A_514 : vector<16xf32> to vector<1x16xf32>
    tpu.vector_store %arg8[%swap3A_516, %swap3A_517], %swap3A_520 {strides = array<i32>} : memref<8x128xf32, #tpu.memory_space<vmem>>, vector<1x16xf32>,
    %broadcast_in_dim3A_521 = arith.constant 1.000000e+00 : f32
    %broadcast_in_dim3A_522 = vector.broadcast %broadcast_in_dim3A_521 : f32 to vector<16xf32>
    %swap3A_523 = arith.constant 7 : i32
    %swap3A_524 = arith.index_cast %swap3A_523 : i32 to index
    %swap3A_525 = arith.constant 48 : index
    %swap3A_526 = tpu.vector_load %arg8[%swap3A_524, %swap3A_525] {strides = array<i32>} : memref<8x128xf32, #tpu.memory_space<vmem>>, vector<1x16xf32>,
    %swap3A_527 = vector.shape_cast %swap3A_526 : vector<1x16xf32> to vector<16xf32>
    %swap3A_528 = vector.shape_cast %broadcast_in_dim3A_522 : vector<16xf32> to vector<1x16xf32>
    tpu.vector_store %arg8[%swap3A_524, %swap3A_525], %swap3A_528 {strides = array<i32>} : memref<8x128xf32, #tpu.memory_space<vmem>>, vector<1x16xf32>,
    %broadcast_in_dim3A_529 = arith.constant 1.000000e+00 : f32
    %broadcast_in_dim3A_530 = vector.broadcast %broadcast_in_dim3A_529 : f32 to vector<16xf32>
    %swap3A_531 = arith.constant 7 : i32
    %swap3A_532 = arith.index_cast %swap3A_531 : i32 to index
    %swap3A_533 = arith.constant 64 : index
    %swap3A_534 = tpu.vector_load %arg8[%swap3A_532, %swap3A_533] {strides = array<i32>} : memref<8x128xf32, #tpu.memory_space<vmem>>, vector<1x16xf32>,
    %swap3A_535 = vector.shape_cast %swap3A_534 : vector<1x16xf32> to vector<16xf32>
    %swap3A_536 = vector.shape_cast %broadcast_in_dim3A_530 : vector<16xf32> to vector<1x16xf32>
    tpu.vector_store %arg8[%swap3A_532, %swap3A_533], %swap3A_536 {strides = array<i32>} : memref<8x128xf32, #tpu.memory_space<vmem>>, vector<1x16xf32>,
    %broadcast_in_dim3A_537 = arith.constant 1.000000e+00 : f32
    %broadcast_in_dim3A_538 = vector.broadcast %broadcast_in_dim3A_537 : f32 to vector<16xf32>
    %swap3A_539 = arith.constant 7 : i32
    %swap3A_540 = arith.index_cast %swap3A_539 : i32 to index
    %swap3A_541 = arith.constant 80 : index
    %swap3A_542 = tpu.vector_load %arg8[%swap3A_540, %swap3A_541] {strides = array<i32>} : memref<8x128xf32, #tpu.memory_space<vmem>>, vector<1x16xf32>,
    %swap3A_543 = vector.shape_cast %swap3A_542 : vector<1x16xf32> to vector<16xf32>
    %swap3A_544 = vector.shape_cast %broadcast_in_dim3A_538 : vector<16xf32> to vector<1x16xf32>
    tpu.vector_store %arg8[%swap3A_540, %swap3A_541], %swap3A_544 {strides = array<i32>} : memref<8x128xf32, #tpu.memory_space<vmem>>, vector<1x16xf32>,
    %broadcast_in_dim3A_545 = arith.constant 1.000000e+00 : f32
    %broadcast_in_dim3A_546 = vector.broadcast %broadcast_in_dim3A_545 : f32 to vector<16xf32>
    %swap3A_547 = arith.constant 7 : i32
    %swap3A_548 = arith.index_cast %swap3A_547 : i32 to index
    %swap3A_549 = arith.constant 96 : index
    %swap3A_550 = tpu.vector_load %arg8[%swap3A_548, %swap3A_549] {strides = array<i32>} : memref<8x128xf32, #tpu.memory_space<vmem>>, vector<1x16xf32>,
    %swap3A_551 = vector.shape_cast %swap3A_550 : vector<1x16xf32> to vector<16xf32>
    %swap3A_552 = vector.shape_cast %broadcast_in_dim3A_546 : vector<16xf32> to vector<1x16xf32>
    tpu.vector_store %arg8[%swap3A_548, %swap3A_549], %swap3A_552 {strides = array<i32>} : memref<8x128xf32, #tpu.memory_space<vmem>>, vector<1x16xf32>,
    %broadcast_in_dim3A_553 = arith.constant 1.000000e+00 : f32
    %broadcast_in_dim3A_554 = vector.broadcast %broadcast_in_dim3A_553 : f32 to vector<16xf32>
    %swap3A_555 = arith.constant 7 : i32
    %swap3A_556 = arith.index_cast %swap3A_555 : i32 to index
    %swap3A_557 = arith.constant 112 : index
    %swap3A_558 = tpu.vector_load %arg8[%swap3A_556, %swap3A_557] {strides = array<i32>} : memref<8x128xf32, #tpu.memory_space<vmem>>, vector<1x16xf32>,
    %swap3A_559 = vector.shape_cast %swap3A_558 : vector<1x16xf32> to vector<16xf32>
    %swap3A_560 = vector.shape_cast %broadcast_in_dim3A_554 : vector<16xf32> to vector<1x16xf32>
    tpu.vector_store %arg8[%swap3A_556, %swap3A_557], %swap3A_560 {strides = array<i32>} : memref<8x128xf32, #tpu.memory_space<vmem>>, vector<1x16xf32>,
    %mul3A_561 = arith.constant 6272 : i32
    %mul3A_562 = arith.muli %arg1, %mul3A_561 : i32
    %dma_start3A_563 = tpu.memref_slice %arg6[%mul3A_562] : memref<100352xf32, #tpu.memory_space<vmem_shared>> -> memref<6272xf32, #tpu.memory_space<vmem_shared>>
    %dma_start3A_564 = tpu.memref_slice %arg6[%mul3A_562] : memref<100352xf32, #tpu.memory_space<vmem_shared>> -> memref<6272xf32, #tpu.memory_space<vmem_shared>>
    tpu.enqueue_dma source(%arg19 : memref<6272xf32, #tpu.memory_space<vmem>>) target(%dma_start3A_564 : memref<6272xf32, #tpu.memory_space<vmem_shared>>) target_semaphore(%arg27 : memref<!tpu.dma_semaphore, #tpu.memory_space<semaphore_mem>>)
    %dma_wait3A = arith.constant 0 : i32
    %dma_wait3A_565 = arith.constant 0 : i32
    %dma_wait3A_566 = tpu.memref_slice %arg9[%dma_wait3A, %dma_wait3A_565] : memref<4x128xi32, #tpu.memory_space<vmem>> -> memref<1x128xi32, #tpu.memory_space<vmem>>
    %dma_wait3A_567 = tpu.memref_squeeze %dma_wait3A_566 : memref<1x128xi32, #tpu.memory_space<vmem>> -> memref<128xi32, #tpu.memory_space<vmem>>
    %dma_wait3A_568 = tpu.memref_slice %arg2[%add3A_4] : memref<16384xi32, #tpu.memory_space<hbm>> -> memref<128xi32, #tpu.memory_space<hbm>>
    %dma_wait3A_569 = arith.constant 0 : i32
    %dma_wait3A_570 = tpu.memref_slice %arg9[%dma_wait3A, %dma_wait3A_569] : memref<4x128xi32, #tpu.memory_space<vmem>> -> memref<1x128xi32, #tpu.memory_space<vmem>>
    %dma_wait3A_571 = tpu.memref_squeeze %dma_wait3A_570 : memref<1x128xi32, #tpu.memory_space<vmem>> -> memref<128xi32, #tpu.memory_space<vmem>>
    %dma_wait3A_572 = tpu.memref_slice %arg2[%add3A_4] : memref<16384xi32, #tpu.memory_space<hbm>> -> memref<128xi32, #tpu.memory_space<hbm>>
    tpu.wait_dma2 semaphore(%arg20 : memref<!tpu.dma_semaphore, #tpu.memory_space<semaphore_mem>>) src(%dma_wait3A_572 : memref<128xi32, #tpu.memory_space<hbm>>) dst(%dma_wait3A_571 : memref<128xi32, #tpu.memory_space<vmem>>)
    %dma_wait3A_573 = arith.constant 1 : i32
    %dma_wait3A_574 = arith.constant 0 : i32
    %dma_wait3A_575 = tpu.memref_slice %arg9[%dma_wait3A_573, %dma_wait3A_574] : memref<4x128xi32, #tpu.memory_space<vmem>> -> memref<1x128xi32, #tpu.memory_space<vmem>>
    %dma_wait3A_576 = tpu.memref_squeeze %dma_wait3A_575 : memref<1x128xi32, #tpu.memory_space<vmem>> -> memref<128xi32, #tpu.memory_space<vmem>>
    %dma_wait3A_577 = tpu.memref_slice %arg2[%add3A_14] : memref<16384xi32, #tpu.memory_space<hbm>> -> memref<128xi32, #tpu.memory_space<hbm>>
    %dma_wait3A_578 = arith.constant 0 : i32
    %dma_wait3A_579 = tpu.memref_slice %arg9[%dma_wait3A_573, %dma_wait3A_578] : memref<4x128xi32, #tpu.memory_space<vmem>> -> memref<1x128xi32, #tpu.memory_space<vmem>>
    %dma_wait3A_580 = tpu.memref_squeeze %dma_wait3A_579 : memref<1x128xi32, #tpu.memory_space<vmem>> -> memref<128xi32, #tpu.memory_space<vmem>>
    %dma_wait3A_581 = tpu.memref_slice %arg2[%add3A_14] : memref<16384xi32, #tpu.memory_space<hbm>> -> memref<128xi32, #tpu.memory_space<hbm>>
    tpu.wait_dma2 semaphore(%arg20 : memref<!tpu.dma_semaphore, #tpu.memory_space<semaphore_mem>>) src(%dma_wait3A_581 : memref<128xi32, #tpu.memory_space<hbm>>) dst(%dma_wait3A_580 : memref<128xi32, #tpu.memory_space<vmem>>)
    %dma_wait3A_582 = arith.constant 2 : i32
    %dma_wait3A_583 = arith.constant 0 : i32
    %dma_wait3A_584 = tpu.memref_slice %arg9[%dma_wait3A_582, %dma_wait3A_583] : memref<4x128xi32, #tpu.memory_space<vmem>> -> memref<1x128xi32, #tpu.memory_space<vmem>>
    %dma_wait3A_585 = tpu.memref_squeeze %dma_wait3A_584 : memref<1x128xi32, #tpu.memory_space<vmem>> -> memref<128xi32, #tpu.memory_space<vmem>>
    %dma_wait3A_586 = tpu.memref_slice %arg2[%add3A_25] : memref<16384xi32, #tpu.memory_space<hbm>> -> memref<128xi32, #tpu.memory_space<hbm>>
    %dma_wait3A_587 = arith.constant 0 : i32
    %dma_wait3A_588 = tpu.memref_slice %arg9[%dma_wait3A_582, %dma_wait3A_587] : memref<4x128xi32, #tpu.memory_space<vmem>> -> memref<1x128xi32, #tpu.memory_space<vmem>>
    %dma_wait3A_589 = tpu.memref_squeeze %dma_wait3A_588 : memref<1x128xi32, #tpu.memory_space<vmem>> -> memref<128xi32, #tpu.memory_space<vmem>>
    %dma_wait3A_590 = tpu.memref_slice %arg2[%add3A_25] : memref<16384xi32, #tpu.memory_space<hbm>> -> memref<128xi32, #tpu.memory_space<hbm>>
    tpu.wait_dma2 semaphore(%arg20 : memref<!tpu.dma_semaphore, #tpu.memory_space<semaphore_mem>>) src(%dma_wait3A_590 : memref<128xi32, #tpu.memory_space<hbm>>) dst(%dma_wait3A_589 : memref<128xi32, #tpu.memory_space<vmem>>)
    %dma_wait3A_591 = arith.constant 3 : i32
    %dma_wait3A_592 = arith.constant 0 : i32
    %dma_wait3A_593 = tpu.memref_slice %arg9[%dma_wait3A_591, %dma_wait3A_592] : memref<4x128xi32, #tpu.memory_space<vmem>> -> memref<1x128xi32, #tpu.memory_space<vmem>>
    %dma_wait3A_594 = tpu.memref_squeeze %dma_wait3A_593 : memref<1x128xi32, #tpu.memory_space<vmem>> -> memref<128xi32, #tpu.memory_space<vmem>>
    %dma_wait3A_595 = tpu.memref_slice %arg2[%add3A_36] : memref<16384xi32, #tpu.memory_space<hbm>> -> memref<128xi32, #tpu.memory_space<hbm>>
    %dma_wait3A_596 = arith.constant 0 : i32
    %dma_wait3A_597 = tpu.memref_slice %arg9[%dma_wait3A_591, %dma_wait3A_596] : memref<4x128xi32, #tpu.memory_space<vmem>> -> memref<1x128xi32, #tpu.memory_space<vmem>>
    %dma_wait3A_598 = tpu.memref_squeeze %dma_wait3A_597 : memref<1x128xi32, #tpu.memory_space<vmem>> -> memref<128xi32, #tpu.memory_space<vmem>>
    %dma_wait3A_599 = tpu.memref_slice %arg2[%add3A_36] : memref<16384xi32, #tpu.memory_space<hbm>> -> memref<128xi32, #tpu.memory_space<hbm>>
    tpu.wait_dma2 semaphore(%arg20 : memref<!tpu.dma_semaphore, #tpu.memory_space<semaphore_mem>>) src(%dma_wait3A_599 : memref<128xi32, #tpu.memory_space<hbm>>) dst(%dma_wait3A_598 : memref<128xi32, #tpu.memory_space<vmem>>)
    %dma_start3A_600 = arith.constant 0 : i32
    %dma_start3A_601 = arith.constant 0 : i32
    %dma_start3A_602 = tpu.memref_slice %arg9[%dma_start3A_600, %dma_start3A_601] : memref<4x128xi32, #tpu.memory_space<vmem>> -> memref<1x128xi32, #tpu.memory_space<vmem>>
    %dma_start3A_603 = tpu.memref_squeeze %dma_start3A_602 : memref<1x128xi32, #tpu.memory_space<vmem>> -> memref<128xi32, #tpu.memory_space<vmem>>
    %dma_start3A_604 = arith.constant 0 : i32
    %dma_start3A_605 = arith.constant 0 : i32
    %dma_start3A_606 = tpu.memref_slice %arg4[%dma_start3A_604, %dma_start3A_605] : memref<100000x128xf32, #tpu.memory_space<hbm>> -> memref<100000x128xf32, #tpu.memory_space<hbm>>
    tpu.enqueue_indirect_dma source(%dma_start3A_606 : memref<100000x128xf32, #tpu.memory_space<hbm>>) target(%arg13 : memref<128x128xf32, #tpu.memory_space<vmem>>) offsets(%dma_start3A_603 : memref<128xi32, #tpu.memory_space<vmem>>) semaphore(%arg21 : memref<!tpu.dma_semaphore, #tpu.memory_space<semaphore_mem>>)
    %add3A_607 = arith.constant 0 : i32
    %add3A_608 = arith.addi %mul3A_2, %add3A_607 : i32
    %dma_start3A_609 = arith.constant 0 : i32
    %dma_start3A_610 = tpu.memref_slice %arg3[%add3A_608, %dma_start3A_609] : memref<16384x128xf32, #tpu.memory_space<hbm>> -> memref<128x128xf32, #tpu.memory_space<hbm>>
    %dma_start3A_611 = arith.constant 0 : i32
    %dma_start3A_612 = tpu.memref_slice %arg3[%add3A_608, %dma_start3A_611] : memref<16384x128xf32, #tpu.memory_space<hbm>> -> memref<128x128xf32, #tpu.memory_space<hbm>>
    tpu.enqueue_dma source(%dma_start3A_612 : memref<128x128xf32, #tpu.memory_space<hbm>>) target(%arg16 : memref<128x128xf32, #tpu.memory_space<vmem>>) target_semaphore(%arg24 : memref<!tpu.dma_semaphore, #tpu.memory_space<semaphore_mem>>)
    "tpu.trace_start"() <{level = 10 : i32, message = "hist_phase"}> : () -> ()
    %mul3A_613 = arith.constant 1024 : i32
    %mul3A_614 = arith.muli %arg1, %mul3A_613 : i32
    %add3A_615 = arith.constant 0 : i32
    %add3A_616 = arith.addi %mul3A_614, %add3A_615 : i32
    %dma_start3A_617 = arith.constant 0 : i32
    %dma_start3A_618 = arith.constant 0 : i32
    %dma_start3A_619 = tpu.memref_slice %arg7[%dma_start3A_617, %dma_start3A_618] : memref<8x128xi32, #tpu.memory_space<vmem>> -> memref<1x128xi32, #tpu.memory_space<vmem>>
    %dma_start3A_620 = tpu.memref_squeeze %dma_start3A_619 : memref<1x128xi32, #tpu.memory_space<vmem>> -> memref<128xi32, #tpu.memory_space<vmem>>
    %dma_start3A_621 = tpu.memref_slice %arg2[%add3A_616] : memref<16384xi32, #tpu.memory_space<hbm>> -> memref<128xi32, #tpu.memory_space<hbm>>
    %dma_start3A_622 = arith.constant 0 : i32
    %dma_start3A_623 = tpu.memref_slice %arg7[%dma_start3A_617, %dma_start3A_622] : memref<8x128xi32, #tpu.memory_space<vmem>> -> memref<1x128xi32, #tpu.memory_space<vmem>>
    %dma_start3A_624 = tpu.memref_squeeze %dma_start3A_623 : memref<1x128xi32, #tpu.memory_space<vmem>> -> memref<128xi32, #tpu.memory_space<vmem>>
    %dma_start3A_625 = tpu.memref_slice %arg2[%add3A_616] : memref<16384xi32, #tpu.memory_space<hbm>> -> memref<128xi32, #tpu.memory_space<hbm>>
    tpu.enqueue_dma source(%dma_start3A_625 : memref<128xi32, #tpu.memory_space<hbm>>) target(%dma_start3A_624 : memref<128xi32, #tpu.memory_space<vmem>>) target_semaphore(%arg20 : memref<!tpu.dma_semaphore, #tpu.memory_space<semaphore_mem>>)
    %mul3A_626 = arith.constant 1024 : i32
    %mul3A_627 = arith.muli %arg1, %mul3A_626 : i32
    %add3A_628 = arith.constant 128 : i32
    %add3A_629 = arith.addi %mul3A_627, %add3A_628 : i32
    %dma_start3A_630 = arith.constant 1 : i32
    %dma_start3A_631 = arith.constant 0 : i32
    %dma_start3A_632 = tpu.memref_slice %arg7[%dma_start3A_630, %dma_start3A_631] : memref<8x128xi32, #tpu.memory_space<vmem>> -> memref<1x128xi32, #tpu.memory_space<vmem>>
    %dma_start3A_633 = tpu.memref_squeeze %dma_start3A_632 : memref<1x128xi32, #tpu.memory_space<vmem>> -> memref<128xi32, #tpu.memory_space<vmem>>
    %dma_start3A_634 = tpu.memref_slice %arg2[%add3A_629] : memref<16384xi32, #tpu.memory_space<hbm>> -> memref<128xi32, #tpu.memory_space<hbm>>
    %dma_start3A_635 = arith.constant 0 : i32
    %dma_start3A_636 = tpu.memref_slice %arg7[%dma_start3A_630, %dma_start3A_635] : memref<8x128xi32, #tpu.memory_space<vmem>> -> memref<1x128xi32, #tpu.memory_space<vmem>>
    %dma_start3A_637 = tpu.memref_squeeze %dma_start3A_636 : memref<1x128xi32, #tpu.memory_space<vmem>> -> memref<128xi32, #tpu.memory_space<vmem>>
    %dma_start3A_638 = tpu.memref_slice %arg2[%add3A_629] : memref<16384xi32, #tpu.memory_space<hbm>> -> memref<128xi32, #tpu.memory_space<hbm>>
    tpu.enqueue_dma source(%dma_start3A_638 : memref<128xi32, #tpu.memory_space<hbm>>) target(%dma_start3A_637 : memref<128xi32, #tpu.memory_space<vmem>>) target_semaphore(%arg20 : memref<!tpu.dma_semaphore, #tpu.memory_space<semaphore_mem>>)
    %mul3A_639 = arith.constant 1024 : i32
    %mul3A_640 = arith.muli %arg1, %mul3A_639 : i32
    %add3A_641 = arith.constant 256 : i32
    %add3A_642 = arith.addi %mul3A_640, %add3A_641 : i32
    %dma_start3A_643 = arith.constant 2 : i32
    %dma_start3A_644 = arith.constant 0 : i32
    %dma_start3A_645 = tpu.memref_slice %arg7[%dma_start3A_643, %dma_start3A_644] : memref<8x128xi32, #tpu.memory_space<vmem>> -> memref<1x128xi32, #tpu.memory_space<vmem>>
    %dma_start3A_646 = tpu.memref_squeeze %dma_start3A_645 : memref<1x128xi32, #tpu.memory_space<vmem>> -> memref<128xi32, #tpu.memory_space<vmem>>
    %dma_start3A_647 = tpu.memref_slice %arg2[%add3A_642] : memref<16384xi32, #tpu.memory_space<hbm>> -> memref<128xi32, #tpu.memory_space<hbm>>
    %dma_start3A_648 = arith.constant 0 : i32
    %dma_start3A_649 = tpu.memref_slice %arg7[%dma_start3A_643, %dma_start3A_648] : memref<8x128xi32, #tpu.memory_space<vmem>> -> memref<1x128xi32, #tpu.memory_space<vmem>>
    %dma_start3A_650 = tpu.memref_squeeze %dma_start3A_649 : memref<1x128xi32, #tpu.memory_space<vmem>> -> memref<128xi32, #tpu.memory_space<vmem>>
    %dma_start3A_651 = tpu.memref_slice %arg2[%add3A_642] : memref<16384xi32, #tpu.memory_space<hbm>> -> memref<128xi32, #tpu.memory_space<hbm>>
    tpu.enqueue_dma source(%dma_start3A_651 : memref<128xi32, #tpu.memory_space<hbm>>) target(%dma_start3A_650 : memref<128xi32, #tpu.memory_space<vmem>>) target_semaphore(%arg20 : memref<!tpu.dma_semaphore, #tpu.memory_space<semaphore_mem>>)
    %mul3A_652 = arith.constant 1024 : i32
    %mul3A_653 = arith.muli %arg1, %mul3A_652 : i32
    %add3A_654 = arith.constant 384 : i32
    %add3A_655 = arith.addi %mul3A_653, %add3A_654 : i32
    %dma_start3A_656 = arith.constant 3 : i32
    %dma_start3A_657 = arith.constant 0 : i32
    %dma_start3A_658 = tpu.memref_slice %arg7[%dma_start3A_656, %dma_start3A_657] : memref<8x128xi32, #tpu.memory_space<vmem>> -> memref<1x128xi32, #tpu.memory_space<vmem>>
    %dma_start3A_659 = tpu.memref_squeeze %dma_start3A_658 : memref<1x128xi32, #tpu.memory_space<vmem>> -> memref<128xi32, #tpu.memory_space<vmem>>
    %dma_start3A_660 = tpu.memref_slice %arg2[%add3A_655] : memref<16384xi32, #tpu.memory_space<hbm>> -> memref<128xi32, #tpu.memory_space<hbm>>
    %dma_start3A_661 = arith.constant 0 : i32
    %dma_start3A_662 = tpu.memref_slice %arg7[%dma_start3A_656, %dma_start3A_661] : memref<8x128xi32, #tpu.memory_space<vmem>> -> memref<1x128xi32, #tpu.memory_space<vmem>>
    %dma_start3A_663 = tpu.memref_squeeze %dma_start3A_662 : memref<1x128xi32, #tpu.memory_space<vmem>> -> memref<128xi32, #tpu.memory_space<vmem>>
    %dma_start3A_664 = tpu.memref_slice %arg2[%add3A_655] : memref<16384xi32, #tpu.memory_space<hbm>> -> memref<128xi32, #tpu.memory_space<hbm>>
    tpu.enqueue_dma source(%dma_start3A_664 : memref<128xi32, #tpu.memory_space<hbm>>) target(%dma_start3A_663 : memref<128xi32, #tpu.memory_space<vmem>>) target_semaphore(%arg20 : memref<!tpu.dma_semaphore, #tpu.memory_space<semaphore_mem>>)
    %mul3A_665 = arith.constant 1024 : i32
    %mul3A_666 = arith.muli %arg1, %mul3A_665 : i32
    %add3A_667 = arith.constant 512 : i32
    %add3A_668 = arith.addi %mul3A_666, %add3A_667 : i32
    %dma_start3A_669 = arith.constant 4 : i32
    %dma_start3A_670 = arith.constant 0 : i32
    %dma_start3A_671 = tpu.memref_slice %arg7[%dma_start3A_669, %dma_start3A_670] : memref<8x128xi32, #tpu.memory_space<vmem>> -> memref<1x128xi32, #tpu.memory_space<vmem>>
    %dma_start3A_672 = tpu.memref_squeeze %dma_start3A_671 : memref<1x128xi32, #tpu.memory_space<vmem>> -> memref<128xi32, #tpu.memory_space<vmem>>
    %dma_start3A_673 = tpu.memref_slice %arg2[%add3A_668] : memref<16384xi32, #tpu.memory_space<hbm>> -> memref<128xi32, #tpu.memory_space<hbm>>
    %dma_start3A_674 = arith.constant 0 : i32
    %dma_start3A_675 = tpu.memref_slice %arg7[%dma_start3A_669, %dma_start3A_674] : memref<8x128xi32, #tpu.memory_space<vmem>> -> memref<1x128xi32, #tpu.memory_space<vmem>>
    %dma_start3A_676 = tpu.memref_squeeze %dma_start3A_675 : memref<1x128xi32, #tpu.memory_space<vmem>> -> memref<128xi32, #tpu.memory_space<vmem>>
    %dma_start3A_677 = tpu.memref_slice %arg2[%add3A_668] : memref<16384xi32, #tpu.memory_space<hbm>> -> memref<128xi32, #tpu.memory_space<hbm>>
    tpu.enqueue_dma source(%dma_start3A_677 : memref<128xi32, #tpu.memory_space<hbm>>) target(%dma_start3A_676 : memref<128xi32, #tpu.memory_space<vmem>>) target_semaphore(%arg20 : memref<!tpu.dma_semaphore, #tpu.memory_space<semaphore_mem>>)
    %mul3A_678 = arith.constant 1024 : i32
    %mul3A_679 = arith.muli %arg1, %mul3A_678 : i32
    %add3A_680 = arith.constant 640 : i32
    %add3A_681 = arith.addi %mul3A_679, %add3A_680 : i32
    %dma_start3A_682 = arith.constant 5 : i32
    %dma_start3A_683 = arith.constant 0 : i32
    %dma_start3A_684 = tpu.memref_slice %arg7[%dma_start3A_682, %dma_start3A_683] : memref<8x128xi32, #tpu.memory_space<vmem>> -> memref<1x128xi32, #tpu.memory_space<vmem>>
    %dma_start3A_685 = tpu.memref_squeeze %dma_start3A_684 : memref<1x128xi32, #tpu.memory_space<vmem>> -> memref<128xi32, #tpu.memory_space<vmem>>
    %dma_start3A_686 = tpu.memref_slice %arg2[%add3A_681] : memref<16384xi32, #tpu.memory_space<hbm>> -> memref<128xi32, #tpu.memory_space<hbm>>
    %dma_start3A_687 = arith.constant 0 : i32
    %dma_start3A_688 = tpu.memref_slice %arg7[%dma_start3A_682, %dma_start3A_687] : memref<8x128xi32, #tpu.memory_space<vmem>> -> memref<1x128xi32, #tpu.memory_space<vmem>>
    %dma_start3A_689 = tpu.memref_squeeze %dma_start3A_688 : memref<1x128xi32, #tpu.memory_space<vmem>> -> memref<128xi32, #tpu.memory_space<vmem>>
    %dma_start3A_690 = tpu.memref_slice %arg2[%add3A_681] : memref<16384xi32, #tpu.memory_space<hbm>> -> memref<128xi32, #tpu.memory_space<hbm>>
    tpu.enqueue_dma source(%dma_start3A_690 : memref<128xi32, #tpu.memory_space<hbm>>) target(%dma_start3A_689 : memref<128xi32, #tpu.memory_space<vmem>>) target_semaphore(%arg20 : memref<!tpu.dma_semaphore, #tpu.memory_space<semaphore_mem>>)
    %mul3A_691 = arith.constant 1024 : i32
    %mul3A_692 = arith.muli %arg1, %mul3A_691 : i32
    %add3A_693 = arith.constant 768 : i32
    %add3A_694 = arith.addi %mul3A_692, %add3A_693 : i32
    %dma_start3A_695 = arith.constant 6 : i32
    %dma_start3A_696 = arith.constant 0 : i32
    %dma_start3A_697 = tpu.memref_slice %arg7[%dma_start3A_695, %dma_start3A_696] : memref<8x128xi32, #tpu.memory_space<vmem>> -> memref<1x128xi32, #tpu.memory_space<vmem>>
    %dma_start3A_698 = tpu.memref_squeeze %dma_start3A_697 : memref<1x128xi32, #tpu.memory_space<vmem>> -> memref<128xi32, #tpu.memory_space<vmem>>
    %dma_start3A_699 = tpu.memref_slice %arg2[%add3A_694] : memref<16384xi32, #tpu.memory_space<hbm>> -> memref<128xi32, #tpu.memory_space<hbm>>
    %dma_start3A_700 = arith.constant 0 : i32
    %dma_start3A_701 = tpu.memref_slice %arg7[%dma_start3A_695, %dma_start3A_700] : memref<8x128xi32, #tpu.memory_space<vmem>> -> memref<1x128xi32, #tpu.memory_space<vmem>>
    %dma_start3A_702 = tpu.memref_squeeze %dma_start3A_701 : memref<1x128xi32, #tpu.memory_space<vmem>> -> memref<128xi32, #tpu.memory_space<vmem>>
    %dma_start3A_703 = tpu.memref_slice %arg2[%add3A_694] : memref<16384xi32, #tpu.memory_space<hbm>> -> memref<128xi32, #tpu.memory_space<hbm>>
    tpu.enqueue_dma source(%dma_start3A_703 : memref<128xi32, #tpu.memory_space<hbm>>) target(%dma_start3A_702 : memref<128xi32, #tpu.memory_space<vmem>>) target_semaphore(%arg20 : memref<!tpu.dma_semaphore, #tpu.memory_space<semaphore_mem>>)
    %mul3A_704 = arith.constant 1024 : i32
    %mul3A_705 = arith.muli %arg1, %mul3A_704 : i32
    %add3A_706 = arith.constant 896 : i32
    %add3A_707 = arith.addi %mul3A_705, %add3A_706 : i32
    %dma_start3A_708 = arith.constant 7 : i32
    %dma_start3A_709 = arith.constant 0 : i32
    %dma_start3A_710 = tpu.memref_slice %arg7[%dma_start3A_708, %dma_start3A_709] : memref<8x128xi32, #tpu.memory_space<vmem>> -> memref<1x128xi32, #tpu.memory_space<vmem>>
    %dma_start3A_711 = tpu.memref_squeeze %dma_start3A_710 : memref<1x128xi32, #tpu.memory_space<vmem>> -> memref<128xi32, #tpu.memory_space<vmem>>
    %dma_start3A_712 = tpu.memref_slice %arg2[%add3A_707] : memref<16384xi32, #tpu.memory_space<hbm>> -> memref<128xi32, #tpu.memory_space<hbm>>
    %dma_start3A_713 = arith.constant 0 : i32
    %dma_start3A_714 = tpu.memref_slice %arg7[%dma_start3A_708, %dma_start3A_713] : memref<8x128xi32, #tpu.memory_space<vmem>> -> memref<1x128xi32, #tpu.memory_space<vmem>>
    %dma_start3A_715 = tpu.memref_squeeze %dma_start3A_714 : memref<1x128xi32, #tpu.memory_space<vmem>> -> memref<128xi32, #tpu.memory_space<vmem>>
    %dma_start3A_716 = tpu.memref_slice %arg2[%add3A_707] : memref<16384xi32, #tpu.memory_space<hbm>> -> memref<128xi32, #tpu.memory_space<hbm>>
    tpu.enqueue_dma source(%dma_start3A_716 : memref<128xi32, #tpu.memory_space<hbm>>) target(%dma_start3A_715 : memref<128xi32, #tpu.memory_space<vmem>>) target_semaphore(%arg20 : memref<!tpu.dma_semaphore, #tpu.memory_space<semaphore_mem>>)
    %dma_wait3A_717 = arith.constant 0 : i32
    %dma_wait3A_718 = arith.constant 0 : i32
    %dma_wait3A_719 = tpu.memref_slice %arg7[%dma_wait3A_717, %dma_wait3A_718] : memref<8x128xi32, #tpu.memory_space<vmem>> -> memref<1x128xi32, #tpu.memory_space<vmem>>
    %dma_wait3A_720 = tpu.memref_squeeze %dma_wait3A_719 : memref<1x128xi32, #tpu.memory_space<vmem>> -> memref<128xi32, #tpu.memory_space<vmem>>
    %dma_wait3A_721 = tpu.memref_slice %arg2[%add3A_616] : memref<16384xi32, #tpu.memory_space<hbm>> -> memref<128xi32, #tpu.memory_space<hbm>>
    %dma_wait3A_722 = arith.constant 0 : i32
    %dma_wait3A_723 = tpu.memref_slice %arg7[%dma_wait3A_717, %dma_wait3A_722] : memref<8x128xi32, #tpu.memory_space<vmem>> -> memref<1x128xi32, #tpu.memory_space<vmem>>
    %dma_wait3A_724 = tpu.memref_squeeze %dma_wait3A_723 : memref<1x128xi32, #tpu.memory_space<vmem>> -> memref<128xi32, #tpu.memory_space<vmem>>
    %dma_wait3A_725 = tpu.memref_slice %arg2[%add3A_616] : memref<16384xi32, #tpu.memory_space<hbm>> -> memref<128xi32, #tpu.memory_space<hbm>>
    tpu.wait_dma2 semaphore(%arg20 : memref<!tpu.dma_semaphore, #tpu.memory_space<semaphore_mem>>) src(%dma_wait3A_725 : memref<128xi32, #tpu.memory_space<hbm>>) dst(%dma_wait3A_724 : memref<128xi32, #tpu.memory_space<vmem>>)
    %dma_wait3A_726 = arith.constant 1 : i32
    %dma_wait3A_727 = arith.constant 0 : i32
    %dma_wait3A_728 = tpu.memref_slice %arg7[%dma_wait3A_726, %dma_wait3A_727] : memref<8x128xi32, #tpu.memory_space<vmem>> -> memref<1x128xi32, #tpu.memory_space<vmem>>
    %dma_wait3A_729 = tpu.memref_squeeze %dma_wait3A_728 : memref<1x128xi32, #tpu.memory_space<vmem>> -> memref<128xi32, #tpu.memory_space<vmem>>
    %dma_wait3A_730 = tpu.memref_slice %arg2[%add3A_629] : memref<16384xi32, #tpu.memory_space<hbm>> -> memref<128xi32, #tpu.memory_space<hbm>>
    %dma_wait3A_731 = arith.constant 0 : i32
    %dma_wait3A_732 = tpu.memref_slice %arg7[%dma_wait3A_726, %dma_wait3A_731] : memref<8x128xi32, #tpu.memory_space<vmem>> -> memref<1x128xi32, #tpu.memory_space<vmem>>
    %dma_wait3A_733 = tpu.memref_squeeze %dma_wait3A_732 : memref<1x128xi32, #tpu.memory_space<vmem>> -> memref<128xi32, #tpu.memory_space<vmem>>
    %dma_wait3A_734 = tpu.memref_slice %arg2[%add3A_629] : memref<16384xi32, #tpu.memory_space<hbm>> -> memref<128xi32, #tpu.memory_space<hbm>>
    tpu.wait_dma2 semaphore(%arg20 : memref<!tpu.dma_semaphore, #tpu.memory_space<semaphore_mem>>) src(%dma_wait3A_734 : memref<128xi32, #tpu.memory_space<hbm>>) dst(%dma_wait3A_733 : memref<128xi32, #tpu.memory_space<vmem>>)
    %dma_wait3A_735 = arith.constant 2 : i32
    %dma_wait3A_736 = arith.constant 0 : i32
    %dma_wait3A_737 = tpu.memref_slice %arg7[%dma_wait3A_735, %dma_wait3A_736] : memref<8x128xi32, #tpu.memory_space<vmem>> -> memref<1x128xi32, #tpu.memory_space<vmem>>
    %dma_wait3A_738 = tpu.memref_squeeze %dma_wait3A_737 : memref<1x128xi32, #tpu.memory_space<vmem>> -> memref<128xi32, #tpu.memory_space<vmem>>
    %dma_wait3A_739 = tpu.memref_slice %arg2[%add3A_642] : memref<16384xi32, #tpu.memory_space<hbm>> -> memref<128xi32, #tpu.memory_space<hbm>>
    %dma_wait3A_740 = arith.constant 0 : i32
    %dma_wait3A_741 = tpu.memref_slice %arg7[%dma_wait3A_735, %dma_wait3A_740] : memref<8x128xi32, #tpu.memory_space<vmem>> -> memref<1x128xi32, #tpu.memory_space<vmem>>
    %dma_wait3A_742 = tpu.memref_squeeze %dma_wait3A_741 : memref<1x128xi32, #tpu.memory_space<vmem>> -> memref<128xi32, #tpu.memory_space<vmem>>
    %dma_wait3A_743 = tpu.memref_slice %arg2[%add3A_642] : memref<16384xi32, #tpu.memory_space<hbm>> -> memref<128xi32, #tpu.memory_space<hbm>>
    tpu.wait_dma2 semaphore(%arg20 : memref<!tpu.dma_semaphore, #tpu.memory_space<semaphore_mem>>) src(%dma_wait3A_743 : memref<128xi32, #tpu.memory_space<hbm>>) dst(%dma_wait3A_742 : memref<128xi32, #tpu.memory_space<vmem>>)
    %dma_wait3A_744 = arith.constant 3 : i32
    %dma_wait3A_745 = arith.constant 0 : i32
    %dma_wait3A_746 = tpu.memref_slice %arg7[%dma_wait3A_744, %dma_wait3A_745] : memref<8x128xi32, #tpu.memory_space<vmem>> -> memref<1x128xi32, #tpu.memory_space<vmem>>
    %dma_wait3A_747 = tpu.memref_squeeze %dma_wait3A_746 : memref<1x128xi32, #tpu.memory_space<vmem>> -> memref<128xi32, #tpu.memory_space<vmem>>
    %dma_wait3A_748 = tpu.memref_slice %arg2[%add3A_655] : memref<16384xi32, #tpu.memory_space<hbm>> -> memref<128xi32, #tpu.memory_space<hbm>>
    %dma_wait3A_749 = arith.constant 0 : i32
    %dma_wait3A_750 = tpu.memref_slice %arg7[%dma_wait3A_744, %dma_wait3A_749] : memref<8x128xi32, #tpu.memory_space<vmem>> -> memref<1x128xi32, #tpu.memory_space<vmem>>
    %dma_wait3A_751 = tpu.memref_squeeze %dma_wait3A_750 : memref<1x128xi32, #tpu.memory_space<vmem>> -> memref<128xi32, #tpu.memory_space<vmem>>
    %dma_wait3A_752 = tpu.memref_slice %arg2[%add3A_655] : memref<16384xi32, #tpu.memory_space<hbm>> -> memref<128xi32, #tpu.memory_space<hbm>>
    tpu.wait_dma2 semaphore(%arg20 : memref<!tpu.dma_semaphore, #tpu.memory_space<semaphore_mem>>) src(%dma_wait3A_752 : memref<128xi32, #tpu.memory_space<hbm>>) dst(%dma_wait3A_751 : memref<128xi32, #tpu.memory_space<vmem>>)
    %dma_wait3A_753 = arith.constant 4 : i32
    %dma_wait3A_754 = arith.constant 0 : i32
    %dma_wait3A_755 = tpu.memref_slice %arg7[%dma_wait3A_753, %dma_wait3A_754] : memref<8x128xi32, #tpu.memory_space<vmem>> -> memref<1x128xi32, #tpu.memory_space<vmem>>
    %dma_wait3A_756 = tpu.memref_squeeze %dma_wait3A_755 : memref<1x128xi32, #tpu.memory_space<vmem>> -> memref<128xi32, #tpu.memory_space<vmem>>
    %dma_wait3A_757 = tpu.memref_slice %arg2[%add3A_668] : memref<16384xi32, #tpu.memory_space<hbm>> -> memref<128xi32, #tpu.memory_space<hbm>>
    %dma_wait3A_758 = arith.constant 0 : i32
    %dma_wait3A_759 = tpu.memref_slice %arg7[%dma_wait3A_753, %dma_wait3A_758] : memref<8x128xi32, #tpu.memory_space<vmem>> -> memref<1x128xi32, #tpu.memory_space<vmem>>
    %dma_wait3A_760 = tpu.memref_squeeze %dma_wait3A_759 : memref<1x128xi32, #tpu.memory_space<vmem>> -> memref<128xi32, #tpu.memory_space<vmem>>
    %dma_wait3A_761 = tpu.memref_slice %arg2[%add3A_668] : memref<16384xi32, #tpu.memory_space<hbm>> -> memref<128xi32, #tpu.memory_space<hbm>>
    tpu.wait_dma2 semaphore(%arg20 : memref<!tpu.dma_semaphore, #tpu.memory_space<semaphore_mem>>) src(%dma_wait3A_761 : memref<128xi32, #tpu.memory_space<hbm>>) dst(%dma_wait3A_760 : memref<128xi32, #tpu.memory_space<vmem>>)
    %dma_wait3A_762 = arith.constant 5 : i32
    %dma_wait3A_763 = arith.constant 0 : i32
    %dma_wait3A_764 = tpu.memref_slice %arg7[%dma_wait3A_762, %dma_wait3A_763] : memref<8x128xi32, #tpu.memory_space<vmem>> -> memref<1x128xi32, #tpu.memory_space<vmem>>
    %dma_wait3A_765 = tpu.memref_squeeze %dma_wait3A_764 : memref<1x128xi32, #tpu.memory_space<vmem>> -> memref<128xi32, #tpu.memory_space<vmem>>
    %dma_wait3A_766 = tpu.memref_slice %arg2[%add3A_681] : memref<16384xi32, #tpu.memory_space<hbm>> -> memref<128xi32, #tpu.memory_space<hbm>>
    %dma_wait3A_767 = arith.constant 0 : i32
    %dma_wait3A_768 = tpu.memref_slice %arg7[%dma_wait3A_762, %dma_wait3A_767] : memref<8x128xi32, #tpu.memory_space<vmem>> -> memref<1x128xi32, #tpu.memory_space<vmem>>
    %dma_wait3A_769 = tpu.memref_squeeze %dma_wait3A_768 : memref<1x128xi32, #tpu.memory_space<vmem>> -> memref<128xi32, #tpu.memory_space<vmem>>
    %dma_wait3A_770 = tpu.memref_slice %arg2[%add3A_681] : memref<16384xi32, #tpu.memory_space<hbm>> -> memref<128xi32, #tpu.memory_space<hbm>>
    tpu.wait_dma2 semaphore(%arg20 : memref<!tpu.dma_semaphore, #tpu.memory_space<semaphore_mem>>) src(%dma_wait3A_770 : memref<128xi32, #tpu.memory_space<hbm>>) dst(%dma_wait3A_769 : memref<128xi32, #tpu.memory_space<vmem>>)
    %dma_wait3A_771 = arith.constant 6 : i32
    %dma_wait3A_772 = arith.constant 0 : i32
    %dma_wait3A_773 = tpu.memref_slice %arg7[%dma_wait3A_771, %dma_wait3A_772] : memref<8x128xi32, #tpu.memory_space<vmem>> -> memref<1x128xi32, #tpu.memory_space<vmem>>
    %dma_wait3A_774 = tpu.memref_squeeze %dma_wait3A_773 : memref<1x128xi32, #tpu.memory_space<vmem>> -> memref<128xi32, #tpu.memory_space<vmem>>
    %dma_wait3A_775 = tpu.memref_slice %arg2[%add3A_694] : memref<16384xi32, #tpu.memory_space<hbm>> -> memref<128xi32, #tpu.memory_space<hbm>>
    %dma_wait3A_776 = arith.constant 0 : i32
    %dma_wait3A_777 = tpu.memref_slice %arg7[%dma_wait3A_771, %dma_wait3A_776] : memref<8x128xi32, #tpu.memory_space<vmem>> -> memref<1x128xi32, #tpu.memory_space<vmem>>
    %dma_wait3A_778 = tpu.memref_squeeze %dma_wait3A_777 : memref<1x128xi32, #tpu.memory_space<vmem>> -> memref<128xi32, #tpu.memory_space<vmem>>
    %dma_wait3A_779 = tpu.memref_slice %arg2[%add3A_694] : memref<16384xi32, #tpu.memory_space<hbm>> -> memref<128xi32, #tpu.memory_space<hbm>>
    tpu.wait_dma2 semaphore(%arg20 : memref<!tpu.dma_semaphore, #tpu.memory_space<semaphore_mem>>) src(%dma_wait3A_779 : memref<128xi32, #tpu.memory_space<hbm>>) dst(%dma_wait3A_778 : memref<128xi32, #tpu.memory_space<vmem>>)
    %dma_wait3A_780 = arith.constant 7 : i32
    %dma_wait3A_781 = arith.constant 0 : i32
    %dma_wait3A_782 = tpu.memref_slice %arg7[%dma_wait3A_780, %dma_wait3A_781] : memref<8x128xi32, #tpu.memory_space<vmem>> -> memref<1x128xi32, #tpu.memory_space<vmem>>
    %dma_wait3A_783 = tpu.memref_squeeze %dma_wait3A_782 : memref<1x128xi32, #tpu.memory_space<vmem>> -> memref<128xi32, #tpu.memory_space<vmem>>
    %dma_wait3A_784 = tpu.memref_slice %arg2[%add3A_707] : memref<16384xi32, #tpu.memory_space<hbm>> -> memref<128xi32, #tpu.memory_space<hbm>>
    %dma_wait3A_785 = arith.constant 0 : i32
    %dma_wait3A_786 = tpu.memref_slice %arg7[%dma_wait3A_780, %dma_wait3A_785] : memref<8x128xi32, #tpu.memory_space<vmem>> -> memref<1x128xi32, #tpu.memory_space<vmem>>
    %dma_wait3A_787 = tpu.memref_squeeze %dma_wait3A_786 : memref<1x128xi32, #tpu.memory_space<vmem>> -> memref<128xi32, #tpu.memory_space<vmem>>
    %dma_wait3A_788 = tpu.memref_slice %arg2[%add3A_707] : memref<16384xi32, #tpu.memory_space<hbm>> -> memref<128xi32, #tpu.memory_space<hbm>>
    tpu.wait_dma2 semaphore(%arg20 : memref<!tpu.dma_semaphore, #tpu.memory_space<semaphore_mem>>) src(%dma_wait3A_788 : memref<128xi32, #tpu.memory_space<hbm>>) dst(%dma_wait3A_787 : memref<128xi32, #tpu.memory_space<vmem>>)
    %dma_wait3A_789 = tpu.memref_slice %arg6[%mul3A_562] : memref<100352xf32, #tpu.memory_space<vmem_shared>> -> memref<6272xf32, #tpu.memory_space<vmem_shared>>
    %dma_wait3A_790 = tpu.memref_slice %arg6[%mul3A_562] : memref<100352xf32, #tpu.memory_space<vmem_shared>> -> memref<6272xf32, #tpu.memory_space<vmem_shared>>
    tpu.wait_dma2 semaphore(%arg27 : memref<!tpu.dma_semaphore, #tpu.memory_space<semaphore_mem>>) src(%arg19 : memref<6272xf32, #tpu.memory_space<vmem>>) dst(%dma_wait3A_790 : memref<6272xf32, #tpu.memory_space<vmem_shared>>)
    %barrier3A = arith.constant 0 : index
    tpu.barrier barrier_id(%barrier3A)
    %dma_start3A_791 = arith.constant 0 : i32
    %dma_start3A_792 = arith.constant 0 : i32
    %dma_start3A_793 = arith.constant 0 : i32
    %dma_start3A_794 = tpu.memref_slice %arg8[%dma_start3A_791, %dma_start3A_793] : memref<8x128xf32, #tpu.memory_space<vmem>> -> memref<1x128xf32, #tpu.memory_space<vmem>>
    %dma_start3A_795 = tpu.memref_squeeze %dma_start3A_794 : memref<1x128xf32, #tpu.memory_space<vmem>> -> memref<128xf32, #tpu.memory_space<vmem>>
    %dma_start3A_796 = arith.constant 0 : i32
    %dma_start3A_797 = tpu.memref_slice %arg7[%dma_start3A_792, %dma_start3A_796] : memref<8x128xi32, #tpu.memory_space<vmem>> -> memref<1x128xi32, #tpu.memory_space<vmem>>
    %dma_start3A_798 = tpu.memref_squeeze %dma_start3A_797 : memref<1x128xi32, #tpu.memory_space<vmem>> -> memref<128xi32, #tpu.memory_space<vmem>>
    %dma_start3A_799 = arith.constant 0 : i32
    %dma_start3A_800 = tpu.memref_slice %arg6[%dma_start3A_799] : memref<100352xf32, #tpu.memory_space<vmem_shared>> -> memref<100352xf32, #tpu.memory_space<vmem_shared>>
    tpu.enqueue_indirect_dma source(%dma_start3A_795 : memref<128xf32, #tpu.memory_space<vmem>>) target(%dma_start3A_800 : memref<100352xf32, #tpu.memory_space<vmem_shared>>) offsets(%dma_start3A_798 : memref<128xi32, #tpu.memory_space<vmem>>) semaphore(%arg20 : memref<!tpu.dma_semaphore, #tpu.memory_space<semaphore_mem>>) {add = true}
    %dma_start3A_801 = arith.constant 1 : i32
    %dma_start3A_802 = arith.constant 1 : i32
    %dma_start3A_803 = arith.constant 0 : i32
    %dma_start3A_804 = tpu.memref_slice %arg8[%dma_start3A_801, %dma_start3A_803] : memref<8x128xf32, #tpu.memory_space<vmem>> -> memref<1x128xf32, #tpu.memory_space<vmem>>
    %dma_start3A_805 = tpu.memref_squeeze %dma_start3A_804 : memref<1x128xf32, #tpu.memory_space<vmem>> -> memref<128xf32, #tpu.memory_space<vmem>>
    %dma_start3A_806 = arith.constant 0 : i32
    %dma_start3A_807 = tpu.memref_slice %arg7[%dma_start3A_802, %dma_start3A_806] : memref<8x128xi32, #tpu.memory_space<vmem>> -> memref<1x128xi32, #tpu.memory_space<vmem>>
    %dma_start3A_808 = tpu.memref_squeeze %dma_start3A_807 : memref<1x128xi32, #tpu.memory_space<vmem>> -> memref<128xi32, #tpu.memory_space<vmem>>
    %dma_start3A_809 = arith.constant 0 : i32
    %dma_start3A_810 = tpu.memref_slice %arg6[%dma_start3A_809] : memref<100352xf32, #tpu.memory_space<vmem_shared>> -> memref<100352xf32, #tpu.memory_space<vmem_shared>>
    tpu.enqueue_indirect_dma source(%dma_start3A_805 : memref<128xf32, #tpu.memory_space<vmem>>) target(%dma_start3A_810 : memref<100352xf32, #tpu.memory_space<vmem_shared>>) offsets(%dma_start3A_808 : memref<128xi32, #tpu.memory_space<vmem>>) semaphore(%arg20 : memref<!tpu.dma_semaphore, #tpu.memory_space<semaphore_mem>>) {add = true}
    %dma_start3A_811 = arith.constant 2 : i32
    %dma_start3A_812 = arith.constant 2 : i32
    %dma_start3A_813 = arith.constant 0 : i32
    %dma_start3A_814 = tpu.memref_slice %arg8[%dma_start3A_811, %dma_start3A_813] : memref<8x128xf32, #tpu.memory_space<vmem>> -> memref<1x128xf32, #tpu.memory_space<vmem>>
    %dma_start3A_815 = tpu.memref_squeeze %dma_start3A_814 : memref<1x128xf32, #tpu.memory_space<vmem>> -> memref<128xf32, #tpu.memory_space<vmem>>
    %dma_start3A_816 = arith.constant 0 : i32
    %dma_start3A_817 = tpu.memref_slice %arg7[%dma_start3A_812, %dma_start3A_816] : memref<8x128xi32, #tpu.memory_space<vmem>> -> memref<1x128xi32, #tpu.memory_space<vmem>>
    %dma_start3A_818 = tpu.memref_squeeze %dma_start3A_817 : memref<1x128xi32, #tpu.memory_space<vmem>> -> memref<128xi32, #tpu.memory_space<vmem>>
    %dma_start3A_819 = arith.constant 0 : i32
    %dma_start3A_820 = tpu.memref_slice %arg6[%dma_start3A_819] : memref<100352xf32, #tpu.memory_space<vmem_shared>> -> memref<100352xf32, #tpu.memory_space<vmem_shared>>
    tpu.enqueue_indirect_dma source(%dma_start3A_815 : memref<128xf32, #tpu.memory_space<vmem>>) target(%dma_start3A_820 : memref<100352xf32, #tpu.memory_space<vmem_shared>>) offsets(%dma_start3A_818 : memref<128xi32, #tpu.memory_space<vmem>>) semaphore(%arg20 : memref<!tpu.dma_semaphore, #tpu.memory_space<semaphore_mem>>) {add = true}
    %dma_start3A_821 = arith.constant 3 : i32
    %dma_start3A_822 = arith.constant 3 : i32
    %dma_start3A_823 = arith.constant 0 : i32
    %dma_start3A_824 = tpu.memref_slice %arg8[%dma_start3A_821, %dma_start3A_823] : memref<8x128xf32, #tpu.memory_space<vmem>> -> memref<1x128xf32, #tpu.memory_space<vmem>>
    %dma_start3A_825 = tpu.memref_squeeze %dma_start3A_824 : memref<1x128xf32, #tpu.memory_space<vmem>> -> memref<128xf32, #tpu.memory_space<vmem>>
    %dma_start3A_826 = arith.constant 0 : i32
    %dma_start3A_827 = tpu.memref_slice %arg7[%dma_start3A_822, %dma_start3A_826] : memref<8x128xi32, #tpu.memory_space<vmem>> -> memref<1x128xi32, #tpu.memory_space<vmem>>
    %dma_start3A_828 = tpu.memref_squeeze %dma_start3A_827 : memref<1x128xi32, #tpu.memory_space<vmem>> -> memref<128xi32, #tpu.memory_space<vmem>>
    %dma_start3A_829 = arith.constant 0 : i32
    %dma_start3A_830 = tpu.memref_slice %arg6[%dma_start3A_829] : memref<100352xf32, #tpu.memory_space<vmem_shared>> -> memref<100352xf32, #tpu.memory_space<vmem_shared>>
    tpu.enqueue_indirect_dma source(%dma_start3A_825 : memref<128xf32, #tpu.memory_space<vmem>>) target(%dma_start3A_830 : memref<100352xf32, #tpu.memory_space<vmem_shared>>) offsets(%dma_start3A_828 : memref<128xi32, #tpu.memory_space<vmem>>) semaphore(%arg20 : memref<!tpu.dma_semaphore, #tpu.memory_space<semaphore_mem>>) {add = true}
    %dma_start3A_831 = arith.constant 4 : i32
    %dma_start3A_832 = arith.constant 4 : i32
    %dma_start3A_833 = arith.constant 0 : i32
    %dma_start3A_834 = tpu.memref_slice %arg8[%dma_start3A_831, %dma_start3A_833] : memref<8x128xf32, #tpu.memory_space<vmem>> -> memref<1x128xf32, #tpu.memory_space<vmem>>
    %dma_start3A_835 = tpu.memref_squeeze %dma_start3A_834 : memref<1x128xf32, #tpu.memory_space<vmem>> -> memref<128xf32, #tpu.memory_space<vmem>>
    %dma_start3A_836 = arith.constant 0 : i32
    %dma_start3A_837 = tpu.memref_slice %arg7[%dma_start3A_832, %dma_start3A_836] : memref<8x128xi32, #tpu.memory_space<vmem>> -> memref<1x128xi32, #tpu.memory_space<vmem>>
    %dma_start3A_838 = tpu.memref_squeeze %dma_start3A_837 : memref<1x128xi32, #tpu.memory_space<vmem>> -> memref<128xi32, #tpu.memory_space<vmem>>
    %dma_start3A_839 = arith.constant 0 : i32
    %dma_start3A_840 = tpu.memref_slice %arg6[%dma_start3A_839] : memref<100352xf32, #tpu.memory_space<vmem_shared>> -> memref<100352xf32, #tpu.memory_space<vmem_shared>>
    tpu.enqueue_indirect_dma source(%dma_start3A_835 : memref<128xf32, #tpu.memory_space<vmem>>) target(%dma_start3A_840 : memref<100352xf32, #tpu.memory_space<vmem_shared>>) offsets(%dma_start3A_838 : memref<128xi32, #tpu.memory_space<vmem>>) semaphore(%arg20 : memref<!tpu.dma_semaphore, #tpu.memory_space<semaphore_mem>>) {add = true}
    %dma_start3A_841 = arith.constant 5 : i32
    %dma_start3A_842 = arith.constant 5 : i32
    %dma_start3A_843 = arith.constant 0 : i32
    %dma_start3A_844 = tpu.memref_slice %arg8[%dma_start3A_841, %dma_start3A_843] : memref<8x128xf32, #tpu.memory_space<vmem>> -> memref<1x128xf32, #tpu.memory_space<vmem>>
    %dma_start3A_845 = tpu.memref_squeeze %dma_start3A_844 : memref<1x128xf32, #tpu.memory_space<vmem>> -> memref<128xf32, #tpu.memory_space<vmem>>
    %dma_start3A_846 = arith.constant 0 : i32
    %dma_start3A_847 = tpu.memref_slice %arg7[%dma_start3A_842, %dma_start3A_846] : memref<8x128xi32, #tpu.memory_space<vmem>> -> memref<1x128xi32, #tpu.memory_space<vmem>>
    %dma_start3A_848 = tpu.memref_squeeze %dma_start3A_847 : memref<1x128xi32, #tpu.memory_space<vmem>> -> memref<128xi32, #tpu.memory_space<vmem>>
    %dma_start3A_849 = arith.constant 0 : i32
    %dma_start3A_850 = tpu.memref_slice %arg6[%dma_start3A_849] : memref<100352xf32, #tpu.memory_space<vmem_shared>> -> memref<100352xf32, #tpu.memory_space<vmem_shared>>
    tpu.enqueue_indirect_dma source(%dma_start3A_845 : memref<128xf32, #tpu.memory_space<vmem>>) target(%dma_start3A_850 : memref<100352xf32, #tpu.memory_space<vmem_shared>>) offsets(%dma_start3A_848 : memref<128xi32, #tpu.memory_space<vmem>>) semaphore(%arg20 : memref<!tpu.dma_semaphore, #tpu.memory_space<semaphore_mem>>) {add = true}
    %dma_start3A_851 = arith.constant 6 : i32
    %dma_start3A_852 = arith.constant 6 : i32
    %dma_start3A_853 = arith.constant 0 : i32
    %dma_start3A_854 = tpu.memref_slice %arg8[%dma_start3A_851, %dma_start3A_853] : memref<8x128xf32, #tpu.memory_space<vmem>> -> memref<1x128xf32, #tpu.memory_space<vmem>>
    %dma_start3A_855 = tpu.memref_squeeze %dma_start3A_854 : memref<1x128xf32, #tpu.memory_space<vmem>> -> memref<128xf32, #tpu.memory_space<vmem>>
    %dma_start3A_856 = arith.constant 0 : i32
    %dma_start3A_857 = tpu.memref_slice %arg7[%dma_start3A_852, %dma_start3A_856] : memref<8x128xi32, #tpu.memory_space<vmem>> -> memref<1x128xi32, #tpu.memory_space<vmem>>
    %dma_start3A_858 = tpu.memref_squeeze %dma_start3A_857 : memref<1x128xi32, #tpu.memory_space<vmem>> -> memref<128xi32, #tpu.memory_space<vmem>>
    %dma_start3A_859 = arith.constant 0 : i32
    %dma_start3A_860 = tpu.memref_slice %arg6[%dma_start3A_859] : memref<100352xf32, #tpu.memory_space<vmem_shared>> -> memref<100352xf32, #tpu.memory_space<vmem_shared>>
    tpu.enqueue_indirect_dma source(%dma_start3A_855 : memref<128xf32, #tpu.memory_space<vmem>>) target(%dma_start3A_860 : memref<100352xf32, #tpu.memory_space<vmem_shared>>) offsets(%dma_start3A_858 : memref<128xi32, #tpu.memory_space<vmem>>) semaphore(%arg20 : memref<!tpu.dma_semaphore, #tpu.memory_space<semaphore_mem>>) {add = true}
    %dma_start3A_861 = arith.constant 7 : i32
    %dma_start3A_862 = arith.constant 7 : i32
    %dma_start3A_863 = arith.constant 0 : i32
    %dma_start3A_864 = tpu.memref_slice %arg8[%dma_start3A_861, %dma_start3A_863] : memref<8x128xf32, #tpu.memory_space<vmem>> -> memref<1x128xf32, #tpu.memory_space<vmem>>
    %dma_start3A_865 = tpu.memref_squeeze %dma_start3A_864 : memref<1x128xf32, #tpu.memory_space<vmem>> -> memref<128xf32, #tpu.memory_space<vmem>>
    %dma_start3A_866 = arith.constant 0 : i32
    %dma_start3A_867 = tpu.memref_slice %arg7[%dma_start3A_862, %dma_start3A_866] : memref<8x128xi32, #tpu.memory_space<vmem>> -> memref<1x128xi32, #tpu.memory_space<vmem>>
    %dma_start3A_868 = tpu.memref_squeeze %dma_start3A_867 : memref<1x128xi32, #tpu.memory_space<vmem>> -> memref<128xi32, #tpu.memory_space<vmem>>
    %dma_start3A_869 = arith.constant 0 : i32
    %dma_start3A_870 = tpu.memref_slice %arg6[%dma_start3A_869] : memref<100352xf32, #tpu.memory_space<vmem_shared>> -> memref<100352xf32, #tpu.memory_space<vmem_shared>>
    tpu.enqueue_indirect_dma source(%dma_start3A_865 : memref<128xf32, #tpu.memory_space<vmem>>) target(%dma_start3A_870 : memref<100352xf32, #tpu.memory_space<vmem_shared>>) offsets(%dma_start3A_868 : memref<128xi32, #tpu.memory_space<vmem>>) semaphore(%arg20 : memref<!tpu.dma_semaphore, #tpu.memory_space<semaphore_mem>>) {add = true}
    %dma_wait3A_871 = arith.constant 0 : i32
    %dma_wait3A_872 = arith.constant 0 : i32
    %dma_wait3A_873 = arith.constant 0 : i32
    %dma_wait3A_874 = tpu.memref_slice %arg8[%dma_wait3A_871, %dma_wait3A_873] : memref<8x128xf32, #tpu.memory_space<vmem>> -> memref<1x128xf32, #tpu.memory_space<vmem>>
    %dma_wait3A_875 = tpu.memref_squeeze %dma_wait3A_874 : memref<1x128xf32, #tpu.memory_space<vmem>> -> memref<128xf32, #tpu.memory_space<vmem>>
    %dma_wait3A_876 = arith.constant 0 : i32
    %dma_wait3A_877 = tpu.memref_slice %arg7[%dma_wait3A_872, %dma_wait3A_876] : memref<8x128xi32, #tpu.memory_space<vmem>> -> memref<1x128xi32, #tpu.memory_space<vmem>>
    %dma_wait3A_878 = tpu.memref_squeeze %dma_wait3A_877 : memref<1x128xi32, #tpu.memory_space<vmem>> -> memref<128xi32, #tpu.memory_space<vmem>>
    %dma_wait3A_879 = arith.constant 0 : i32
    %dma_wait3A_880 = tpu.memref_slice %arg6[%dma_wait3A_879] : memref<100352xf32, #tpu.memory_space<vmem_shared>> -> memref<100352xf32, #tpu.memory_space<vmem_shared>>
    tpu.wait_indirect_dma semaphore(%arg20 : memref<!tpu.dma_semaphore, #tpu.memory_space<semaphore_mem>>) src(%dma_wait3A_875 : memref<128xf32, #tpu.memory_space<vmem>>) dst(%dma_wait3A_880 : memref<100352xf32, #tpu.memory_space<vmem_shared>>)
    %dma_wait3A_881 = arith.constant 1 : i32
    %dma_wait3A_882 = arith.constant 1 : i32
    %dma_wait3A_883 = arith.constant 0 : i32
    %dma_wait3A_884 = tpu.memref_slice %arg8[%dma_wait3A_881, %dma_wait3A_883] : memref<8x128xf32, #tpu.memory_space<vmem>> -> memref<1x128xf32, #tpu.memory_space<vmem>>
    %dma_wait3A_885 = tpu.memref_squeeze %dma_wait3A_884 : memref<1x128xf32, #tpu.memory_space<vmem>> -> memref<128xf32, #tpu.memory_space<vmem>>
    %dma_wait3A_886 = arith.constant 0 : i32
    %dma_wait3A_887 = tpu.memref_slice %arg7[%dma_wait3A_882, %dma_wait3A_886] : memref<8x128xi32, #tpu.memory_space<vmem>> -> memref<1x128xi32, #tpu.memory_space<vmem>>
    %dma_wait3A_888 = tpu.memref_squeeze %dma_wait3A_887 : memref<1x128xi32, #tpu.memory_space<vmem>> -> memref<128xi32, #tpu.memory_space<vmem>>
    %dma_wait3A_889 = arith.constant 0 : i32
    %dma_wait3A_890 = tpu.memref_slice %arg6[%dma_wait3A_889] : memref<100352xf32, #tpu.memory_space<vmem_shared>> -> memref<100352xf32, #tpu.memory_space<vmem_shared>>
    tpu.wait_indirect_dma semaphore(%arg20 : memref<!tpu.dma_semaphore, #tpu.memory_space<semaphore_mem>>) src(%dma_wait3A_885 : memref<128xf32, #tpu.memory_space<vmem>>) dst(%dma_wait3A_890 : memref<100352xf32, #tpu.memory_space<vmem_shared>>)
    %dma_wait3A_891 = arith.constant 2 : i32
    %dma_wait3A_892 = arith.constant 2 : i32
    %dma_wait3A_893 = arith.constant 0 : i32
    %dma_wait3A_894 = tpu.memref_slice %arg8[%dma_wait3A_891, %dma_wait3A_893] : memref<8x128xf32, #tpu.memory_space<vmem>> -> memref<1x128xf32, #tpu.memory_space<vmem>>
    %dma_wait3A_895 = tpu.memref_squeeze %dma_wait3A_894 : memref<1x128xf32, #tpu.memory_space<vmem>> -> memref<128xf32, #tpu.memory_space<vmem>>
    %dma_wait3A_896 = arith.constant 0 : i32
    %dma_wait3A_897 = tpu.memref_slice %arg7[%dma_wait3A_892, %dma_wait3A_896] : memref<8x128xi32, #tpu.memory_space<vmem>> -> memref<1x128xi32, #tpu.memory_space<vmem>>
    %dma_wait3A_898 = tpu.memref_squeeze %dma_wait3A_897 : memref<1x128xi32, #tpu.memory_space<vmem>> -> memref<128xi32, #tpu.memory_space<vmem>>
    %dma_wait3A_899 = arith.constant 0 : i32
    %dma_wait3A_900 = tpu.memref_slice %arg6[%dma_wait3A_899] : memref<100352xf32, #tpu.memory_space<vmem_shared>> -> memref<100352xf32, #tpu.memory_space<vmem_shared>>
    tpu.wait_indirect_dma semaphore(%arg20 : memref<!tpu.dma_semaphore, #tpu.memory_space<semaphore_mem>>) src(%dma_wait3A_895 : memref<128xf32, #tpu.memory_space<vmem>>) dst(%dma_wait3A_900 : memref<100352xf32, #tpu.memory_space<vmem_shared>>)
    %dma_wait3A_901 = arith.constant 3 : i32
    %dma_wait3A_902 = arith.constant 3 : i32
    %dma_wait3A_903 = arith.constant 0 : i32
    %dma_wait3A_904 = tpu.memref_slice %arg8[%dma_wait3A_901, %dma_wait3A_903] : memref<8x128xf32, #tpu.memory_space<vmem>> -> memref<1x128xf32, #tpu.memory_space<vmem>>
    %dma_wait3A_905 = tpu.memref_squeeze %dma_wait3A_904 : memref<1x128xf32, #tpu.memory_space<vmem>> -> memref<128xf32, #tpu.memory_space<vmem>>
    %dma_wait3A_906 = arith.constant 0 : i32
    %dma_wait3A_907 = tpu.memref_slice %arg7[%dma_wait3A_902, %dma_wait3A_906] : memref<8x128xi32, #tpu.memory_space<vmem>> -> memref<1x128xi32, #tpu.memory_space<vmem>>
    %dma_wait3A_908 = tpu.memref_squeeze %dma_wait3A_907 : memref<1x128xi32, #tpu.memory_space<vmem>> -> memref<128xi32, #tpu.memory_space<vmem>>
    %dma_wait3A_909 = arith.constant 0 : i32
    %dma_wait3A_910 = tpu.memref_slice %arg6[%dma_wait3A_909] : memref<100352xf32, #tpu.memory_space<vmem_shared>> -> memref<100352xf32, #tpu.memory_space<vmem_shared>>
    tpu.wait_indirect_dma semaphore(%arg20 : memref<!tpu.dma_semaphore, #tpu.memory_space<semaphore_mem>>) src(%dma_wait3A_905 : memref<128xf32, #tpu.memory_space<vmem>>) dst(%dma_wait3A_910 : memref<100352xf32, #tpu.memory_space<vmem_shared>>)
    %dma_wait3A_911 = arith.constant 4 : i32
    %dma_wait3A_912 = arith.constant 4 : i32
    %dma_wait3A_913 = arith.constant 0 : i32
    %dma_wait3A_914 = tpu.memref_slice %arg8[%dma_wait3A_911, %dma_wait3A_913] : memref<8x128xf32, #tpu.memory_space<vmem>> -> memref<1x128xf32, #tpu.memory_space<vmem>>
    %dma_wait3A_915 = tpu.memref_squeeze %dma_wait3A_914 : memref<1x128xf32, #tpu.memory_space<vmem>> -> memref<128xf32, #tpu.memory_space<vmem>>
    %dma_wait3A_916 = arith.constant 0 : i32
    %dma_wait3A_917 = tpu.memref_slice %arg7[%dma_wait3A_912, %dma_wait3A_916] : memref<8x128xi32, #tpu.memory_space<vmem>> -> memref<1x128xi32, #tpu.memory_space<vmem>>
    %dma_wait3A_918 = tpu.memref_squeeze %dma_wait3A_917 : memref<1x128xi32, #tpu.memory_space<vmem>> -> memref<128xi32, #tpu.memory_space<vmem>>
    %dma_wait3A_919 = arith.constant 0 : i32
    %dma_wait3A_920 = tpu.memref_slice %arg6[%dma_wait3A_919] : memref<100352xf32, #tpu.memory_space<vmem_shared>> -> memref<100352xf32, #tpu.memory_space<vmem_shared>>
    tpu.wait_indirect_dma semaphore(%arg20 : memref<!tpu.dma_semaphore, #tpu.memory_space<semaphore_mem>>) src(%dma_wait3A_915 : memref<128xf32, #tpu.memory_space<vmem>>) dst(%dma_wait3A_920 : memref<100352xf32, #tpu.memory_space<vmem_shared>>)
    %dma_wait3A_921 = arith.constant 5 : i32
    %dma_wait3A_922 = arith.constant 5 : i32
    %dma_wait3A_923 = arith.constant 0 : i32
    %dma_wait3A_924 = tpu.memref_slice %arg8[%dma_wait3A_921, %dma_wait3A_923] : memref<8x128xf32, #tpu.memory_space<vmem>> -> memref<1x128xf32, #tpu.memory_space<vmem>>
    %dma_wait3A_925 = tpu.memref_squeeze %dma_wait3A_924 : memref<1x128xf32, #tpu.memory_space<vmem>> -> memref<128xf32, #tpu.memory_space<vmem>>
    %dma_wait3A_926 = arith.constant 0 : i32
    %dma_wait3A_927 = tpu.memref_slice %arg7[%dma_wait3A_922, %dma_wait3A_926] : memref<8x128xi32, #tpu.memory_space<vmem>> -> memref<1x128xi32, #tpu.memory_space<vmem>>
    %dma_wait3A_928 = tpu.memref_squeeze %dma_wait3A_927 : memref<1x128xi32, #tpu.memory_space<vmem>> -> memref<128xi32, #tpu.memory_space<vmem>>
    %dma_wait3A_929 = arith.constant 0 : i32
    %dma_wait3A_930 = tpu.memref_slice %arg6[%dma_wait3A_929] : memref<100352xf32, #tpu.memory_space<vmem_shared>> -> memref<100352xf32, #tpu.memory_space<vmem_shared>>
    tpu.wait_indirect_dma semaphore(%arg20 : memref<!tpu.dma_semaphore, #tpu.memory_space<semaphore_mem>>) src(%dma_wait3A_925 : memref<128xf32, #tpu.memory_space<vmem>>) dst(%dma_wait3A_930 : memref<100352xf32, #tpu.memory_space<vmem_shared>>)
    %dma_wait3A_931 = arith.constant 6 : i32
    %dma_wait3A_932 = arith.constant 6 : i32
    %dma_wait3A_933 = arith.constant 0 : i32
    %dma_wait3A_934 = tpu.memref_slice %arg8[%dma_wait3A_931, %dma_wait3A_933] : memref<8x128xf32, #tpu.memory_space<vmem>> -> memref<1x128xf32, #tpu.memory_space<vmem>>
    %dma_wait3A_935 = tpu.memref_squeeze %dma_wait3A_934 : memref<1x128xf32, #tpu.memory_space<vmem>> -> memref<128xf32, #tpu.memory_space<vmem>>
    %dma_wait3A_936 = arith.constant 0 : i32
    %dma_wait3A_937 = tpu.memref_slice %arg7[%dma_wait3A_932, %dma_wait3A_936] : memref<8x128xi32, #tpu.memory_space<vmem>> -> memref<1x128xi32, #tpu.memory_space<vmem>>
    %dma_wait3A_938 = tpu.memref_squeeze %dma_wait3A_937 : memref<1x128xi32, #tpu.memory_space<vmem>> -> memref<128xi32, #tpu.memory_space<vmem>>
    %dma_wait3A_939 = arith.constant 0 : i32
    %dma_wait3A_940 = tpu.memref_slice %arg6[%dma_wait3A_939] : memref<100352xf32, #tpu.memory_space<vmem_shared>> -> memref<100352xf32, #tpu.memory_space<vmem_shared>>
    tpu.wait_indirect_dma semaphore(%arg20 : memref<!tpu.dma_semaphore, #tpu.memory_space<semaphore_mem>>) src(%dma_wait3A_935 : memref<128xf32, #tpu.memory_space<vmem>>) dst(%dma_wait3A_940 : memref<100352xf32, #tpu.memory_space<vmem_shared>>)
    %dma_wait3A_941 = arith.constant 7 : i32
    %dma_wait3A_942 = arith.constant 7 : i32
    %dma_wait3A_943 = arith.constant 0 : i32
    %dma_wait3A_944 = tpu.memref_slice %arg8[%dma_wait3A_941, %dma_wait3A_943] : memref<8x128xf32, #tpu.memory_space<vmem>> -> memref<1x128xf32, #tpu.memory_space<vmem>>
    %dma_wait3A_945 = tpu.memref_squeeze %dma_wait3A_944 : memref<1x128xf32, #tpu.memory_space<vmem>> -> memref<128xf32, #tpu.memory_space<vmem>>
    %dma_wait3A_946 = arith.constant 0 : i32
    %dma_wait3A_947 = tpu.memref_slice %arg7[%dma_wait3A_942, %dma_wait3A_946] : memref<8x128xi32, #tpu.memory_space<vmem>> -> memref<1x128xi32, #tpu.memory_space<vmem>>
    %dma_wait3A_948 = tpu.memref_squeeze %dma_wait3A_947 : memref<1x128xi32, #tpu.memory_space<vmem>> -> memref<128xi32, #tpu.memory_space<vmem>>
    %dma_wait3A_949 = arith.constant 0 : i32
    %dma_wait3A_950 = tpu.memref_slice %arg6[%dma_wait3A_949] : memref<100352xf32, #tpu.memory_space<vmem_shared>> -> memref<100352xf32, #tpu.memory_space<vmem_shared>>
    tpu.wait_indirect_dma semaphore(%arg20 : memref<!tpu.dma_semaphore, #tpu.memory_space<semaphore_mem>>) src(%dma_wait3A_945 : memref<128xf32, #tpu.memory_space<vmem>>) dst(%dma_wait3A_950 : memref<100352xf32, #tpu.memory_space<vmem_shared>>)
    %barrier3A_951 = arith.constant 0 : index
    tpu.barrier barrier_id(%barrier3A_951)
    %dma_start3A_952 = arith.constant 0 : i32
    "tpu.trace_stop"() : () -> ()
    "tpu.trace_start"() <{level = 10 : i32, message = "weights_phase"}> : () -> ()
    %dma_start3A_953 = arith.constant 0 : i32
    %dma_start3A_954 = tpu.memref_slice %arg10[%dma_start3A_953] : memref<512xf32, #tpu.memory_space<vmem>> -> memref<128xf32, #tpu.memory_space<vmem>>
    %dma_start3A_955 = arith.constant 0 : i32
    %dma_start3A_956 = tpu.memref_slice %arg9[%dma_start3A_952, %dma_start3A_955] : memref<4x128xi32, #tpu.memory_space<vmem>> -> memref<1x128xi32, #tpu.memory_space<vmem>>
    %dma_start3A_957 = tpu.memref_squeeze %dma_start3A_956 : memref<1x128xi32, #tpu.memory_space<vmem>> -> memref<128xi32, #tpu.memory_space<vmem>>
    %dma_start3A_958 = arith.constant 0 : i32
    %dma_start3A_959 = tpu.memref_slice %arg6[%dma_start3A_958] : memref<100352xf32, #tpu.memory_space<vmem_shared>> -> memref<100352xf32, #tpu.memory_space<vmem_shared>>
    tpu.enqueue_indirect_dma source(%dma_start3A_959 : memref<100352xf32, #tpu.memory_space<vmem_shared>>) target(%dma_start3A_954 : memref<128xf32, #tpu.memory_space<vmem>>) offsets(%dma_start3A_957 : memref<128xi32, #tpu.memory_space<vmem>>) semaphore(%arg20 : memref<!tpu.dma_semaphore, #tpu.memory_space<semaphore_mem>>)
    %dma_start3A_960 = arith.constant 1 : i32
    %dma_start3A_961 = arith.constant 128 : i32
    %dma_start3A_962 = tpu.memref_slice %arg10[%dma_start3A_961] : memref<512xf32, #tpu.memory_space<vmem>> -> memref<128xf32, #tpu.memory_space<vmem>>
    %dma_start3A_963 = arith.constant 0 : i32
    %dma_start3A_964 = tpu.memref_slice %arg9[%dma_start3A_960, %dma_start3A_963] : memref<4x128xi32, #tpu.memory_space<vmem>> -> memref<1x128xi32, #tpu.memory_space<vmem>>
    %dma_start3A_965 = tpu.memref_squeeze %dma_start3A_964 : memref<1x128xi32, #tpu.memory_space<vmem>> -> memref<128xi32, #tpu.memory_space<vmem>>
    %dma_start3A_966 = arith.constant 0 : i32
    %dma_start3A_967 = tpu.memref_slice %arg6[%dma_start3A_966] : memref<100352xf32, #tpu.memory_space<vmem_shared>> -> memref<100352xf32, #tpu.memory_space<vmem_shared>>
    tpu.enqueue_indirect_dma source(%dma_start3A_967 : memref<100352xf32, #tpu.memory_space<vmem_shared>>) target(%dma_start3A_962 : memref<128xf32, #tpu.memory_space<vmem>>) offsets(%dma_start3A_965 : memref<128xi32, #tpu.memory_space<vmem>>) semaphore(%arg20 : memref<!tpu.dma_semaphore, #tpu.memory_space<semaphore_mem>>)
    %dma_start3A_968 = arith.constant 2 : i32
    %dma_start3A_969 = arith.constant 256 : i32
    %dma_start3A_970 = tpu.memref_slice %arg10[%dma_start3A_969] : memref<512xf32, #tpu.memory_space<vmem>> -> memref<128xf32, #tpu.memory_space<vmem>>
    %dma_start3A_971 = arith.constant 0 : i32
    %dma_start3A_972 = tpu.memref_slice %arg9[%dma_start3A_968, %dma_start3A_971] : memref<4x128xi32, #tpu.memory_space<vmem>> -> memref<1x128xi32, #tpu.memory_space<vmem>>
    %dma_start3A_973 = tpu.memref_squeeze %dma_start3A_972 : memref<1x128xi32, #tpu.memory_space<vmem>> -> memref<128xi32, #tpu.memory_space<vmem>>
    %dma_start3A_974 = arith.constant 0 : i32
    %dma_start3A_975 = tpu.memref_slice %arg6[%dma_start3A_974] : memref<100352xf32, #tpu.memory_space<vmem_shared>> -> memref<100352xf32, #tpu.memory_space<vmem_shared>>
    tpu.enqueue_indirect_dma source(%dma_start3A_975 : memref<100352xf32, #tpu.memory_space<vmem_shared>>) target(%dma_start3A_970 : memref<128xf32, #tpu.memory_space<vmem>>) offsets(%dma_start3A_973 : memref<128xi32, #tpu.memory_space<vmem>>) semaphore(%arg20 : memref<!tpu.dma_semaphore, #tpu.memory_space<semaphore_mem>>)
    %dma_start3A_976 = arith.constant 3 : i32
    %dma_start3A_977 = arith.constant 384 : i32
    %dma_start3A_978 = tpu.memref_slice %arg10[%dma_start3A_977] : memref<512xf32, #tpu.memory_space<vmem>> -> memref<128xf32, #tpu.memory_space<vmem>>
    %dma_start3A_979 = arith.constant 0 : i32
    %dma_start3A_980 = tpu.memref_slice %arg9[%dma_start3A_976, %dma_start3A_979] : memref<4x128xi32, #tpu.memory_space<vmem>> -> memref<1x128xi32, #tpu.memory_space<vmem>>
    %dma_start3A_981 = tpu.memref_squeeze %dma_start3A_980 : memref<1x128xi32, #tpu.memory_space<vmem>> -> memref<128xi32, #tpu.memory_space<vmem>>
    %dma_start3A_982 = arith.constant 0 : i32
    %dma_start3A_983 = tpu.memref_slice %arg6[%dma_start3A_982] : memref<100352xf32, #tpu.memory_space<vmem_shared>> -> memref<100352xf32, #tpu.memory_space<vmem_shared>>
    tpu.enqueue_indirect_dma source(%dma_start3A_983 : memref<100352xf32, #tpu.memory_space<vmem_shared>>) target(%dma_start3A_978 : memref<128xf32, #tpu.memory_space<vmem>>) offsets(%dma_start3A_981 : memref<128xi32, #tpu.memory_space<vmem>>) semaphore(%arg20 : memref<!tpu.dma_semaphore, #tpu.memory_space<semaphore_mem>>)
    %dma_wait3A_984 = arith.constant 0 : i32
    %dma_wait3A_985 = arith.constant 0 : i32
    %dma_wait3A_986 = tpu.memref_slice %arg10[%dma_wait3A_985] : memref<512xf32, #tpu.memory_space<vmem>> -> memref<128xf32, #tpu.memory_space<vmem>>
    %dma_wait3A_987 = arith.constant 0 : i32
    %dma_wait3A_988 = tpu.memref_slice %arg9[%dma_wait3A_984, %dma_wait3A_987] : memref<4x128xi32, #tpu.memory_space<vmem>> -> memref<1x128xi32, #tpu.memory_space<vmem>>
    %dma_wait3A_989 = tpu.memref_squeeze %dma_wait3A_988 : memref<1x128xi32, #tpu.memory_space<vmem>> -> memref<128xi32, #tpu.memory_space<vmem>>
    %dma_wait3A_990 = arith.constant 0 : i32
    %dma_wait3A_991 = tpu.memref_slice %arg6[%dma_wait3A_990] : memref<100352xf32, #tpu.memory_space<vmem_shared>> -> memref<100352xf32, #tpu.memory_space<vmem_shared>>
    tpu.wait_indirect_dma semaphore(%arg20 : memref<!tpu.dma_semaphore, #tpu.memory_space<semaphore_mem>>) src(%dma_wait3A_991 : memref<100352xf32, #tpu.memory_space<vmem_shared>>) dst(%dma_wait3A_986 : memref<128xf32, #tpu.memory_space<vmem>>)
    %dma_wait3A_992 = arith.constant 1 : i32
    %dma_wait3A_993 = arith.constant 128 : i32
    %dma_wait3A_994 = tpu.memref_slice %arg10[%dma_wait3A_993] : memref<512xf32, #tpu.memory_space<vmem>> -> memref<128xf32, #tpu.memory_space<vmem>>
    %dma_wait3A_995 = arith.constant 0 : i32
    %dma_wait3A_996 = tpu.memref_slice %arg9[%dma_wait3A_992, %dma_wait3A_995] : memref<4x128xi32, #tpu.memory_space<vmem>> -> memref<1x128xi32, #tpu.memory_space<vmem>>
    %dma_wait3A_997 = tpu.memref_squeeze %dma_wait3A_996 : memref<1x128xi32, #tpu.memory_space<vmem>> -> memref<128xi32, #tpu.memory_space<vmem>>
    %dma_wait3A_998 = arith.constant 0 : i32
    %dma_wait3A_999 = tpu.memref_slice %arg6[%dma_wait3A_998] : memref<100352xf32, #tpu.memory_space<vmem_shared>> -> memref<100352xf32, #tpu.memory_space<vmem_shared>>
    tpu.wait_indirect_dma semaphore(%arg20 : memref<!tpu.dma_semaphore, #tpu.memory_space<semaphore_mem>>) src(%dma_wait3A_999 : memref<100352xf32, #tpu.memory_space<vmem_shared>>) dst(%dma_wait3A_994 : memref<128xf32, #tpu.memory_space<vmem>>)
    %dma_wait3A_1000 = arith.constant 2 : i32
    %dma_wait3A_1001 = arith.constant 256 : i32
    %dma_wait3A_1002 = tpu.memref_slice %arg10[%dma_wait3A_1001] : memref<512xf32, #tpu.memory_space<vmem>> -> memref<128xf32, #tpu.memory_space<vmem>>
    %dma_wait3A_1003 = arith.constant 0 : i32
    %dma_wait3A_1004 = tpu.memref_slice %arg9[%dma_wait3A_1000, %dma_wait3A_1003] : memref<4x128xi32, #tpu.memory_space<vmem>> -> memref<1x128xi32, #tpu.memory_space<vmem>>
    %dma_wait3A_1005 = tpu.memref_squeeze %dma_wait3A_1004 : memref<1x128xi32, #tpu.memory_space<vmem>> -> memref<128xi32, #tpu.memory_space<vmem>>
    %dma_wait3A_1006 = arith.constant 0 : i32
    %dma_wait3A_1007 = tpu.memref_slice %arg6[%dma_wait3A_1006] : memref<100352xf32, #tpu.memory_space<vmem_shared>> -> memref<100352xf32, #tpu.memory_space<vmem_shared>>
    tpu.wait_indirect_dma semaphore(%arg20 : memref<!tpu.dma_semaphore, #tpu.memory_space<semaphore_mem>>) src(%dma_wait3A_1007 : memref<100352xf32, #tpu.memory_space<vmem_shared>>) dst(%dma_wait3A_1002 : memref<128xf32, #tpu.memory_space<vmem>>)
    %dma_wait3A_1008 = arith.constant 3 : i32
    %dma_wait3A_1009 = arith.constant 384 : i32
    %dma_wait3A_1010 = tpu.memref_slice %arg10[%dma_wait3A_1009] : memref<512xf32, #tpu.memory_space<vmem>> -> memref<128xf32, #tpu.memory_space<vmem>>
    %dma_wait3A_1011 = arith.constant 0 : i32
    %dma_wait3A_1012 = tpu.memref_slice %arg9[%dma_wait3A_1008, %dma_wait3A_1011] : memref<4x128xi32, #tpu.memory_space<vmem>> -> memref<1x128xi32, #tpu.memory_space<vmem>>
    %dma_wait3A_1013 = tpu.memref_squeeze %dma_wait3A_1012 : memref<1x128xi32, #tpu.memory_space<vmem>> -> memref<128xi32, #tpu.memory_space<vmem>>
    %dma_wait3A_1014 = arith.constant 0 : i32
    %dma_wait3A_1015 = tpu.memref_slice %arg6[%dma_wait3A_1014] : memref<100352xf32, #tpu.memory_space<vmem_shared>> -> memref<100352xf32, #tpu.memory_space<vmem_shared>>
    tpu.wait_indirect_dma semaphore(%arg20 : memref<!tpu.dma_semaphore, #tpu.memory_space<semaphore_mem>>) src(%dma_wait3A_1015 : memref<100352xf32, #tpu.memory_space<vmem_shared>>) dst(%dma_wait3A_1010 : memref<128xf32, #tpu.memory_space<vmem>>)
    %broadcast_in_dim3A_1016 = arith.constant 1.000000e+00 : f32
    %broadcast_in_dim3A_1017 = vector.broadcast %broadcast_in_dim3A_1016 : f32 to vector<16xf32>
    %scan3A_1018 = arith.constant 0 : i32
    %scan3A_1019 = arith.constant 0 : i32
    %scan3A_1020 = arith.constant 32 : i32
    %scan3A_1021 = arith.addi %scan3A_1019, %scan3A_1020 : i32
    %scan3A_1022 = arith.constant 2 : i32
    scf.for %scan3A_1139 = %scan3A_1019 to %scan3A_1021 step %scan3A_1022  : i32 {
      %mul3A_1140 = arith.constant 16 : i32
      %mul3A_1141 = arith.muli %scan3A_1139, %mul3A_1140 : i32
      %get3A = arith.index_cast %mul3A_1141 : i32 to index
      %get3A_1142 = tpu.vector_load %arg10[%get3A] {strides = array<i32>} : memref<512xf32, #tpu.memory_space<vmem>>, vector<16xf32>,
      %get3A_1143 = vector.shape_cast %get3A_1142 : vector<16xf32> to vector<16xf32>
      %add3A_1144 = arith.constant 1.000000e+00 : f32
      %add3A_1145 = vector.broadcast %add3A_1144 : f32 to vector<16xf32>
      %add3A_1146 = arith.addf %get3A_1143, %add3A_1145 : vector<16xf32>
      %div3A = arith.constant 1.000000e+00 : f32
      %div3A_1147 = vector.broadcast %div3A : f32 to vector<16xf32>
      %div3A_1148 = arith.divf %div3A_1147, %add3A_1146 : vector<16xf32>
      %mul3A_1149 = arith.constant 256 : i32
      %mul3A_1150 = arith.muli %scan3A_1139, %mul3A_1149 : i32
      %slice3A = vector.extract_strided_slice %div3A_1148 {offsets = [0], sizes = [1], strides = [1]} : vector<16xf32> to vector<1xf32>
      %squeeze3A = vector.extract %slice3A[0] : f32 from vector<1xf32>
      %mul3A_1151 = vector.broadcast %squeeze3A : f32 to vector<16xf32>
      %mul3A_1152 = arith.mulf %broadcast_in_dim3A_1017, %mul3A_1151 : vector<16xf32>
      %add3A_1153 = arith.constant 0 : i32
      %add3A_1154 = arith.addi %mul3A_1150, %add3A_1153 : i32
      %swap3A_1155 = arith.index_cast %add3A_1154 : i32 to index
      %swap3A_1156 = tpu.vector_load %arg11[%swap3A_1155] {strides = array<i32>} : memref<8192xf32, #tpu.memory_space<vmem>>, vector<16xf32>,
      %swap3A_1157 = vector.shape_cast %swap3A_1156 : vector<16xf32> to vector<16xf32>
      %swap3A_1158 = vector.shape_cast %mul3A_1152 : vector<16xf32> to vector<16xf32>
      tpu.vector_store %arg11[%swap3A_1155], %swap3A_1158 {strides = array<i32>} : memref<8192xf32, #tpu.memory_space<vmem>>, vector<16xf32>,
      %slice3A_1159 = vector.extract_strided_slice %div3A_1148 {offsets = [1], sizes = [1], strides = [1]} : vector<16xf32> to vector<1xf32>
      %squeeze3A_1160 = vector.extract %slice3A_1159[0] : f32 from vector<1xf32>
      %mul3A_1161 = vector.broadcast %squeeze3A_1160 : f32 to vector<16xf32>
      %mul3A_1162 = arith.mulf %broadcast_in_dim3A_1017, %mul3A_1161 : vector<16xf32>
      %add3A_1163 = arith.constant 16 : i32
      %add3A_1164 = arith.addi %mul3A_1150, %add3A_1163 : i32
      %swap3A_1165 = arith.index_cast %add3A_1164 : i32 to index
      %swap3A_1166 = tpu.vector_load %arg11[%swap3A_1165] {strides = array<i32>} : memref<8192xf32, #tpu.memory_space<vmem>>, vector<16xf32>,
      %swap3A_1167 = vector.shape_cast %swap3A_1166 : vector<16xf32> to vector<16xf32>
      %swap3A_1168 = vector.shape_cast %mul3A_1162 : vector<16xf32> to vector<16xf32>
      tpu.vector_store %arg11[%swap3A_1165], %swap3A_1168 {strides = array<i32>} : memref<8192xf32, #tpu.memory_space<vmem>>, vector<16xf32>,
      %slice3A_1169 = vector.extract_strided_slice %div3A_1148 {offsets = [2], sizes = [1], strides = [1]} : vector<16xf32> to vector<1xf32>
      %squeeze3A_1170 = vector.extract %slice3A_1169[0] : f32 from vector<1xf32>
      %mul3A_1171 = vector.broadcast %squeeze3A_1170 : f32 to vector<16xf32>
      %mul3A_1172 = arith.mulf %broadcast_in_dim3A_1017, %mul3A_1171 : vector<16xf32>
      %add3A_1173 = arith.constant 32 : i32
      %add3A_1174 = arith.addi %mul3A_1150, %add3A_1173 : i32
      %swap3A_1175 = arith.index_cast %add3A_1174 : i32 to index
      %swap3A_1176 = tpu.vector_load %arg11[%swap3A_1175] {strides = array<i32>} : memref<8192xf32, #tpu.memory_space<vmem>>, vector<16xf32>,
      %swap3A_1177 = vector.shape_cast %swap3A_1176 : vector<16xf32> to vector<16xf32>
      %swap3A_1178 = vector.shape_cast %mul3A_1172 : vector<16xf32> to vector<16xf32>
      tpu.vector_store %arg11[%swap3A_1175], %swap3A_1178 {strides = array<i32>} : memref<8192xf32, #tpu.memory_space<vmem>>, vector<16xf32>,
      %slice3A_1179 = vector.extract_strided_slice %div3A_1148 {offsets = [3], sizes = [1], strides = [1]} : vector<16xf32> to vector<1xf32>
      %squeeze3A_1180 = vector.extract %slice3A_1179[0] : f32 from vector<1xf32>
      %mul3A_1181 = vector.broadcast %squeeze3A_1180 : f32 to vector<16xf32>
      %mul3A_1182 = arith.mulf %broadcast_in_dim3A_1017, %mul3A_1181 : vector<16xf32>
      %add3A_1183 = arith.constant 48 : i32
      %add3A_1184 = arith.addi %mul3A_1150, %add3A_1183 : i32
      %swap3A_1185 = arith.index_cast %add3A_1184 : i32 to index
      %swap3A_1186 = tpu.vector_load %arg11[%swap3A_1185] {strides = array<i32>} : memref<8192xf32, #tpu.memory_space<vmem>>, vector<16xf32>,
      %swap3A_1187 = vector.shape_cast %swap3A_1186 : vector<16xf32> to vector<16xf32>
      %swap3A_1188 = vector.shape_cast %mul3A_1182 : vector<16xf32> to vector<16xf32>
      tpu.vector_store %arg11[%swap3A_1185], %swap3A_1188 {strides = array<i32>} : memref<8192xf32, #tpu.memory_space<vmem>>, vector<16xf32>,
      %slice3A_1189 = vector.extract_strided_slice %div3A_1148 {offsets = [4], sizes = [1], strides = [1]} : vector<16xf32> to vector<1xf32>
      %squeeze3A_1190 = vector.extract %slice3A_1189[0] : f32 from vector<1xf32>
      %mul3A_1191 = vector.broadcast %squeeze3A_1190 : f32 to vector<16xf32>
      %mul3A_1192 = arith.mulf %broadcast_in_dim3A_1017, %mul3A_1191 : vector<16xf32>
      %add3A_1193 = arith.constant 64 : i32
      %add3A_1194 = arith.addi %mul3A_1150, %add3A_1193 : i32
      %swap3A_1195 = arith.index_cast %add3A_1194 : i32 to index
      %swap3A_1196 = tpu.vector_load %arg11[%swap3A_1195] {strides = array<i32>} : memref<8192xf32, #tpu.memory_space<vmem>>, vector<16xf32>,
      %swap3A_1197 = vector.shape_cast %swap3A_1196 : vector<16xf32> to vector<16xf32>
      %swap3A_1198 = vector.shape_cast %mul3A_1192 : vector<16xf32> to vector<16xf32>
      tpu.vector_store %arg11[%swap3A_1195], %swap3A_1198 {strides = array<i32>} : memref<8192xf32, #tpu.memory_space<vmem>>, vector<16xf32>,
      %slice3A_1199 = vector.extract_strided_slice %div3A_1148 {offsets = [5], sizes = [1], strides = [1]} : vector<16xf32> to vector<1xf32>
      %squeeze3A_1200 = vector.extract %slice3A_1199[0] : f32 from vector<1xf32>
      %mul3A_1201 = vector.broadcast %squeeze3A_1200 : f32 to vector<16xf32>
      %mul3A_1202 = arith.mulf %broadcast_in_dim3A_1017, %mul3A_1201 : vector<16xf32>
      %add3A_1203 = arith.constant 80 : i32
      %add3A_1204 = arith.addi %mul3A_1150, %add3A_1203 : i32
      %swap3A_1205 = arith.index_cast %add3A_1204 : i32 to index
      %swap3A_1206 = tpu.vector_load %arg11[%swap3A_1205] {strides = array<i32>} : memref<8192xf32, #tpu.memory_space<vmem>>, vector<16xf32>,
      %swap3A_1207 = vector.shape_cast %swap3A_1206 : vector<16xf32> to vector<16xf32>
      %swap3A_1208 = vector.shape_cast %mul3A_1202 : vector<16xf32> to vector<16xf32>
      tpu.vector_store %arg11[%swap3A_1205], %swap3A_1208 {strides = array<i32>} : memref<8192xf32, #tpu.memory_space<vmem>>, vector<16xf32>,
      %slice3A_1209 = vector.extract_strided_slice %div3A_1148 {offsets = [6], sizes = [1], strides = [1]} : vector<16xf32> to vector<1xf32>
      %squeeze3A_1210 = vector.extract %slice3A_1209[0] : f32 from vector<1xf32>
      %mul3A_1211 = vector.broadcast %squeeze3A_1210 : f32 to vector<16xf32>
      %mul3A_1212 = arith.mulf %broadcast_in_dim3A_1017, %mul3A_1211 : vector<16xf32>
      %add3A_1213 = arith.constant 96 : i32
      %add3A_1214 = arith.addi %mul3A_1150, %add3A_1213 : i32
      %swap3A_1215 = arith.index_cast %add3A_1214 : i32 to index
      %swap3A_1216 = tpu.vector_load %arg11[%swap3A_1215] {strides = array<i32>} : memref<8192xf32, #tpu.memory_space<vmem>>, vector<16xf32>,
      %swap3A_1217 = vector.shape_cast %swap3A_1216 : vector<16xf32> to vector<16xf32>
      %swap3A_1218 = vector.shape_cast %mul3A_1212 : vector<16xf32> to vector<16xf32>
      tpu.vector_store %arg11[%swap3A_1215], %swap3A_1218 {strides = array<i32>} : memref<8192xf32, #tpu.memory_space<vmem>>, vector<16xf32>,
      %slice3A_1219 = vector.extract_strided_slice %div3A_1148 {offsets = [7], sizes = [1], strides = [1]} : vector<16xf32> to vector<1xf32>
      %squeeze3A_1220 = vector.extract %slice3A_1219[0] : f32 from vector<1xf32>
      %mul3A_1221 = vector.broadcast %squeeze3A_1220 : f32 to vector<16xf32>
      %mul3A_1222 = arith.mulf %broadcast_in_dim3A_1017, %mul3A_1221 : vector<16xf32>
      %add3A_1223 = arith.constant 112 : i32
      %add3A_1224 = arith.addi %mul3A_1150, %add3A_1223 : i32
      %swap3A_1225 = arith.index_cast %add3A_1224 : i32 to index
      %swap3A_1226 = tpu.vector_load %arg11[%swap3A_1225] {strides = array<i32>} : memref<8192xf32, #tpu.memory_space<vmem>>, vector<16xf32>,
      %swap3A_1227 = vector.shape_cast %swap3A_1226 : vector<16xf32> to vector<16xf32>
      %swap3A_1228 = vector.shape_cast %mul3A_1222 : vector<16xf32> to vector<16xf32>
      tpu.vector_store %arg11[%swap3A_1225], %swap3A_1228 {strides = array<i32>} : memref<8192xf32, #tpu.memory_space<vmem>>, vector<16xf32>,
      %slice3A_1229 = vector.extract_strided_slice %div3A_1148 {offsets = [8], sizes = [1], strides = [1]} : vector<16xf32> to vector<1xf32>
      %squeeze3A_1230 = vector.extract %slice3A_1229[0] : f32 from vector<1xf32>
      %mul3A_1231 = vector.broadcast %squeeze3A_1230 : f32 to vector<16xf32>
      %mul3A_1232 = arith.mulf %broadcast_in_dim3A_1017, %mul3A_1231 : vector<16xf32>
      %add3A_1233 = arith.constant 128 : i32
      %add3A_1234 = arith.addi %mul3A_1150, %add3A_1233 : i32
      %swap3A_1235 = arith.index_cast %add3A_1234 : i32 to index
      %swap3A_1236 = tpu.vector_load %arg11[%swap3A_1235] {strides = array<i32>} : memref<8192xf32, #tpu.memory_space<vmem>>, vector<16xf32>,
      %swap3A_1237 = vector.shape_cast %swap3A_1236 : vector<16xf32> to vector<16xf32>
      %swap3A_1238 = vector.shape_cast %mul3A_1232 : vector<16xf32> to vector<16xf32>
      tpu.vector_store %arg11[%swap3A_1235], %swap3A_1238 {strides = array<i32>} : memref<8192xf32, #tpu.memory_space<vmem>>, vector<16xf32>,
      %slice3A_1239 = vector.extract_strided_slice %div3A_1148 {offsets = [9], sizes = [1], strides = [1]} : vector<16xf32> to vector<1xf32>
      %squeeze3A_1240 = vector.extract %slice3A_1239[0] : f32 from vector<1xf32>
      %mul3A_1241 = vector.broadcast %squeeze3A_1240 : f32 to vector<16xf32>
      %mul3A_1242 = arith.mulf %broadcast_in_dim3A_1017, %mul3A_1241 : vector<16xf32>
      %add3A_1243 = arith.constant 144 : i32
      %add3A_1244 = arith.addi %mul3A_1150, %add3A_1243 : i32
      %swap3A_1245 = arith.index_cast %add3A_1244 : i32 to index
      %swap3A_1246 = tpu.vector_load %arg11[%swap3A_1245] {strides = array<i32>} : memref<8192xf32, #tpu.memory_space<vmem>>, vector<16xf32>,
      %swap3A_1247 = vector.shape_cast %swap3A_1246 : vector<16xf32> to vector<16xf32>
      %swap3A_1248 = vector.shape_cast %mul3A_1242 : vector<16xf32> to vector<16xf32>
      tpu.vector_store %arg11[%swap3A_1245], %swap3A_1248 {strides = array<i32>} : memref<8192xf32, #tpu.memory_space<vmem>>, vector<16xf32>,
      %slice3A_1249 = vector.extract_strided_slice %div3A_1148 {offsets = [10], sizes = [1], strides = [1]} : vector<16xf32> to vector<1xf32>
      %squeeze3A_1250 = vector.extract %slice3A_1249[0] : f32 from vector<1xf32>
      %mul3A_1251 = vector.broadcast %squeeze3A_1250 : f32 to vector<16xf32>
      %mul3A_1252 = arith.mulf %broadcast_in_dim3A_1017, %mul3A_1251 : vector<16xf32>
      %add3A_1253 = arith.constant 160 : i32
      %add3A_1254 = arith.addi %mul3A_1150, %add3A_1253 : i32
      %swap3A_1255 = arith.index_cast %add3A_1254 : i32 to index
      %swap3A_1256 = tpu.vector_load %arg11[%swap3A_1255] {strides = array<i32>} : memref<8192xf32, #tpu.memory_space<vmem>>, vector<16xf32>,
      %swap3A_1257 = vector.shape_cast %swap3A_1256 : vector<16xf32> to vector<16xf32>
      %swap3A_1258 = vector.shape_cast %mul3A_1252 : vector<16xf32> to vector<16xf32>
      tpu.vector_store %arg11[%swap3A_1255], %swap3A_1258 {strides = array<i32>} : memref<8192xf32, #tpu.memory_space<vmem>>, vector<16xf32>,
      %slice3A_1259 = vector.extract_strided_slice %div3A_1148 {offsets = [11], sizes = [1], strides = [1]} : vector<16xf32> to vector<1xf32>
      %squeeze3A_1260 = vector.extract %slice3A_1259[0] : f32 from vector<1xf32>
      %mul3A_1261 = vector.broadcast %squeeze3A_1260 : f32 to vector<16xf32>
      %mul3A_1262 = arith.mulf %broadcast_in_dim3A_1017, %mul3A_1261 : vector<16xf32>
      %add3A_1263 = arith.constant 176 : i32
      %add3A_1264 = arith.addi %mul3A_1150, %add3A_1263 : i32
      %swap3A_1265 = arith.index_cast %add3A_1264 : i32 to index
      %swap3A_1266 = tpu.vector_load %arg11[%swap3A_1265] {strides = array<i32>} : memref<8192xf32, #tpu.memory_space<vmem>>, vector<16xf32>,
      %swap3A_1267 = vector.shape_cast %swap3A_1266 : vector<16xf32> to vector<16xf32>
      %swap3A_1268 = vector.shape_cast %mul3A_1262 : vector<16xf32> to vector<16xf32>
      tpu.vector_store %arg11[%swap3A_1265], %swap3A_1268 {strides = array<i32>} : memref<8192xf32, #tpu.memory_space<vmem>>, vector<16xf32>,
      %slice3A_1269 = vector.extract_strided_slice %div3A_1148 {offsets = [12], sizes = [1], strides = [1]} : vector<16xf32> to vector<1xf32>
      %squeeze3A_1270 = vector.extract %slice3A_1269[0] : f32 from vector<1xf32>
      %mul3A_1271 = vector.broadcast %squeeze3A_1270 : f32 to vector<16xf32>
      %mul3A_1272 = arith.mulf %broadcast_in_dim3A_1017, %mul3A_1271 : vector<16xf32>
      %add3A_1273 = arith.constant 192 : i32
      %add3A_1274 = arith.addi %mul3A_1150, %add3A_1273 : i32
      %swap3A_1275 = arith.index_cast %add3A_1274 : i32 to index
      %swap3A_1276 = tpu.vector_load %arg11[%swap3A_1275] {strides = array<i32>} : memref<8192xf32, #tpu.memory_space<vmem>>, vector<16xf32>,
      %swap3A_1277 = vector.shape_cast %swap3A_1276 : vector<16xf32> to vector<16xf32>
      %swap3A_1278 = vector.shape_cast %mul3A_1272 : vector<16xf32> to vector<16xf32>
      tpu.vector_store %arg11[%swap3A_1275], %swap3A_1278 {strides = array<i32>} : memref<8192xf32, #tpu.memory_space<vmem>>, vector<16xf32>,
      %slice3A_1279 = vector.extract_strided_slice %div3A_1148 {offsets = [13], sizes = [1], strides = [1]} : vector<16xf32> to vector<1xf32>
      %squeeze3A_1280 = vector.extract %slice3A_1279[0] : f32 from vector<1xf32>
      %mul3A_1281 = vector.broadcast %squeeze3A_1280 : f32 to vector<16xf32>
      %mul3A_1282 = arith.mulf %broadcast_in_dim3A_1017, %mul3A_1281 : vector<16xf32>
      %add3A_1283 = arith.constant 208 : i32
      %add3A_1284 = arith.addi %mul3A_1150, %add3A_1283 : i32
      %swap3A_1285 = arith.index_cast %add3A_1284 : i32 to index
      %swap3A_1286 = tpu.vector_load %arg11[%swap3A_1285] {strides = array<i32>} : memref<8192xf32, #tpu.memory_space<vmem>>, vector<16xf32>,
      %swap3A_1287 = vector.shape_cast %swap3A_1286 : vector<16xf32> to vector<16xf32>
      %swap3A_1288 = vector.shape_cast %mul3A_1282 : vector<16xf32> to vector<16xf32>
      tpu.vector_store %arg11[%swap3A_1285], %swap3A_1288 {strides = array<i32>} : memref<8192xf32, #tpu.memory_space<vmem>>, vector<16xf32>,
      %slice3A_1289 = vector.extract_strided_slice %div3A_1148 {offsets = [14], sizes = [1], strides = [1]} : vector<16xf32> to vector<1xf32>
      %squeeze3A_1290 = vector.extract %slice3A_1289[0] : f32 from vector<1xf32>
      %mul3A_1291 = vector.broadcast %squeeze3A_1290 : f32 to vector<16xf32>
      %mul3A_1292 = arith.mulf %broadcast_in_dim3A_1017, %mul3A_1291 : vector<16xf32>
      %add3A_1293 = arith.constant 224 : i32
      %add3A_1294 = arith.addi %mul3A_1150, %add3A_1293 : i32
      %swap3A_1295 = arith.index_cast %add3A_1294 : i32 to index
      %swap3A_1296 = tpu.vector_load %arg11[%swap3A_1295] {strides = array<i32>} : memref<8192xf32, #tpu.memory_space<vmem>>, vector<16xf32>,
      %swap3A_1297 = vector.shape_cast %swap3A_1296 : vector<16xf32> to vector<16xf32>
      %swap3A_1298 = vector.shape_cast %mul3A_1292 : vector<16xf32> to vector<16xf32>
      tpu.vector_store %arg11[%swap3A_1295], %swap3A_1298 {strides = array<i32>} : memref<8192xf32, #tpu.memory_space<vmem>>, vector<16xf32>,
      %slice3A_1299 = vector.extract_strided_slice %div3A_1148 {offsets = [15], sizes = [1], strides = [1]} : vector<16xf32> to vector<1xf32>
      %squeeze3A_1300 = vector.extract %slice3A_1299[0] : f32 from vector<1xf32>
      %mul3A_1301 = vector.broadcast %squeeze3A_1300 : f32 to vector<16xf32>
      %mul3A_1302 = arith.mulf %broadcast_in_dim3A_1017, %mul3A_1301 : vector<16xf32>
      %add3A_1303 = arith.constant 240 : i32
      %add3A_1304 = arith.addi %mul3A_1150, %add3A_1303 : i32
      %swap3A_1305 = arith.index_cast %add3A_1304 : i32 to index
      %swap3A_1306 = tpu.vector_load %arg11[%swap3A_1305] {strides = array<i32>} : memref<8192xf32, #tpu.memory_space<vmem>>, vector<16xf32>,
      %swap3A_1307 = vector.shape_cast %swap3A_1306 : vector<16xf32> to vector<16xf32>
      %swap3A_1308 = vector.shape_cast %mul3A_1302 : vector<16xf32> to vector<16xf32>
      tpu.vector_store %arg11[%swap3A_1305], %swap3A_1308 {strides = array<i32>} : memref<8192xf32, #tpu.memory_space<vmem>>, vector<16xf32>,
      %scan3A_1309 = arith.constant 1 : i32
      %scan3A_1310 = arith.addi %scan3A_1139, %scan3A_1309 : i32
      %mul3A_1311 = arith.constant 16 : i32
      %mul3A_1312 = arith.muli %scan3A_1310, %mul3A_1311 : i32
      %get3A_1313 = arith.index_cast %mul3A_1312 : i32 to index
      %get3A_1314 = tpu.vector_load %arg10[%get3A_1313] {strides = array<i32>} : memref<512xf32, #tpu.memory_space<vmem>>, vector<16xf32>,
      %get3A_1315 = vector.shape_cast %get3A_1314 : vector<16xf32> to vector<16xf32>
      %add3A_1316 = arith.constant 1.000000e+00 : f32
      %add3A_1317 = vector.broadcast %add3A_1316 : f32 to vector<16xf32>
      %add3A_1318 = arith.addf %get3A_1315, %add3A_1317 : vector<16xf32>
      %div3A_1319 = arith.constant 1.000000e+00 : f32
      %div3A_1320 = vector.broadcast %div3A_1319 : f32 to vector<16xf32>
      %div3A_1321 = arith.divf %div3A_1320, %add3A_1318 : vector<16xf32>
      %mul3A_1322 = arith.constant 256 : i32
      %mul3A_1323 = arith.muli %scan3A_1310, %mul3A_1322 : i32
      %slice3A_1324 = vector.extract_strided_slice %div3A_1321 {offsets = [0], sizes = [1], strides = [1]} : vector<16xf32> to vector<1xf32>
      %squeeze3A_1325 = vector.extract %slice3A_1324[0] : f32 from vector<1xf32>
      %mul3A_1326 = vector.broadcast %squeeze3A_1325 : f32 to vector<16xf32>
      %mul3A_1327 = arith.mulf %broadcast_in_dim3A_1017, %mul3A_1326 : vector<16xf32>
      %add3A_1328 = arith.constant 0 : i32
      %add3A_1329 = arith.addi %mul3A_1323, %add3A_1328 : i32
      %swap3A_1330 = arith.index_cast %add3A_1329 : i32 to index
      %swap3A_1331 = tpu.vector_load %arg11[%swap3A_1330] {strides = array<i32>} : memref<8192xf32, #tpu.memory_space<vmem>>, vector<16xf32>,
      %swap3A_1332 = vector.shape_cast %swap3A_1331 : vector<16xf32> to vector<16xf32>
      %swap3A_1333 = vector.shape_cast %mul3A_1327 : vector<16xf32> to vector<16xf32>
      tpu.vector_store %arg11[%swap3A_1330], %swap3A_1333 {strides = array<i32>} : memref<8192xf32, #tpu.memory_space<vmem>>, vector<16xf32>,
      %slice3A_1334 = vector.extract_strided_slice %div3A_1321 {offsets = [1], sizes = [1], strides = [1]} : vector<16xf32> to vector<1xf32>
      %squeeze3A_1335 = vector.extract %slice3A_1334[0] : f32 from vector<1xf32>
      %mul3A_1336 = vector.broadcast %squeeze3A_1335 : f32 to vector<16xf32>
      %mul3A_1337 = arith.mulf %broadcast_in_dim3A_1017, %mul3A_1336 : vector<16xf32>
      %add3A_1338 = arith.constant 16 : i32
      %add3A_1339 = arith.addi %mul3A_1323, %add3A_1338 : i32
      %swap3A_1340 = arith.index_cast %add3A_1339 : i32 to index
      %swap3A_1341 = tpu.vector_load %arg11[%swap3A_1340] {strides = array<i32>} : memref<8192xf32, #tpu.memory_space<vmem>>, vector<16xf32>,
      %swap3A_1342 = vector.shape_cast %swap3A_1341 : vector<16xf32> to vector<16xf32>
      %swap3A_1343 = vector.shape_cast %mul3A_1337 : vector<16xf32> to vector<16xf32>
      tpu.vector_store %arg11[%swap3A_1340], %swap3A_1343 {strides = array<i32>} : memref<8192xf32, #tpu.memory_space<vmem>>, vector<16xf32>,
      %slice3A_1344 = vector.extract_strided_slice %div3A_1321 {offsets = [2], sizes = [1], strides = [1]} : vector<16xf32> to vector<1xf32>
      %squeeze3A_1345 = vector.extract %slice3A_1344[0] : f32 from vector<1xf32>
      %mul3A_1346 = vector.broadcast %squeeze3A_1345 : f32 to vector<16xf32>
      %mul3A_1347 = arith.mulf %broadcast_in_dim3A_1017, %mul3A_1346 : vector<16xf32>
      %add3A_1348 = arith.constant 32 : i32
      %add3A_1349 = arith.addi %mul3A_1323, %add3A_1348 : i32
      %swap3A_1350 = arith.index_cast %add3A_1349 : i32 to index
      %swap3A_1351 = tpu.vector_load %arg11[%swap3A_1350] {strides = array<i32>} : memref<8192xf32, #tpu.memory_space<vmem>>, vector<16xf32>,
      %swap3A_1352 = vector.shape_cast %swap3A_1351 : vector<16xf32> to vector<16xf32>
      %swap3A_1353 = vector.shape_cast %mul3A_1347 : vector<16xf32> to vector<16xf32>
      tpu.vector_store %arg11[%swap3A_1350], %swap3A_1353 {strides = array<i32>} : memref<8192xf32, #tpu.memory_space<vmem>>, vector<16xf32>,
      %slice3A_1354 = vector.extract_strided_slice %div3A_1321 {offsets = [3], sizes = [1], strides = [1]} : vector<16xf32> to vector<1xf32>
      %squeeze3A_1355 = vector.extract %slice3A_1354[0] : f32 from vector<1xf32>
      %mul3A_1356 = vector.broadcast %squeeze3A_1355 : f32 to vector<16xf32>
      %mul3A_1357 = arith.mulf %broadcast_in_dim3A_1017, %mul3A_1356 : vector<16xf32>
      %add3A_1358 = arith.constant 48 : i32
      %add3A_1359 = arith.addi %mul3A_1323, %add3A_1358 : i32
      %swap3A_1360 = arith.index_cast %add3A_1359 : i32 to index
      %swap3A_1361 = tpu.vector_load %arg11[%swap3A_1360] {strides = array<i32>} : memref<8192xf32, #tpu.memory_space<vmem>>, vector<16xf32>,
      %swap3A_1362 = vector.shape_cast %swap3A_1361 : vector<16xf32> to vector<16xf32>
      %swap3A_1363 = vector.shape_cast %mul3A_1357 : vector<16xf32> to vector<16xf32>
      tpu.vector_store %arg11[%swap3A_1360], %swap3A_1363 {strides = array<i32>} : memref<8192xf32, #tpu.memory_space<vmem>>, vector<16xf32>,
      %slice3A_1364 = vector.extract_strided_slice %div3A_1321 {offsets = [4], sizes = [1], strides = [1]} : vector<16xf32> to vector<1xf32>
      %squeeze3A_1365 = vector.extract %slice3A_1364[0] : f32 from vector<1xf32>
      %mul3A_1366 = vector.broadcast %squeeze3A_1365 : f32 to vector<16xf32>
      %mul3A_1367 = arith.mulf %broadcast_in_dim3A_1017, %mul3A_1366 : vector<16xf32>
      %add3A_1368 = arith.constant 64 : i32
      %add3A_1369 = arith.addi %mul3A_1323, %add3A_1368 : i32
      %swap3A_1370 = arith.index_cast %add3A_1369 : i32 to index
      %swap3A_1371 = tpu.vector_load %arg11[%swap3A_1370] {strides = array<i32>} : memref<8192xf32, #tpu.memory_space<vmem>>, vector<16xf32>,
      %swap3A_1372 = vector.shape_cast %swap3A_1371 : vector<16xf32> to vector<16xf32>
      %swap3A_1373 = vector.shape_cast %mul3A_1367 : vector<16xf32> to vector<16xf32>
      tpu.vector_store %arg11[%swap3A_1370], %swap3A_1373 {strides = array<i32>} : memref<8192xf32, #tpu.memory_space<vmem>>, vector<16xf32>,
      %slice3A_1374 = vector.extract_strided_slice %div3A_1321 {offsets = [5], sizes = [1], strides = [1]} : vector<16xf32> to vector<1xf32>
      %squeeze3A_1375 = vector.extract %slice3A_1374[0] : f32 from vector<1xf32>
      %mul3A_1376 = vector.broadcast %squeeze3A_1375 : f32 to vector<16xf32>
      %mul3A_1377 = arith.mulf %broadcast_in_dim3A_1017, %mul3A_1376 : vector<16xf32>
      %add3A_1378 = arith.constant 80 : i32
      %add3A_1379 = arith.addi %mul3A_1323, %add3A_1378 : i32
      %swap3A_1380 = arith.index_cast %add3A_1379 : i32 to index
      %swap3A_1381 = tpu.vector_load %arg11[%swap3A_1380] {strides = array<i32>} : memref<8192xf32, #tpu.memory_space<vmem>>, vector<16xf32>,
      %swap3A_1382 = vector.shape_cast %swap3A_1381 : vector<16xf32> to vector<16xf32>
      %swap3A_1383 = vector.shape_cast %mul3A_1377 : vector<16xf32> to vector<16xf32>
      tpu.vector_store %arg11[%swap3A_1380], %swap3A_1383 {strides = array<i32>} : memref<8192xf32, #tpu.memory_space<vmem>>, vector<16xf32>,
      %slice3A_1384 = vector.extract_strided_slice %div3A_1321 {offsets = [6], sizes = [1], strides = [1]} : vector<16xf32> to vector<1xf32>
      %squeeze3A_1385 = vector.extract %slice3A_1384[0] : f32 from vector<1xf32>
      %mul3A_1386 = vector.broadcast %squeeze3A_1385 : f32 to vector<16xf32>
      %mul3A_1387 = arith.mulf %broadcast_in_dim3A_1017, %mul3A_1386 : vector<16xf32>
      %add3A_1388 = arith.constant 96 : i32
      %add3A_1389 = arith.addi %mul3A_1323, %add3A_1388 : i32
      %swap3A_1390 = arith.index_cast %add3A_1389 : i32 to index
      %swap3A_1391 = tpu.vector_load %arg11[%swap3A_1390] {strides = array<i32>} : memref<8192xf32, #tpu.memory_space<vmem>>, vector<16xf32>,
      %swap3A_1392 = vector.shape_cast %swap3A_1391 : vector<16xf32> to vector<16xf32>
      %swap3A_1393 = vector.shape_cast %mul3A_1387 : vector<16xf32> to vector<16xf32>
      tpu.vector_store %arg11[%swap3A_1390], %swap3A_1393 {strides = array<i32>} : memref<8192xf32, #tpu.memory_space<vmem>>, vector<16xf32>,
      %slice3A_1394 = vector.extract_strided_slice %div3A_1321 {offsets = [7], sizes = [1], strides = [1]} : vector<16xf32> to vector<1xf32>
      %squeeze3A_1395 = vector.extract %slice3A_1394[0] : f32 from vector<1xf32>
      %mul3A_1396 = vector.broadcast %squeeze3A_1395 : f32 to vector<16xf32>
      %mul3A_1397 = arith.mulf %broadcast_in_dim3A_1017, %mul3A_1396 : vector<16xf32>
      %add3A_1398 = arith.constant 112 : i32
      %add3A_1399 = arith.addi %mul3A_1323, %add3A_1398 : i32
      %swap3A_1400 = arith.index_cast %add3A_1399 : i32 to index
      %swap3A_1401 = tpu.vector_load %arg11[%swap3A_1400] {strides = array<i32>} : memref<8192xf32, #tpu.memory_space<vmem>>, vector<16xf32>,
      %swap3A_1402 = vector.shape_cast %swap3A_1401 : vector<16xf32> to vector<16xf32>
      %swap3A_1403 = vector.shape_cast %mul3A_1397 : vector<16xf32> to vector<16xf32>
      tpu.vector_store %arg11[%swap3A_1400], %swap3A_1403 {strides = array<i32>} : memref<8192xf32, #tpu.memory_space<vmem>>, vector<16xf32>,
      %slice3A_1404 = vector.extract_strided_slice %div3A_1321 {offsets = [8], sizes = [1], strides = [1]} : vector<16xf32> to vector<1xf32>
      %squeeze3A_1405 = vector.extract %slice3A_1404[0] : f32 from vector<1xf32>
      %mul3A_1406 = vector.broadcast %squeeze3A_1405 : f32 to vector<16xf32>
      %mul3A_1407 = arith.mulf %broadcast_in_dim3A_1017, %mul3A_1406 : vector<16xf32>
      %add3A_1408 = arith.constant 128 : i32
      %add3A_1409 = arith.addi %mul3A_1323, %add3A_1408 : i32
      %swap3A_1410 = arith.index_cast %add3A_1409 : i32 to index
      %swap3A_1411 = tpu.vector_load %arg11[%swap3A_1410] {strides = array<i32>} : memref<8192xf32, #tpu.memory_space<vmem>>, vector<16xf32>,
      %swap3A_1412 = vector.shape_cast %swap3A_1411 : vector<16xf32> to vector<16xf32>
      %swap3A_1413 = vector.shape_cast %mul3A_1407 : vector<16xf32> to vector<16xf32>
      tpu.vector_store %arg11[%swap3A_1410], %swap3A_1413 {strides = array<i32>} : memref<8192xf32, #tpu.memory_space<vmem>>, vector<16xf32>,
      %slice3A_1414 = vector.extract_strided_slice %div3A_1321 {offsets = [9], sizes = [1], strides = [1]} : vector<16xf32> to vector<1xf32>
      %squeeze3A_1415 = vector.extract %slice3A_1414[0] : f32 from vector<1xf32>
      %mul3A_1416 = vector.broadcast %squeeze3A_1415 : f32 to vector<16xf32>
      %mul3A_1417 = arith.mulf %broadcast_in_dim3A_1017, %mul3A_1416 : vector<16xf32>
      %add3A_1418 = arith.constant 144 : i32
      %add3A_1419 = arith.addi %mul3A_1323, %add3A_1418 : i32
      %swap3A_1420 = arith.index_cast %add3A_1419 : i32 to index
      %swap3A_1421 = tpu.vector_load %arg11[%swap3A_1420] {strides = array<i32>} : memref<8192xf32, #tpu.memory_space<vmem>>, vector<16xf32>,
      %swap3A_1422 = vector.shape_cast %swap3A_1421 : vector<16xf32> to vector<16xf32>
      %swap3A_1423 = vector.shape_cast %mul3A_1417 : vector<16xf32> to vector<16xf32>
      tpu.vector_store %arg11[%swap3A_1420], %swap3A_1423 {strides = array<i32>} : memref<8192xf32, #tpu.memory_space<vmem>>, vector<16xf32>,
      %slice3A_1424 = vector.extract_strided_slice %div3A_1321 {offsets = [10], sizes = [1], strides = [1]} : vector<16xf32> to vector<1xf32>
      %squeeze3A_1425 = vector.extract %slice3A_1424[0] : f32 from vector<1xf32>
      %mul3A_1426 = vector.broadcast %squeeze3A_1425 : f32 to vector<16xf32>
      %mul3A_1427 = arith.mulf %broadcast_in_dim3A_1017, %mul3A_1426 : vector<16xf32>
      %add3A_1428 = arith.constant 160 : i32
      %add3A_1429 = arith.addi %mul3A_1323, %add3A_1428 : i32
      %swap3A_1430 = arith.index_cast %add3A_1429 : i32 to index
      %swap3A_1431 = tpu.vector_load %arg11[%swap3A_1430] {strides = array<i32>} : memref<8192xf32, #tpu.memory_space<vmem>>, vector<16xf32>,
      %swap3A_1432 = vector.shape_cast %swap3A_1431 : vector<16xf32> to vector<16xf32>
      %swap3A_1433 = vector.shape_cast %mul3A_1427 : vector<16xf32> to vector<16xf32>
      tpu.vector_store %arg11[%swap3A_1430], %swap3A_1433 {strides = array<i32>} : memref<8192xf32, #tpu.memory_space<vmem>>, vector<16xf32>,
      %slice3A_1434 = vector.extract_strided_slice %div3A_1321 {offsets = [11], sizes = [1], strides = [1]} : vector<16xf32> to vector<1xf32>
      %squeeze3A_1435 = vector.extract %slice3A_1434[0] : f32 from vector<1xf32>
      %mul3A_1436 = vector.broadcast %squeeze3A_1435 : f32 to vector<16xf32>
      %mul3A_1437 = arith.mulf %broadcast_in_dim3A_1017, %mul3A_1436 : vector<16xf32>
      %add3A_1438 = arith.constant 176 : i32
      %add3A_1439 = arith.addi %mul3A_1323, %add3A_1438 : i32
      %swap3A_1440 = arith.index_cast %add3A_1439 : i32 to index
      %swap3A_1441 = tpu.vector_load %arg11[%swap3A_1440] {strides = array<i32>} : memref<8192xf32, #tpu.memory_space<vmem>>, vector<16xf32>,
      %swap3A_1442 = vector.shape_cast %swap3A_1441 : vector<16xf32> to vector<16xf32>
      %swap3A_1443 = vector.shape_cast %mul3A_1437 : vector<16xf32> to vector<16xf32>
      tpu.vector_store %arg11[%swap3A_1440], %swap3A_1443 {strides = array<i32>} : memref<8192xf32, #tpu.memory_space<vmem>>, vector<16xf32>,
      %slice3A_1444 = vector.extract_strided_slice %div3A_1321 {offsets = [12], sizes = [1], strides = [1]} : vector<16xf32> to vector<1xf32>
      %squeeze3A_1445 = vector.extract %slice3A_1444[0] : f32 from vector<1xf32>
      %mul3A_1446 = vector.broadcast %squeeze3A_1445 : f32 to vector<16xf32>
      %mul3A_1447 = arith.mulf %broadcast_in_dim3A_1017, %mul3A_1446 : vector<16xf32>
      %add3A_1448 = arith.constant 192 : i32
      %add3A_1449 = arith.addi %mul3A_1323, %add3A_1448 : i32
      %swap3A_1450 = arith.index_cast %add3A_1449 : i32 to index
      %swap3A_1451 = tpu.vector_load %arg11[%swap3A_1450] {strides = array<i32>} : memref<8192xf32, #tpu.memory_space<vmem>>, vector<16xf32>,
      %swap3A_1452 = vector.shape_cast %swap3A_1451 : vector<16xf32> to vector<16xf32>
      %swap3A_1453 = vector.shape_cast %mul3A_1447 : vector<16xf32> to vector<16xf32>
      tpu.vector_store %arg11[%swap3A_1450], %swap3A_1453 {strides = array<i32>} : memref<8192xf32, #tpu.memory_space<vmem>>, vector<16xf32>,
      %slice3A_1454 = vector.extract_strided_slice %div3A_1321 {offsets = [13], sizes = [1], strides = [1]} : vector<16xf32> to vector<1xf32>
      %squeeze3A_1455 = vector.extract %slice3A_1454[0] : f32 from vector<1xf32>
      %mul3A_1456 = vector.broadcast %squeeze3A_1455 : f32 to vector<16xf32>
      %mul3A_1457 = arith.mulf %broadcast_in_dim3A_1017, %mul3A_1456 : vector<16xf32>
      %add3A_1458 = arith.constant 208 : i32
      %add3A_1459 = arith.addi %mul3A_1323, %add3A_1458 : i32
      %swap3A_1460 = arith.index_cast %add3A_1459 : i32 to index
      %swap3A_1461 = tpu.vector_load %arg11[%swap3A_1460] {strides = array<i32>} : memref<8192xf32, #tpu.memory_space<vmem>>, vector<16xf32>,
      %swap3A_1462 = vector.shape_cast %swap3A_1461 : vector<16xf32> to vector<16xf32>
      %swap3A_1463 = vector.shape_cast %mul3A_1457 : vector<16xf32> to vector<16xf32>
      tpu.vector_store %arg11[%swap3A_1460], %swap3A_1463 {strides = array<i32>} : memref<8192xf32, #tpu.memory_space<vmem>>, vector<16xf32>,
      %slice3A_1464 = vector.extract_strided_slice %div3A_1321 {offsets = [14], sizes = [1], strides = [1]} : vector<16xf32> to vector<1xf32>
      %squeeze3A_1465 = vector.extract %slice3A_1464[0] : f32 from vector<1xf32>
      %mul3A_1466 = vector.broadcast %squeeze3A_1465 : f32 to vector<16xf32>
      %mul3A_1467 = arith.mulf %broadcast_in_dim3A_1017, %mul3A_1466 : vector<16xf32>
      %add3A_1468 = arith.constant 224 : i32
      %add3A_1469 = arith.addi %mul3A_1323, %add3A_1468 : i32
      %swap3A_1470 = arith.index_cast %add3A_1469 : i32 to index
      %swap3A_1471 = tpu.vector_load %arg11[%swap3A_1470] {strides = array<i32>} : memref<8192xf32, #tpu.memory_space<vmem>>, vector<16xf32>,
      %swap3A_1472 = vector.shape_cast %swap3A_1471 : vector<16xf32> to vector<16xf32>
      %swap3A_1473 = vector.shape_cast %mul3A_1467 : vector<16xf32> to vector<16xf32>
      tpu.vector_store %arg11[%swap3A_1470], %swap3A_1473 {strides = array<i32>} : memref<8192xf32, #tpu.memory_space<vmem>>, vector<16xf32>,
      %slice3A_1474 = vector.extract_strided_slice %div3A_1321 {offsets = [15], sizes = [1], strides = [1]} : vector<16xf32> to vector<1xf32>
      %squeeze3A_1475 = vector.extract %slice3A_1474[0] : f32 from vector<1xf32>
      %mul3A_1476 = vector.broadcast %squeeze3A_1475 : f32 to vector<16xf32>
      %mul3A_1477 = arith.mulf %broadcast_in_dim3A_1017, %mul3A_1476 : vector<16xf32>
      %add3A_1478 = arith.constant 240 : i32
      %add3A_1479 = arith.addi %mul3A_1323, %add3A_1478 : i32
      %swap3A_1480 = arith.index_cast %add3A_1479 : i32 to index
      %swap3A_1481 = tpu.vector_load %arg11[%swap3A_1480] {strides = array<i32>} : memref<8192xf32, #tpu.memory_space<vmem>>, vector<16xf32>,
      %swap3A_1482 = vector.shape_cast %swap3A_1481 : vector<16xf32> to vector<16xf32>
      %swap3A_1483 = vector.shape_cast %mul3A_1477 : vector<16xf32> to vector<16xf32>
      tpu.vector_store %arg11[%swap3A_1480], %swap3A_1483 {strides = array<i32>} : memref<8192xf32, #tpu.memory_space<vmem>>, vector<16xf32>,
    }
    %scan3A_1023 = arith.constant 32 : i32
    %broadcast_in_dim3A_1024 = arith.constant 0.000000e+00 : f32
    "tpu.trace_stop"() : () -> ()
    "tpu.trace_start"() <{level = 10 : i32, message = "compute_phase"}> : () -> ()
    %broadcast_in_dim3A_1025 = vector.broadcast %broadcast_in_dim3A_1024 : f32 to vector<16xf32>
    %dma_start3A_1026 = arith.constant 1 : i32
    %dma_start3A_1027 = arith.constant 0 : i32
    %dma_start3A_1028 = tpu.memref_slice %arg9[%dma_start3A_1026, %dma_start3A_1027] : memref<4x128xi32, #tpu.memory_space<vmem>> -> memref<1x128xi32, #tpu.memory_space<vmem>>
    %dma_start3A_1029 = tpu.memref_squeeze %dma_start3A_1028 : memref<1x128xi32, #tpu.memory_space<vmem>> -> memref<128xi32, #tpu.memory_space<vmem>>
    %dma_start3A_1030 = arith.constant 0 : i32
    %dma_start3A_1031 = arith.constant 0 : i32
    %dma_start3A_1032 = tpu.memref_slice %arg4[%dma_start3A_1030, %dma_start3A_1031] : memref<100000x128xf32, #tpu.memory_space<hbm>> -> memref<100000x128xf32, #tpu.memory_space<hbm>>
    tpu.enqueue_indirect_dma source(%dma_start3A_1032 : memref<100000x128xf32, #tpu.memory_space<hbm>>) target(%arg14 : memref<128x128xf32, #tpu.memory_space<vmem>>) offsets(%dma_start3A_1029 : memref<128xi32, #tpu.memory_space<vmem>>) semaphore(%arg22 : memref<!tpu.dma_semaphore, #tpu.memory_space<semaphore_mem>>)
    %add3A_1033 = arith.constant 128 : i32
    %add3A_1034 = arith.addi %mul3A_2, %add3A_1033 : i32
    %dma_start3A_1035 = arith.constant 0 : i32
    %dma_start3A_1036 = tpu.memref_slice %arg3[%add3A_1034, %dma_start3A_1035] : memref<16384x128xf32, #tpu.memory_space<hbm>> -> memref<128x128xf32, #tpu.memory_space<hbm>>
    %dma_start3A_1037 = arith.constant 0 : i32
    %dma_start3A_1038 = tpu.memref_slice %arg3[%add3A_1034, %dma_start3A_1037] : memref<16384x128xf32, #tpu.memory_space<hbm>> -> memref<128x128xf32, #tpu.memory_space<hbm>>
    tpu.enqueue_dma source(%dma_start3A_1038 : memref<128x128xf32, #tpu.memory_space<hbm>>) target(%arg17 : memref<128x128xf32, #tpu.memory_space<vmem>>) target_semaphore(%arg25 : memref<!tpu.dma_semaphore, #tpu.memory_space<semaphore_mem>>)
    %dma_wait3A_1039 = arith.constant 0 : i32
    %dma_wait3A_1040 = arith.constant 0 : i32
    %dma_wait3A_1041 = tpu.memref_slice %arg9[%dma_wait3A_1039, %dma_wait3A_1040] : memref<4x128xi32, #tpu.memory_space<vmem>> -> memref<1x128xi32, #tpu.memory_space<vmem>>
    %dma_wait3A_1042 = tpu.memref_squeeze %dma_wait3A_1041 : memref<1x128xi32, #tpu.memory_space<vmem>> -> memref<128xi32, #tpu.memory_space<vmem>>
    %dma_wait3A_1043 = arith.constant 0 : i32
    %dma_wait3A_1044 = arith.constant 0 : i32
    %dma_wait3A_1045 = tpu.memref_slice %arg4[%dma_wait3A_1043, %dma_wait3A_1044] : memref<100000x128xf32, #tpu.memory_space<hbm>> -> memref<100000x128xf32, #tpu.memory_space<hbm>>
    tpu.wait_indirect_dma semaphore(%arg21 : memref<!tpu.dma_semaphore, #tpu.memory_space<semaphore_mem>>) src(%dma_wait3A_1045 : memref<100000x128xf32, #tpu.memory_space<hbm>>) dst(%arg13 : memref<128x128xf32, #tpu.memory_space<vmem>>)
    %dma_wait3A_1046 = arith.constant 0 : i32
    %dma_wait3A_1047 = tpu.memref_slice %arg3[%add3A_608, %dma_wait3A_1046] : memref<16384x128xf32, #tpu.memory_space<hbm>> -> memref<128x128xf32, #tpu.memory_space<hbm>>
    %dma_wait3A_1048 = arith.constant 0 : i32
    %dma_wait3A_1049 = tpu.memref_slice %arg3[%add3A_608, %dma_wait3A_1048] : memref<16384x128xf32, #tpu.memory_space<hbm>> -> memref<128x128xf32, #tpu.memory_space<hbm>>
    tpu.wait_dma2 semaphore(%arg24 : memref<!tpu.dma_semaphore, #tpu.memory_space<semaphore_mem>>) src(%dma_wait3A_1049 : memref<128x128xf32, #tpu.memory_space<hbm>>) dst(%arg16 : memref<128x128xf32, #tpu.memory_space<vmem>>)
    %scan3A_1050 = arith.constant 0 : i32
    %scan3A_1051 = arith.constant 128 : i32
    %scan3A_1052 = arith.addi %scan3A_1050, %scan3A_1051 : i32
    %scan3A_1053 = arith.constant 2 : i32
    %scan3A_1054 = scf.for %scan3A_1139 = %scan3A_1050 to %scan3A_1052 step %scan3A_1053 iter_args(%scan3A_1140 = %broadcast_in_dim3A_1025) -> (vector<16xf32>)  : i32 {
      %broadcast_in_dim3A_1141 = arith.constant 0.000000e+00 : f32
      %broadcast_in_dim3A_1142 = vector.broadcast %broadcast_in_dim3A_1141 : f32 to vector<16xf32>
      %get3A = arith.index_cast %scan3A_1139 : i32 to index
      %get3A_1143 = arith.constant 0 : index
      %get3A_1144 = tpu.vector_load %arg16[%get3A, %get3A_1143] {strides = array<i32>} : memref<128x128xf32, #tpu.memory_space<vmem>>, vector<1x16xf32>,
      %get3A_1145 = vector.shape_cast %get3A_1144 : vector<1x16xf32> to vector<16xf32>
      %get3A_1146 = arith.index_cast %scan3A_1139 : i32 to index
      %get3A_1147 = arith.constant 0 : index
      %get3A_1148 = tpu.vector_load %arg13[%get3A_1146, %get3A_1147] {strides = array<i32>} : memref<128x128xf32, #tpu.memory_space<vmem>>, vector<1x16xf32>,
      %get3A_1149 = vector.shape_cast %get3A_1148 : vector<1x16xf32> to vector<16xf32>
      %sub3A = arith.subf %get3A_1145, %get3A_1149 : vector<16xf32>
      %mul3A_1150 = arith.mulf %sub3A, %sub3A : vector<16xf32>
      %add3A_1151 = arith.addf %broadcast_in_dim3A_1142, %mul3A_1150 : vector<16xf32>
      %get3A_1152 = arith.index_cast %scan3A_1139 : i32 to index
      %get3A_1153 = arith.constant 16 : index
      %get3A_1154 = tpu.vector_load %arg16[%get3A_1152, %get3A_1153] {strides = array<i32>} : memref<128x128xf32, #tpu.memory_space<vmem>>, vector<1x16xf32>,
      %get3A_1155 = vector.shape_cast %get3A_1154 : vector<1x16xf32> to vector<16xf32>
      %get3A_1156 = arith.index_cast %scan3A_1139 : i32 to index
      %get3A_1157 = arith.constant 16 : index
      %get3A_1158 = tpu.vector_load %arg13[%get3A_1156, %get3A_1157] {strides = array<i32>} : memref<128x128xf32, #tpu.memory_space<vmem>>, vector<1x16xf32>,
      %get3A_1159 = vector.shape_cast %get3A_1158 : vector<1x16xf32> to vector<16xf32>
      %sub3A_1160 = arith.subf %get3A_1155, %get3A_1159 : vector<16xf32>
      %mul3A_1161 = arith.mulf %sub3A_1160, %sub3A_1160 : vector<16xf32>
      %add3A_1162 = arith.addf %add3A_1151, %mul3A_1161 : vector<16xf32>
      %get3A_1163 = arith.index_cast %scan3A_1139 : i32 to index
      %get3A_1164 = arith.constant 32 : index
      %get3A_1165 = tpu.vector_load %arg16[%get3A_1163, %get3A_1164] {strides = array<i32>} : memref<128x128xf32, #tpu.memory_space<vmem>>, vector<1x16xf32>,
      %get3A_1166 = vector.shape_cast %get3A_1165 : vector<1x16xf32> to vector<16xf32>
      %get3A_1167 = arith.index_cast %scan3A_1139 : i32 to index
      %get3A_1168 = arith.constant 32 : index
      %get3A_1169 = tpu.vector_load %arg13[%get3A_1167, %get3A_1168] {strides = array<i32>} : memref<128x128xf32, #tpu.memory_space<vmem>>, vector<1x16xf32>,
      %get3A_1170 = vector.shape_cast %get3A_1169 : vector<1x16xf32> to vector<16xf32>
      %sub3A_1171 = arith.subf %get3A_1166, %get3A_1170 : vector<16xf32>
      %mul3A_1172 = arith.mulf %sub3A_1171, %sub3A_1171 : vector<16xf32>
      %add3A_1173 = arith.addf %add3A_1162, %mul3A_1172 : vector<16xf32>
      %get3A_1174 = arith.index_cast %scan3A_1139 : i32 to index
      %get3A_1175 = arith.constant 48 : index
      %get3A_1176 = tpu.vector_load %arg16[%get3A_1174, %get3A_1175] {strides = array<i32>} : memref<128x128xf32, #tpu.memory_space<vmem>>, vector<1x16xf32>,
      %get3A_1177 = vector.shape_cast %get3A_1176 : vector<1x16xf32> to vector<16xf32>
      %get3A_1178 = arith.index_cast %scan3A_1139 : i32 to index
      %get3A_1179 = arith.constant 48 : index
      %get3A_1180 = tpu.vector_load %arg13[%get3A_1178, %get3A_1179] {strides = array<i32>} : memref<128x128xf32, #tpu.memory_space<vmem>>, vector<1x16xf32>,
      %get3A_1181 = vector.shape_cast %get3A_1180 : vector<1x16xf32> to vector<16xf32>
      %sub3A_1182 = arith.subf %get3A_1177, %get3A_1181 : vector<16xf32>
      %mul3A_1183 = arith.mulf %sub3A_1182, %sub3A_1182 : vector<16xf32>
      %add3A_1184 = arith.addf %add3A_1173, %mul3A_1183 : vector<16xf32>
      %get3A_1185 = arith.index_cast %scan3A_1139 : i32 to index
      %get3A_1186 = arith.constant 64 : index
      %get3A_1187 = tpu.vector_load %arg16[%get3A_1185, %get3A_1186] {strides = array<i32>} : memref<128x128xf32, #tpu.memory_space<vmem>>, vector<1x16xf32>,
      %get3A_1188 = vector.shape_cast %get3A_1187 : vector<1x16xf32> to vector<16xf32>
      %get3A_1189 = arith.index_cast %scan3A_1139 : i32 to index
      %get3A_1190 = arith.constant 64 : index
      %get3A_1191 = tpu.vector_load %arg13[%get3A_1189, %get3A_1190] {strides = array<i32>} : memref<128x128xf32, #tpu.memory_space<vmem>>, vector<1x16xf32>,
      %get3A_1192 = vector.shape_cast %get3A_1191 : vector<1x16xf32> to vector<16xf32>
      %sub3A_1193 = arith.subf %get3A_1188, %get3A_1192 : vector<16xf32>
      %mul3A_1194 = arith.mulf %sub3A_1193, %sub3A_1193 : vector<16xf32>
      %add3A_1195 = arith.addf %add3A_1184, %mul3A_1194 : vector<16xf32>
      %get3A_1196 = arith.index_cast %scan3A_1139 : i32 to index
      %get3A_1197 = arith.constant 80 : index
      %get3A_1198 = tpu.vector_load %arg16[%get3A_1196, %get3A_1197] {strides = array<i32>} : memref<128x128xf32, #tpu.memory_space<vmem>>, vector<1x16xf32>,
      %get3A_1199 = vector.shape_cast %get3A_1198 : vector<1x16xf32> to vector<16xf32>
      %get3A_1200 = arith.index_cast %scan3A_1139 : i32 to index
      %get3A_1201 = arith.constant 80 : index
      %get3A_1202 = tpu.vector_load %arg13[%get3A_1200, %get3A_1201] {strides = array<i32>} : memref<128x128xf32, #tpu.memory_space<vmem>>, vector<1x16xf32>,
      %get3A_1203 = vector.shape_cast %get3A_1202 : vector<1x16xf32> to vector<16xf32>
      %sub3A_1204 = arith.subf %get3A_1199, %get3A_1203 : vector<16xf32>
      %mul3A_1205 = arith.mulf %sub3A_1204, %sub3A_1204 : vector<16xf32>
      %add3A_1206 = arith.addf %add3A_1195, %mul3A_1205 : vector<16xf32>
      %get3A_1207 = arith.index_cast %scan3A_1139 : i32 to index
      %get3A_1208 = arith.constant 96 : index
      %get3A_1209 = tpu.vector_load %arg16[%get3A_1207, %get3A_1208] {strides = array<i32>} : memref<128x128xf32, #tpu.memory_space<vmem>>, vector<1x16xf32>,
      %get3A_1210 = vector.shape_cast %get3A_1209 : vector<1x16xf32> to vector<16xf32>
      %get3A_1211 = arith.index_cast %scan3A_1139 : i32 to index
      %get3A_1212 = arith.constant 96 : index
      %get3A_1213 = tpu.vector_load %arg13[%get3A_1211, %get3A_1212] {strides = array<i32>} : memref<128x128xf32, #tpu.memory_space<vmem>>, vector<1x16xf32>,
      %get3A_1214 = vector.shape_cast %get3A_1213 : vector<1x16xf32> to vector<16xf32>
      %sub3A_1215 = arith.subf %get3A_1210, %get3A_1214 : vector<16xf32>
      %mul3A_1216 = arith.mulf %sub3A_1215, %sub3A_1215 : vector<16xf32>
      %add3A_1217 = arith.addf %add3A_1206, %mul3A_1216 : vector<16xf32>
      %get3A_1218 = arith.index_cast %scan3A_1139 : i32 to index
      %get3A_1219 = arith.constant 112 : index
      %get3A_1220 = tpu.vector_load %arg16[%get3A_1218, %get3A_1219] {strides = array<i32>} : memref<128x128xf32, #tpu.memory_space<vmem>>, vector<1x16xf32>,
      %get3A_1221 = vector.shape_cast %get3A_1220 : vector<1x16xf32> to vector<16xf32>
      %get3A_1222 = arith.index_cast %scan3A_1139 : i32 to index
      %get3A_1223 = arith.constant 112 : index
      %get3A_1224 = tpu.vector_load %arg13[%get3A_1222, %get3A_1223] {strides = array<i32>} : memref<128x128xf32, #tpu.memory_space<vmem>>, vector<1x16xf32>,
      %get3A_1225 = vector.shape_cast %get3A_1224 : vector<1x16xf32> to vector<16xf32>
      %sub3A_1226 = arith.subf %get3A_1221, %get3A_1225 : vector<16xf32>
      %mul3A_1227 = arith.mulf %sub3A_1226, %sub3A_1226 : vector<16xf32>
      %add3A_1228 = arith.addf %add3A_1217, %mul3A_1227 : vector<16xf32>
      %add3A_1229 = arith.constant 0 : i32
      %add3A_1230 = arith.addi %add3A_1229, %scan3A_1139 : i32
      %mul3A_1231 = arith.constant 16 : i32
      %mul3A_1232 = arith.muli %add3A_1230, %mul3A_1231 : i32
      %get3A_1233 = arith.index_cast %mul3A_1232 : i32 to index
      %get3A_1234 = tpu.vector_load %arg11[%get3A_1233] {strides = array<i32>} : memref<8192xf32, #tpu.memory_space<vmem>>, vector<16xf32>,
      %get3A_1235 = vector.shape_cast %get3A_1234 : vector<16xf32> to vector<16xf32>
      %mul3A_1236 = arith.mulf %add3A_1228, %get3A_1235 : vector<16xf32>
      %add3A_1237 = arith.addf %scan3A_1140, %mul3A_1236 : vector<16xf32>
      %scan3A_1238 = arith.constant 1 : i32
      %scan3A_1239 = arith.addi %scan3A_1139, %scan3A_1238 : i32
      %broadcast_in_dim3A_1240 = arith.constant 0.000000e+00 : f32
      %broadcast_in_dim3A_1241 = vector.broadcast %broadcast_in_dim3A_1240 : f32 to vector<16xf32>
      %get3A_1242 = arith.index_cast %scan3A_1239 : i32 to index
      %get3A_1243 = arith.constant 0 : index
      %get3A_1244 = tpu.vector_load %arg16[%get3A_1242, %get3A_1243] {strides = array<i32>} : memref<128x128xf32, #tpu.memory_space<vmem>>, vector<1x16xf32>,
      %get3A_1245 = vector.shape_cast %get3A_1244 : vector<1x16xf32> to vector<16xf32>
      %get3A_1246 = arith.index_cast %scan3A_1239 : i32 to index
      %get3A_1247 = arith.constant 0 : index
      %get3A_1248 = tpu.vector_load %arg13[%get3A_1246, %get3A_1247] {strides = array<i32>} : memref<128x128xf32, #tpu.memory_space<vmem>>, vector<1x16xf32>,
      %get3A_1249 = vector.shape_cast %get3A_1248 : vector<1x16xf32> to vector<16xf32>
      %sub3A_1250 = arith.subf %get3A_1245, %get3A_1249 : vector<16xf32>
      %mul3A_1251 = arith.mulf %sub3A_1250, %sub3A_1250 : vector<16xf32>
      %add3A_1252 = arith.addf %broadcast_in_dim3A_1241, %mul3A_1251 : vector<16xf32>
      %get3A_1253 = arith.index_cast %scan3A_1239 : i32 to index
      %get3A_1254 = arith.constant 16 : index
      %get3A_1255 = tpu.vector_load %arg16[%get3A_1253, %get3A_1254] {strides = array<i32>} : memref<128x128xf32, #tpu.memory_space<vmem>>, vector<1x16xf32>,
      %get3A_1256 = vector.shape_cast %get3A_1255 : vector<1x16xf32> to vector<16xf32>
      %get3A_1257 = arith.index_cast %scan3A_1239 : i32 to index
      %get3A_1258 = arith.constant 16 : index
      %get3A_1259 = tpu.vector_load %arg13[%get3A_1257, %get3A_1258] {strides = array<i32>} : memref<128x128xf32, #tpu.memory_space<vmem>>, vector<1x16xf32>,
      %get3A_1260 = vector.shape_cast %get3A_1259 : vector<1x16xf32> to vector<16xf32>
      %sub3A_1261 = arith.subf %get3A_1256, %get3A_1260 : vector<16xf32>
      %mul3A_1262 = arith.mulf %sub3A_1261, %sub3A_1261 : vector<16xf32>
      %add3A_1263 = arith.addf %add3A_1252, %mul3A_1262 : vector<16xf32>
      %get3A_1264 = arith.index_cast %scan3A_1239 : i32 to index
      %get3A_1265 = arith.constant 32 : index
      %get3A_1266 = tpu.vector_load %arg16[%get3A_1264, %get3A_1265] {strides = array<i32>} : memref<128x128xf32, #tpu.memory_space<vmem>>, vector<1x16xf32>,
      %get3A_1267 = vector.shape_cast %get3A_1266 : vector<1x16xf32> to vector<16xf32>
      %get3A_1268 = arith.index_cast %scan3A_1239 : i32 to index
      %get3A_1269 = arith.constant 32 : index
      %get3A_1270 = tpu.vector_load %arg13[%get3A_1268, %get3A_1269] {strides = array<i32>} : memref<128x128xf32, #tpu.memory_space<vmem>>, vector<1x16xf32>,
      %get3A_1271 = vector.shape_cast %get3A_1270 : vector<1x16xf32> to vector<16xf32>
      %sub3A_1272 = arith.subf %get3A_1267, %get3A_1271 : vector<16xf32>
      %mul3A_1273 = arith.mulf %sub3A_1272, %sub3A_1272 : vector<16xf32>
      %add3A_1274 = arith.addf %add3A_1263, %mul3A_1273 : vector<16xf32>
      %get3A_1275 = arith.index_cast %scan3A_1239 : i32 to index
      %get3A_1276 = arith.constant 48 : index
      %get3A_1277 = tpu.vector_load %arg16[%get3A_1275, %get3A_1276] {strides = array<i32>} : memref<128x128xf32, #tpu.memory_space<vmem>>, vector<1x16xf32>,
      %get3A_1278 = vector.shape_cast %get3A_1277 : vector<1x16xf32> to vector<16xf32>
      %get3A_1279 = arith.index_cast %scan3A_1239 : i32 to index
      %get3A_1280 = arith.constant 48 : index
      %get3A_1281 = tpu.vector_load %arg13[%get3A_1279, %get3A_1280] {strides = array<i32>} : memref<128x128xf32, #tpu.memory_space<vmem>>, vector<1x16xf32>,
      %get3A_1282 = vector.shape_cast %get3A_1281 : vector<1x16xf32> to vector<16xf32>
      %sub3A_1283 = arith.subf %get3A_1278, %get3A_1282 : vector<16xf32>
      %mul3A_1284 = arith.mulf %sub3A_1283, %sub3A_1283 : vector<16xf32>
      %add3A_1285 = arith.addf %add3A_1274, %mul3A_1284 : vector<16xf32>
      %get3A_1286 = arith.index_cast %scan3A_1239 : i32 to index
      %get3A_1287 = arith.constant 64 : index
      %get3A_1288 = tpu.vector_load %arg16[%get3A_1286, %get3A_1287] {strides = array<i32>} : memref<128x128xf32, #tpu.memory_space<vmem>>, vector<1x16xf32>,
      %get3A_1289 = vector.shape_cast %get3A_1288 : vector<1x16xf32> to vector<16xf32>
      %get3A_1290 = arith.index_cast %scan3A_1239 : i32 to index
      %get3A_1291 = arith.constant 64 : index
      %get3A_1292 = tpu.vector_load %arg13[%get3A_1290, %get3A_1291] {strides = array<i32>} : memref<128x128xf32, #tpu.memory_space<vmem>>, vector<1x16xf32>,
      %get3A_1293 = vector.shape_cast %get3A_1292 : vector<1x16xf32> to vector<16xf32>
      %sub3A_1294 = arith.subf %get3A_1289, %get3A_1293 : vector<16xf32>
      %mul3A_1295 = arith.mulf %sub3A_1294, %sub3A_1294 : vector<16xf32>
      %add3A_1296 = arith.addf %add3A_1285, %mul3A_1295 : vector<16xf32>
      %get3A_1297 = arith.index_cast %scan3A_1239 : i32 to index
      %get3A_1298 = arith.constant 80 : index
      %get3A_1299 = tpu.vector_load %arg16[%get3A_1297, %get3A_1298] {strides = array<i32>} : memref<128x128xf32, #tpu.memory_space<vmem>>, vector<1x16xf32>,
      %get3A_1300 = vector.shape_cast %get3A_1299 : vector<1x16xf32> to vector<16xf32>
      %get3A_1301 = arith.index_cast %scan3A_1239 : i32 to index
      %get3A_1302 = arith.constant 80 : index
      %get3A_1303 = tpu.vector_load %arg13[%get3A_1301, %get3A_1302] {strides = array<i32>} : memref<128x128xf32, #tpu.memory_space<vmem>>, vector<1x16xf32>,
      %get3A_1304 = vector.shape_cast %get3A_1303 : vector<1x16xf32> to vector<16xf32>
      %sub3A_1305 = arith.subf %get3A_1300, %get3A_1304 : vector<16xf32>
      %mul3A_1306 = arith.mulf %sub3A_1305, %sub3A_1305 : vector<16xf32>
      %add3A_1307 = arith.addf %add3A_1296, %mul3A_1306 : vector<16xf32>
      %get3A_1308 = arith.index_cast %scan3A_1239 : i32 to index
      %get3A_1309 = arith.constant 96 : index
      %get3A_1310 = tpu.vector_load %arg16[%get3A_1308, %get3A_1309] {strides = array<i32>} : memref<128x128xf32, #tpu.memory_space<vmem>>, vector<1x16xf32>,
      %get3A_1311 = vector.shape_cast %get3A_1310 : vector<1x16xf32> to vector<16xf32>
      %get3A_1312 = arith.index_cast %scan3A_1239 : i32 to index
      %get3A_1313 = arith.constant 96 : index
      %get3A_1314 = tpu.vector_load %arg13[%get3A_1312, %get3A_1313] {strides = array<i32>} : memref<128x128xf32, #tpu.memory_space<vmem>>, vector<1x16xf32>,
      %get3A_1315 = vector.shape_cast %get3A_1314 : vector<1x16xf32> to vector<16xf32>
      %sub3A_1316 = arith.subf %get3A_1311, %get3A_1315 : vector<16xf32>
      %mul3A_1317 = arith.mulf %sub3A_1316, %sub3A_1316 : vector<16xf32>
      %add3A_1318 = arith.addf %add3A_1307, %mul3A_1317 : vector<16xf32>
      %get3A_1319 = arith.index_cast %scan3A_1239 : i32 to index
      %get3A_1320 = arith.constant 112 : index
      %get3A_1321 = tpu.vector_load %arg16[%get3A_1319, %get3A_1320] {strides = array<i32>} : memref<128x128xf32, #tpu.memory_space<vmem>>, vector<1x16xf32>,
      %get3A_1322 = vector.shape_cast %get3A_1321 : vector<1x16xf32> to vector<16xf32>
      %get3A_1323 = arith.index_cast %scan3A_1239 : i32 to index
      %get3A_1324 = arith.constant 112 : index
      %get3A_1325 = tpu.vector_load %arg13[%get3A_1323, %get3A_1324] {strides = array<i32>} : memref<128x128xf32, #tpu.memory_space<vmem>>, vector<1x16xf32>,
      %get3A_1326 = vector.shape_cast %get3A_1325 : vector<1x16xf32> to vector<16xf32>
      %sub3A_1327 = arith.subf %get3A_1322, %get3A_1326 : vector<16xf32>
      %mul3A_1328 = arith.mulf %sub3A_1327, %sub3A_1327 : vector<16xf32>
      %add3A_1329 = arith.addf %add3A_1318, %mul3A_1328 : vector<16xf32>
      %add3A_1330 = arith.constant 0 : i32
      %add3A_1331 = arith.addi %add3A_1330, %scan3A_1239 : i32
      %mul3A_1332 = arith.constant 16 : i32
      %mul3A_1333 = arith.muli %add3A_1331, %mul3A_1332 : i32
      %get3A_1334 = arith.index_cast %mul3A_1333 : i32 to index
      %get3A_1335 = tpu.vector_load %arg11[%get3A_1334] {strides = array<i32>} : memref<8192xf32, #tpu.memory_space<vmem>>, vector<16xf32>,
      %get3A_1336 = vector.shape_cast %get3A_1335 : vector<16xf32> to vector<16xf32>
      %mul3A_1337 = arith.mulf %add3A_1329, %get3A_1336 : vector<16xf32>
      %add3A_1338 = arith.addf %add3A_1237, %mul3A_1337 : vector<16xf32>
      scf.yield %add3A_1338 : vector<16xf32>
    }
    %scan3A_1055 = arith.constant 128 : i32
    %dma_start3A_1056 = arith.constant 2 : i32
    %dma_start3A_1057 = arith.constant 0 : i32
    %dma_start3A_1058 = tpu.memref_slice %arg9[%dma_start3A_1056, %dma_start3A_1057] : memref<4x128xi32, #tpu.memory_space<vmem>> -> memref<1x128xi32, #tpu.memory_space<vmem>>
    %dma_start3A_1059 = tpu.memref_squeeze %dma_start3A_1058 : memref<1x128xi32, #tpu.memory_space<vmem>> -> memref<128xi32, #tpu.memory_space<vmem>>
    %dma_start3A_1060 = arith.constant 0 : i32
    %dma_start3A_1061 = arith.constant 0 : i32
    %dma_start3A_1062 = tpu.memref_slice %arg4[%dma_start3A_1060, %dma_start3A_1061] : memref<100000x128xf32, #tpu.memory_space<hbm>> -> memref<100000x128xf32, #tpu.memory_space<hbm>>
    tpu.enqueue_indirect_dma source(%dma_start3A_1062 : memref<100000x128xf32, #tpu.memory_space<hbm>>) target(%arg15 : memref<128x128xf32, #tpu.memory_space<vmem>>) offsets(%dma_start3A_1059 : memref<128xi32, #tpu.memory_space<vmem>>) semaphore(%arg23 : memref<!tpu.dma_semaphore, #tpu.memory_space<semaphore_mem>>)
    %add3A_1063 = arith.constant 256 : i32
    %add3A_1064 = arith.addi %mul3A_2, %add3A_1063 : i32
    %dma_start3A_1065 = arith.constant 0 : i32
    %dma_start3A_1066 = tpu.memref_slice %arg3[%add3A_1064, %dma_start3A_1065] : memref<16384x128xf32, #tpu.memory_space<hbm>> -> memref<128x128xf32, #tpu.memory_space<hbm>>
    %dma_start3A_1067 = arith.constant 0 : i32
    %dma_start3A_1068 = tpu.memref_slice %arg3[%add3A_1064, %dma_start3A_1067] : memref<16384x128xf32, #tpu.memory_space<hbm>> -> memref<128x128xf32, #tpu.memory_space<hbm>>
    tpu.enqueue_dma source(%dma_start3A_1068 : memref<128x128xf32, #tpu.memory_space<hbm>>) target(%arg18 : memref<128x128xf32, #tpu.memory_space<vmem>>) target_semaphore(%arg26 : memref<!tpu.dma_semaphore, #tpu.memory_space<semaphore_mem>>)
    %dma_wait3A_1069 = arith.constant 1 : i32
    %dma_wait3A_1070 = arith.constant 0 : i32
    %dma_wait3A_1071 = tpu.memref_slice %arg9[%dma_wait3A_1069, %dma_wait3A_1070] : memref<4x128xi32, #tpu.memory_space<vmem>> -> memref<1x128xi32, #tpu.memory_space<vmem>>
    %dma_wait3A_1072 = tpu.memref_squeeze %dma_wait3A_1071 : memref<1x128xi32, #tpu.memory_space<vmem>> -> memref<128xi32, #tpu.memory_space<vmem>>
    %dma_wait3A_1073 = arith.constant 0 : i32
    %dma_wait3A_1074 = arith.constant 0 : i32
    %dma_wait3A_1075 = tpu.memref_slice %arg4[%dma_wait3A_1073, %dma_wait3A_1074] : memref<100000x128xf32, #tpu.memory_space<hbm>> -> memref<100000x128xf32, #tpu.memory_space<hbm>>
    tpu.wait_indirect_dma semaphore(%arg22 : memref<!tpu.dma_semaphore, #tpu.memory_space<semaphore_mem>>) src(%dma_wait3A_1075 : memref<100000x128xf32, #tpu.memory_space<hbm>>) dst(%arg14 : memref<128x128xf32, #tpu.memory_space<vmem>>)
    %dma_wait3A_1076 = arith.constant 0 : i32
    %dma_wait3A_1077 = tpu.memref_slice %arg3[%add3A_1034, %dma_wait3A_1076] : memref<16384x128xf32, #tpu.memory_space<hbm>> -> memref<128x128xf32, #tpu.memory_space<hbm>>
    %dma_wait3A_1078 = arith.constant 0 : i32
    %dma_wait3A_1079 = tpu.memref_slice %arg3[%add3A_1034, %dma_wait3A_1078] : memref<16384x128xf32, #tpu.memory_space<hbm>> -> memref<128x128xf32, #tpu.memory_space<hbm>>
    tpu.wait_dma2 semaphore(%arg25 : memref<!tpu.dma_semaphore, #tpu.memory_space<semaphore_mem>>) src(%dma_wait3A_1079 : memref<128x128xf32, #tpu.memory_space<hbm>>) dst(%arg17 : memref<128x128xf32, #tpu.memory_space<vmem>>)
    %scan3A_1080 = arith.constant 0 : i32
    %scan3A_1081 = arith.constant 128 : i32
    %scan3A_1082 = arith.addi %scan3A_1080, %scan3A_1081 : i32
    %scan3A_1083 = arith.constant 2 : i32
    %scan3A_1084 = scf.for %scan3A_1139 = %scan3A_1080 to %scan3A_1082 step %scan3A_1083 iter_args(%scan3A_1140 = %scan3A_1054) -> (vector<16xf32>)  : i32 {
      %broadcast_in_dim3A_1141 = arith.constant 0.000000e+00 : f32
      %broadcast_in_dim3A_1142 = vector.broadcast %broadcast_in_dim3A_1141 : f32 to vector<16xf32>
      %get3A = arith.index_cast %scan3A_1139 : i32 to index
      %get3A_1143 = arith.constant 0 : index
      %get3A_1144 = tpu.vector_load %arg17[%get3A, %get3A_1143] {strides = array<i32>} : memref<128x128xf32, #tpu.memory_space<vmem>>, vector<1x16xf32>,
      %get3A_1145 = vector.shape_cast %get3A_1144 : vector<1x16xf32> to vector<16xf32>
      %get3A_1146 = arith.index_cast %scan3A_1139 : i32 to index
      %get3A_1147 = arith.constant 0 : index
      %get3A_1148 = tpu.vector_load %arg14[%get3A_1146, %get3A_1147] {strides = array<i32>} : memref<128x128xf32, #tpu.memory_space<vmem>>, vector<1x16xf32>,
      %get3A_1149 = vector.shape_cast %get3A_1148 : vector<1x16xf32> to vector<16xf32>
      %sub3A = arith.subf %get3A_1145, %get3A_1149 : vector<16xf32>
      %mul3A_1150 = arith.mulf %sub3A, %sub3A : vector<16xf32>
      %add3A_1151 = arith.addf %broadcast_in_dim3A_1142, %mul3A_1150 : vector<16xf32>
      %get3A_1152 = arith.index_cast %scan3A_1139 : i32 to index
      %get3A_1153 = arith.constant 16 : index
      %get3A_1154 = tpu.vector_load %arg17[%get3A_1152, %get3A_1153] {strides = array<i32>} : memref<128x128xf32, #tpu.memory_space<vmem>>, vector<1x16xf32>,
      %get3A_1155 = vector.shape_cast %get3A_1154 : vector<1x16xf32> to vector<16xf32>
      %get3A_1156 = arith.index_cast %scan3A_1139 : i32 to index
      %get3A_1157 = arith.constant 16 : index
      %get3A_1158 = tpu.vector_load %arg14[%get3A_1156, %get3A_1157] {strides = array<i32>} : memref<128x128xf32, #tpu.memory_space<vmem>>, vector<1x16xf32>,
      %get3A_1159 = vector.shape_cast %get3A_1158 : vector<1x16xf32> to vector<16xf32>
      %sub3A_1160 = arith.subf %get3A_1155, %get3A_1159 : vector<16xf32>
      %mul3A_1161 = arith.mulf %sub3A_1160, %sub3A_1160 : vector<16xf32>
      %add3A_1162 = arith.addf %add3A_1151, %mul3A_1161 : vector<16xf32>
      %get3A_1163 = arith.index_cast %scan3A_1139 : i32 to index
      %get3A_1164 = arith.constant 32 : index
      %get3A_1165 = tpu.vector_load %arg17[%get3A_1163, %get3A_1164] {strides = array<i32>} : memref<128x128xf32, #tpu.memory_space<vmem>>, vector<1x16xf32>,
      %get3A_1166 = vector.shape_cast %get3A_1165 : vector<1x16xf32> to vector<16xf32>
      %get3A_1167 = arith.index_cast %scan3A_1139 : i32 to index
      %get3A_1168 = arith.constant 32 : index
      %get3A_1169 = tpu.vector_load %arg14[%get3A_1167, %get3A_1168] {strides = array<i32>} : memref<128x128xf32, #tpu.memory_space<vmem>>, vector<1x16xf32>,
      %get3A_1170 = vector.shape_cast %get3A_1169 : vector<1x16xf32> to vector<16xf32>
      %sub3A_1171 = arith.subf %get3A_1166, %get3A_1170 : vector<16xf32>
      %mul3A_1172 = arith.mulf %sub3A_1171, %sub3A_1171 : vector<16xf32>
      %add3A_1173 = arith.addf %add3A_1162, %mul3A_1172 : vector<16xf32>
      %get3A_1174 = arith.index_cast %scan3A_1139 : i32 to index
      %get3A_1175 = arith.constant 48 : index
      %get3A_1176 = tpu.vector_load %arg17[%get3A_1174, %get3A_1175] {strides = array<i32>} : memref<128x128xf32, #tpu.memory_space<vmem>>, vector<1x16xf32>,
      %get3A_1177 = vector.shape_cast %get3A_1176 : vector<1x16xf32> to vector<16xf32>
      %get3A_1178 = arith.index_cast %scan3A_1139 : i32 to index
      %get3A_1179 = arith.constant 48 : index
      %get3A_1180 = tpu.vector_load %arg14[%get3A_1178, %get3A_1179] {strides = array<i32>} : memref<128x128xf32, #tpu.memory_space<vmem>>, vector<1x16xf32>,
      %get3A_1181 = vector.shape_cast %get3A_1180 : vector<1x16xf32> to vector<16xf32>
      %sub3A_1182 = arith.subf %get3A_1177, %get3A_1181 : vector<16xf32>
      %mul3A_1183 = arith.mulf %sub3A_1182, %sub3A_1182 : vector<16xf32>
      %add3A_1184 = arith.addf %add3A_1173, %mul3A_1183 : vector<16xf32>
      %get3A_1185 = arith.index_cast %scan3A_1139 : i32 to index
      %get3A_1186 = arith.constant 64 : index
      %get3A_1187 = tpu.vector_load %arg17[%get3A_1185, %get3A_1186] {strides = array<i32>} : memref<128x128xf32, #tpu.memory_space<vmem>>, vector<1x16xf32>,
      %get3A_1188 = vector.shape_cast %get3A_1187 : vector<1x16xf32> to vector<16xf32>
      %get3A_1189 = arith.index_cast %scan3A_1139 : i32 to index
      %get3A_1190 = arith.constant 64 : index
      %get3A_1191 = tpu.vector_load %arg14[%get3A_1189, %get3A_1190] {strides = array<i32>} : memref<128x128xf32, #tpu.memory_space<vmem>>, vector<1x16xf32>,
      %get3A_1192 = vector.shape_cast %get3A_1191 : vector<1x16xf32> to vector<16xf32>
      %sub3A_1193 = arith.subf %get3A_1188, %get3A_1192 : vector<16xf32>
      %mul3A_1194 = arith.mulf %sub3A_1193, %sub3A_1193 : vector<16xf32>
      %add3A_1195 = arith.addf %add3A_1184, %mul3A_1194 : vector<16xf32>
      %get3A_1196 = arith.index_cast %scan3A_1139 : i32 to index
      %get3A_1197 = arith.constant 80 : index
      %get3A_1198 = tpu.vector_load %arg17[%get3A_1196, %get3A_1197] {strides = array<i32>} : memref<128x128xf32, #tpu.memory_space<vmem>>, vector<1x16xf32>,
      %get3A_1199 = vector.shape_cast %get3A_1198 : vector<1x16xf32> to vector<16xf32>
      %get3A_1200 = arith.index_cast %scan3A_1139 : i32 to index
      %get3A_1201 = arith.constant 80 : index
      %get3A_1202 = tpu.vector_load %arg14[%get3A_1200, %get3A_1201] {strides = array<i32>} : memref<128x128xf32, #tpu.memory_space<vmem>>, vector<1x16xf32>,
      %get3A_1203 = vector.shape_cast %get3A_1202 : vector<1x16xf32> to vector<16xf32>
      %sub3A_1204 = arith.subf %get3A_1199, %get3A_1203 : vector<16xf32>
      %mul3A_1205 = arith.mulf %sub3A_1204, %sub3A_1204 : vector<16xf32>
      %add3A_1206 = arith.addf %add3A_1195, %mul3A_1205 : vector<16xf32>
      %get3A_1207 = arith.index_cast %scan3A_1139 : i32 to index
      %get3A_1208 = arith.constant 96 : index
      %get3A_1209 = tpu.vector_load %arg17[%get3A_1207, %get3A_1208] {strides = array<i32>} : memref<128x128xf32, #tpu.memory_space<vmem>>, vector<1x16xf32>,
      %get3A_1210 = vector.shape_cast %get3A_1209 : vector<1x16xf32> to vector<16xf32>
      %get3A_1211 = arith.index_cast %scan3A_1139 : i32 to index
      %get3A_1212 = arith.constant 96 : index
      %get3A_1213 = tpu.vector_load %arg14[%get3A_1211, %get3A_1212] {strides = array<i32>} : memref<128x128xf32, #tpu.memory_space<vmem>>, vector<1x16xf32>,
      %get3A_1214 = vector.shape_cast %get3A_1213 : vector<1x16xf32> to vector<16xf32>
      %sub3A_1215 = arith.subf %get3A_1210, %get3A_1214 : vector<16xf32>
      %mul3A_1216 = arith.mulf %sub3A_1215, %sub3A_1215 : vector<16xf32>
      %add3A_1217 = arith.addf %add3A_1206, %mul3A_1216 : vector<16xf32>
      %get3A_1218 = arith.index_cast %scan3A_1139 : i32 to index
      %get3A_1219 = arith.constant 112 : index
      %get3A_1220 = tpu.vector_load %arg17[%get3A_1218, %get3A_1219] {strides = array<i32>} : memref<128x128xf32, #tpu.memory_space<vmem>>, vector<1x16xf32>,
      %get3A_1221 = vector.shape_cast %get3A_1220 : vector<1x16xf32> to vector<16xf32>
      %get3A_1222 = arith.index_cast %scan3A_1139 : i32 to index
      %get3A_1223 = arith.constant 112 : index
      %get3A_1224 = tpu.vector_load %arg14[%get3A_1222, %get3A_1223] {strides = array<i32>} : memref<128x128xf32, #tpu.memory_space<vmem>>, vector<1x16xf32>,
      %get3A_1225 = vector.shape_cast %get3A_1224 : vector<1x16xf32> to vector<16xf32>
      %sub3A_1226 = arith.subf %get3A_1221, %get3A_1225 : vector<16xf32>
      %mul3A_1227 = arith.mulf %sub3A_1226, %sub3A_1226 : vector<16xf32>
      %add3A_1228 = arith.addf %add3A_1217, %mul3A_1227 : vector<16xf32>
      %add3A_1229 = arith.constant 128 : i32
      %add3A_1230 = arith.addi %add3A_1229, %scan3A_1139 : i32
      %mul3A_1231 = arith.constant 16 : i32
      %mul3A_1232 = arith.muli %add3A_1230, %mul3A_1231 : i32
      %get3A_1233 = arith.index_cast %mul3A_1232 : i32 to index
      %get3A_1234 = tpu.vector_load %arg11[%get3A_1233] {strides = array<i32>} : memref<8192xf32, #tpu.memory_space<vmem>>, vector<16xf32>,
      %get3A_1235 = vector.shape_cast %get3A_1234 : vector<16xf32> to vector<16xf32>
      %mul3A_1236 = arith.mulf %add3A_1228, %get3A_1235 : vector<16xf32>
      %add3A_1237 = arith.addf %scan3A_1140, %mul3A_1236 : vector<16xf32>
      %scan3A_1238 = arith.constant 1 : i32
      %scan3A_1239 = arith.addi %scan3A_1139, %scan3A_1238 : i32
      %broadcast_in_dim3A_1240 = arith.constant 0.000000e+00 : f32
      %broadcast_in_dim3A_1241 = vector.broadcast %broadcast_in_dim3A_1240 : f32 to vector<16xf32>
      %get3A_1242 = arith.index_cast %scan3A_1239 : i32 to index
      %get3A_1243 = arith.constant 0 : index
      %get3A_1244 = tpu.vector_load %arg17[%get3A_1242, %get3A_1243] {strides = array<i32>} : memref<128x128xf32, #tpu.memory_space<vmem>>, vector<1x16xf32>,
      %get3A_1245 = vector.shape_cast %get3A_1244 : vector<1x16xf32> to vector<16xf32>
      %get3A_1246 = arith.index_cast %scan3A_1239 : i32 to index
      %get3A_1247 = arith.constant 0 : index
      %get3A_1248 = tpu.vector_load %arg14[%get3A_1246, %get3A_1247] {strides = array<i32>} : memref<128x128xf32, #tpu.memory_space<vmem>>, vector<1x16xf32>,
      %get3A_1249 = vector.shape_cast %get3A_1248 : vector<1x16xf32> to vector<16xf32>
      %sub3A_1250 = arith.subf %get3A_1245, %get3A_1249 : vector<16xf32>
      %mul3A_1251 = arith.mulf %sub3A_1250, %sub3A_1250 : vector<16xf32>
      %add3A_1252 = arith.addf %broadcast_in_dim3A_1241, %mul3A_1251 : vector<16xf32>
      %get3A_1253 = arith.index_cast %scan3A_1239 : i32 to index
      %get3A_1254 = arith.constant 16 : index
      %get3A_1255 = tpu.vector_load %arg17[%get3A_1253, %get3A_1254] {strides = array<i32>} : memref<128x128xf32, #tpu.memory_space<vmem>>, vector<1x16xf32>,
      %get3A_1256 = vector.shape_cast %get3A_1255 : vector<1x16xf32> to vector<16xf32>
      %get3A_1257 = arith.index_cast %scan3A_1239 : i32 to index
      %get3A_1258 = arith.constant 16 : index
      %get3A_1259 = tpu.vector_load %arg14[%get3A_1257, %get3A_1258] {strides = array<i32>} : memref<128x128xf32, #tpu.memory_space<vmem>>, vector<1x16xf32>,
      %get3A_1260 = vector.shape_cast %get3A_1259 : vector<1x16xf32> to vector<16xf32>
      %sub3A_1261 = arith.subf %get3A_1256, %get3A_1260 : vector<16xf32>
      %mul3A_1262 = arith.mulf %sub3A_1261, %sub3A_1261 : vector<16xf32>
      %add3A_1263 = arith.addf %add3A_1252, %mul3A_1262 : vector<16xf32>
      %get3A_1264 = arith.index_cast %scan3A_1239 : i32 to index
      %get3A_1265 = arith.constant 32 : index
      %get3A_1266 = tpu.vector_load %arg17[%get3A_1264, %get3A_1265] {strides = array<i32>} : memref<128x128xf32, #tpu.memory_space<vmem>>, vector<1x16xf32>,
      %get3A_1267 = vector.shape_cast %get3A_1266 : vector<1x16xf32> to vector<16xf32>
      %get3A_1268 = arith.index_cast %scan3A_1239 : i32 to index
      %get3A_1269 = arith.constant 32 : index
      %get3A_1270 = tpu.vector_load %arg14[%get3A_1268, %get3A_1269] {strides = array<i32>} : memref<128x128xf32, #tpu.memory_space<vmem>>, vector<1x16xf32>,
      %get3A_1271 = vector.shape_cast %get3A_1270 : vector<1x16xf32> to vector<16xf32>
      %sub3A_1272 = arith.subf %get3A_1267, %get3A_1271 : vector<16xf32>
      %mul3A_1273 = arith.mulf %sub3A_1272, %sub3A_1272 : vector<16xf32>
      %add3A_1274 = arith.addf %add3A_1263, %mul3A_1273 : vector<16xf32>
      %get3A_1275 = arith.index_cast %scan3A_1239 : i32 to index
      %get3A_1276 = arith.constant 48 : index
      %get3A_1277 = tpu.vector_load %arg17[%get3A_1275, %get3A_1276] {strides = array<i32>} : memref<128x128xf32, #tpu.memory_space<vmem>>, vector<1x16xf32>,
      %get3A_1278 = vector.shape_cast %get3A_1277 : vector<1x16xf32> to vector<16xf32>
      %get3A_1279 = arith.index_cast %scan3A_1239 : i32 to index
      %get3A_1280 = arith.constant 48 : index
      %get3A_1281 = tpu.vector_load %arg14[%get3A_1279, %get3A_1280] {strides = array<i32>} : memref<128x128xf32, #tpu.memory_space<vmem>>, vector<1x16xf32>,
      %get3A_1282 = vector.shape_cast %get3A_1281 : vector<1x16xf32> to vector<16xf32>
      %sub3A_1283 = arith.subf %get3A_1278, %get3A_1282 : vector<16xf32>
      %mul3A_1284 = arith.mulf %sub3A_1283, %sub3A_1283 : vector<16xf32>
      %add3A_1285 = arith.addf %add3A_1274, %mul3A_1284 : vector<16xf32>
      %get3A_1286 = arith.index_cast %scan3A_1239 : i32 to index
      %get3A_1287 = arith.constant 64 : index
      %get3A_1288 = tpu.vector_load %arg17[%get3A_1286, %get3A_1287] {strides = array<i32>} : memref<128x128xf32, #tpu.memory_space<vmem>>, vector<1x16xf32>,
      %get3A_1289 = vector.shape_cast %get3A_1288 : vector<1x16xf32> to vector<16xf32>
      %get3A_1290 = arith.index_cast %scan3A_1239 : i32 to index
      %get3A_1291 = arith.constant 64 : index
      %get3A_1292 = tpu.vector_load %arg14[%get3A_1290, %get3A_1291] {strides = array<i32>} : memref<128x128xf32, #tpu.memory_space<vmem>>, vector<1x16xf32>,
      %get3A_1293 = vector.shape_cast %get3A_1292 : vector<1x16xf32> to vector<16xf32>
      %sub3A_1294 = arith.subf %get3A_1289, %get3A_1293 : vector<16xf32>
      %mul3A_1295 = arith.mulf %sub3A_1294, %sub3A_1294 : vector<16xf32>
      %add3A_1296 = arith.addf %add3A_1285, %mul3A_1295 : vector<16xf32>
      %get3A_1297 = arith.index_cast %scan3A_1239 : i32 to index
      %get3A_1298 = arith.constant 80 : index
      %get3A_1299 = tpu.vector_load %arg17[%get3A_1297, %get3A_1298] {strides = array<i32>} : memref<128x128xf32, #tpu.memory_space<vmem>>, vector<1x16xf32>,
      %get3A_1300 = vector.shape_cast %get3A_1299 : vector<1x16xf32> to vector<16xf32>
      %get3A_1301 = arith.index_cast %scan3A_1239 : i32 to index
      %get3A_1302 = arith.constant 80 : index
      %get3A_1303 = tpu.vector_load %arg14[%get3A_1301, %get3A_1302] {strides = array<i32>} : memref<128x128xf32, #tpu.memory_space<vmem>>, vector<1x16xf32>,
      %get3A_1304 = vector.shape_cast %get3A_1303 : vector<1x16xf32> to vector<16xf32>
      %sub3A_1305 = arith.subf %get3A_1300, %get3A_1304 : vector<16xf32>
      %mul3A_1306 = arith.mulf %sub3A_1305, %sub3A_1305 : vector<16xf32>
      %add3A_1307 = arith.addf %add3A_1296, %mul3A_1306 : vector<16xf32>
      %get3A_1308 = arith.index_cast %scan3A_1239 : i32 to index
      %get3A_1309 = arith.constant 96 : index
      %get3A_1310 = tpu.vector_load %arg17[%get3A_1308, %get3A_1309] {strides = array<i32>} : memref<128x128xf32, #tpu.memory_space<vmem>>, vector<1x16xf32>,
      %get3A_1311 = vector.shape_cast %get3A_1310 : vector<1x16xf32> to vector<16xf32>
      %get3A_1312 = arith.index_cast %scan3A_1239 : i32 to index
      %get3A_1313 = arith.constant 96 : index
      %get3A_1314 = tpu.vector_load %arg14[%get3A_1312, %get3A_1313] {strides = array<i32>} : memref<128x128xf32, #tpu.memory_space<vmem>>, vector<1x16xf32>,
      %get3A_1315 = vector.shape_cast %get3A_1314 : vector<1x16xf32> to vector<16xf32>
      %sub3A_1316 = arith.subf %get3A_1311, %get3A_1315 : vector<16xf32>
      %mul3A_1317 = arith.mulf %sub3A_1316, %sub3A_1316 : vector<16xf32>
      %add3A_1318 = arith.addf %add3A_1307, %mul3A_1317 : vector<16xf32>
      %get3A_1319 = arith.index_cast %scan3A_1239 : i32 to index
      %get3A_1320 = arith.constant 112 : index
      %get3A_1321 = tpu.vector_load %arg17[%get3A_1319, %get3A_1320] {strides = array<i32>} : memref<128x128xf32, #tpu.memory_space<vmem>>, vector<1x16xf32>,
      %get3A_1322 = vector.shape_cast %get3A_1321 : vector<1x16xf32> to vector<16xf32>
      %get3A_1323 = arith.index_cast %scan3A_1239 : i32 to index
      %get3A_1324 = arith.constant 112 : index
      %get3A_1325 = tpu.vector_load %arg14[%get3A_1323, %get3A_1324] {strides = array<i32>} : memref<128x128xf32, #tpu.memory_space<vmem>>, vector<1x16xf32>,
      %get3A_1326 = vector.shape_cast %get3A_1325 : vector<1x16xf32> to vector<16xf32>
      %sub3A_1327 = arith.subf %get3A_1322, %get3A_1326 : vector<16xf32>
      %mul3A_1328 = arith.mulf %sub3A_1327, %sub3A_1327 : vector<16xf32>
      %add3A_1329 = arith.addf %add3A_1318, %mul3A_1328 : vector<16xf32>
      %add3A_1330 = arith.constant 128 : i32
      %add3A_1331 = arith.addi %add3A_1330, %scan3A_1239 : i32
      %mul3A_1332 = arith.constant 16 : i32
      %mul3A_1333 = arith.muli %add3A_1331, %mul3A_1332 : i32
      %get3A_1334 = arith.index_cast %mul3A_1333 : i32 to index
      %get3A_1335 = tpu.vector_load %arg11[%get3A_1334] {strides = array<i32>} : memref<8192xf32, #tpu.memory_space<vmem>>, vector<16xf32>,
      %get3A_1336 = vector.shape_cast %get3A_1335 : vector<16xf32> to vector<16xf32>
      %mul3A_1337 = arith.mulf %add3A_1329, %get3A_1336 : vector<16xf32>
      %add3A_1338 = arith.addf %add3A_1237, %mul3A_1337 : vector<16xf32>
      scf.yield %add3A_1338 : vector<16xf32>
    }
    %scan3A_1085 = arith.constant 128 : i32
    %dma_start3A_1086 = arith.constant 3 : i32
    %dma_start3A_1087 = arith.constant 0 : i32
    %dma_start3A_1088 = tpu.memref_slice %arg9[%dma_start3A_1086, %dma_start3A_1087] : memref<4x128xi32, #tpu.memory_space<vmem>> -> memref<1x128xi32, #tpu.memory_space<vmem>>
    %dma_start3A_1089 = tpu.memref_squeeze %dma_start3A_1088 : memref<1x128xi32, #tpu.memory_space<vmem>> -> memref<128xi32, #tpu.memory_space<vmem>>
    %dma_start3A_1090 = arith.constant 0 : i32
    %dma_start3A_1091 = arith.constant 0 : i32
    %dma_start3A_1092 = tpu.memref_slice %arg4[%dma_start3A_1090, %dma_start3A_1091] : memref<100000x128xf32, #tpu.memory_space<hbm>> -> memref<100000x128xf32, #tpu.memory_space<hbm>>
    tpu.enqueue_indirect_dma source(%dma_start3A_1092 : memref<100000x128xf32, #tpu.memory_space<hbm>>) target(%arg13 : memref<128x128xf32, #tpu.memory_space<vmem>>) offsets(%dma_start3A_1089 : memref<128xi32, #tpu.memory_space<vmem>>) semaphore(%arg21 : memref<!tpu.dma_semaphore, #tpu.memory_space<semaphore_mem>>)
    %add3A_1093 = arith.constant 384 : i32
    %add3A_1094 = arith.addi %mul3A_2, %add3A_1093 : i32
    %dma_start3A_1095 = arith.constant 0 : i32
    %dma_start3A_1096 = tpu.memref_slice %arg3[%add3A_1094, %dma_start3A_1095] : memref<16384x128xf32, #tpu.memory_space<hbm>> -> memref<128x128xf32, #tpu.memory_space<hbm>>
    %dma_start3A_1097 = arith.constant 0 : i32
    %dma_start3A_1098 = tpu.memref_slice %arg3[%add3A_1094, %dma_start3A_1097] : memref<16384x128xf32, #tpu.memory_space<hbm>> -> memref<128x128xf32, #tpu.memory_space<hbm>>
    tpu.enqueue_dma source(%dma_start3A_1098 : memref<128x128xf32, #tpu.memory_space<hbm>>) target(%arg16 : memref<128x128xf32, #tpu.memory_space<vmem>>) target_semaphore(%arg24 : memref<!tpu.dma_semaphore, #tpu.memory_space<semaphore_mem>>)
    %dma_wait3A_1099 = arith.constant 2 : i32
    %dma_wait3A_1100 = arith.constant 0 : i32
    %dma_wait3A_1101 = tpu.memref_slice %arg9[%dma_wait3A_1099, %dma_wait3A_1100] : memref<4x128xi32, #tpu.memory_space<vmem>> -> memref<1x128xi32, #tpu.memory_space<vmem>>
    %dma_wait3A_1102 = tpu.memref_squeeze %dma_wait3A_1101 : memref<1x128xi32, #tpu.memory_space<vmem>> -> memref<128xi32, #tpu.memory_space<vmem>>
    %dma_wait3A_1103 = arith.constant 0 : i32
    %dma_wait3A_1104 = arith.constant 0 : i32
    %dma_wait3A_1105 = tpu.memref_slice %arg4[%dma_wait3A_1103, %dma_wait3A_1104] : memref<100000x128xf32, #tpu.memory_space<hbm>> -> memref<100000x128xf32, #tpu.memory_space<hbm>>
    tpu.wait_indirect_dma semaphore(%arg23 : memref<!tpu.dma_semaphore, #tpu.memory_space<semaphore_mem>>) src(%dma_wait3A_1105 : memref<100000x128xf32, #tpu.memory_space<hbm>>) dst(%arg15 : memref<128x128xf32, #tpu.memory_space<vmem>>)
    %dma_wait3A_1106 = arith.constant 0 : i32
    %dma_wait3A_1107 = tpu.memref_slice %arg3[%add3A_1064, %dma_wait3A_1106] : memref<16384x128xf32, #tpu.memory_space<hbm>> -> memref<128x128xf32, #tpu.memory_space<hbm>>
    %dma_wait3A_1108 = arith.constant 0 : i32
    %dma_wait3A_1109 = tpu.memref_slice %arg3[%add3A_1064, %dma_wait3A_1108] : memref<16384x128xf32, #tpu.memory_space<hbm>> -> memref<128x128xf32, #tpu.memory_space<hbm>>
    tpu.wait_dma2 semaphore(%arg26 : memref<!tpu.dma_semaphore, #tpu.memory_space<semaphore_mem>>) src(%dma_wait3A_1109 : memref<128x128xf32, #tpu.memory_space<hbm>>) dst(%arg18 : memref<128x128xf32, #tpu.memory_space<vmem>>)
    %scan3A_1110 = arith.constant 0 : i32
    %scan3A_1111 = arith.constant 128 : i32
    %scan3A_1112 = arith.addi %scan3A_1110, %scan3A_1111 : i32
    %scan3A_1113 = arith.constant 2 : i32
    %scan3A_1114 = scf.for %scan3A_1139 = %scan3A_1110 to %scan3A_1112 step %scan3A_1113 iter_args(%scan3A_1140 = %scan3A_1084) -> (vector<16xf32>)  : i32 {
      %broadcast_in_dim3A_1141 = arith.constant 0.000000e+00 : f32
      %broadcast_in_dim3A_1142 = vector.broadcast %broadcast_in_dim3A_1141 : f32 to vector<16xf32>
      %get3A = arith.index_cast %scan3A_1139 : i32 to index
      %get3A_1143 = arith.constant 0 : index
      %get3A_1144 = tpu.vector_load %arg18[%get3A, %get3A_1143] {strides = array<i32>} : memref<128x128xf32, #tpu.memory_space<vmem>>, vector<1x16xf32>,
      %get3A_1145 = vector.shape_cast %get3A_1144 : vector<1x16xf32> to vector<16xf32>
      %get3A_1146 = arith.index_cast %scan3A_1139 : i32 to index
      %get3A_1147 = arith.constant 0 : index
      %get3A_1148 = tpu.vector_load %arg15[%get3A_1146, %get3A_1147] {strides = array<i32>} : memref<128x128xf32, #tpu.memory_space<vmem>>, vector<1x16xf32>,
      %get3A_1149 = vector.shape_cast %get3A_1148 : vector<1x16xf32> to vector<16xf32>
      %sub3A = arith.subf %get3A_1145, %get3A_1149 : vector<16xf32>
      %mul3A_1150 = arith.mulf %sub3A, %sub3A : vector<16xf32>
      %add3A_1151 = arith.addf %broadcast_in_dim3A_1142, %mul3A_1150 : vector<16xf32>
      %get3A_1152 = arith.index_cast %scan3A_1139 : i32 to index
      %get3A_1153 = arith.constant 16 : index
      %get3A_1154 = tpu.vector_load %arg18[%get3A_1152, %get3A_1153] {strides = array<i32>} : memref<128x128xf32, #tpu.memory_space<vmem>>, vector<1x16xf32>,
      %get3A_1155 = vector.shape_cast %get3A_1154 : vector<1x16xf32> to vector<16xf32>
      %get3A_1156 = arith.index_cast %scan3A_1139 : i32 to index
      %get3A_1157 = arith.constant 16 : index
      %get3A_1158 = tpu.vector_load %arg15[%get3A_1156, %get3A_1157] {strides = array<i32>} : memref<128x128xf32, #tpu.memory_space<vmem>>, vector<1x16xf32>,
      %get3A_1159 = vector.shape_cast %get3A_1158 : vector<1x16xf32> to vector<16xf32>
      %sub3A_1160 = arith.subf %get3A_1155, %get3A_1159 : vector<16xf32>
      %mul3A_1161 = arith.mulf %sub3A_1160, %sub3A_1160 : vector<16xf32>
      %add3A_1162 = arith.addf %add3A_1151, %mul3A_1161 : vector<16xf32>
      %get3A_1163 = arith.index_cast %scan3A_1139 : i32 to index
      %get3A_1164 = arith.constant 32 : index
      %get3A_1165 = tpu.vector_load %arg18[%get3A_1163, %get3A_1164] {strides = array<i32>} : memref<128x128xf32, #tpu.memory_space<vmem>>, vector<1x16xf32>,
      %get3A_1166 = vector.shape_cast %get3A_1165 : vector<1x16xf32> to vector<16xf32>
      %get3A_1167 = arith.index_cast %scan3A_1139 : i32 to index
      %get3A_1168 = arith.constant 32 : index
      %get3A_1169 = tpu.vector_load %arg15[%get3A_1167, %get3A_1168] {strides = array<i32>} : memref<128x128xf32, #tpu.memory_space<vmem>>, vector<1x16xf32>,
      %get3A_1170 = vector.shape_cast %get3A_1169 : vector<1x16xf32> to vector<16xf32>
      %sub3A_1171 = arith.subf %get3A_1166, %get3A_1170 : vector<16xf32>
      %mul3A_1172 = arith.mulf %sub3A_1171, %sub3A_1171 : vector<16xf32>
      %add3A_1173 = arith.addf %add3A_1162, %mul3A_1172 : vector<16xf32>
      %get3A_1174 = arith.index_cast %scan3A_1139 : i32 to index
      %get3A_1175 = arith.constant 48 : index
      %get3A_1176 = tpu.vector_load %arg18[%get3A_1174, %get3A_1175] {strides = array<i32>} : memref<128x128xf32, #tpu.memory_space<vmem>>, vector<1x16xf32>,
      %get3A_1177 = vector.shape_cast %get3A_1176 : vector<1x16xf32> to vector<16xf32>
      %get3A_1178 = arith.index_cast %scan3A_1139 : i32 to index
      %get3A_1179 = arith.constant 48 : index
      %get3A_1180 = tpu.vector_load %arg15[%get3A_1178, %get3A_1179] {strides = array<i32>} : memref<128x128xf32, #tpu.memory_space<vmem>>, vector<1x16xf32>,
      %get3A_1181 = vector.shape_cast %get3A_1180 : vector<1x16xf32> to vector<16xf32>
      %sub3A_1182 = arith.subf %get3A_1177, %get3A_1181 : vector<16xf32>
      %mul3A_1183 = arith.mulf %sub3A_1182, %sub3A_1182 : vector<16xf32>
      %add3A_1184 = arith.addf %add3A_1173, %mul3A_1183 : vector<16xf32>
      %get3A_1185 = arith.index_cast %scan3A_1139 : i32 to index
      %get3A_1186 = arith.constant 64 : index
      %get3A_1187 = tpu.vector_load %arg18[%get3A_1185, %get3A_1186] {strides = array<i32>} : memref<128x128xf32, #tpu.memory_space<vmem>>, vector<1x16xf32>,
      %get3A_1188 = vector.shape_cast %get3A_1187 : vector<1x16xf32> to vector<16xf32>
      %get3A_1189 = arith.index_cast %scan3A_1139 : i32 to index
      %get3A_1190 = arith.constant 64 : index
      %get3A_1191 = tpu.vector_load %arg15[%get3A_1189, %get3A_1190] {strides = array<i32>} : memref<128x128xf32, #tpu.memory_space<vmem>>, vector<1x16xf32>,
      %get3A_1192 = vector.shape_cast %get3A_1191 : vector<1x16xf32> to vector<16xf32>
      %sub3A_1193 = arith.subf %get3A_1188, %get3A_1192 : vector<16xf32>
      %mul3A_1194 = arith.mulf %sub3A_1193, %sub3A_1193 : vector<16xf32>
      %add3A_1195 = arith.addf %add3A_1184, %mul3A_1194 : vector<16xf32>
      %get3A_1196 = arith.index_cast %scan3A_1139 : i32 to index
      %get3A_1197 = arith.constant 80 : index
      %get3A_1198 = tpu.vector_load %arg18[%get3A_1196, %get3A_1197] {strides = array<i32>} : memref<128x128xf32, #tpu.memory_space<vmem>>, vector<1x16xf32>,
      %get3A_1199 = vector.shape_cast %get3A_1198 : vector<1x16xf32> to vector<16xf32>
      %get3A_1200 = arith.index_cast %scan3A_1139 : i32 to index
      %get3A_1201 = arith.constant 80 : index
      %get3A_1202 = tpu.vector_load %arg15[%get3A_1200, %get3A_1201] {strides = array<i32>} : memref<128x128xf32, #tpu.memory_space<vmem>>, vector<1x16xf32>,
      %get3A_1203 = vector.shape_cast %get3A_1202 : vector<1x16xf32> to vector<16xf32>
      %sub3A_1204 = arith.subf %get3A_1199, %get3A_1203 : vector<16xf32>
      %mul3A_1205 = arith.mulf %sub3A_1204, %sub3A_1204 : vector<16xf32>
      %add3A_1206 = arith.addf %add3A_1195, %mul3A_1205 : vector<16xf32>
      %get3A_1207 = arith.index_cast %scan3A_1139 : i32 to index
      %get3A_1208 = arith.constant 96 : index
      %get3A_1209 = tpu.vector_load %arg18[%get3A_1207, %get3A_1208] {strides = array<i32>} : memref<128x128xf32, #tpu.memory_space<vmem>>, vector<1x16xf32>,
      %get3A_1210 = vector.shape_cast %get3A_1209 : vector<1x16xf32> to vector<16xf32>
      %get3A_1211 = arith.index_cast %scan3A_1139 : i32 to index
      %get3A_1212 = arith.constant 96 : index
      %get3A_1213 = tpu.vector_load %arg15[%get3A_1211, %get3A_1212] {strides = array<i32>} : memref<128x128xf32, #tpu.memory_space<vmem>>, vector<1x16xf32>,
      %get3A_1214 = vector.shape_cast %get3A_1213 : vector<1x16xf32> to vector<16xf32>
      %sub3A_1215 = arith.subf %get3A_1210, %get3A_1214 : vector<16xf32>
      %mul3A_1216 = arith.mulf %sub3A_1215, %sub3A_1215 : vector<16xf32>
      %add3A_1217 = arith.addf %add3A_1206, %mul3A_1216 : vector<16xf32>
      %get3A_1218 = arith.index_cast %scan3A_1139 : i32 to index
      %get3A_1219 = arith.constant 112 : index
      %get3A_1220 = tpu.vector_load %arg18[%get3A_1218, %get3A_1219] {strides = array<i32>} : memref<128x128xf32, #tpu.memory_space<vmem>>, vector<1x16xf32>,
      %get3A_1221 = vector.shape_cast %get3A_1220 : vector<1x16xf32> to vector<16xf32>
      %get3A_1222 = arith.index_cast %scan3A_1139 : i32 to index
      %get3A_1223 = arith.constant 112 : index
      %get3A_1224 = tpu.vector_load %arg15[%get3A_1222, %get3A_1223] {strides = array<i32>} : memref<128x128xf32, #tpu.memory_space<vmem>>, vector<1x16xf32>,
      %get3A_1225 = vector.shape_cast %get3A_1224 : vector<1x16xf32> to vector<16xf32>
      %sub3A_1226 = arith.subf %get3A_1221, %get3A_1225 : vector<16xf32>
      %mul3A_1227 = arith.mulf %sub3A_1226, %sub3A_1226 : vector<16xf32>
      %add3A_1228 = arith.addf %add3A_1217, %mul3A_1227 : vector<16xf32>
      %add3A_1229 = arith.constant 256 : i32
      %add3A_1230 = arith.addi %add3A_1229, %scan3A_1139 : i32
      %mul3A_1231 = arith.constant 16 : i32
      %mul3A_1232 = arith.muli %add3A_1230, %mul3A_1231 : i32
      %get3A_1233 = arith.index_cast %mul3A_1232 : i32 to index
      %get3A_1234 = tpu.vector_load %arg11[%get3A_1233] {strides = array<i32>} : memref<8192xf32, #tpu.memory_space<vmem>>, vector<16xf32>,
      %get3A_1235 = vector.shape_cast %get3A_1234 : vector<16xf32> to vector<16xf32>
      %mul3A_1236 = arith.mulf %add3A_1228, %get3A_1235 : vector<16xf32>
      %add3A_1237 = arith.addf %scan3A_1140, %mul3A_1236 : vector<16xf32>
      %scan3A_1238 = arith.constant 1 : i32
      %scan3A_1239 = arith.addi %scan3A_1139, %scan3A_1238 : i32
      %broadcast_in_dim3A_1240 = arith.constant 0.000000e+00 : f32
      %broadcast_in_dim3A_1241 = vector.broadcast %broadcast_in_dim3A_1240 : f32 to vector<16xf32>
      %get3A_1242 = arith.index_cast %scan3A_1239 : i32 to index
      %get3A_1243 = arith.constant 0 : index
      %get3A_1244 = tpu.vector_load %arg18[%get3A_1242, %get3A_1243] {strides = array<i32>} : memref<128x128xf32, #tpu.memory_space<vmem>>, vector<1x16xf32>,
      %get3A_1245 = vector.shape_cast %get3A_1244 : vector<1x16xf32> to vector<16xf32>
      %get3A_1246 = arith.index_cast %scan3A_1239 : i32 to index
      %get3A_1247 = arith.constant 0 : index
      %get3A_1248 = tpu.vector_load %arg15[%get3A_1246, %get3A_1247] {strides = array<i32>} : memref<128x128xf32, #tpu.memory_space<vmem>>, vector<1x16xf32>,
      %get3A_1249 = vector.shape_cast %get3A_1248 : vector<1x16xf32> to vector<16xf32>
      %sub3A_1250 = arith.subf %get3A_1245, %get3A_1249 : vector<16xf32>
      %mul3A_1251 = arith.mulf %sub3A_1250, %sub3A_1250 : vector<16xf32>
      %add3A_1252 = arith.addf %broadcast_in_dim3A_1241, %mul3A_1251 : vector<16xf32>
      %get3A_1253 = arith.index_cast %scan3A_1239 : i32 to index
      %get3A_1254 = arith.constant 16 : index
      %get3A_1255 = tpu.vector_load %arg18[%get3A_1253, %get3A_1254] {strides = array<i32>} : memref<128x128xf32, #tpu.memory_space<vmem>>, vector<1x16xf32>,
      %get3A_1256 = vector.shape_cast %get3A_1255 : vector<1x16xf32> to vector<16xf32>
      %get3A_1257 = arith.index_cast %scan3A_1239 : i32 to index
      %get3A_1258 = arith.constant 16 : index
      %get3A_1259 = tpu.vector_load %arg15[%get3A_1257, %get3A_1258] {strides = array<i32>} : memref<128x128xf32, #tpu.memory_space<vmem>>, vector<1x16xf32>,
      %get3A_1260 = vector.shape_cast %get3A_1259 : vector<1x16xf32> to vector<16xf32>
      %sub3A_1261 = arith.subf %get3A_1256, %get3A_1260 : vector<16xf32>
      %mul3A_1262 = arith.mulf %sub3A_1261, %sub3A_1261 : vector<16xf32>
      %add3A_1263 = arith.addf %add3A_1252, %mul3A_1262 : vector<16xf32>
      %get3A_1264 = arith.index_cast %scan3A_1239 : i32 to index
      %get3A_1265 = arith.constant 32 : index
      %get3A_1266 = tpu.vector_load %arg18[%get3A_1264, %get3A_1265] {strides = array<i32>} : memref<128x128xf32, #tpu.memory_space<vmem>>, vector<1x16xf32>,
      %get3A_1267 = vector.shape_cast %get3A_1266 : vector<1x16xf32> to vector<16xf32>
      %get3A_1268 = arith.index_cast %scan3A_1239 : i32 to index
      %get3A_1269 = arith.constant 32 : index
      %get3A_1270 = tpu.vector_load %arg15[%get3A_1268, %get3A_1269] {strides = array<i32>} : memref<128x128xf32, #tpu.memory_space<vmem>>, vector<1x16xf32>,
      %get3A_1271 = vector.shape_cast %get3A_1270 : vector<1x16xf32> to vector<16xf32>
      %sub3A_1272 = arith.subf %get3A_1267, %get3A_1271 : vector<16xf32>
      %mul3A_1273 = arith.mulf %sub3A_1272, %sub3A_1272 : vector<16xf32>
      %add3A_1274 = arith.addf %add3A_1263, %mul3A_1273 : vector<16xf32>
      %get3A_1275 = arith.index_cast %scan3A_1239 : i32 to index
      %get3A_1276 = arith.constant 48 : index
      %get3A_1277 = tpu.vector_load %arg18[%get3A_1275, %get3A_1276] {strides = array<i32>} : memref<128x128xf32, #tpu.memory_space<vmem>>, vector<1x16xf32>,
      %get3A_1278 = vector.shape_cast %get3A_1277 : vector<1x16xf32> to vector<16xf32>
      %get3A_1279 = arith.index_cast %scan3A_1239 : i32 to index
      %get3A_1280 = arith.constant 48 : index
      %get3A_1281 = tpu.vector_load %arg15[%get3A_1279, %get3A_1280] {strides = array<i32>} : memref<128x128xf32, #tpu.memory_space<vmem>>, vector<1x16xf32>,
      %get3A_1282 = vector.shape_cast %get3A_1281 : vector<1x16xf32> to vector<16xf32>
      %sub3A_1283 = arith.subf %get3A_1278, %get3A_1282 : vector<16xf32>
      %mul3A_1284 = arith.mulf %sub3A_1283, %sub3A_1283 : vector<16xf32>
      %add3A_1285 = arith.addf %add3A_1274, %mul3A_1284 : vector<16xf32>
      %get3A_1286 = arith.index_cast %scan3A_1239 : i32 to index
      %get3A_1287 = arith.constant 64 : index
      %get3A_1288 = tpu.vector_load %arg18[%get3A_1286, %get3A_1287] {strides = array<i32>} : memref<128x128xf32, #tpu.memory_space<vmem>>, vector<1x16xf32>,
      %get3A_1289 = vector.shape_cast %get3A_1288 : vector<1x16xf32> to vector<16xf32>
      %get3A_1290 = arith.index_cast %scan3A_1239 : i32 to index
      %get3A_1291 = arith.constant 64 : index
      %get3A_1292 = tpu.vector_load %arg15[%get3A_1290, %get3A_1291] {strides = array<i32>} : memref<128x128xf32, #tpu.memory_space<vmem>>, vector<1x16xf32>,
      %get3A_1293 = vector.shape_cast %get3A_1292 : vector<1x16xf32> to vector<16xf32>
      %sub3A_1294 = arith.subf %get3A_1289, %get3A_1293 : vector<16xf32>
      %mul3A_1295 = arith.mulf %sub3A_1294, %sub3A_1294 : vector<16xf32>
      %add3A_1296 = arith.addf %add3A_1285, %mul3A_1295 : vector<16xf32>
      %get3A_1297 = arith.index_cast %scan3A_1239 : i32 to index
      %get3A_1298 = arith.constant 80 : index
      %get3A_1299 = tpu.vector_load %arg18[%get3A_1297, %get3A_1298] {strides = array<i32>} : memref<128x128xf32, #tpu.memory_space<vmem>>, vector<1x16xf32>,
      %get3A_1300 = vector.shape_cast %get3A_1299 : vector<1x16xf32> to vector<16xf32>
      %get3A_1301 = arith.index_cast %scan3A_1239 : i32 to index
      %get3A_1302 = arith.constant 80 : index
      %get3A_1303 = tpu.vector_load %arg15[%get3A_1301, %get3A_1302] {strides = array<i32>} : memref<128x128xf32, #tpu.memory_space<vmem>>, vector<1x16xf32>,
      %get3A_1304 = vector.shape_cast %get3A_1303 : vector<1x16xf32> to vector<16xf32>
      %sub3A_1305 = arith.subf %get3A_1300, %get3A_1304 : vector<16xf32>
      %mul3A_1306 = arith.mulf %sub3A_1305, %sub3A_1305 : vector<16xf32>
      %add3A_1307 = arith.addf %add3A_1296, %mul3A_1306 : vector<16xf32>
      %get3A_1308 = arith.index_cast %scan3A_1239 : i32 to index
      %get3A_1309 = arith.constant 96 : index
      %get3A_1310 = tpu.vector_load %arg18[%get3A_1308, %get3A_1309] {strides = array<i32>} : memref<128x128xf32, #tpu.memory_space<vmem>>, vector<1x16xf32>,
      %get3A_1311 = vector.shape_cast %get3A_1310 : vector<1x16xf32> to vector<16xf32>
      %get3A_1312 = arith.index_cast %scan3A_1239 : i32 to index
      %get3A_1313 = arith.constant 96 : index
      %get3A_1314 = tpu.vector_load %arg15[%get3A_1312, %get3A_1313] {strides = array<i32>} : memref<128x128xf32, #tpu.memory_space<vmem>>, vector<1x16xf32>,
      %get3A_1315 = vector.shape_cast %get3A_1314 : vector<1x16xf32> to vector<16xf32>
      %sub3A_1316 = arith.subf %get3A_1311, %get3A_1315 : vector<16xf32>
      %mul3A_1317 = arith.mulf %sub3A_1316, %sub3A_1316 : vector<16xf32>
      %add3A_1318 = arith.addf %add3A_1307, %mul3A_1317 : vector<16xf32>
      %get3A_1319 = arith.index_cast %scan3A_1239 : i32 to index
      %get3A_1320 = arith.constant 112 : index
      %get3A_1321 = tpu.vector_load %arg18[%get3A_1319, %get3A_1320] {strides = array<i32>} : memref<128x128xf32, #tpu.memory_space<vmem>>, vector<1x16xf32>,
      %get3A_1322 = vector.shape_cast %get3A_1321 : vector<1x16xf32> to vector<16xf32>
      %get3A_1323 = arith.index_cast %scan3A_1239 : i32 to index
      %get3A_1324 = arith.constant 112 : index
      %get3A_1325 = tpu.vector_load %arg15[%get3A_1323, %get3A_1324] {strides = array<i32>} : memref<128x128xf32, #tpu.memory_space<vmem>>, vector<1x16xf32>,
      %get3A_1326 = vector.shape_cast %get3A_1325 : vector<1x16xf32> to vector<16xf32>
      %sub3A_1327 = arith.subf %get3A_1322, %get3A_1326 : vector<16xf32>
      %mul3A_1328 = arith.mulf %sub3A_1327, %sub3A_1327 : vector<16xf32>
      %add3A_1329 = arith.addf %add3A_1318, %mul3A_1328 : vector<16xf32>
      %add3A_1330 = arith.constant 256 : i32
      %add3A_1331 = arith.addi %add3A_1330, %scan3A_1239 : i32
      %mul3A_1332 = arith.constant 16 : i32
      %mul3A_1333 = arith.muli %add3A_1331, %mul3A_1332 : i32
      %get3A_1334 = arith.index_cast %mul3A_1333 : i32 to index
      %get3A_1335 = tpu.vector_load %arg11[%get3A_1334] {strides = array<i32>} : memref<8192xf32, #tpu.memory_space<vmem>>, vector<16xf32>,
      %get3A_1336 = vector.shape_cast %get3A_1335 : vector<16xf32> to vector<16xf32>
      %mul3A_1337 = arith.mulf %add3A_1329, %get3A_1336 : vector<16xf32>
      %add3A_1338 = arith.addf %add3A_1237, %mul3A_1337 : vector<16xf32>
      scf.yield %add3A_1338 : vector<16xf32>
    }
    %scan3A_1115 = arith.constant 128 : i32
    %dma_wait3A_1116 = arith.constant 3 : i32
    %dma_wait3A_1117 = arith.constant 0 : i32
    %dma_wait3A_1118 = tpu.memref_slice %arg9[%dma_wait3A_1116, %dma_wait3A_1117] : memref<4x128xi32, #tpu.memory_space<vmem>> -> memref<1x128xi32, #tpu.memory_space<vmem>>
    %dma_wait3A_1119 = tpu.memref_squeeze %dma_wait3A_1118 : memref<1x128xi32, #tpu.memory_space<vmem>> -> memref<128xi32, #tpu.memory_space<vmem>>
    %dma_wait3A_1120 = arith.constant 0 : i32
    %dma_wait3A_1121 = arith.constant 0 : i32
    %dma_wait3A_1122 = tpu.memref_slice %arg4[%dma_wait3A_1120, %dma_wait3A_1121] : memref<100000x128xf32, #tpu.memory_space<hbm>> -> memref<100000x128xf32, #tpu.memory_space<hbm>>
    tpu.wait_indirect_dma semaphore(%arg21 : memref<!tpu.dma_semaphore, #tpu.memory_space<semaphore_mem>>) src(%dma_wait3A_1122 : memref<100000x128xf32, #tpu.memory_space<hbm>>) dst(%arg13 : memref<128x128xf32, #tpu.memory_space<vmem>>)
    %dma_wait3A_1123 = arith.constant 0 : i32
    %dma_wait3A_1124 = tpu.memref_slice %arg3[%add3A_1094, %dma_wait3A_1123] : memref<16384x128xf32, #tpu.memory_space<hbm>> -> memref<128x128xf32, #tpu.memory_space<hbm>>
    %dma_wait3A_1125 = arith.constant 0 : i32
    %dma_wait3A_1126 = tpu.memref_slice %arg3[%add3A_1094, %dma_wait3A_1125] : memref<16384x128xf32, #tpu.memory_space<hbm>> -> memref<128x128xf32, #tpu.memory_space<hbm>>
    tpu.wait_dma2 semaphore(%arg24 : memref<!tpu.dma_semaphore, #tpu.memory_space<semaphore_mem>>) src(%dma_wait3A_1126 : memref<128x128xf32, #tpu.memory_space<hbm>>) dst(%arg16 : memref<128x128xf32, #tpu.memory_space<vmem>>)
    %scan3A_1127 = arith.constant 0 : i32
    %scan3A_1128 = arith.constant 128 : i32
    %scan3A_1129 = arith.addi %scan3A_1127, %scan3A_1128 : i32
    %scan3A_1130 = arith.constant 2 : i32
    %scan3A_1131 = scf.for %scan3A_1139 = %scan3A_1127 to %scan3A_1129 step %scan3A_1130 iter_args(%scan3A_1140 = %scan3A_1114) -> (vector<16xf32>)  : i32 {
      %broadcast_in_dim3A_1141 = arith.constant 0.000000e+00 : f32
      %broadcast_in_dim3A_1142 = vector.broadcast %broadcast_in_dim3A_1141 : f32 to vector<16xf32>
      %get3A = arith.index_cast %scan3A_1139 : i32 to index
      %get3A_1143 = arith.constant 0 : index
      %get3A_1144 = tpu.vector_load %arg16[%get3A, %get3A_1143] {strides = array<i32>} : memref<128x128xf32, #tpu.memory_space<vmem>>, vector<1x16xf32>,
      %get3A_1145 = vector.shape_cast %get3A_1144 : vector<1x16xf32> to vector<16xf32>
      %get3A_1146 = arith.index_cast %scan3A_1139 : i32 to index
      %get3A_1147 = arith.constant 0 : index
      %get3A_1148 = tpu.vector_load %arg13[%get3A_1146, %get3A_1147] {strides = array<i32>} : memref<128x128xf32, #tpu.memory_space<vmem>>, vector<1x16xf32>,
      %get3A_1149 = vector.shape_cast %get3A_1148 : vector<1x16xf32> to vector<16xf32>
      %sub3A = arith.subf %get3A_1145, %get3A_1149 : vector<16xf32>
      %mul3A_1150 = arith.mulf %sub3A, %sub3A : vector<16xf32>
      %add3A_1151 = arith.addf %broadcast_in_dim3A_1142, %mul3A_1150 : vector<16xf32>
      %get3A_1152 = arith.index_cast %scan3A_1139 : i32 to index
      %get3A_1153 = arith.constant 16 : index
      %get3A_1154 = tpu.vector_load %arg16[%get3A_1152, %get3A_1153] {strides = array<i32>} : memref<128x128xf32, #tpu.memory_space<vmem>>, vector<1x16xf32>,
      %get3A_1155 = vector.shape_cast %get3A_1154 : vector<1x16xf32> to vector<16xf32>
      %get3A_1156 = arith.index_cast %scan3A_1139 : i32 to index
      %get3A_1157 = arith.constant 16 : index
      %get3A_1158 = tpu.vector_load %arg13[%get3A_1156, %get3A_1157] {strides = array<i32>} : memref<128x128xf32, #tpu.memory_space<vmem>>, vector<1x16xf32>,
      %get3A_1159 = vector.shape_cast %get3A_1158 : vector<1x16xf32> to vector<16xf32>
      %sub3A_1160 = arith.subf %get3A_1155, %get3A_1159 : vector<16xf32>
      %mul3A_1161 = arith.mulf %sub3A_1160, %sub3A_1160 : vector<16xf32>
      %add3A_1162 = arith.addf %add3A_1151, %mul3A_1161 : vector<16xf32>
      %get3A_1163 = arith.index_cast %scan3A_1139 : i32 to index
      %get3A_1164 = arith.constant 32 : index
      %get3A_1165 = tpu.vector_load %arg16[%get3A_1163, %get3A_1164] {strides = array<i32>} : memref<128x128xf32, #tpu.memory_space<vmem>>, vector<1x16xf32>,
      %get3A_1166 = vector.shape_cast %get3A_1165 : vector<1x16xf32> to vector<16xf32>
      %get3A_1167 = arith.index_cast %scan3A_1139 : i32 to index
      %get3A_1168 = arith.constant 32 : index
      %get3A_1169 = tpu.vector_load %arg13[%get3A_1167, %get3A_1168] {strides = array<i32>} : memref<128x128xf32, #tpu.memory_space<vmem>>, vector<1x16xf32>,
      %get3A_1170 = vector.shape_cast %get3A_1169 : vector<1x16xf32> to vector<16xf32>
      %sub3A_1171 = arith.subf %get3A_1166, %get3A_1170 : vector<16xf32>
      %mul3A_1172 = arith.mulf %sub3A_1171, %sub3A_1171 : vector<16xf32>
      %add3A_1173 = arith.addf %add3A_1162, %mul3A_1172 : vector<16xf32>
      %get3A_1174 = arith.index_cast %scan3A_1139 : i32 to index
      %get3A_1175 = arith.constant 48 : index
      %get3A_1176 = tpu.vector_load %arg16[%get3A_1174, %get3A_1175] {strides = array<i32>} : memref<128x128xf32, #tpu.memory_space<vmem>>, vector<1x16xf32>,
      %get3A_1177 = vector.shape_cast %get3A_1176 : vector<1x16xf32> to vector<16xf32>
      %get3A_1178 = arith.index_cast %scan3A_1139 : i32 to index
      %get3A_1179 = arith.constant 48 : index
      %get3A_1180 = tpu.vector_load %arg13[%get3A_1178, %get3A_1179] {strides = array<i32>} : memref<128x128xf32, #tpu.memory_space<vmem>>, vector<1x16xf32>,
      %get3A_1181 = vector.shape_cast %get3A_1180 : vector<1x16xf32> to vector<16xf32>
      %sub3A_1182 = arith.subf %get3A_1177, %get3A_1181 : vector<16xf32>
      %mul3A_1183 = arith.mulf %sub3A_1182, %sub3A_1182 : vector<16xf32>
      %add3A_1184 = arith.addf %add3A_1173, %mul3A_1183 : vector<16xf32>
      %get3A_1185 = arith.index_cast %scan3A_1139 : i32 to index
      %get3A_1186 = arith.constant 64 : index
      %get3A_1187 = tpu.vector_load %arg16[%get3A_1185, %get3A_1186] {strides = array<i32>} : memref<128x128xf32, #tpu.memory_space<vmem>>, vector<1x16xf32>,
      %get3A_1188 = vector.shape_cast %get3A_1187 : vector<1x16xf32> to vector<16xf32>
      %get3A_1189 = arith.index_cast %scan3A_1139 : i32 to index
      %get3A_1190 = arith.constant 64 : index
      %get3A_1191 = tpu.vector_load %arg13[%get3A_1189, %get3A_1190] {strides = array<i32>} : memref<128x128xf32, #tpu.memory_space<vmem>>, vector<1x16xf32>,
      %get3A_1192 = vector.shape_cast %get3A_1191 : vector<1x16xf32> to vector<16xf32>
      %sub3A_1193 = arith.subf %get3A_1188, %get3A_1192 : vector<16xf32>
      %mul3A_1194 = arith.mulf %sub3A_1193, %sub3A_1193 : vector<16xf32>
      %add3A_1195 = arith.addf %add3A_1184, %mul3A_1194 : vector<16xf32>
      %get3A_1196 = arith.index_cast %scan3A_1139 : i32 to index
      %get3A_1197 = arith.constant 80 : index
      %get3A_1198 = tpu.vector_load %arg16[%get3A_1196, %get3A_1197] {strides = array<i32>} : memref<128x128xf32, #tpu.memory_space<vmem>>, vector<1x16xf32>,
      %get3A_1199 = vector.shape_cast %get3A_1198 : vector<1x16xf32> to vector<16xf32>
      %get3A_1200 = arith.index_cast %scan3A_1139 : i32 to index
      %get3A_1201 = arith.constant 80 : index
      %get3A_1202 = tpu.vector_load %arg13[%get3A_1200, %get3A_1201] {strides = array<i32>} : memref<128x128xf32, #tpu.memory_space<vmem>>, vector<1x16xf32>,
      %get3A_1203 = vector.shape_cast %get3A_1202 : vector<1x16xf32> to vector<16xf32>
      %sub3A_1204 = arith.subf %get3A_1199, %get3A_1203 : vector<16xf32>
      %mul3A_1205 = arith.mulf %sub3A_1204, %sub3A_1204 : vector<16xf32>
      %add3A_1206 = arith.addf %add3A_1195, %mul3A_1205 : vector<16xf32>
      %get3A_1207 = arith.index_cast %scan3A_1139 : i32 to index
      %get3A_1208 = arith.constant 96 : index
      %get3A_1209 = tpu.vector_load %arg16[%get3A_1207, %get3A_1208] {strides = array<i32>} : memref<128x128xf32, #tpu.memory_space<vmem>>, vector<1x16xf32>,
      %get3A_1210 = vector.shape_cast %get3A_1209 : vector<1x16xf32> to vector<16xf32>
      %get3A_1211 = arith.index_cast %scan3A_1139 : i32 to index
      %get3A_1212 = arith.constant 96 : index
      %get3A_1213 = tpu.vector_load %arg13[%get3A_1211, %get3A_1212] {strides = array<i32>} : memref<128x128xf32, #tpu.memory_space<vmem>>, vector<1x16xf32>,
      %get3A_1214 = vector.shape_cast %get3A_1213 : vector<1x16xf32> to vector<16xf32>
      %sub3A_1215 = arith.subf %get3A_1210, %get3A_1214 : vector<16xf32>
      %mul3A_1216 = arith.mulf %sub3A_1215, %sub3A_1215 : vector<16xf32>
      %add3A_1217 = arith.addf %add3A_1206, %mul3A_1216 : vector<16xf32>
      %get3A_1218 = arith.index_cast %scan3A_1139 : i32 to index
      %get3A_1219 = arith.constant 112 : index
      %get3A_1220 = tpu.vector_load %arg16[%get3A_1218, %get3A_1219] {strides = array<i32>} : memref<128x128xf32, #tpu.memory_space<vmem>>, vector<1x16xf32>,
      %get3A_1221 = vector.shape_cast %get3A_1220 : vector<1x16xf32> to vector<16xf32>
      %get3A_1222 = arith.index_cast %scan3A_1139 : i32 to index
      %get3A_1223 = arith.constant 112 : index
      %get3A_1224 = tpu.vector_load %arg13[%get3A_1222, %get3A_1223] {strides = array<i32>} : memref<128x128xf32, #tpu.memory_space<vmem>>, vector<1x16xf32>,
      %get3A_1225 = vector.shape_cast %get3A_1224 : vector<1x16xf32> to vector<16xf32>
      %sub3A_1226 = arith.subf %get3A_1221, %get3A_1225 : vector<16xf32>
      %mul3A_1227 = arith.mulf %sub3A_1226, %sub3A_1226 : vector<16xf32>
      %add3A_1228 = arith.addf %add3A_1217, %mul3A_1227 : vector<16xf32>
      %add3A_1229 = arith.constant 384 : i32
      %add3A_1230 = arith.addi %add3A_1229, %scan3A_1139 : i32
      %mul3A_1231 = arith.constant 16 : i32
      %mul3A_1232 = arith.muli %add3A_1230, %mul3A_1231 : i32
      %get3A_1233 = arith.index_cast %mul3A_1232 : i32 to index
      %get3A_1234 = tpu.vector_load %arg11[%get3A_1233] {strides = array<i32>} : memref<8192xf32, #tpu.memory_space<vmem>>, vector<16xf32>,
      %get3A_1235 = vector.shape_cast %get3A_1234 : vector<16xf32> to vector<16xf32>
      %mul3A_1236 = arith.mulf %add3A_1228, %get3A_1235 : vector<16xf32>
      %add3A_1237 = arith.addf %scan3A_1140, %mul3A_1236 : vector<16xf32>
      %scan3A_1238 = arith.constant 1 : i32
      %scan3A_1239 = arith.addi %scan3A_1139, %scan3A_1238 : i32
      %broadcast_in_dim3A_1240 = arith.constant 0.000000e+00 : f32
      %broadcast_in_dim3A_1241 = vector.broadcast %broadcast_in_dim3A_1240 : f32 to vector<16xf32>
      %get3A_1242 = arith.index_cast %scan3A_1239 : i32 to index
      %get3A_1243 = arith.constant 0 : index
      %get3A_1244 = tpu.vector_load %arg16[%get3A_1242, %get3A_1243] {strides = array<i32>} : memref<128x128xf32, #tpu.memory_space<vmem>>, vector<1x16xf32>,
      %get3A_1245 = vector.shape_cast %get3A_1244 : vector<1x16xf32> to vector<16xf32>
      %get3A_1246 = arith.index_cast %scan3A_1239 : i32 to index
      %get3A_1247 = arith.constant 0 : index
      %get3A_1248 = tpu.vector_load %arg13[%get3A_1246, %get3A_1247] {strides = array<i32>} : memref<128x128xf32, #tpu.memory_space<vmem>>, vector<1x16xf32>,
      %get3A_1249 = vector.shape_cast %get3A_1248 : vector<1x16xf32> to vector<16xf32>
      %sub3A_1250 = arith.subf %get3A_1245, %get3A_1249 : vector<16xf32>
      %mul3A_1251 = arith.mulf %sub3A_1250, %sub3A_1250 : vector<16xf32>
      %add3A_1252 = arith.addf %broadcast_in_dim3A_1241, %mul3A_1251 : vector<16xf32>
      %get3A_1253 = arith.index_cast %scan3A_1239 : i32 to index
      %get3A_1254 = arith.constant 16 : index
      %get3A_1255 = tpu.vector_load %arg16[%get3A_1253, %get3A_1254] {strides = array<i32>} : memref<128x128xf32, #tpu.memory_space<vmem>>, vector<1x16xf32>,
      %get3A_1256 = vector.shape_cast %get3A_1255 : vector<1x16xf32> to vector<16xf32>
      %get3A_1257 = arith.index_cast %scan3A_1239 : i32 to index
      %get3A_1258 = arith.constant 16 : index
      %get3A_1259 = tpu.vector_load %arg13[%get3A_1257, %get3A_1258] {strides = array<i32>} : memref<128x128xf32, #tpu.memory_space<vmem>>, vector<1x16xf32>,
      %get3A_1260 = vector.shape_cast %get3A_1259 : vector<1x16xf32> to vector<16xf32>
      %sub3A_1261 = arith.subf %get3A_1256, %get3A_1260 : vector<16xf32>
      %mul3A_1262 = arith.mulf %sub3A_1261, %sub3A_1261 : vector<16xf32>
      %add3A_1263 = arith.addf %add3A_1252, %mul3A_1262 : vector<16xf32>
      %get3A_1264 = arith.index_cast %scan3A_1239 : i32 to index
      %get3A_1265 = arith.constant 32 : index
      %get3A_1266 = tpu.vector_load %arg16[%get3A_1264, %get3A_1265] {strides = array<i32>} : memref<128x128xf32, #tpu.memory_space<vmem>>, vector<1x16xf32>,
      %get3A_1267 = vector.shape_cast %get3A_1266 : vector<1x16xf32> to vector<16xf32>
      %get3A_1268 = arith.index_cast %scan3A_1239 : i32 to index
      %get3A_1269 = arith.constant 32 : index
      %get3A_1270 = tpu.vector_load %arg13[%get3A_1268, %get3A_1269] {strides = array<i32>} : memref<128x128xf32, #tpu.memory_space<vmem>>, vector<1x16xf32>,
      %get3A_1271 = vector.shape_cast %get3A_1270 : vector<1x16xf32> to vector<16xf32>
      %sub3A_1272 = arith.subf %get3A_1267, %get3A_1271 : vector<16xf32>
      %mul3A_1273 = arith.mulf %sub3A_1272, %sub3A_1272 : vector<16xf32>
      %add3A_1274 = arith.addf %add3A_1263, %mul3A_1273 : vector<16xf32>
      %get3A_1275 = arith.index_cast %scan3A_1239 : i32 to index
      %get3A_1276 = arith.constant 48 : index
      %get3A_1277 = tpu.vector_load %arg16[%get3A_1275, %get3A_1276] {strides = array<i32>} : memref<128x128xf32, #tpu.memory_space<vmem>>, vector<1x16xf32>,
      %get3A_1278 = vector.shape_cast %get3A_1277 : vector<1x16xf32> to vector<16xf32>
      %get3A_1279 = arith.index_cast %scan3A_1239 : i32 to index
      %get3A_1280 = arith.constant 48 : index
      %get3A_1281 = tpu.vector_load %arg13[%get3A_1279, %get3A_1280] {strides = array<i32>} : memref<128x128xf32, #tpu.memory_space<vmem>>, vector<1x16xf32>,
      %get3A_1282 = vector.shape_cast %get3A_1281 : vector<1x16xf32> to vector<16xf32>
      %sub3A_1283 = arith.subf %get3A_1278, %get3A_1282 : vector<16xf32>
      %mul3A_1284 = arith.mulf %sub3A_1283, %sub3A_1283 : vector<16xf32>
      %add3A_1285 = arith.addf %add3A_1274, %mul3A_1284 : vector<16xf32>
      %get3A_1286 = arith.index_cast %scan3A_1239 : i32 to index
      %get3A_1287 = arith.constant 64 : index
      %get3A_1288 = tpu.vector_load %arg16[%get3A_1286, %get3A_1287] {strides = array<i32>} : memref<128x128xf32, #tpu.memory_space<vmem>>, vector<1x16xf32>,
      %get3A_1289 = vector.shape_cast %get3A_1288 : vector<1x16xf32> to vector<16xf32>
      %get3A_1290 = arith.index_cast %scan3A_1239 : i32 to index
      %get3A_1291 = arith.constant 64 : index
      %get3A_1292 = tpu.vector_load %arg13[%get3A_1290, %get3A_1291] {strides = array<i32>} : memref<128x128xf32, #tpu.memory_space<vmem>>, vector<1x16xf32>,
      %get3A_1293 = vector.shape_cast %get3A_1292 : vector<1x16xf32> to vector<16xf32>
      %sub3A_1294 = arith.subf %get3A_1289, %get3A_1293 : vector<16xf32>
      %mul3A_1295 = arith.mulf %sub3A_1294, %sub3A_1294 : vector<16xf32>
      %add3A_1296 = arith.addf %add3A_1285, %mul3A_1295 : vector<16xf32>
      %get3A_1297 = arith.index_cast %scan3A_1239 : i32 to index
      %get3A_1298 = arith.constant 80 : index
      %get3A_1299 = tpu.vector_load %arg16[%get3A_1297, %get3A_1298] {strides = array<i32>} : memref<128x128xf32, #tpu.memory_space<vmem>>, vector<1x16xf32>,
      %get3A_1300 = vector.shape_cast %get3A_1299 : vector<1x16xf32> to vector<16xf32>
      %get3A_1301 = arith.index_cast %scan3A_1239 : i32 to index
      %get3A_1302 = arith.constant 80 : index
      %get3A_1303 = tpu.vector_load %arg13[%get3A_1301, %get3A_1302] {strides = array<i32>} : memref<128x128xf32, #tpu.memory_space<vmem>>, vector<1x16xf32>,
      %get3A_1304 = vector.shape_cast %get3A_1303 : vector<1x16xf32> to vector<16xf32>
      %sub3A_1305 = arith.subf %get3A_1300, %get3A_1304 : vector<16xf32>
      %mul3A_1306 = arith.mulf %sub3A_1305, %sub3A_1305 : vector<16xf32>
      %add3A_1307 = arith.addf %add3A_1296, %mul3A_1306 : vector<16xf32>
      %get3A_1308 = arith.index_cast %scan3A_1239 : i32 to index
      %get3A_1309 = arith.constant 96 : index
      %get3A_1310 = tpu.vector_load %arg16[%get3A_1308, %get3A_1309] {strides = array<i32>} : memref<128x128xf32, #tpu.memory_space<vmem>>, vector<1x16xf32>,
      %get3A_1311 = vector.shape_cast %get3A_1310 : vector<1x16xf32> to vector<16xf32>
      %get3A_1312 = arith.index_cast %scan3A_1239 : i32 to index
      %get3A_1313 = arith.constant 96 : index
      %get3A_1314 = tpu.vector_load %arg13[%get3A_1312, %get3A_1313] {strides = array<i32>} : memref<128x128xf32, #tpu.memory_space<vmem>>, vector<1x16xf32>,
      %get3A_1315 = vector.shape_cast %get3A_1314 : vector<1x16xf32> to vector<16xf32>
      %sub3A_1316 = arith.subf %get3A_1311, %get3A_1315 : vector<16xf32>
      %mul3A_1317 = arith.mulf %sub3A_1316, %sub3A_1316 : vector<16xf32>
      %add3A_1318 = arith.addf %add3A_1307, %mul3A_1317 : vector<16xf32>
      %get3A_1319 = arith.index_cast %scan3A_1239 : i32 to index
      %get3A_1320 = arith.constant 112 : index
      %get3A_1321 = tpu.vector_load %arg16[%get3A_1319, %get3A_1320] {strides = array<i32>} : memref<128x128xf32, #tpu.memory_space<vmem>>, vector<1x16xf32>,
      %get3A_1322 = vector.shape_cast %get3A_1321 : vector<1x16xf32> to vector<16xf32>
      %get3A_1323 = arith.index_cast %scan3A_1239 : i32 to index
      %get3A_1324 = arith.constant 112 : index
      %get3A_1325 = tpu.vector_load %arg13[%get3A_1323, %get3A_1324] {strides = array<i32>} : memref<128x128xf32, #tpu.memory_space<vmem>>, vector<1x16xf32>,
      %get3A_1326 = vector.shape_cast %get3A_1325 : vector<1x16xf32> to vector<16xf32>
      %sub3A_1327 = arith.subf %get3A_1322, %get3A_1326 : vector<16xf32>
      %mul3A_1328 = arith.mulf %sub3A_1327, %sub3A_1327 : vector<16xf32>
      %add3A_1329 = arith.addf %add3A_1318, %mul3A_1328 : vector<16xf32>
      %add3A_1330 = arith.constant 384 : i32
      %add3A_1331 = arith.addi %add3A_1330, %scan3A_1239 : i32
      %mul3A_1332 = arith.constant 16 : i32
      %mul3A_1333 = arith.muli %add3A_1331, %mul3A_1332 : i32
      %get3A_1334 = arith.index_cast %mul3A_1333 : i32 to index
      %get3A_1335 = tpu.vector_load %arg11[%get3A_1334] {strides = array<i32>} : memref<8192xf32, #tpu.memory_space<vmem>>, vector<16xf32>,
      %get3A_1336 = vector.shape_cast %get3A_1335 : vector<16xf32> to vector<16xf32>
      %mul3A_1337 = arith.mulf %add3A_1329, %get3A_1336 : vector<16xf32>
      %add3A_1338 = arith.addf %add3A_1237, %mul3A_1337 : vector<16xf32>
      scf.yield %add3A_1338 : vector<16xf32>
    }
    %scan3A_1132 = arith.constant 128 : i32
    %swap3A_1133 = arith.constant 0 : index
    %swap3A_1134 = tpu.vector_load %arg12[%swap3A_1133] {strides = array<i32>} : memref<16xf32, #tpu.memory_space<vmem>>, vector<16xf32>,
    %swap3A_1135 = vector.shape_cast %swap3A_1134 : vector<16xf32> to vector<16xf32>
    %swap3A_1136 = vector.shape_cast %scan3A_1131 : vector<16xf32> to vector<16xf32>
    tpu.vector_store %arg12[%swap3A_1133], %swap3A_1136 {strides = array<i32>} : memref<16xf32, #tpu.memory_space<vmem>>, vector<16xf32>,
    %mul3A_1137 = arith.constant 16 : i32
    %mul3A_1138 = arith.muli %add3A, %mul3A_1137 : i32
    "tpu.region"() ({
      %run_scoped3A = tpu.sem_alloc : memref<!tpu.dma_semaphore, #tpu.memory_space<semaphore_mem>>
      %dma_start3A_1139 = tpu.memref_slice %arg5[%mul3A_1138] : memref<512xf32, #tpu.memory_space<hbm>> -> memref<16xf32, #tpu.memory_space<hbm>>
      %dma_start3A_1140 = tpu.memref_slice %arg5[%mul3A_1138] : memref<512xf32, #tpu.memory_space<hbm>> -> memref<16xf32, #tpu.memory_space<hbm>>
      tpu.enqueue_dma source(%arg12 : memref<16xf32, #tpu.memory_space<vmem>>) target(%dma_start3A_1140 : memref<16xf32, #tpu.memory_space<hbm>>) target_semaphore(%run_scoped3A : memref<!tpu.dma_semaphore, #tpu.memory_space<semaphore_mem>>)
      %dma_wait3A_1141 = tpu.memref_slice %arg5[%mul3A_1138] : memref<512xf32, #tpu.memory_space<hbm>> -> memref<16xf32, #tpu.memory_space<hbm>>
      %dma_wait3A_1142 = tpu.memref_slice %arg5[%mul3A_1138] : memref<512xf32, #tpu.memory_space<hbm>> -> memref<16xf32, #tpu.memory_space<hbm>>
      tpu.wait_dma2 semaphore(%run_scoped3A : memref<!tpu.dma_semaphore, #tpu.memory_space<semaphore_mem>>) src(%arg12 : memref<16xf32, #tpu.memory_space<vmem>>) dst(%dma_wait3A_1142 : memref<16xf32, #tpu.memory_space<hbm>>)
      tpu.yield
    }) : () -> ()
    "tpu.trace_stop"() : () -> ()
    return
  }
}

module attributes {stable_mosaic.version = 14 : i64} {
  func.func @_finish_body(%arg0: memref<512xf32, #tpu.memory_space<vmem>>, %arg1: memref<1x1xf32, #tpu.memory_space<smem>>) attributes {dimension_semantics = [], scalar_prefetch = 0 : i64, scratch_operands = 0 : i64, tpu.core_type = #tpu.core_type<tc>} {
    %get3A = arith.constant 0 : index
    %get3A_0 = vector.load %arg0[%get3A] : memref<512xf32, #tpu.memory_space<vmem>>, vector<512xf32>
    %reduce_sum3A = vector.shape_cast %get3A_0 : vector<512xf32> to vector<1x512xf32>
    %reduce_sum3A_1 = arith.constant dense<0.000000e+00> : vector<1xf32>
    %reduce_sum3A_2 = vector.multi_reduction <add>, %reduce_sum3A, %reduce_sum3A_1 [1] : vector<1x512xf32> to vector<1xf32>
    %reduce_sum3A_3 = vector.shape_cast %reduce_sum3A_2 : vector<1xf32> to vector<1x1xf32>
    %reduce_sum3A_4 = vector.extract %reduce_sum3A_3[0, 0] : f32 from vector<1x1xf32>
    %mul3A = arith.constant 5.000000e-01 : f32
    %mul3A_5 = arith.mulf %mul3A, %reduce_sum3A_4 : f32
    %add3A = arith.constant 9.99999997E-7 : f32
    %add3A_6 = arith.addf %reduce_sum3A_4, %add3A : f32
    %div3A = arith.divf %mul3A_5, %add3A_6 : f32
    %swap3A = arith.constant 0 : index
    %swap3A_7 = arith.constant 0 : index
    %swap3A_8 = memref.load %arg1[%swap3A, %swap3A_7] : memref<1x1xf32, #tpu.memory_space<smem>>
    memref.store %div3A, %arg1[%swap3A, %swap3A_7] : memref<1x1xf32, #tpu.memory_space<smem>>
    return
  }
}

</mosaic_0001>

<sc_bundles>
// kernel: kernel.4.cloned.1.call-start
scs
__scs_entry_jumppad:
0x0: {  	(pc) =	sbr.rel $0x88, $3  }
0x1: {  	(tag) =	ssettag $0x0;
	lr =	simm.s32 $0x1  }
0x2: {  	[smem:$0x3F9E] =	sst lr;
	_ =	strace $0xD0000000  }
0x3: {  	_ = 	snop  }
0x4: {  	_ = 	snop  }
0x5: {  	_ = 	snop  }
0x6: {  	_ = 	snop  }
0x7: {  	_ = 	snop  }
__scs_overlays_trampoline_lowered:
0x8: {  	[smem:$0x3FAD] =	sst s0  }
0x9: {  	[smem:$0x3FAE] =	sst s1  }
0xa: {  	[smem:$0x3FAF] =	sst s2  }
0xb: {  	[smem:$0x3FB0] =	sst s3  }
0xc: {  	[smem:$0x3FB1] =	sst s4  }
0xd: {  	[smem:$0x3FB2] =	sst s5  }
0xe: {  	[smem:$0x3FB3] =	sst s6  }
0xf: {  	[smem:$0x3FB4] =	sst s7  }
0x10: {  	[smem:$0x3FB5] =	sst s8  }
0x11: {  	[smem:$0x3FB6] =	sst s9;
	s0 =	simm.s32 @!p0 $0x0  }
0x12: {  	s1 =	sld [smem:$0x3F9C];
	s0 =	simm.s32 @p0 $0x1  }
0x13: {  	[smem:$0x3FB7] =	sst s0;
	s0 =	simm.s32 @!p1 $0x0  }
0x14: {  	s2 =	sld [smem:$0x3F9B];
	s0 =	simm.s32 @p1 $0x1  }
0x15: {  	[smem:$0x3FB8] =	sst s0;
	s0 =	simm.s32 @!p2 $0x0  }
0x16: {  	s3 =	sld [smem:$0x3FDB];
	s0 =	simm.s32 @p2 $0x1  }
0x17: {  	s4 =	simm.s32 $0x1BF5;
	[smem:$0x3FBA] =	sst s0  }
0x18: {  	s0 =	sld [smem:$0x3F9D];
	_ =	swait.ge [sflag:s4], $0x0  }
0x19: {  	s7 =	sld [smem:$0x3F9E]  }
0x1a: {  	s8 =	sadd.s32 $0xFFFFE003, lr  }
0x1b: {  	s9 =	sadd.s32 $0xFFFFFEF7, lr;
	s5 =	simm.s32 $0xFFFFFFFF;
	p2 =	slt.u32 s8, $0xFFFFF086  }
0x1c: {  	p1 =	slt.u32 s9, $0xF7A;
	s5 =	simm.s32 @!p2 $0x0  }
0x1d: {  	s5 =	simm.s32 @p1 $0x1;
	p0 =	seq.s32 s7, s2  }
0x1e: {  	s7 =	smul.u32 @!p0 $0xF7A, s2;
	p2 =	seq.s32 @!p0 s5, $0x0  }
0x1f: {  	s9 =	smul.u32 $0xF7A, s1;
	s8 =	simm.s32 @!p0 $0x1BF5;
	p2 =	por !p2, p0  }
0x20: {  	[sflag:s8] =	ssyncset.s32 @!p0 $0xFFFFF086;
	s6 =	sadd.s32 @!p0 s3, s7;
	s7 =	simm.s32 @!p0 $0x108  }
0x21: {  	s3 =	sadd.s32 s3, s9;
	s6 =	sadd.s32 @!p0 $0x88, s6;
	s7 =	simm.s32 @p2 $0x1082  }
0x22: {  	[simem:s7], [sflag:s8] =	dma.local @!p0 [hbm:s6], $0xF7A  }
0x23: {  	s9 =	sor.u32 $0xD0000000, s2;
	s6 =	simm.s32 $0x108;
	_ =	swait.ge @!p0 [sflag:s8], $0x0  }
0x24: {  	s3 =	sadd.s32 $0x88, s3;
	s6 =	simm.s32 @!p1 $0x1082;
	[sflag:s4] =	ssyncset.s32 $0xFFFFF086  }
0x25: {  	[simem:s6], [sflag:s4] =	dma.local [hbm:s3], $0xF7A  }
0x26: {  	[smem:$0x3F9E] =	sst s1;
	(tag) =	ssettag s2;
	_ =	strace s9  }
0x27: {  	s1 =	sld [smem:$0x3FAE]  }
0x28: {  	s2 =	sld [smem:$0x3FAF]  }
0x29: {  	s4 =	sld [smem:$0x3FB1]  }
0x2a: {  	p0 =	seq.s32 s5, $0x0;
	s5 =	sld [smem:$0x3FB2]  }
0x2b: {  	s6 =	sld [smem:$0x3FB3]  }
0x2c: {  	s7 =	sld [smem:$0x3FB4]  }
0x2d: {  	s3 =	simm.s32 $0x108;
	s8 =	sld [smem:$0x3FB5]  }
0x2e: {  	s3 =	simm.s32 @!p0 $0x1082;
	s9 =	sld [smem:$0x3FB6]  }
0x2f: {  	lr =	sadd.s32 s0, s3;
	s0 =	sld [smem:$0x3FAD]  }
0x30: {  	s3 =	sld [smem:$0x3FB0]  }
0x31: {  	[smem:$0x3FB9] =	sst s10  }
0x32: {  	s10 =	sld [smem:$0x3FB7];
	_ =	sdelay $0x3  }
0x33: {  	p0 =	seq.s32 s10, $0x1;
	s10 =	sld [smem:$0x3FB9];
	_ =	sdelay $0x3  }
0x34: {  	[smem:$0x3FB9] =	sst s10  }
0x35: {  	s10 =	sld [smem:$0x3FB8];
	_ =	sdelay $0x3  }
0x36: {  	p1 =	seq.s32 s10, $0x1;
	s10 =	sld [smem:$0x3FB9];
	_ =	sdelay $0x3  }
0x37: {  	[smem:$0x3FB9] =	sst s10  }
0x38: {  	s10 =	sld [smem:$0x3FBA]  }
0x39: {  	_ = 	snop;
	(pc) =	sbr.ind lr, $3  }
0x3a: {  	_ = 	snop  }
0x3b: {  	_ = 	snop  }
0x3c: {  	p2 =	seq.s32 s10, $0x1;
	s10 =	sld [smem:$0x3FB9]  }
0x3d: {  	_ =	shalt  }
0x3e: {  	_ =	shalt  }
0x3f: {  	_ =	shalt  }
0x40: {  	_ =	shalt  }
0x41: {  	_ =	shalt  }
0x42: {  	_ =	shalt  }
0x43: {  	_ =	shalt  }
0x44: {  	_ =	shalt  }
0x45: {  	_ =	shalt  }
0x46: {  	_ =	shalt  }
0x47: {  	_ =	shalt  }
0x48: {  	_ =	shalt  }
0x49: {  	_ =	shalt  }
0x4a: {  	_ =	shalt  }
0x4b: {  	_ =	shalt  }
0x4c: {  	_ =	shalt  }
0x4d: {  	_ =	shalt  }
0x4e: {  	_ =	shalt  }
0x4f: {  	_ =	shalt  }
0x50: {  	_ =	shalt  }
0x51: {  	_ =	shalt  }
0x52: {  	_ =	shalt  }
0x53: {  	_ =	shalt  }
0x54: {  	_ =	shalt  }
0x55: {  	_ =	shalt  }
0x56: {  	_ =	shalt  }
0x57: {  	_ =	shalt  }
0x58: {  	_ =	shalt  }
0x59: {  	_ =	shalt  }
0x5a: {  	_ =	shalt  }
0x5b: {  	_ =	shalt  }
0x5c: {  	_ =	shalt  }
0x5d: {  	_ =	shalt  }
0x5e: {  	_ =	shalt  }
0x5f: {  	_ =	shalt  }
0x60: {  	_ =	shalt  }
0x61: {  	_ =	shalt  }
0x62: {  	_ =	shalt  }
0x63: {  	_ =	shalt  }
0x64: {  	_ =	shalt  }
0x65: {  	_ =	shalt  }
0x66: {  	_ =	shalt  }
0x67: {  	_ =	shalt  }
0x68: {  	_ =	shalt  }
0x69: {  	_ =	shalt  }
0x6a: {  	_ =	shalt  }
0x6b: {  	_ =	shalt  }
0x6c: {  	_ =	shalt  }
0x6d: {  	_ =	shalt  }
0x6e: {  	_ =	shalt  }
0x6f: {  	_ =	shalt  }
0x70: {  	_ =	shalt  }
0x71: {  	_ =	shalt  }
0x72: {  	_ =	shalt  }
0x73: {  	_ =	shalt  }
0x74: {  	_ =	shalt  }
0x75: {  	_ =	shalt  }
0x76: {  	_ =	shalt  }
0x77: {  	_ =	shalt  }
0x78: {  	_ =	shalt  }
0x79: {  	_ =	shalt  }
0x7a: {  	_ =	shalt  }
0x7b: {  	_ =	shalt  }
0x7c: {  	_ =	shalt  }
0x7d: {  	_ =	shalt  }
0x7e: {  	_ =	shalt  }
0x7f: {  	_ =	shalt  }
0x80: {  	_ =	shalt  }
0x81: {  	_ =	shalt  }
0x82: {  	_ =	shalt  }
0x83: {  	_ =	shalt  }
0x84: {  	_ =	shalt  }
0x85: {  	_ =	shalt  }
0x86: {  	_ =	shalt  }
0x87: {  	_ =	shalt  }
.Lfunc_end0:
.L_simem_size_0:
called_computation_lowered:
.L_overlay_start_0:
0x88: {  	s2 =	sld [smem:$0x3FD9]  }
0x89: {  	s3 =	sld [smem:$0x3FFE];
	_ =	sdelay $0x1  }
0x8a: {  	s1 =	srdreg.scid  }
0x8b: {  	s0 =	sand.u32 $0x1, s1  }
0x8c: {  	s17 =	sshll.u32 s0, $0xA;
	s2 =	sadd.s32 s3, s2  }
0x8d: {  	s2 =	sadd.s32 s2, s17  }
0x8e: {  	[smem:$0x3FC5] =	sst s2  }
0x8f: {  	_ = 	snop  }
0x90: {  	s2 =	sld [smem:$0x3FC9]  }
0x91: {  	s18 =	sld [smem:$0x3FC8]  }
0x92: {  	s4 =	sld [smem:$0x3FC7];
	(tm) =	ssettm $0x1  }
0x93: {  	s5 =	sld [smem:$0x3FFB];
	_ =	sdelay $0x3  }
0x94: {  	_ =	strace s5  }
0x95: {  	s5 =	sld [smem:$0x3FFC];
	_ =	sdelay $0x3  }
0x96: {  	_ =	strace s5  }
0x97: {  	s5 =	sld [smem:$0x3FFD];
	_ =	sdelay $0x3  }
0x98: {  	_ =	strace s5  }
0x99: {  	_ =	strace $0x8FFFFFFF  }
0x9a: {  	s19 =	sld [smem:$0x3FDB];
	_ =	sdelay $0x1  }
0x9b: {  	s6 =	simm.s32 $_scs_section_size  }
0x9c: {  	s7 =	simm.s32 $_size__tile_overlayer_lowered;
	s8 =	simm.s32 $_tile_overlayer_lowered  }
0x9d: {  	s22 =	simm.s32 $0x1BFF;
	s21 =	sshll.u32 s8, $0x1;
	s5 =	sadd.s32 s6, s19  }
0x9e: {  	s9 =	simm.s32 $0x0;
	s20 =	sshll.u32 s7, $0x1;
	s7 =	sadd.s32 s21, s5  }
0x9f: {  	[timem:s9], [sflag:s22] =	dma.local [hbm:s7], s20  }
0xa0: {  	_ =	swait.ge [sflag:s22], s20  }
0xa1: {  	s6 =	ssub.s32 $0x0, s20;
	[sflag:s22] =	ssyncset.done $0x0  }
0xa2: {  	[sflag:s22] =	ssyncadd.s32 s6;
	_ =	sdelay $0x1  }
0xa3: {  	s23 =	simm.s32 $0x1B8B  }
0xa4: {  	_ =	swait.ge [sflag:s23], $0x1  }
0xa5: {  	[sflag:s23] =	ssyncset.done $0x0  }
0xa6: {  	s25 =	simm.s32 $0x1B8E;
	s24 =	sld [smem:$0x3FFE];
	[sflag:s23] =	ssyncadd.s32 $0xFFFFFFFF  }
0xa7: {  	s26 =	simm.s32 $execute0_lowered;
	[smem:$0x3FD2] =	sst s25  }
0xa8: {  	s7 =	sshll.u32 s26, $0x1;
	_ =	strace $0x80000046;
	[dreg:$0x1] =	wrdreg $0xFFFFFFFF  }
0xa9: {  	s28 =	simm.s32 $_size_execute0_lowered;
	s5 =	sadd.s32 s5, s7;
	[dreg:$0x0] =	wrdreg $0x0  }
0xaa: {  	s7 =	sshll.u32 s28, $0x1;
	[dreg:$0x2] =	wrdreg s5  }
0xab: {  	[dreg:$0x3] =	wrdreg s7  }
0xac: {  	[dreg:$0x4] =	wrdreg $0xC0  }
0xad: {  	_ =	task [dreg:s9], $0x5FFFF  }
0xae: {  	[dreg:$0x1] =	wrdreg $0xFFFFFFFF  }
0xaf: {  	[dreg:$0x0] =	wrdreg $0x60  }
0xb0: {  	[dreg:$0x2] =	wrdreg s2  }
0xb1: {  	[dreg:$0x3] =	wrdreg s18  }
0xb2: {  	[dreg:$0x4] =	wrdreg s4  }
0xb3: {  	[dreg:$0x5] =	wrdreg s24  }
0xb4: {  	[dreg:$0x6] =	wrdreg $0x0  }
0xb5: {  	[dreg:$0x7] =	wrdreg $0x9  }
0xb6: {  	_ =	task.clear_ibuf [dreg:s9], $0x8FFFF;
	_ =	strace $0x90000046  }
0xb7: {  	s29 =	simm.s32 $0x9;
	_ =	strace $0x8000004B  }
0xb8: {  	_ =	swait.ge [sflag:s29], $0x1  }
0xb9: {  	[sflag:s29] =	ssyncadd.s32 $0xFFFFFFFF  }
0xba: {  	_ =	strace $0x9000004B  }
0xbb: {  	_ =	sfence  }
0xbc: {  	s30 =	sld [smem:$0x0];
	_ =	sdelay $0x2  }
0xbd: {  	s31 =	sshll.u32 s1, $0xD;
	s1 =	sshrl.u32 s1, $0x2  }
0xbe: {  	s3 =	sand.u32 $0x4000, s31;
	s1 =	sadd.s32 s1, s30  }
0xbf: {  	s0 =	sor.u32 s3, s0;
	s1 =	sshll.u32 s1, $0x11  }
0xc0: {  	s0 =	sor.u32 s1, s0  }
0xc1: {  	s0 =	sadd.s32 $0x8F2B, s0  }
0xc2: {  	[sflag:s0] =	ssyncadd.remote.s32 $0x1  }
0xc3: {  	_ =	sfence.sel $0xFFFF  }
0xc4: {  	[dreg:$0x0] =	wrdreg $0xFFFFFFFF;
	(pc) =	sbr.abs _section_cstart, $3  }
0xc5: {  	[dreg:$0x1] =	wrdreg $0xFFFFFFFF  }
0xc6: {  	_ =	task.clear_ibuf [dreg:s9], $0x2FFFF;
	_ =	strace $0x9FFFFFFF  }
0xc7: {  	(tm) =	ssettm $0x7FFFFFFF  }
tec
execute0_lowered:
.L_overlay_start_1:
0x0: {  	(tag) =	ssettag $0x1  }
0x1: {  	s0 =	rddreg [dreg:$0x0]  }
0x2: {  	s2 =	rddreg [dreg:$0x1]  }
0x3: {  	s1 =	rddreg [dreg:$0x2]  }
0x4: {  	s5 =	rddreg [dreg:$0x3]  }
0x5: {  	s3 =	rddreg [dreg:$0x4]  }
0x6: {  	s6 =	srdreg.scid;
	s14 =	stileid.u32  }
0x7: {  	s4 =	simm.s32 $0x0;
	s28 =	simm.s32 $0x2200;
	s30 =	simm.s32 $0x1  }
0x8: {  	s31 =	simm.s32 $0x80;
	s6 =	sand.u32 $0x1, s6;
	s7 =	sshll.u32 s14, $0x1  }
0x9: {  	[smem:$0x7FF] =	sst s4;
	s13 =	smul.u32 $0x6200, s14;
	s7 =	sor.u32 s6, s7  }
0xa: {  	_ =	strace $0x80000047;
	s6 =	ssub.s32 $0x2, s6;
	s8 =	sshll.u32 s7, $0x1  }
0xb: {  	s22 =	sshll.u32 s7, $0x9;
	s9 =	sshrl.u32 s6, $0x1;
	s10 =	sshll.u32 s7, $0x6  }
0xc: {  	s7 =	sshll.u32 s7, $0xD;
	s5 =	sadd.s32 s8, s5;
	s11 =	sor.u32 $0x80, s22  }
0xd: {  	s6 =	ssub.s32 s6, s9;
	s23 =	sadd.s32 s0, s10;
	s10 =	sor.u32 $0x100, s22  }
0xe: {  	s8 =	sor.u32 $0x180, s22;
	s16 =	sadd.s32 s2, s7;
	[dreg:$0x6] =	wrdreg s23  }
0xf: {  	s24 =	sshrl.u32 s11, $0x3;
	s25 =	sshrl.u32 s10, $0x3;
	s12 =	sshrl.u32 s8, $0x3  }
0x10: {  	[dreg:$0xb] =	wrdreg s16;
	s9 =	sadd.s32 s0, s24;
	s26 =	sadd.s32 s0, s12  }
0x11: {  	s12 =	sshll.u32 s14, $0x7;
	s14 =	sshrl.u32 s13, $0x2;
	[dreg:$0x7] =	wrdreg s9  }
0x12: {  	s24 =	sshll.u32 s11, $0x4;
	s9 =	sadd.s32 s0, s25;
	[dreg:$0x9] =	wrdreg s26  }
0x13: {  	s15 =	sadd.s32 s14, s3;
	s25 =	sshll.u32 s10, $0x4;
	[dreg:$0x8] =	wrdreg s9  }
0x14: {  	s9 =	sadd.s32 s0, s12;
	[dreg:$0xa] =	wrdreg s15;
	s0 =	sadd.s32 s2, s24  }
0x15: {  	s29 =	simm.s32 $0x8;
	s26 =	sadd.s32 s2, s25;
	[dreg:$0x13] =	wrdreg s0  }
0x16: {  	s7 =	simm.s32 $0x7;
	s17 =	sadd.s32 $0x10, s9;
	[dreg:$0x14] =	wrdreg s26  }
0x17: {  	s8 =	sshll.u32 s8, $0x4;
	s18 =	sadd.s32 $0x20, s9;
	[dreg:$0xc] =	wrdreg s17  }
0x18: {  	s11 =	simm.s32 $0x2;
	s19 =	sadd.s32 $0x30, s9;
	[dreg:$0xd] =	wrdreg s18  }
0x19: {  	s13 =	simm.s32 $0x4;
	s20 =	sadd.s32 $0x40, s9;
	[dreg:$0xe] =	wrdreg s19  }
0x1a: {  	s14 =	simm.s32 $0x9;
	s21 =	sadd.s32 $0x50, s9;
	[dreg:$0xf] =	wrdreg s20  }
0x1b: {  	s24 =	simm.s32 $0x2080;
	s22 =	sadd.s32 $0x60, s9;
	[dreg:$0x10] =	wrdreg s21  }
0x1c: {  	s25 =	simm.s32 $0x2100;
	s23 =	sadd.s32 $0x70, s9;
	[dreg:$0x11] =	wrdreg s22  }
0x1d: {  	s12 =	simm.s32 $0x3;
	s26 =	simm.s32 $0x2180;
	[dreg:$0x12] =	wrdreg s23  }
0x1e: {  	s21 =	sadd.s32 s2, s8;
	s22 =	sadd.s32 $0x600, s5;
	s23 =	smax.u32 s6, $0x1  }
0x1f: {  	s5 =	simm.s32 $0x5;
	s6 =	simm.s32 $0x6;
	s8 =	simm.s32 $0x0  }
0x20: {  	v0 =	vimm.f32 $0.0e+00;
	v1 =	vimm.f32 $1.000000000e+00;
	s18 =	simm.s32 $0x1B00;
	s19 =	simm.s32 $0x1B80;
	s20 =	simm.s32 $0x1C00  }
.LBB2_1:
0x21: {  	s0 =	rddreg [dreg:$0x6]  }
0x22: {  	[tilespmem:s24], [sflag:$0x1] =	stream.linear.gather [hbm4b:s0+s4], $0x80, $0x38;
	[tilespmem:$0x1DD80] =	vst v63  }
0x23: {  	s15 =	rddreg [dreg:$0x7]  }
0x24: {  	[tilespmem:s25], [sflag:$0x1] =	stream.linear.gather [hbm4b:s15+s4], $0x80, $0x38;
	[tilespmem:$0x1DD80] =	vst v63  }
0x25: {  	s16 =	rddreg [dreg:$0x8]  }
0x26: {  	[tilespmem:s26], [sflag:$0x1] =	stream.linear.gather [hbm4b:s16+s4], $0x80, $0x38;
	[tilespmem:$0x1DD80] =	vst v63  }
0x27: {  	s17 =	rddreg [dreg:$0x9];
	s0 =	simm.s32 $0x1C520  }
0x28: {  	[tilespmem:s28], [sflag:$0x1] =	stream.linear.gather [hbm4b:s17+s4], $0x80, $0x38;
	[tilespmem:$0x1DD80] =	vst v63  }
0x29: {  	[tilespmem:s0+$0xFFFFFFE0] =	vst v0  }
0x2a: {  	[tilespmem:s0+$0x10] =	vst v0  }
0x2b: {  	s2 =	simm.s32 $0x0;
	[tilespmem:s0+$0x0] =	vst v0  }
.LBB2_2:
0x2c: {  	s2 =	sadd.s32 $0x4, s2  }
0x2d: {  	[tilespmem:s0+$0xFFFFFFF0] =	vst v0;
	s0 =	sadd.s32 $0x40, s0;
	p0 =	slt.u32 s2, $0x184  }
.Ltmp0:
0x2e: {  	[tilespmem:s0+$0xFFFFFFE0] =	vst v0;
	(pc) =	sbr.rel @p0 .LBB2_2-.Ltmp0, $3  }
0x2f: {  	_ =	sdelay $0x1  }
0x30: {  	[tilespmem:s0+$0x10] =	vst v0  }
0x31: {  	[tilespmem:s0+$0x0] =	vst v0  }
0x32: {  	[tilespmem:s0+$0xFFFFFFF0] =	vst v0  }
0x33: {  	[tilespmem:$0x1C80] =	vst v1  }
0x34: {  	[tilespmem:$0x1C90] =	vst v1  }
0x35: {  	[tilespmem:$0x1CA0] =	vst v1  }
0x36: {  	[tilespmem:$0x1CB0] =	vst v1  }
0x37: {  	[tilespmem:$0x1CC0] =	vst v1  }
0x38: {  	[tilespmem:$0x1CD0] =	vst v1  }
0x39: {  	[tilespmem:$0x1CE0] =	vst v1  }
0x3a: {  	[tilespmem:$0x1CF0] =	vst v1  }
0x3b: {  	[tilespmem:$0x1D00] =	vst v1  }
0x3c: {  	[tilespmem:$0x1D10] =	vst v1  }
0x3d: {  	[tilespmem:$0x1D20] =	vst v1  }
0x3e: {  	[tilespmem:$0x1D30] =	vst v1  }
0x3f: {  	[tilespmem:$0x1D40] =	vst v1  }
0x40: {  	[tilespmem:$0x1D50] =	vst v1  }
0x41: {  	[tilespmem:$0x1D60] =	vst v1  }
0x42: {  	[tilespmem:$0x1D70] =	vst v1  }
0x43: {  	[tilespmem:$0x1D80] =	vst v1  }
0x44: {  	[tilespmem:$0x1D90] =	vst v1  }
0x45: {  	[tilespmem:$0x1DA0] =	vst v1  }
0x46: {  	[tilespmem:$0x1DB0] =	vst v1  }
0x47: {  	[tilespmem:$0x1DC0] =	vst v1  }
0x48: {  	[tilespmem:$0x1DD0] =	vst v1  }
0x49: {  	[tilespmem:$0x1DE0] =	vst v1  }
0x4a: {  	[tilespmem:$0x1DF0] =	vst v1  }
0x4b: {  	[tilespmem:$0x1E00] =	vst v1  }
0x4c: {  	[tilespmem:$0x1E10] =	vst v1  }
0x4d: {  	[tilespmem:$0x1E20] =	vst v1  }
0x4e: {  	[tilespmem:$0x1E30] =	vst v1  }
0x4f: {  	[tilespmem:$0x1E40] =	vst v1  }
0x50: {  	[tilespmem:$0x1E50] =	vst v1  }
0x51: {  	[tilespmem:$0x1E60] =	vst v1  }
0x52: {  	[tilespmem:$0x1E70] =	vst v1  }
0x53: {  	[tilespmem:$0x1E80] =	vst v1  }
0x54: {  	[tilespmem:$0x1E90] =	vst v1  }
0x55: {  	[tilespmem:$0x1EA0] =	vst v1  }
0x56: {  	[tilespmem:$0x1EB0] =	vst v1  }
0x57: {  	[tilespmem:$0x1EC0] =	vst v1  }
0x58: {  	[tilespmem:$0x1ED0] =	vst v1  }
0x59: {  	[tilespmem:$0x1EE0] =	vst v1  }
0x5a: {  	[tilespmem:$0x1EF0] =	vst v1  }
0x5b: {  	[tilespmem:$0x1F00] =	vst v1  }
0x5c: {  	[tilespmem:$0x1F10] =	vst v1  }
0x5d: {  	[tilespmem:$0x1F20] =	vst v1  }
0x5e: {  	[tilespmem:$0x1F30] =	vst v1  }
0x5f: {  	[tilespmem:$0x1F40] =	vst v1  }
0x60: {  	[tilespmem:$0x1F50] =	vst v1  }
0x61: {  	[tilespmem:$0x1F60] =	vst v1  }
0x62: {  	[tilespmem:$0x1F70] =	vst v1  }
0x63: {  	[tilespmem:$0x1F80] =	vst v1  }
0x64: {  	[tilespmem:$0x1F90] =	vst v1  }
0x65: {  	[tilespmem:$0x1FA0] =	vst v1  }
0x66: {  	[tilespmem:$0x1FB0] =	vst v1  }
0x67: {  	[tilespmem:$0x1FC0] =	vst v1  }
0x68: {  	[tilespmem:$0x1FD0] =	vst v1  }
0x69: {  	[tilespmem:$0x1FE0] =	vst v1  }
0x6a: {  	[tilespmem:$0x1FF0] =	vst v1  }
0x6b: {  	[tilespmem:$0x2000] =	vst v1  }
0x6c: {  	[tilespmem:$0x2010] =	vst v1  }
0x6d: {  	[tilespmem:$0x2020] =	vst v1  }
0x6e: {  	[tilespmem:$0x2030] =	vst v1  }
0x6f: {  	[tilespmem:$0x2040] =	vst v1  }
0x70: {  	[tilespmem:$0x2050] =	vst v1  }
0x71: {  	[tilespmem:$0x2060] =	vst v1  }
0x72: {  	s16 =	rddreg [dreg:$0xa];
	s2 =	simm.s32 $0x1C500;
	[tilespmem:$0x2070] =	vst v1  }
0x73: {  	[spmem:s16] =	stream.linear.scatter [tilespmem:s2], [sflag:$0x8], $0x1880, $0x38;
	[tilespmem:$0x1DD80] =	vst v63  }
0x74: {  	_ =	swait.ge [sflag:s30], $0x80  }
0x75: {  	[sflag:s30] =	ssyncset.done $0x0  }
0x76: {  	[sflag:s30] =	ssyncadd.s32 $0xFFFFFF80  }
0x77: {  	_ =	swait.ge [sflag:s30], $0x80  }
0x78: {  	[sflag:s30] =	ssyncset.done $0x0  }
0x79: {  	[sflag:s30] =	ssyncadd.s32 $0xFFFFFF80  }
0x7a: {  	_ =	swait.ge [sflag:s30], $0x80  }
0x7b: {  	[sflag:s30] =	ssyncset.done $0x0  }
0x7c: {  	[sflag:s30] =	ssyncadd.s32 $0xFFFFFF80  }
0x7d: {  	_ =	swait.ge [sflag:s30], $0x80  }
0x7e: {  	[sflag:s30] =	ssyncset.done $0x0  }
0x7f: {  	s17 =	simm.s32 $0x4500;
	[sflag:s30] =	ssyncadd.s32 $0xFFFFFF80  }
0x80: {  	[tilespmem:s17], [sflag:$0x2] =	stream.indirect.gather [hbm4b:s1+s31], $0x80, s24, s31, $0xb8;
	[tilespmem:$0x1DD80] =	vst v63  }
0x81: {  	s10 =	simm.s32 $0x10500;
	s2 =	rddreg [dreg:$0xb]  }
0x82: {  	[tilespmem:s10], [sflag:$0x5] =	stream.linear.gather [hbm4b:s2+s4], $0x4000, $0x38;
	[tilespmem:$0x1DD80] =	vst v63  }
0x83: {  	s2 =	simm.s32 $0x1880;
	_ =	strace $0x80000048  }
0x84: {  	[tilespmem:s2], [sflag:$0x1] =	stream.linear.gather [hbm4b:s9+s4], $0x80, $0x200038;
	[tilespmem:$0x1DD80] =	vst v63  }
0x85: {  	s10 =	simm.s32 $0x1900;
	s15 =	rddreg [dreg:$0xc]  }
0x86: {  	[tilespmem:s10], [sflag:$0x1] =	stream.linear.gather [hbm4b:s15+s4], $0x80, $0x200038;
	[tilespmem:$0x1DD80] =	vst v63  }
0x87: {  	s16 =	rddreg [dreg:$0xd];
	s15 =	simm.s32 $0x1980  }
0x88: {  	[tilespmem:s15], [sflag:$0x1] =	stream.linear.gather [hbm4b:s16+s4], $0x80, $0x200038;
	[tilespmem:$0x1DD80] =	vst v63  }
0x89: {  	s17 =	rddreg [dreg:$0xe];
	s16 =	simm.s32 $0x1A00  }
0x8a: {  	[tilespmem:s16], [sflag:$0x1] =	stream.linear.gather [hbm4b:s17+s4], $0x80, $0x200038;
	[tilespmem:$0x1DD80] =	vst v63  }
0x8b: {  	s0 =	rddreg [dreg:$0xf];
	s17 =	simm.s32 $0x1A80  }
0x8c: {  	[tilespmem:s17], [sflag:$0x1] =	stream.linear.gather [hbm4b:s0+s4], $0x80, $0x200038;
	[tilespmem:$0x1DD80] =	vst v63  }
0x8d: {  	s0 =	rddreg [dreg:$0x10]  }
0x8e: {  	[tilespmem:s18], [sflag:$0x1] =	stream.linear.gather [hbm4b:s0+s4], $0x80, $0x200038;
	[tilespmem:$0x1DD80] =	vst v63  }
0x8f: {  	s0 =	rddreg [dreg:$0x11]  }
0x90: {  	[tilespmem:s19], [sflag:$0x1] =	stream.linear.gather [hbm4b:s0+s4], $0x80, $0x200038;
	[tilespmem:$0x1DD80] =	vst v63  }
0x91: {  	s0 =	rddreg [dreg:$0x12]  }
0x92: {  	[tilespmem:s20], [sflag:$0x1] =	stream.linear.gather [hbm4b:s0+s4], $0x80, $0x200038;
	[tilespmem:$0x1DD80] =	vst v63  }
0x93: {  	_ =	swait.ge [sflag:s30], $0x80  }
0x94: {  	[sflag:s30] =	ssyncset.done $0x0  }
0x95: {  	[sflag:s30] =	ssyncadd.s32 $0xFFFFFF80  }
0x96: {  	_ =	swait.ge [sflag:s30], $0x80  }
0x97: {  	[sflag:s30] =	ssyncset.done $0x0  }
0x98: {  	[sflag:s30] =	ssyncadd.s32 $0xFFFFFF80  }
0x99: {  	_ =	swait.ge [sflag:s30], $0x80  }
0x9a: {  	[sflag:s30] =	ssyncset.done $0x0  }
0x9b: {  	[sflag:s30] =	ssyncadd.s32 $0xFFFFFF80  }
0x9c: {  	_ =	swait.ge [sflag:s30], $0x80  }
0x9d: {  	[sflag:s30] =	ssyncset.done $0x0  }
0x9e: {  	[sflag:s30] =	ssyncadd.s32 $0xFFFFFF80  }
0x9f: {  	_ =	swait.ge [sflag:s30], $0x80  }
0xa0: {  	[sflag:s30] =	ssyncset.done $0x0  }
0xa1: {  	[sflag:s30] =	ssyncadd.s32 $0xFFFFFF80  }
0xa2: {  	_ =	swait.ge [sflag:s30], $0x80  }
0xa3: {  	[sflag:s30] =	ssyncset.done $0x0  }
0xa4: {  	[sflag:s30] =	ssyncadd.s32 $0xFFFFFF80  }
0xa5: {  	_ =	swait.ge [sflag:s30], $0x80  }
0xa6: {  	[sflag:s30] =	ssyncset.done $0x0  }
0xa7: {  	[sflag:s30] =	ssyncadd.s32 $0xFFFFFF80  }
0xa8: {  	_ =	swait.ge [sflag:s30], $0x80  }
0xa9: {  	[sflag:s30] =	ssyncset.done $0x0  }
0xaa: {  	[sflag:s30] =	ssyncadd.s32 $0xFFFFFF80  }
0xab: {  	_ =	swait.ge [sflag:s29], $0x1880  }
0xac: {  	[sflag:s29] =	ssyncset.done $0x0  }
0xad: {  	[sflag:s29] =	ssyncadd.s32 $0xFFFFE780  }
0xae: {  	s0 =	simm.s32 $0x1C80;
	[bflag:$0x0] =	sbarrier.arrive $0xFFFF  }
0xaf: {  	[spmem:s3] =	stream.indirect.scatter.add.f32 [tilespmem:s0], [sflag:$0x1], $0x1, s2, s31, $0x2000b8;
	[tilespmem:$0x1DD80] =	vst v63  }
0xb0: {  	s2 =	simm.s32 $0x1D00  }
0xb1: {  	[spmem:s3] =	stream.indirect.scatter.add.f32 [tilespmem:s2], [sflag:$0x1], $0x1, s10, s31, $0x2000b8;
	[tilespmem:$0x1DD80] =	vst v63  }
0xb2: {  	s2 =	simm.s32 $0x1D80  }
0xb3: {  	[spmem:s3] =	stream.indirect.scatter.add.f32 [tilespmem:s2], [sflag:$0x1], $0x1, s15, s31, $0x2000b8;
	[tilespmem:$0x1DD80] =	vst v63  }
0xb4: {  	s10 =	simm.s32 $0x1E00  }
0xb5: {  	[spmem:s3] =	stream.indirect.scatter.add.f32 [tilespmem:s10], [sflag:$0x1], $0x1, s16, s31, $0x2000b8;
	[tilespmem:$0x1DD80] =	vst v63  }
0xb6: {  	s15 =	simm.s32 $0x1E80  }
0xb7: {  	[spmem:s3] =	stream.indirect.scatter.add.f32 [tilespmem:s15], [sflag:$0x1], $0x1, s17, s31, $0x2000b8;
	[tilespmem:$0x1DD80] =	vst v63  }
0xb8: {  	s16 =	simm.s32 $0x1F00  }
0xb9: {  	[spmem:s3] =	stream.indirect.scatter.add.f32 [tilespmem:s16], [sflag:$0x1], $0x1, s18, s31, $0x2000b8;
	[tilespmem:$0x1DD80] =	vst v63  }
0xba: {  	s17 =	simm.s32 $0x1F80  }
0xbb: {  	[spmem:s3] =	stream.indirect.scatter.add.f32 [tilespmem:s17], [sflag:$0x1], $0x1, s19, s31, $0x2000b8;
	[tilespmem:$0x1DD80] =	vst v63  }
0xbc: {  	s2 =	simm.s32 $0x2000  }
0xbd: {  	[spmem:s3] =	stream.indirect.scatter.add.f32 [tilespmem:s2], [sflag:$0x1], $0x1, s20, s31, $0x2000b8;
	[tilespmem:$0x1DD80] =	vst v63  }
0xbe: {  	_ =	swait.ge [sflag:s30], $0x80  }
0xbf: {  	[sflag:s30] =	ssyncset.done $0x0  }
0xc0: {  	[sflag:s30] =	ssyncadd.s32 $0xFFFFFF80  }
0xc1: {  	_ =	swait.ge [sflag:s30], $0x80  }
0xc2: {  	[sflag:s30] =	ssyncset.done $0x0  }
0xc3: {  	[sflag:s30] =	ssyncadd.s32 $0xFFFFFF80  }
0xc4: {  	_ =	swait.ge [sflag:s30], $0x80  }
0xc5: {  	[sflag:s30] =	ssyncset.done $0x0  }
0xc6: {  	[sflag:s30] =	ssyncadd.s32 $0xFFFFFF80  }
0xc7: {  	_ =	swait.ge [sflag:s30], $0x80  }
0xc8: {  	[sflag:s30] =	ssyncset.done $0x0  }
0xc9: {  	[sflag:s30] =	ssyncadd.s32 $0xFFFFFF80  }
0xca: {  	_ =	swait.ge [sflag:s30], $0x80  }
0xcb: {  	[sflag:s30] =	ssyncset.done $0x0  }
0xcc: {  	[sflag:s30] =	ssyncadd.s32 $0xFFFFFF80  }
0xcd: {  	_ =	swait.ge [sflag:s30], $0x80  }
0xce: {  	[sflag:s30] =	ssyncset.done $0x0  }
0xcf: {  	[sflag:s30] =	ssyncadd.s32 $0xFFFFFF80  }
0xd0: {  	_ =	swait.ge [sflag:s30], $0x80  }
0xd1: {  	[sflag:s30] =	ssyncset.done $0x0  }
0xd2: {  	[sflag:s30] =	ssyncadd.s32 $0xFFFFFF80  }
0xd3: {  	_ =	swait.ge [sflag:s30], $0x80  }
0xd4: {  	[sflag:s30] =	ssyncset.done $0x0  }
0xd5: {  	[sflag:s30] =	ssyncadd.s32 $0xFFFFFF80  }
0xd6: {  	[bflag:$0x0] =	sbarrier.arrive $0xFFFF  }
0xd7: {  	_ =	strace $0x90000048  }
0xd8: {  	s10 =	simm.s32 $0x2280;
	_ =	strace $0x80000049  }
0xd9: {  	[tilespmem:s10], [sflag:$0x1] =	stream.indirect.gather [spmem:s3], $0x1, s24, s31, $0x2000b8;
	[tilespmem:$0x1DD80] =	vst v63  }
0xda: {  	s15 =	simm.s32 $0x2300  }
0xdb: {  	[tilespmem:s15], [sflag:$0x1] =	stream.indirect.gather [spmem:s3], $0x1, s25, s31, $0x2000b8;
	[tilespmem:$0x1DD80] =	vst v63  }
0xdc: {  	s16 =	simm.s32 $0x2380  }
0xdd: {  	[tilespmem:s16], [sflag:$0x1] =	stream.indirect.gather [spmem:s3], $0x1, s26, s31, $0x2000b8;
	[tilespmem:$0x1DD80] =	vst v63  }
0xde: {  	s17 =	simm.s32 $0x2400  }
0xdf: {  	[tilespmem:s17], [sflag:$0x1] =	stream.indirect.gather [spmem:s3], $0x1, s28, s31, $0x2000b8;
	[tilespmem:$0x1DD80] =	vst v63  }
0xe0: {  	_ =	swait.ge [sflag:s30], $0x80  }
0xe1: {  	[sflag:s30] =	ssyncset.done $0x0  }
0xe2: {  	[sflag:s30] =	ssyncadd.s32 $0xFFFFFF80  }
0xe3: {  	_ =	swait.ge [sflag:s30], $0x80  }
0xe4: {  	[sflag:s30] =	ssyncset.done $0x0  }
0xe5: {  	[sflag:s30] =	ssyncadd.s32 $0xFFFFFF80  }
0xe6: {  	_ =	swait.ge [sflag:s30], $0x80  }
0xe7: {  	[sflag:s30] =	ssyncset.done $0x0  }
0xe8: {  	[sflag:s30] =	ssyncadd.s32 $0xFFFFFF80  }
0xe9: {  	_ =	swait.ge [sflag:s30], $0x80  }
0xea: {  	[sflag:s30] =	ssyncset.done $0x0  }
0xeb: {  	s0 =	simm.s32 $0x2580;
	s16 =	simm.s32 $0x2290;
	[sflag:s30] =	ssyncadd.s32 $0xFFFFFF80  }
0xec: {  	s2 =	simm.s32 $0x2580;
	s15 =	simm.s32 $0x2290;
	s17 =	simm.s32 $0x0;
	v2 =	vld [tilespmem:s16+$0xFFFFFFF0]  }
.LBB2_4:
0xed: {  	_ =	sdelay $0x2  }
0xee: {  	s17 =	sadd.s32 $0x2, s17;
	s16 =	sadd.s32 $0x20, s16;
	s2 =	sadd.s32 $0x200, s2  }
0xef: {  	p0 =	slt.u32 s17, $0x1E;
	v2 =	vadd.f32 $1.000000000e+00, v2;
	_ =	sdelay $0x1  }
0xf0: {  	(erf) = vrcp.f32 v2;
	_ =	sdelay $0x8  }
0xf1: {  	v2 =	vpop (erf)  }
0xf2: {  	v3 =	vbroadcast v2, $0x0;
	v4 =	vbroadcast v2, $0xF  }
0xf3: {  	v5 =	vbroadcast v2, $0x2;
	v6 =	vbroadcast v2, $0xB  }
0xf4: {  	v7 =	vbroadcast v2, $0x3;
	[tilespmem:s0+$0xFFFFFF00] =	vst v3;
	v3 =	vbroadcast v2, $0x1  }
0xf5: {  	v8 =	vbroadcast v2, $0x4;
	v9 =	vbroadcast v2, $0x7;
	[tilespmem:s0+$0xFFFFFFF0] =	vst v4  }
0xf6: {  	v4 =	vbroadcast v2, $0x9;
	[tilespmem:s0+$0xFFFFFF20] =	vst v5;
	v5 =	vbroadcast v2, $0xC  }
0xf7: {  	v10 =	vbroadcast v2, $0x5;
	v11 =	vbroadcast v2, $0x6;
	[tilespmem:s0+$0xFFFFFFB0] =	vst v6  }
0xf8: {  	v6 =	vbroadcast v2, $0xD;
	[tilespmem:s0+$0xFFFFFF10] =	vst v3;
	v3 =	vbroadcast v2, $0xA  }
0xf9: {  	[tilespmem:s0+$0xFFFFFF30] =	vst v7;
	v7 =	vbroadcast v2, $0x8;
	v2 =	vbroadcast v2, $0xE  }
0xfa: {  	[tilespmem:s0+$0xFFFFFF50] =	vst v10  }
0xfb: {  	[tilespmem:s0+$0xFFFFFF90] =	vst v4  }
0xfc: {  	[tilespmem:s0+$0xFFFFFF80] =	vst v7  }
0xfd: {  	[tilespmem:s0+$0xFFFFFFC0] =	vst v5  }
0xfe: {  	[tilespmem:s0+$0xFFFFFF70] =	vst v9  }
0xff: {  	[tilespmem:s0+$0xFFFFFF40] =	vst v8  }
0x100: {  	[tilespmem:s0+$0xFFFFFF60] =	vst v11  }
0x101: {  	[tilespmem:s0+$0xFFFFFFD0] =	vst v6  }
0x102: {  	[tilespmem:s0+$0xFFFFFFA0] =	vst v3  }
0x103: {  	[tilespmem:s0+$0xFFFFFFE0] =	vst v2  }
0x104: {  	v2 =	vld [tilespmem:s15+$0x0];
	s15 =	smov.u32 s16;
	_ =	sdelay $0x4  }
0x105: {  	v2 =	vadd.f32 $1.000000000e+00, v2;
	_ =	sdelay $0x1  }
0x106: {  	(erf) = vrcp.f32 v2;
	_ =	sdelay $0x8  }
0x107: {  	v2 =	vpop (erf)  }
0x108: {  	v3 =	vbroadcast v2, $0x0;
	v4 =	vbroadcast v2, $0x1  }
0x109: {  	v5 =	vbroadcast v2, $0x2;
	v6 =	vbroadcast v2, $0x3  }
0x10a: {  	v7 =	vbroadcast v2, $0x5;
	[tilespmem:s0+$0x0] =	vst v3;
	v3 =	vbroadcast v2, $0x4  }
0x10b: {  	v8 =	vbroadcast v2, $0x7;
	[tilespmem:s0+$0x20] =	vst v5;
	v5 =	vbroadcast v2, $0x6  }
0x10c: {  	v9 =	vbroadcast v2, $0x9;
	[tilespmem:s0+$0x50] =	vst v7;
	v7 =	vbroadcast v2, $0x8  }
0x10d: {  	v10 =	vbroadcast v2, $0xB;
	[tilespmem:s0+$0x10] =	vst v4;
	v4 =	vbroadcast v2, $0xA  }
0x10e: {  	v11 =	vbroadcast v2, $0xD;
	[tilespmem:s0+$0x40] =	vst v3;
	v3 =	vbroadcast v2, $0xC  }
0x10f: {  	[tilespmem:s0+$0x30] =	vst v6;
	v6 =	vbroadcast v2, $0xE;
	v2 =	vbroadcast v2, $0xF  }
0x110: {  	[tilespmem:s0+$0x90] =	vst v9  }
0x111: {  	[tilespmem:s0+$0xF0] =	vst v2  }
0x112: {  	[tilespmem:s0+$0x70] =	vst v8  }
0x113: {  	[tilespmem:s0+$0xE0] =	vst v6  }
0x114: {  	[tilespmem:s0+$0xB0] =	vst v10  }
0x115: {  	[tilespmem:s0+$0xD0] =	vst v11  }
.Ltmp1:
0x116: {  	[tilespmem:s0+$0x80] =	vst v7;
	(pc) =	sbr.rel @p0 .LBB2_4-.Ltmp1, $4  }
0x117: {  	[tilespmem:s0+$0xC0] =	vst v3  }
0x118: {  	[tilespmem:s0+$0x60] =	vst v5  }
0x119: {  	[tilespmem:s0+$0xA0] =	vst v4;
	s0 =	smov.u32 s2  }
0x11a: {  	v2 =	vld [tilespmem:s16+$0xFFFFFFF0]  }
0x11b: {  	_ =	sdelay $0x3  }
0x11c: {  	v2 =	vadd.f32 $1.000000000e+00, v2;
	_ =	sdelay $0x1  }
0x11d: {  	(erf) = vrcp.f32 v2;
	_ =	sdelay $0x8  }
0x11e: {  	v2 =	vpop (erf)  }
0x11f: {  	v3 =	vbroadcast v2, $0x0  }
0x120: {  	v4 =	vbroadcast v2, $0xF  }
0x121: {  	v5 =	vbroadcast v2, $0x2;
	[tilespmem:s0+$0xFFFFFF00] =	vst v3  }
0x122: {  	v3 =	vbroadcast v2, $0xB;
	[tilespmem:s0+$0xFFFFFFF0] =	vst v4  }
0x123: {  	v4 =	vbroadcast v2, $0x1;
	[tilespmem:s0+$0xFFFFFF20] =	vst v5  }
0x124: {  	v5 =	vbroadcast v2, $0x3;
	[tilespmem:s0+$0xFFFFFFB0] =	vst v3  }
0x125: {  	v3 =	vbroadcast v2, $0x5;
	[tilespmem:s0+$0xFFFFFF10] =	vst v4  }
0x126: {  	v4 =	vbroadcast v2, $0x9;
	[tilespmem:s0+$0xFFFFFF30] =	vst v5  }
0x127: {  	v5 =	vbroadcast v2, $0x8;
	[tilespmem:s0+$0xFFFFFF50] =	vst v3  }
0x128: {  	v3 =	vbroadcast v2, $0xC;
	[tilespmem:s0+$0xFFFFFF90] =	vst v4  }
0x129: {  	v4 =	vbroadcast v2, $0x7;
	[tilespmem:s0+$0xFFFFFF80] =	vst v5  }
0x12a: {  	v5 =	vbroadcast v2, $0x4;
	[tilespmem:s0+$0xFFFFFFC0] =	vst v3  }
0x12b: {  	v3 =	vbroadcast v2, $0x6;
	[tilespmem:s0+$0xFFFFFF70] =	vst v4  }
0x12c: {  	v4 =	vbroadcast v2, $0xD;
	[tilespmem:s0+$0xFFFFFF40] =	vst v5  }
0x12d: {  	v5 =	vbroadcast v2, $0xA;
	[tilespmem:s0+$0xFFFFFF60] =	vst v3  }
0x12e: {  	v2 =	vbroadcast v2, $0xE;
	[tilespmem:s0+$0xFFFFFFD0] =	vst v4  }
0x12f: {  	[tilespmem:s0+$0xFFFFFFA0] =	vst v5  }
0x130: {  	[tilespmem:s0+$0xFFFFFFE0] =	vst v2  }
0x131: {  	v2 =	vld [tilespmem:s15+$0x0];
	_ =	sdelay $0x4  }
0x132: {  	v2 =	vadd.f32 $1.000000000e+00, v2;
	_ =	sdelay $0x1  }
0x133: {  	(erf) = vrcp.f32 v2;
	_ =	sdelay $0x8  }
0x134: {  	v2 =	vpop (erf)  }
0x135: {  	v3 =	vbroadcast v2, $0x0  }
0x136: {  	v4 =	vbroadcast v2, $0x2  }
0x137: {  	v5 =	vbroadcast v2, $0x1;
	[tilespmem:s0+$0x0] =	vst v3  }
0x138: {  	v3 =	vbroadcast v2, $0x5;
	[tilespmem:s0+$0x20] =	vst v4  }
0x139: {  	v4 =	vbroadcast v2, $0x4;
	[tilespmem:s0+$0x10] =	vst v5  }
0x13a: {  	v5 =	vbroadcast v2, $0x9;
	[tilespmem:s0+$0x50] =	vst v3  }
0x13b: {  	v3 =	vbroadcast v2, $0x3;
	[tilespmem:s0+$0x40] =	vst v4  }
0x13c: {  	v4 =	vbroadcast v2, $0x7;
	[tilespmem:s0+$0x90] =	vst v5  }
0x13d: {  	v5 =	vbroadcast v2, $0xE;
	[tilespmem:s0+$0x30] =	vst v3  }
0x13e: {  	v3 =	vbroadcast v2, $0xF;
	[tilespmem:s0+$0x70] =	vst v4  }
0x13f: {  	v4 =	vbroadcast v2, $0xD;
	[tilespmem:s0+$0xE0] =	vst v5  }
0x140: {  	v5 =	vbroadcast v2, $0x8;
	[tilespmem:s0+$0xF0] =	vst v3  }
0x141: {  	v3 =	vbroadcast v2, $0xB;
	[tilespmem:s0+$0xD0] =	vst v4  }
0x142: {  	v4 =	vbroadcast v2, $0x6;
	[tilespmem:s0+$0x80] =	vst v5  }
0x143: {  	[tilespmem:s0+$0xB0] =	vst v3;
	v3 =	vbroadcast v2, $0xC  }
0x144: {  	v2 =	vbroadcast v2, $0xA;
	[tilespmem:s0+$0x60] =	vst v4  }
0x145: {  	[tilespmem:s0+$0xC0] =	vst v3  }
0x146: {  	[tilespmem:s0+$0xA0] =	vst v2  }
0x147: {  	_ =	strace $0x90000049  }
0x148: {  	s15 =	simm.s32 $0x8500;
	_ =	strace $0x8000004A  }
0x149: {  	[tilespmem:s15], [sflag:$0x3] =	stream.indirect.gather [hbm4b:s1+s31], $0x80, s25, s31, $0x2000b8;
	[tilespmem:$0x1DD80] =	vst v63  }
0x14a: {  	s2 =	simm.s32 $0x14500;
	s16 =	rddreg [dreg:$0x13]  }
0x14b: {  	[tilespmem:s2], [sflag:$0x6] =	stream.linear.gather [hbm4b:s16+s4], $0x4000, $0x200038;
	[tilespmem:$0x1DD80] =	vst v63  }
0x14c: {  	_ =	swait.ge [sflag:s11], $0x4000  }
0x14d: {  	[sflag:s11] =	ssyncset.done $0x0  }
0x14e: {  	[sflag:s11] =	ssyncadd.s32 $0xFFFFC000  }
0x14f: {  	_ =	swait.ge [sflag:s5], $0x4000  }
0x150: {  	[sflag:s5] =	ssyncset.done $0x0  }
0x151: {  	s17 =	simm.s32 $0x10580;
	[sflag:s5] =	ssyncadd.s32 $0xFFFFC000  }
0x152: {  	s0 =	simm.s32 $0x4580;
	v2 =	vld [tilespmem:s17+$0xFFFFFFF0]  }
0x153: {  	v4 =	vld [tilespmem:s0+$0xFFFFFFF0]  }
0x154: {  	v5 =	vld [tilespmem:s17+$0xFFFFFFE0]  }
0x155: {  	v6 =	vld [tilespmem:s0+$0xFFFFFFE0]  }
0x156: {  	v8 =	vld [tilespmem:s17+$0xFFFFFFD0]  }
0x157: {  	v10 =	vld [tilespmem:s0+$0xFFFFFFD0]  }
0x158: {  	v7 =	vld [tilespmem:s17+$0xFFFFFFC0]  }
0x159: {  	v9 =	vld [tilespmem:s0+$0xFFFFFFC0]  }
0x15a: {  	v11 =	vld [tilespmem:s17+$0xFFFFFFB0]  }
0x15b: {  	v12 =	vld [tilespmem:s0+$0xFFFFFFB0]  }
0x15c: {  	v13 =	vld [tilespmem:s17+$0x20]  }
0x15d: {  	v14 =	vld [tilespmem:s17+$0xFFFFFFA0]  }
0x15e: {  	v15 =	vld [tilespmem:s0+$0xFFFFFFA0]  }
0x15f: {  	v16 =	vld [tilespmem:s17+$0x0]  }
0x160: {  	v17 =	vld [tilespmem:s0+$0x0]  }
0x161: {  	v3 =	vld [tilespmem:s17+$0xFFFFFF80]  }
0x162: {  	v18 =	vld [tilespmem:s0+$0xFFFFFF80]  }
0x163: {  	v19 =	vld [tilespmem:s17+$0xFFFFFF90]  }
0x164: {  	v20 =	vld [tilespmem:s0+$0xFFFFFF90]  }
0x165: {  	v21 =	vld [tilespmem:s17+$0x10]  }
0x166: {  	v22 =	vld [tilespmem:s0+$0x10]  }
0x167: {  	v23 =	vld [tilespmem:s0+$0x20]  }
0x168: {  	v24 =	vld [tilespmem:s17+$0x30]  }
0x169: {  	v60 =	vld [tilespmem:s0+$0x30];
	v18 =	vsub.f32 v3, v18;
	v19 =	vsub.f32 v19, v20  }
0x16a: {  	v61 =	vld [tilespmem:s0+$0x40];
	v3 =	vimm.f32 $0.0e+00;
	v14 =	vsub.f32 v14, v15;
	v15 =	vsub.f32 v16, v17  }
0x16b: {  	v16 =	vld [tilespmem:s17+$0x40];
	v17 =	vmul.f32 v18, v18;
	v18 =	vmul.f32 v19, v19;
	v19 =	vsub.f32 v21, v22  }
0x16c: {  	v62 =	vld [tilespmem:s17+$0x50];
	v11 =	vsub.f32 v11, v12;
	v12 =	vsub.f32 v13, v23;
	v14 =	vmul.f32 v14, v14  }
0x16d: {  	v15 =	vmul.f32 v15, v15;
	v13 =	vadd.f32 v18, v17;
	v17 =	vmul.f32 v19, v19;
	v18 =	vld [tilespmem:s0+$0x50]  }
0x16e: {  	v20 =	vsub.f32 v24, v60;
	v11 =	vmul.f32 v11, v11;
	v19 =	vsub.f32 v7, v9;
	v7 =	vld [tilespmem:s17+$0x60]  }
0x16f: {  	v12 =	vmul.f32 v12, v12;
	v9 =	vld [tilespmem:s0+$0x60];
	v13 =	vadd.f32 v14, v13;
	v14 =	vadd.f32 v17, v15  }
0x170: {  	v20 =	vmul.f32 v20, v20;
	v16 =	vsub.f32 v16, v61;
	v17 =	vsub.f32 v8, v10;
	v8 =	vld [tilespmem:s17+$0x70]  }
0x171: {  	s2 =	simm.s32 $0x2490;
	v15 =	vmul.f32 v19, v19;
	v10 =	vld [tilespmem:s0+$0x70];
	v19 =	vadd.f32 v11, v13;
	v63 =	vadd.f32 v12, v14  }
0x172: {  	v16 =	vmul.f32 v16, v16;
	v13 =	vsub.f32 v5, v6;
	v5 =	vld [tilespmem:s2+$0x0];
	v12 =	vsub.f32 v62, v18  }
0x173: {  	s15 =	simm.s32 $0x0;
	s16 =	simm.s32 $0x10680;
	v11 =	vmul.f32 v17, v17;
	v6 =	vld [tilespmem:s2+$0xFFFFFFF0];
	v14 =	vadd.f32 v15, v19;
	v15 =	vadd.f32 v20, v63  }
.LBB2_6:
0x174: {  	v13 =	vmul.f32 v13, v13;
	v17 =	vsub.f32 v2, v4;
	v2 =	vld [tilespmem:s16+$0xFFFFFFF0];
	v7 =	vsub.f32 v7, v9;
	s0 =	sadd.s32 $0x100, s0  }
0x175: {  	v12 =	vmul.f32 v12, v12;
	v4 =	vld [tilespmem:s0+$0xFFFFFFF0];
	v9 =	vadd.f32 v11, v14;
	v11 =	vadd.f32 v16, v15  }
0x176: {  	v14 =	vld [tilespmem:s16+$0xFFFFFFE0];
	v15 =	vmul.f32 v17, v17;
	v8 =	vsub.f32 v8, v10  }
0x177: {  	v7 =	vmul.f32 v7, v7;
	v16 =	vld [tilespmem:s0+$0xFFFFFFE0];
	v9 =	vadd.f32 v13, v9;
	v10 =	vadd.f32 v12, v11  }
0x178: {  	v11 =	vld [tilespmem:s16+$0xFFFFFFD0]  }
0x179: {  	v8 =	vmul.f32 v8, v8;
	v12 =	vld [tilespmem:s0+$0xFFFFFFD0];
	v9 =	vadd.f32 v15, v9;
	v7 =	vadd.f32 v7, v10  }
0x17a: {  	v10 =	vld [tilespmem:s16+$0xFFFFFFC0]  }
0x17b: {  	v13 =	vld [tilespmem:s0+$0xFFFFFFC0];
	v6 =	vmul.f32 v9, v6;
	v7 =	vadd.f32 v8, v7  }
0x17c: {  	v8 =	vld [tilespmem:s16+$0xFFFFFFB0]  }
0x17d: {  	v9 =	vld [tilespmem:s0+$0xFFFFFFB0];
	v3 =	vadd.f32 v6, v3;
	v5 =	vmul.f32 v7, v5  }
0x17e: {  	v6 =	vld [tilespmem:s16+$0x20]  }
0x17f: {  	v7 =	vld [tilespmem:s16+$0xFFFFFFA0];
	v3 =	vadd.f32 v5, v3  }
0x180: {  	v5 =	vld [tilespmem:s0+$0xFFFFFFA0]  }
0x181: {  	v15 =	vld [tilespmem:s16+$0x0]  }
0x182: {  	v17 =	vld [tilespmem:s0+$0x0]  }
0x183: {  	v18 =	vld [tilespmem:s16+$0xFFFFFF80]  }
0x184: {  	v19 =	vld [tilespmem:s0+$0xFFFFFF80]  }
0x185: {  	v20 =	vld [tilespmem:s16+$0xFFFFFF90]  }
0x186: {  	s15 =	sadd.s32 $0x2, s15;
	v21 =	vld [tilespmem:s0+$0xFFFFFF90]  }
0x187: {  	p0 =	slt.u32 s15, $0x7E;
	v22 =	vld [tilespmem:s16+$0x10]  }
0x188: {  	v23 =	vld [tilespmem:s0+$0x10]  }
0x189: {  	v24 =	vld [tilespmem:s0+$0x20]  }
0x18a: {  	v25 =	vld [tilespmem:s16+$0x30]  }
0x18b: {  	v18 =	vsub.f32 v18, v19;
	v19 =	vsub.f32 v20, v21;
	v20 =	vld [tilespmem:s0+$0x30]  }
0x18c: {  	v5 =	vsub.f32 v7, v5;
	v7 =	vsub.f32 v15, v17;
	v15 =	vld [tilespmem:s16+$0x40]  }
0x18d: {  	v17 =	vmul.f32 v18, v18;
	v18 =	vmul.f32 v19, v19;
	v19 =	vsub.f32 v22, v23;
	v21 =	vld [tilespmem:s0+$0x40]  }
0x18e: {  	v8 =	vsub.f32 v8, v9;
	v5 =	vmul.f32 v5, v5;
	v6 =	vsub.f32 v6, v24;
	v22 =	vld [tilespmem:s16+$0x50]  }
0x18f: {  	v9 =	vadd.f32 v18, v17;
	v17 =	vmul.f32 v7, v7;
	v18 =	vmul.f32 v19, v19;
	v19 =	vld [tilespmem:s0+$0x50]  }
0x190: {  	v23 =	vmul.f32 v8, v8;
	v8 =	vsub.f32 v10, v13;
	v10 =	vsub.f32 v25, v20;
	v7 =	vld [tilespmem:s16+$0x60]  }
.Ltmp2:
0x191: {  	v6 =	vmul.f32 v6, v6;
	v5 =	vadd.f32 v5, v9;
	v13 =	vadd.f32 v18, v17;
	v9 =	vld [tilespmem:s0+$0x60];
	(pc) =	sbr.rel @p0 .LBB2_6-.Ltmp2, $4  }
0x192: {  	v11 =	vsub.f32 v11, v12;
	v17 =	vmul.f32 v8, v8;
	v18 =	vsub.f32 v15, v21;
	v8 =	vld [tilespmem:s16+$0x70]  }
0x193: {  	s2 =	sadd.s32 $0x20, s2;
	v21 =	vmul.f32 v10, v10;
	v15 =	vadd.f32 v23, v5;
	v20 =	vadd.f32 v6, v13;
	v10 =	vld [tilespmem:s0+$0x70]  }
0x194: {  	v11 =	vmul.f32 v11, v11;
	v13 =	vsub.f32 v14, v16;
	v12 =	vsub.f32 v22, v19;
	v5 =	vld [tilespmem:s2+$0x0]  }
0x195: {  	s16 =	sadd.s32 $0x100, s16;
	v16 =	vmul.f32 v18, v18;
	v14 =	vadd.f32 v17, v15;
	v6 =	vld [tilespmem:s2+$0xFFFFFFF0];
	v15 =	vadd.f32 v21, v20  }
0x196: {  	s0 =	simm.s32 $0xC500  }
0x197: {  	[tilespmem:s0], [sflag:$0x4] =	stream.indirect.gather [hbm4b:s1+s31], $0x80, s26, s31, $0x2000b8;
	[tilespmem:$0x1DD80] =	vst v63  }
0x198: {  	s15 =	simm.s32 $0x0;
	s17 =	rddreg [dreg:$0x14];
	s2 =	simm.s32 $0x18500  }
0x199: {  	[tilespmem:s2], [sflag:$0x7] =	stream.linear.gather [hbm4b:s17+s15], $0x4000, $0x200038;
	[tilespmem:$0x1DD80] =	vst v63  }
0x19a: {  	_ =	swait.ge [sflag:s12], $0x4000  }
0x19b: {  	[sflag:s12] =	ssyncset.done $0x0  }
0x19c: {  	[sflag:s12] =	ssyncadd.s32 $0xFFFFC000  }
0x19d: {  	_ =	swait.ge [sflag:s6], $0x4000  }
0x19e: {  	[sflag:s6] =	ssyncset.done $0x0  }
0x19f: {  	s2 =	simm.s32 $0x14580;
	[sflag:s6] =	ssyncadd.s32 $0xFFFFC000  }
0x1a0: {  	s10 =	simm.s32 $0x8580;
	v17 =	vld [tilespmem:s2+$0xFFFFFFF0]  }
0x1a1: {  	v18 =	vld [tilespmem:s10+$0xFFFFFFF0]  }
0x1a2: {  	v19 =	vld [tilespmem:s2+$0xFFFFFFE0]  }
0x1a3: {  	v20 =	vld [tilespmem:s10+$0xFFFFFFE0]  }
0x1a4: {  	v21 =	vld [tilespmem:s2+$0xFFFFFFD0]  }
0x1a5: {  	v22 =	vld [tilespmem:s10+$0xFFFFFFD0]  }
0x1a6: {  	v23 =	vld [tilespmem:s2+$0xFFFFFFC0]  }
0x1a7: {  	v24 =	vld [tilespmem:s10+$0xFFFFFFC0]  }
0x1a8: {  	v25 =	vld [tilespmem:s2+$0xFFFFFFB0]  }
0x1a9: {  	v26 =	vld [tilespmem:s10+$0xFFFFFFB0]  }
0x1aa: {  	v27 =	vld [tilespmem:s2+$0x20]  }
0x1ab: {  	v28 =	vld [tilespmem:s2+$0xFFFFFFA0]  }
0x1ac: {  	v29 =	vld [tilespmem:s10+$0xFFFFFFA0]  }
0x1ad: {  	v30 =	vld [tilespmem:s2+$0x0]  }
0x1ae: {  	v31 =	vld [tilespmem:s10+$0x0]  }
0x1af: {  	v32 =	vld [tilespmem:s2+$0xFFFFFF80]  }
0x1b0: {  	v33 =	vld [tilespmem:s10+$0xFFFFFF80]  }
0x1b1: {  	v34 =	vld [tilespmem:s2+$0xFFFFFF90]  }
0x1b2: {  	v35 =	vld [tilespmem:s10+$0xFFFFFF90]  }
0x1b3: {  	v36 =	vld [tilespmem:s2+$0x10]  }
0x1b4: {  	v37 =	vld [tilespmem:s10+$0x10]  }
0x1b5: {  	v38 =	vld [tilespmem:s10+$0x20]  }
0x1b6: {  	v39 =	vld [tilespmem:s2+$0x30]  }
0x1b7: {  	v40 =	vld [tilespmem:s10+$0x30]  }
0x1b8: {  	v41 =	vld [tilespmem:s2+$0x40]  }
0x1b9: {  	v2 =	vsub.f32 v2, v4;
	v4 =	vmul.f32 v13, v13;
	v11 =	vadd.f32 v11, v14;
	v42 =	vld [tilespmem:s10+$0x40]  }
0x1ba: {  	v7 =	vsub.f32 v7, v9;
	v12 =	vmul.f32 v12, v12;
	v43 =	vld [tilespmem:s2+$0x50]  }
0x1bb: {  	v9 =	vadd.f32 v16, v15;
	v2 =	vmul.f32 v2, v2;
	v11 =	vadd.f32 v4, v11;
	v44 =	vld [tilespmem:s10+$0x50]  }
0x1bc: {  	v8 =	vsub.f32 v8, v10;
	v15 =	vld [tilespmem:s2+$0x60]  }
0x1bd: {  	v7 =	vmul.f32 v7, v7;
	v9 =	vadd.f32 v12, v9;
	v11 =	vadd.f32 v2, v11;
	v13 =	vld [tilespmem:s10+$0x60]  }
0x1be: {  	v10 =	vld [tilespmem:s2+$0x70]  }
0x1bf: {  	s16 =	simm.s32 $0x2C90;
	v8 =	vmul.f32 v8, v8;
	v7 =	vadd.f32 v7, v9;
	v6 =	vmul.f32 v11, v6;
	v12 =	vld [tilespmem:s10+$0x70]  }
0x1c0: {  	s17 =	simm.s32 $0x14680;
	v9 =	vld [tilespmem:s16+$0x0]  }
0x1c1: {  	s0 =	simm.s32 $0x8680;
	v7 =	vadd.f32 v8, v7;
	v3 =	vadd.f32 v6, v3;
	v4 =	vld [tilespmem:s17+$0xFFFFFFF0]  }
0x1c2: {  	v2 =	vld [tilespmem:s0+$0xFFFFFFF0];
	v14 =	vsub.f32 v32, v33;
	v16 =	vsub.f32 v34, v35  }
0x1c3: {  	v46 =	vld [tilespmem:s0+$0xFFFFFFE0];
	v8 =	vsub.f32 v28, v29;
	v35 =	vsub.f32 v30, v31  }
0x1c4: {  	v49 =	vld [tilespmem:s17+$0xFFFFFFD0];
	v37 =	vsub.f32 v36, v37;
	v14 =	vmul.f32 v14, v14;
	v16 =	vmul.f32 v16, v16  }
0x1c5: {  	v52 =	vld [tilespmem:s17+$0xFFFFFFC0];
	v25 =	vsub.f32 v25, v26;
	v8 =	vmul.f32 v8, v8;
	v47 =	vmul.f32 v35, v35  }
0x1c6: {  	v54 =	vld [tilespmem:s0+$0xFFFFFFC0];
	v48 =	vmul.f32 v37, v37;
	v14 =	vadd.f32 v16, v14;
	v16 =	vsub.f32 v27, v38  }
0x1c7: {  	v56 =	vld [tilespmem:s17+$0xFFFFFFB0];
	v23 =	vsub.f32 v23, v24;
	v51 =	vsub.f32 v39, v40;
	v50 =	vmul.f32 v25, v25  }
0x1c8: {  	v58 =	vld [tilespmem:s0+$0xFFFFFFB0];
	v27 =	vadd.f32 v48, v47;
	v8 =	vadd.f32 v8, v14;
	v16 =	vmul.f32 v16, v16  }
0x1c9: {  	v60 =	vld [tilespmem:s17+$0x20];
	v21 =	vsub.f32 v21, v22;
	v55 =	vsub.f32 v41, v42;
	v53 =	vmul.f32 v23, v23  }
0x1ca: {  	v61 =	vld [tilespmem:s0+$0xFFFFFFA0];
	v25 =	vmul.f32 v51, v51;
	v8 =	vadd.f32 v50, v8;
	v16 =	vadd.f32 v16, v27  }
0x1cb: {  	v11 =	vld [tilespmem:s17+$0x0];
	v19 =	vsub.f32 v19, v20;
	v59 =	vsub.f32 v43, v44;
	v57 =	vmul.f32 v21, v21  }
0x1cc: {  	s16 =	sand.u32 $0x7E0, s15;
	v6 =	vld [tilespmem:s17+$0xFFFFFF80];
	v24 =	vmul.f32 v55, v55;
	v8 =	vadd.f32 v53, v8;
	v16 =	vadd.f32 v25, v16  }
0x1cd: {  	v45 =	vld [tilespmem:s16+$0x2C80];
	v17 =	vsub.f32 v17, v18;
	v13 =	vsub.f32 v15, v13;
	v18 =	vmul.f32 v19, v19  }
0x1ce: {  	v34 =	vld [tilespmem:s17+$0xFFFFFFE0];
	v8 =	vadd.f32 v57, v8;
	v15 =	vadd.f32 v24, v16;
	v16 =	vmul.f32 v59, v59  }
0x1cf: {  	v10 =	vsub.f32 v10, v12;
	v19 =	vld [tilespmem:s17+$0xFFFFFFA0];
	v12 =	vmul.f32 v17, v17  }
0x1d0: {  	v13 =	vmul.f32 v13, v13;
	v14 =	vld [tilespmem:s0+$0xFFFFFFD0];
	v8 =	vadd.f32 v18, v8;
	v15 =	vadd.f32 v16, v15  }
0x1d1: {  	v5 =	vmul.f32 v7, v5;
	v16 =	vld [tilespmem:s0+$0x0]  }
0x1d2: {  	v10 =	vmul.f32 v10, v10;
	v7 =	vadd.f32 v12, v8;
	v8 =	vadd.f32 v13, v15;
	v12 =	vld [tilespmem:s0+$0xFFFFFF80]  }
0x1d3: {  	v13 =	vld [tilespmem:s17+$0xFFFFFF90]  }
0x1d4: {  	v3 =	vadd.f32 v5, v3;
	v5 =	vmul.f32 v7, v45;
	v7 =	vadd.f32 v10, v8;
	v8 =	vld [tilespmem:s0+$0xFFFFFF90]  }
0x1d5: {  	v10 =	vld [tilespmem:s17+$0x10]  }
0x1d6: {  	v3 =	vadd.f32 v5, v3;
	v5 =	vmul.f32 v7, v9;
	v7 =	vld [tilespmem:s0+$0x10]  }
0x1d7: {  	v9 =	vld [tilespmem:s0+$0x20]  }
0x1d8: {  	v6 =	vsub.f32 v6, v12;
	v12 =	vld [tilespmem:s0+$0x30]  }
0x1d9: {  	v3 =	vadd.f32 v5, v3;
	v5 =	vld [tilespmem:s17+$0x30];
	v8 =	vsub.f32 v13, v8  }
0x1da: {  	v15 =	vld [tilespmem:s17+$0x40];
	v11 =	vsub.f32 v11, v16;
	v13 =	vsub.f32 v19, v61  }
0x1db: {  	v16 =	vld [tilespmem:s0+$0x40];
	v6 =	vmul.f32 v6, v6;
	v8 =	vmul.f32 v8, v8;
	v7 =	vsub.f32 v10, v7  }
0x1dc: {  	v18 =	vld [tilespmem:s17+$0x50];
	v10 =	vmul.f32 v13, v13;
	v13 =	vsub.f32 v56, v58;
	v9 =	vsub.f32 v60, v9  }
0x1dd: {  	v19 =	vld [tilespmem:s0+$0x50];
	v6 =	vadd.f32 v8, v6;
	v8 =	vmul.f32 v11, v11;
	v11 =	vmul.f32 v7, v7  }
0x1de: {  	v17 =	vsub.f32 v52, v54;
	v13 =	vmul.f32 v13, v13;
	v62 =	vsub.f32 v5, v12;
	v7 =	vld [tilespmem:s17+$0x60]  }
0x1df: {  	v6 =	vadd.f32 v10, v6;
	v8 =	vadd.f32 v11, v8;
	v11 =	vmul.f32 v9, v9;
	v9 =	vld [tilespmem:s0+$0x60]  }
0x1e0: {  	v63 =	vsub.f32 v49, v14;
	v12 =	vsub.f32 v15, v16;
	v5 =	vld [tilespmem:s17+$0x70];
	v10 =	vmul.f32 v17, v17  }
0x1e1: {  	s2 =	simm.s32 $0x2CB0;
	v17 =	vmul.f32 v62, v62;
	v14 =	vadd.f32 v13, v6;
	v16 =	vadd.f32 v11, v8;
	v8 =	vld [tilespmem:s0+$0x70]  }
0x1e2: {  	s16 =	simm.s32 $0x2;
	v15 =	vsub.f32 v34, v46;
	s17 =	simm.s32 $0x14780;
	v11 =	vmul.f32 v63, v63;
	v13 =	vsub.f32 v18, v19;
	v6 =	vld [tilespmem:s2+$0x0]  }
.LBB2_8:
0x1e3: {  	v18 =	vld [tilespmem:s17+$0xFFFFFFF0];
	v10 =	vadd.f32 v10, v14;
	v14 =	vadd.f32 v17, v16;
	v12 =	vmul.f32 v12, v12;
	s0 =	sadd.s32 $0x100, s0  }
0x1e4: {  	v4 =	vsub.f32 v4, v2;
	s15 =	sadd.s32 $0x20, s15;
	v15 =	vmul.f32 v15, v15;
	v2 =	vld [tilespmem:s0+$0xFFFFFFF0];
	v7 =	vsub.f32 v7, v9  }
0x1e5: {  	s10 =	sand.u32 $0x7E0, s15;
	v19 =	vld [tilespmem:s17+$0xFFFFFFE0];
	v9 =	vadd.f32 v11, v10;
	v10 =	vadd.f32 v12, v14;
	v11 =	vmul.f32 v13, v13  }
0x1e6: {  	v12 =	vmul.f32 v4, v4;
	v13 =	vld [tilespmem:s10+$0x2C80];
	v5 =	vsub.f32 v5, v8  }
0x1e7: {  	v7 =	vmul.f32 v7, v7;
	v20 =	vld [tilespmem:s0+$0xFFFFFFE0];
	v8 =	vadd.f32 v15, v9;
	v9 =	vadd.f32 v11, v10  }
0x1e8: {  	v11 =	vld [tilespmem:s17+$0xFFFFFFD0];
	v4 =	vmov v18  }
0x1e9: {  	v5 =	vmul.f32 v5, v5;
	v14 =	vld [tilespmem:s0+$0xFFFFFFD0];
	v8 =	vadd.f32 v12, v8;
	v7 =	vadd.f32 v7, v9  }
0x1ea: {  	v9 =	vld [tilespmem:s17+$0xFFFFFFC0]  }
0x1eb: {  	v10 =	vld [tilespmem:s0+$0xFFFFFFC0];
	v8 =	vmul.f32 v8, v13;
	v5 =	vadd.f32 v5, v7  }
0x1ec: {  	v7 =	vld [tilespmem:s17+$0xFFFFFFB0]  }
0x1ed: {  	v12 =	vld [tilespmem:s0+$0xFFFFFFB0];
	v3 =	vadd.f32 v8, v3;
	v5 =	vmul.f32 v5, v6  }
0x1ee: {  	v6 =	vld [tilespmem:s17+$0x20]  }
0x1ef: {  	v8 =	vld [tilespmem:s17+$0xFFFFFFA0];
	v3 =	vadd.f32 v5, v3  }
0x1f0: {  	v5 =	vld [tilespmem:s0+$0xFFFFFFA0]  }
0x1f1: {  	v13 =	vld [tilespmem:s17+$0x0]  }
0x1f2: {  	v15 =	vld [tilespmem:s0+$0x0]  }
0x1f3: {  	v16 =	vld [tilespmem:s17+$0xFFFFFF80]  }
0x1f4: {  	v17 =	vld [tilespmem:s0+$0xFFFFFF80]  }
0x1f5: {  	v18 =	vld [tilespmem:s17+$0xFFFFFF90]  }
0x1f6: {  	s16 =	sadd.s32 $0x2, s16;
	v21 =	vld [tilespmem:s0+$0xFFFFFF90]  }
0x1f7: {  	p0 =	slt.u32 s16, $0x7E;
	v22 =	vld [tilespmem:s17+$0x10]  }
0x1f8: {  	v23 =	vld [tilespmem:s0+$0x10]  }
0x1f9: {  	v24 =	vld [tilespmem:s0+$0x20]  }
0x1fa: {  	v25 =	vld [tilespmem:s17+$0x30]  }
0x1fb: {  	v16 =	vsub.f32 v16, v17;
	v17 =	vsub.f32 v18, v21;
	v18 =	vld [tilespmem:s0+$0x30]  }
0x1fc: {  	v5 =	vsub.f32 v8, v5;
	v8 =	vsub.f32 v13, v15;
	v13 =	vld [tilespmem:s17+$0x40]  }
0x1fd: {  	v15 =	vmul.f32 v16, v16;
	v16 =	vmul.f32 v17, v17;
	v17 =	vsub.f32 v22, v23;
	v21 =	vld [tilespmem:s0+$0x40]  }
0x1fe: {  	v7 =	vsub.f32 v7, v12;
	v5 =	vmul.f32 v5, v5;
	v6 =	vsub.f32 v6, v24;
	v22 =	vld [tilespmem:s17+$0x50]  }
0x1ff: {  	v8 =	vmul.f32 v8, v8;
	v12 =	vadd.f32 v16, v15;
	v15 =	vmul.f32 v17, v17;
	v23 =	vld [tilespmem:s0+$0x50]  }
.Ltmp3:
0x200: {  	v10 =	vsub.f32 v9, v10;
	v16 =	vmul.f32 v7, v7;
	v17 =	vsub.f32 v25, v18;
	v7 =	vld [tilespmem:s17+$0x60];
	(pc) =	sbr.rel @p0 .LBB2_8-.Ltmp3, $4  }
0x201: {  	v6 =	vmul.f32 v6, v6;
	v18 =	vadd.f32 v5, v12;
	v8 =	vadd.f32 v15, v8;
	v9 =	vld [tilespmem:s0+$0x60]  }
0x202: {  	v11 =	vsub.f32 v11, v14;
	v10 =	vmul.f32 v10, v10;
	v12 =	vsub.f32 v13, v21;
	v5 =	vld [tilespmem:s17+$0x70]  }
0x203: {  	s2 =	sadd.s32 $0x20, s2;
	v17 =	vmul.f32 v17, v17;
	v14 =	vadd.f32 v16, v18;
	v16 =	vadd.f32 v6, v8;
	v8 =	vld [tilespmem:s0+$0x70]  }
0x204: {  	v11 =	vmul.f32 v11, v11;
	v15 =	vsub.f32 v19, v20;
	s17 =	sadd.s32 $0x100, s17;
	v13 =	vsub.f32 v22, v23;
	v6 =	vld [tilespmem:s2+$0x0]  }
0x205: {  	s0 =	sadd.s32 $0x20, s15  }
0x206: {  	s17 =	simm.s32 $0x4500;
	s0 =	sand.u32 $0x7E0, s0  }
0x207: {  	v18 =	vld [tilespmem:s0+$0x2C80];
	[tilespmem:s17], [sflag:$0x2] =	stream.indirect.gather [hbm4b:s1+s31], $0x80, s28, s31, $0x2000b8  }
0x208: {  	s15 =	simm.s32 $0x0;
	s2 =	simm.s32 $0x10500  }
0x209: {  	[tilespmem:s2], [sflag:$0x5] =	stream.linear.gather [hbm4b:s21+s15], $0x4000, $0x200038;
	[tilespmem:$0x1DD80] =	vst v63  }
0x20a: {  	_ =	swait.ge [sflag:s13], $0x4000  }
0x20b: {  	[sflag:s13] =	ssyncset.done $0x0  }
0x20c: {  	[sflag:s13] =	ssyncadd.s32 $0xFFFFC000  }
0x20d: {  	_ =	swait.ge [sflag:s7], $0x4000  }
0x20e: {  	[sflag:s7] =	ssyncset.done $0x0  }
0x20f: {  	s10 =	simm.s32 $0x18580;
	[sflag:s7] =	ssyncadd.s32 $0xFFFFC000  }
0x210: {  	s2 =	simm.s32 $0xC580;
	v19 =	vld [tilespmem:s10+$0xFFFFFFF0]  }
0x211: {  	v20 =	vld [tilespmem:s2+$0xFFFFFFF0]  }
0x212: {  	v21 =	vld [tilespmem:s10+$0xFFFFFFE0]  }
0x213: {  	v22 =	vld [tilespmem:s2+$0xFFFFFFE0]  }
0x214: {  	v23 =	vld [tilespmem:s10+$0xFFFFFFD0]  }
0x215: {  	v24 =	vld [tilespmem:s2+$0xFFFFFFD0]  }
0x216: {  	v25 =	vld [tilespmem:s10+$0xFFFFFFC0]  }
0x217: {  	v26 =	vld [tilespmem:s2+$0xFFFFFFC0]  }
0x218: {  	v27 =	vld [tilespmem:s10+$0xFFFFFFB0]  }
0x219: {  	v28 =	vld [tilespmem:s2+$0xFFFFFFB0]  }
0x21a: {  	v29 =	vld [tilespmem:s10+$0x20]  }
0x21b: {  	v30 =	vld [tilespmem:s10+$0xFFFFFFA0]  }
0x21c: {  	v31 =	vld [tilespmem:s2+$0xFFFFFFA0]  }
0x21d: {  	v32 =	vld [tilespmem:s10+$0x0]  }
0x21e: {  	v33 =	vld [tilespmem:s2+$0x0]  }
0x21f: {  	v34 =	vld [tilespmem:s10+$0xFFFFFF80]  }
0x220: {  	v35 =	vld [tilespmem:s2+$0xFFFFFF80]  }
0x221: {  	v36 =	vld [tilespmem:s10+$0xFFFFFF90]  }
0x222: {  	v37 =	vld [tilespmem:s2+$0xFFFFFF90]  }
0x223: {  	v38 =	vld [tilespmem:s10+$0x10]  }
0x224: {  	v39 =	vld [tilespmem:s2+$0x10]  }
0x225: {  	v40 =	vld [tilespmem:s2+$0x20]  }
0x226: {  	v41 =	vld [tilespmem:s10+$0x30]  }
0x227: {  	v10 =	vadd.f32 v10, v14;
	v42 =	vld [tilespmem:s2+$0x30]  }
0x228: {  	v16 =	vadd.f32 v17, v16;
	v12 =	vmul.f32 v12, v12;
	v43 =	vld [tilespmem:s10+$0x40]  }
0x229: {  	v2 =	vsub.f32 v4, v2;
	v4 =	vmul.f32 v15, v15;
	v10 =	vadd.f32 v11, v10;
	v44 =	vld [tilespmem:s2+$0x40]  }
0x22a: {  	v7 =	vsub.f32 v7, v9;
	v9 =	vadd.f32 v12, v16;
	v12 =	vmul.f32 v13, v13;
	v17 =	vld [tilespmem:s10+$0x50]  }
0x22b: {  	v2 =	vmul.f32 v2, v2;
	v4 =	vadd.f32 v4, v10;
	v14 =	vld [tilespmem:s2+$0x50]  }
0x22c: {  	v5 =	vsub.f32 v5, v8;
	v7 =	vmul.f32 v7, v7;
	v8 =	vadd.f32 v12, v9;
	v13 =	vld [tilespmem:s10+$0x60]  }
0x22d: {  	v2 =	vadd.f32 v2, v4;
	v11 =	vld [tilespmem:s2+$0x60]  }
0x22e: {  	v7 =	vadd.f32 v7, v8;
	v8 =	vmul.f32 v5, v5;
	v9 =	vld [tilespmem:s10+$0x70]  }
0x22f: {  	s16 =	simm.s32 $0x3490;
	v2 =	vmul.f32 v2, v18;
	v10 =	vld [tilespmem:s2+$0x70]  }
0x230: {  	s17 =	simm.s32 $0x18680;
	v7 =	vadd.f32 v8, v7;
	v12 =	vld [tilespmem:s16+$0x0]  }
0x231: {  	s0 =	simm.s32 $0xC680;
	v2 =	vadd.f32 v2, v3;
	v5 =	vld [tilespmem:s17+$0xFFFFFFF0];
	v15 =	vsub.f32 v34, v35  }
0x232: {  	v4 =	vld [tilespmem:s0+$0xFFFFFFF0];
	v16 =	vsub.f32 v36, v37;
	v8 =	vsub.f32 v30, v31  }
0x233: {  	v3 =	vmul.f32 v7, v6;
	v47 =	vld [tilespmem:s0+$0xFFFFFFE0];
	v37 =	vsub.f32 v32, v33;
	v45 =	vsub.f32 v38, v39  }
0x234: {  	v50 =	vld [tilespmem:s17+$0xFFFFFFD0];
	v27 =	vsub.f32 v27, v28;
	v15 =	vmul.f32 v15, v15;
	v16 =	vmul.f32 v16, v16  }
0x235: {  	v53 =	vld [tilespmem:s17+$0xFFFFFFC0];
	v25 =	vsub.f32 v25, v26;
	v8 =	vmul.f32 v8, v8;
	v48 =	vmul.f32 v37, v37  }
0x236: {  	v55 =	vld [tilespmem:s0+$0xFFFFFFC0];
	v49 =	vmul.f32 v45, v45;
	v15 =	vadd.f32 v16, v15;
	v16 =	vsub.f32 v29, v40  }
0x237: {  	v57 =	vld [tilespmem:s17+$0xFFFFFFB0];
	v52 =	vsub.f32 v41, v42;
	v23 =	vsub.f32 v23, v24;
	v51 =	vmul.f32 v27, v27  }
0x238: {  	v59 =	vld [tilespmem:s0+$0xFFFFFFB0];
	v29 =	vadd.f32 v49, v48;
	v8 =	vadd.f32 v8, v15;
	v16 =	vmul.f32 v16, v16  }
0x239: {  	v60 =	vld [tilespmem:s17+$0x20];
	v56 =	vsub.f32 v43, v44;
	v21 =	vsub.f32 v21, v22;
	v54 =	vmul.f32 v25, v25  }
0x23a: {  	v62 =	vld [tilespmem:s17+$0xFFFFFFA0];
	v27 =	vmul.f32 v52, v52;
	v8 =	vadd.f32 v51, v8;
	v16 =	vadd.f32 v16, v29  }
0x23b: {  	v6 =	vld [tilespmem:s17+$0xFFFFFF80];
	v14 =	vsub.f32 v17, v14;
	v19 =	vsub.f32 v19, v20;
	v58 =	vmul.f32 v23, v23  }
0x23c: {  	s10 =	sand.u32 $0x7E0, s15;
	v18 =	vld [tilespmem:s17+$0x50];
	v17 =	vmul.f32 v56, v56;
	v8 =	vadd.f32 v54, v8;
	v16 =	vadd.f32 v27, v16  }
0x23d: {  	v46 =	vld [tilespmem:s10+$0x3480];
	v11 =	vsub.f32 v13, v11;
	v9 =	vsub.f32 v9, v10;
	v61 =	vmul.f32 v21, v21  }
0x23e: {  	v10 =	vld [tilespmem:s17+$0x0];
	v14 =	vmul.f32 v14, v14;
	v8 =	vadd.f32 v58, v8;
	v13 =	vadd.f32 v17, v16  }
0x23f: {  	v11 =	vmul.f32 v11, v11;
	v15 =	vld [tilespmem:s0+$0xFFFFFFD0]  }
0x240: {  	v16 =	vld [tilespmem:s0+$0xFFFFFFA0];
	v17 =	vmul.f32 v19, v19;
	v8 =	vadd.f32 v61, v8;
	v13 =	vadd.f32 v14, v13  }
0x241: {  	v14 =	vld [tilespmem:s0+$0x0]  }
0x242: {  	v9 =	vmul.f32 v9, v9;
	v7 =	vadd.f32 v17, v8;
	v8 =	vadd.f32 v11, v13;
	v11 =	vld [tilespmem:s0+$0xFFFFFF80]  }
0x243: {  	v13 =	vld [tilespmem:s17+$0xFFFFFF90]  }
0x244: {  	v2 =	vadd.f32 v3, v2;
	v3 =	vmul.f32 v7, v46;
	v7 =	vadd.f32 v9, v8;
	v8 =	vld [tilespmem:s0+$0xFFFFFF90]  }
0x245: {  	v9 =	vld [tilespmem:s17+$0x10]  }
0x246: {  	v2 =	vadd.f32 v3, v2;
	v3 =	vmul.f32 v7, v12;
	v7 =	vld [tilespmem:s0+$0x10]  }
0x247: {  	v12 =	vld [tilespmem:s0+$0x20]  }
0x248: {  	v6 =	vsub.f32 v6, v11;
	v11 =	vld [tilespmem:s0+$0x30]  }
0x249: {  	v2 =	vadd.f32 v3, v2;
	v3 =	vld [tilespmem:s17+$0x30];
	v8 =	vsub.f32 v13, v8  }
0x24a: {  	v10 =	vsub.f32 v10, v14;
	v14 =	vld [tilespmem:s17+$0x40];
	v13 =	vsub.f32 v62, v16  }
0x24b: {  	v6 =	vmul.f32 v6, v6;
	v16 =	vld [tilespmem:s0+$0x40];
	v8 =	vmul.f32 v8, v8;
	v7 =	vsub.f32 v9, v7  }
0x24c: {  	v36 =	vld [tilespmem:s17+$0xFFFFFFE0];
	v9 =	vmul.f32 v13, v13;
	v13 =	vsub.f32 v57, v59;
	v12 =	vsub.f32 v60, v12  }
0x24d: {  	v19 =	vld [tilespmem:s0+$0x50];
	v6 =	vadd.f32 v8, v6;
	v8 =	vmul.f32 v10, v10;
	v10 =	vmul.f32 v7, v7  }
0x24e: {  	v17 =	vsub.f32 v53, v55;
	v13 =	vmul.f32 v13, v13;
	v11 =	vsub.f32 v3, v11;
	v7 =	vld [tilespmem:s17+$0x60]  }
0x24f: {  	v63 =	vmul.f32 v12, v12;
	v6 =	vadd.f32 v9, v6;
	v8 =	vadd.f32 v10, v8;
	v9 =	vld [tilespmem:s0+$0x60]  }
0x250: {  	v15 =	vsub.f32 v50, v15;
	v3 =	vld [tilespmem:s17+$0x70];
	v12 =	vsub.f32 v14, v16;
	v10 =	vmul.f32 v17, v17  }
0x251: {  	s2 =	simm.s32 $0x34B0;
	v17 =	vmul.f32 v11, v11;
	v14 =	vadd.f32 v13, v6;
	v16 =	vadd.f32 v63, v8;
	v8 =	vld [tilespmem:s0+$0x70]  }
0x252: {  	s16 =	simm.s32 $0x2;
	s17 =	simm.s32 $0x18780;
	v11 =	vmul.f32 v15, v15;
	v15 =	vsub.f32 v36, v47;
	v13 =	vsub.f32 v18, v19;
	v6 =	vld [tilespmem:s2+$0x0]  }
.LBB2_10:
0x253: {  	v18 =	vld [tilespmem:s17+$0xFFFFFFF0];
	v10 =	vadd.f32 v10, v14;
	v14 =	vadd.f32 v17, v16;
	v12 =	vmul.f32 v12, v12;
	s0 =	sadd.s32 $0x100, s0  }
0x254: {  	v5 =	vsub.f32 v5, v4;
	s15 =	sadd.s32 $0x20, s15;
	v15 =	vmul.f32 v15, v15;
	v4 =	vld [tilespmem:s0+$0xFFFFFFF0];
	v7 =	vsub.f32 v7, v9  }
0x255: {  	s10 =	sand.u32 $0x7E0, s15;
	v19 =	vld [tilespmem:s17+$0xFFFFFFE0];
	v9 =	vadd.f32 v11, v10;
	v10 =	vadd.f32 v12, v14;
	v11 =	vmul.f32 v13, v13  }
0x256: {  	v12 =	vmul.f32 v5, v5;
	v13 =	vld [tilespmem:s10+$0x3480];
	v3 =	vsub.f32 v3, v8  }
0x257: {  	v7 =	vmul.f32 v7, v7;
	v20 =	vld [tilespmem:s0+$0xFFFFFFE0];
	v8 =	vadd.f32 v15, v9;
	v9 =	vadd.f32 v11, v10  }
0x258: {  	v11 =	vld [tilespmem:s17+$0xFFFFFFD0];
	v5 =	vmov v18  }
0x259: {  	v3 =	vmul.f32 v3, v3;
	v14 =	vld [tilespmem:s0+$0xFFFFFFD0];
	v8 =	vadd.f32 v12, v8;
	v7 =	vadd.f32 v7, v9  }
0x25a: {  	v9 =	vld [tilespmem:s17+$0xFFFFFFC0]  }
0x25b: {  	v10 =	vld [tilespmem:s0+$0xFFFFFFC0];
	v8 =	vmul.f32 v8, v13;
	v3 =	vadd.f32 v3, v7  }
0x25c: {  	v7 =	vld [tilespmem:s17+$0xFFFFFFB0]  }
0x25d: {  	v12 =	vld [tilespmem:s0+$0xFFFFFFB0];
	v2 =	vadd.f32 v8, v2;
	v3 =	vmul.f32 v3, v6  }
0x25e: {  	v6 =	vld [tilespmem:s17+$0x20]  }
0x25f: {  	v8 =	vld [tilespmem:s17+$0xFFFFFFA0];
	v2 =	vadd.f32 v3, v2  }
0x260: {  	v3 =	vld [tilespmem:s0+$0xFFFFFFA0]  }
0x261: {  	v13 =	vld [tilespmem:s17+$0x0]  }
0x262: {  	v15 =	vld [tilespmem:s0+$0x0]  }
0x263: {  	v16 =	vld [tilespmem:s17+$0xFFFFFF80]  }
0x264: {  	v17 =	vld [tilespmem:s0+$0xFFFFFF80]  }
0x265: {  	v18 =	vld [tilespmem:s17+$0xFFFFFF90]  }
0x266: {  	s16 =	sadd.s32 $0x2, s16;
	v21 =	vld [tilespmem:s0+$0xFFFFFF90]  }
0x267: {  	p0 =	slt.u32 s16, $0x7E;
	v22 =	vld [tilespmem:s17+$0x10]  }
0x268: {  	v23 =	vld [tilespmem:s0+$0x10]  }
0x269: {  	v24 =	vld [tilespmem:s0+$0x20]  }
0x26a: {  	v25 =	vld [tilespmem:s17+$0x30]  }
0x26b: {  	v16 =	vsub.f32 v16, v17;
	v17 =	vsub.f32 v18, v21;
	v18 =	vld [tilespmem:s0+$0x30]  }
0x26c: {  	v3 =	vsub.f32 v8, v3;
	v8 =	vsub.f32 v13, v15;
	v13 =	vld [tilespmem:s17+$0x40]  }
0x26d: {  	v15 =	vmul.f32 v16, v16;
	v16 =	vmul.f32 v17, v17;
	v17 =	vsub.f32 v22, v23;
	v21 =	vld [tilespmem:s0+$0x40]  }
0x26e: {  	v7 =	vsub.f32 v7, v12;
	v3 =	vmul.f32 v3, v3;
	v6 =	vsub.f32 v6, v24;
	v22 =	vld [tilespmem:s17+$0x50]  }
0x26f: {  	v8 =	vmul.f32 v8, v8;
	v12 =	vadd.f32 v16, v15;
	v15 =	vmul.f32 v17, v17;
	v23 =	vld [tilespmem:s0+$0x50]  }
.Ltmp4:
0x270: {  	v10 =	vsub.f32 v9, v10;
	v16 =	vmul.f32 v7, v7;
	v17 =	vsub.f32 v25, v18;
	v7 =	vld [tilespmem:s17+$0x60];
	(pc) =	sbr.rel @p0 .LBB2_10-.Ltmp4, $4  }
0x271: {  	v6 =	vmul.f32 v6, v6;
	v18 =	vadd.f32 v3, v12;
	v8 =	vadd.f32 v15, v8;
	v9 =	vld [tilespmem:s0+$0x60]  }
0x272: {  	v11 =	vsub.f32 v11, v14;
	v10 =	vmul.f32 v10, v10;
	v12 =	vsub.f32 v13, v21;
	v3 =	vld [tilespmem:s17+$0x70]  }
0x273: {  	s2 =	sadd.s32 $0x20, s2;
	v17 =	vmul.f32 v17, v17;
	v14 =	vadd.f32 v16, v18;
	v16 =	vadd.f32 v6, v8;
	v8 =	vld [tilespmem:s0+$0x70]  }
0x274: {  	v11 =	vmul.f32 v11, v11;
	v15 =	vsub.f32 v19, v20;
	s17 =	sadd.s32 $0x100, s17;
	v13 =	vsub.f32 v22, v23;
	v6 =	vld [tilespmem:s2+$0x0]  }
0x275: {  	s0 =	sadd.s32 $0x20, s15  }
0x276: {  	s0 =	sand.u32 $0x7E0, s0  }
0x277: {  	v18 =	vld [tilespmem:s0+$0x3480];
	_ =	swait.ge [sflag:s11], $0x4000  }
0x278: {  	[sflag:s11] =	ssyncset.done $0x0  }
0x279: {  	[sflag:s11] =	ssyncadd.s32 $0xFFFFC000  }
0x27a: {  	_ =	swait.ge [sflag:s5], $0x4000  }
0x27b: {  	[sflag:s5] =	ssyncset.done $0x0  }
0x27c: {  	s15 =	simm.s32 $0x10580;
	[sflag:s5] =	ssyncadd.s32 $0xFFFFC000  }
0x27d: {  	s2 =	simm.s32 $0x4580;
	v19 =	vld [tilespmem:s15+$0xFFFFFFF0]  }
0x27e: {  	v20 =	vld [tilespmem:s2+$0xFFFFFFF0]  }
0x27f: {  	v21 =	vld [tilespmem:s15+$0xFFFFFFE0]  }
0x280: {  	v22 =	vld [tilespmem:s2+$0xFFFFFFE0]  }
0x281: {  	v23 =	vld [tilespmem:s15+$0xFFFFFFD0]  }
0x282: {  	v24 =	vld [tilespmem:s2+$0xFFFFFFD0]  }
0x283: {  	v25 =	vld [tilespmem:s15+$0xFFFFFFC0]  }
0x284: {  	v26 =	vld [tilespmem:s2+$0xFFFFFFC0]  }
0x285: {  	v27 =	vld [tilespmem:s15+$0xFFFFFFB0]  }
0x286: {  	v28 =	vld [tilespmem:s2+$0xFFFFFFB0]  }
0x287: {  	v29 =	vld [tilespmem:s15+$0x20]  }
0x288: {  	v30 =	vld [tilespmem:s15+$0xFFFFFFA0]  }
0x289: {  	v31 =	vld [tilespmem:s2+$0xFFFFFFA0]  }
0x28a: {  	v32 =	vld [tilespmem:s15+$0x0]  }
0x28b: {  	v33 =	vld [tilespmem:s2+$0x0]  }
0x28c: {  	v34 =	vld [tilespmem:s15+$0xFFFFFF80]  }
0x28d: {  	v35 =	vld [tilespmem:s2+$0xFFFFFF80]  }
0x28e: {  	v36 =	vld [tilespmem:s15+$0xFFFFFF90]  }
0x28f: {  	v37 =	vld [tilespmem:s2+$0xFFFFFF90]  }
0x290: {  	v38 =	vld [tilespmem:s15+$0x10]  }
0x291: {  	v39 =	vld [tilespmem:s2+$0x10]  }
0x292: {  	v40 =	vld [tilespmem:s2+$0x20]  }
0x293: {  	v41 =	vld [tilespmem:s15+$0x30]  }
0x294: {  	v16 =	vadd.f32 v17, v16;
	v12 =	vmul.f32 v12, v12;
	v10 =	vadd.f32 v10, v14;
	v42 =	vld [tilespmem:s2+$0x30]  }
0x295: {  	v4 =	vsub.f32 v5, v4;
	v7 =	vsub.f32 v7, v9;
	v5 =	vmul.f32 v15, v15;
	v43 =	vld [tilespmem:s15+$0x40]  }
0x296: {  	v9 =	vadd.f32 v12, v16;
	v12 =	vmul.f32 v13, v13;
	v10 =	vadd.f32 v11, v10;
	v44 =	vld [tilespmem:s2+$0x40]  }
0x297: {  	v3 =	vsub.f32 v3, v8;
	v17 =	vld [tilespmem:s15+$0x50]  }
0x298: {  	v8 =	vadd.f32 v12, v9;
	v5 =	vadd.f32 v5, v10;
	v12 =	vmul.f32 v4, v4;
	v14 =	vld [tilespmem:s2+$0x50]  }
0x299: {  	v13 =	vld [tilespmem:s15+$0x60]  }
0x29a: {  	v7 =	vmul.f32 v7, v7;
	v5 =	vadd.f32 v12, v5;
	v11 =	vld [tilespmem:s2+$0x60]  }
0x29b: {  	v9 =	vld [tilespmem:s15+$0x70]  }
0x29c: {  	s16 =	simm.s32 $0x3C90;
	v3 =	vmul.f32 v3, v3;
	v7 =	vadd.f32 v7, v8;
	v10 =	vld [tilespmem:s2+$0x70];
	v5 =	vmul.f32 v5, v18  }
0x29d: {  	s17 =	simm.s32 $0x10680;
	v8 =	vld [tilespmem:s16+$0x0]  }
0x29e: {  	s0 =	simm.s32 $0x4680;
	v4 =	vld [tilespmem:s17+$0xFFFFFFF0];
	v7 =	vadd.f32 v3, v7;
	v2 =	vadd.f32 v5, v2  }
0x29f: {  	v3 =	vld [tilespmem:s0+$0xFFFFFFF0];
	v15 =	vsub.f32 v34, v35;
	v16 =	vsub.f32 v36, v37  }
0x2a0: {  	v47 =	vld [tilespmem:s0+$0xFFFFFFE0];
	v5 =	vmul.f32 v7, v6;
	v12 =	vsub.f32 v30, v31;
	v37 =	vsub.f32 v32, v33  }
0x2a1: {  	v50 =	vld [tilespmem:s17+$0xFFFFFFD0];
	v45 =	vsub.f32 v38, v39;
	v15 =	vmul.f32 v15, v15;
	v16 =	vmul.f32 v16, v16  }
0x2a2: {  	v53 =	vld [tilespmem:s17+$0xFFFFFFC0];
	v27 =	vsub.f32 v27, v28;
	v12 =	vmul.f32 v12, v12;
	v48 =	vmul.f32 v37, v37  }
0x2a3: {  	v55 =	vld [tilespmem:s0+$0xFFFFFFC0];
	v49 =	vmul.f32 v45, v45;
	v15 =	vadd.f32 v16, v15;
	v16 =	vsub.f32 v29, v40  }
0x2a4: {  	v57 =	vld [tilespmem:s17+$0xFFFFFFB0];
	v25 =	vsub.f32 v25, v26;
	v52 =	vsub.f32 v41, v42;
	v51 =	vmul.f32 v27, v27  }
0x2a5: {  	v59 =	vld [tilespmem:s0+$0xFFFFFFB0];
	v29 =	vadd.f32 v49, v48;
	v12 =	vadd.f32 v12, v15;
	v16 =	vmul.f32 v16, v16  }
0x2a6: {  	v60 =	vld [tilespmem:s17+$0x20];
	v23 =	vsub.f32 v23, v24;
	v56 =	vsub.f32 v43, v44;
	v54 =	vmul.f32 v25, v25  }
0x2a7: {  	s15 =	simm.s32 $0x0;
	v62 =	vld [tilespmem:s17+$0xFFFFFFA0];
	v27 =	vmul.f32 v52, v52;
	v12 =	vadd.f32 v51, v12;
	v16 =	vadd.f32 v16, v29  }
0x2a8: {  	v18 =	vld [tilespmem:s17+$0x50];
	s10 =	sand.u32 $0x7E0, s15;
	v21 =	vsub.f32 v21, v22;
	v14 =	vsub.f32 v17, v14;
	v58 =	vmul.f32 v23, v23  }
0x2a9: {  	v46 =	vld [tilespmem:s10+$0x3C80];
	v17 =	vmul.f32 v56, v56;
	v12 =	vadd.f32 v54, v12;
	v16 =	vadd.f32 v27, v16  }
0x2aa: {  	v6 =	vld [tilespmem:s17+$0xFFFFFF80];
	v19 =	vsub.f32 v19, v20;
	v11 =	vsub.f32 v13, v11;
	v61 =	vmul.f32 v21, v21  }
0x2ab: {  	v14 =	vmul.f32 v14, v14;
	v15 =	vld [tilespmem:s0+$0xFFFFFFD0];
	v12 =	vadd.f32 v58, v12;
	v13 =	vadd.f32 v17, v16  }
0x2ac: {  	v9 =	vsub.f32 v9, v10;
	v11 =	vmul.f32 v11, v11;
	v16 =	vld [tilespmem:s0+$0xFFFFFFA0]  }
0x2ad: {  	v17 =	vmul.f32 v19, v19;
	v10 =	vadd.f32 v61, v12;
	v12 =	vld [tilespmem:s17+$0x0];
	v13 =	vadd.f32 v14, v13  }
0x2ae: {  	v14 =	vld [tilespmem:s0+$0x0]  }
0x2af: {  	v9 =	vmul.f32 v9, v9;
	v7 =	vadd.f32 v17, v10;
	v10 =	vadd.f32 v11, v13;
	v11 =	vld [tilespmem:s0+$0xFFFFFF80]  }
0x2b0: {  	v13 =	vld [tilespmem:s17+$0xFFFFFF90]  }
0x2b1: {  	v2 =	vadd.f32 v5, v2;
	v5 =	vmul.f32 v7, v46;
	v7 =	vadd.f32 v9, v10;
	v9 =	vld [tilespmem:s0+$0xFFFFFF90]  }
0x2b2: {  	v10 =	vld [tilespmem:s17+$0x10]  }
0x2b3: {  	v2 =	vadd.f32 v5, v2;
	v5 =	vmul.f32 v7, v8;
	v7 =	vld [tilespmem:s0+$0x10]  }
0x2b4: {  	v8 =	vld [tilespmem:s0+$0x20]  }
0x2b5: {  	v6 =	vsub.f32 v6, v11;
	v11 =	vld [tilespmem:s0+$0x30]  }
0x2b6: {  	v2 =	vadd.f32 v5, v2;
	v5 =	vld [tilespmem:s17+$0x30];
	v9 =	vsub.f32 v13, v9  }
0x2b7: {  	v12 =	vsub.f32 v12, v14;
	v14 =	vld [tilespmem:s17+$0x40];
	v13 =	vsub.f32 v62, v16  }
0x2b8: {  	v6 =	vmul.f32 v6, v6;
	v16 =	vld [tilespmem:s0+$0x40];
	v9 =	vmul.f32 v9, v9;
	v7 =	vsub.f32 v10, v7  }
0x2b9: {  	v36 =	vld [tilespmem:s17+$0xFFFFFFE0];
	v10 =	vmul.f32 v13, v13;
	v13 =	vsub.f32 v57, v59;
	v8 =	vsub.f32 v60, v8  }
0x2ba: {  	v19 =	vld [tilespmem:s0+$0x50];
	v6 =	vadd.f32 v9, v6;
	v9 =	vmul.f32 v12, v12;
	v12 =	vmul.f32 v7, v7  }
0x2bb: {  	v17 =	vsub.f32 v53, v55;
	v13 =	vmul.f32 v13, v13;
	v5 =	vsub.f32 v5, v11;
	v7 =	vld [tilespmem:s17+$0x60]  }
0x2bc: {  	v8 =	vmul.f32 v8, v8;
	v63 =	vadd.f32 v10, v6;
	v12 =	vadd.f32 v12, v9;
	v9 =	vld [tilespmem:s0+$0x60]  }
0x2bd: {  	v11 =	vsub.f32 v14, v16;
	v10 =	vmul.f32 v17, v17;
	v17 =	vsub.f32 v50, v15;
	v6 =	vld [tilespmem:s17+$0x70]  }
0x2be: {  	s2 =	simm.s32 $0x3CB0;
	v16 =	vmul.f32 v5, v5;
	v14 =	vadd.f32 v13, v63;
	v15 =	vadd.f32 v8, v12;
	v8 =	vld [tilespmem:s0+$0x70]  }
0x2bf: {  	s16 =	simm.s32 $0x2;
	v5 =	vld [tilespmem:s2+$0x0];
	s17 =	simm.s32 $0x10780;
	v13 =	vmul.f32 v17, v17;
	v17 =	vsub.f32 v36, v47;
	v12 =	vsub.f32 v18, v19  }
.LBB2_12:
0x2c0: {  	v18 =	vld [tilespmem:s17+$0xFFFFFFF0];
	v10 =	vadd.f32 v10, v14;
	v14 =	vadd.f32 v16, v15;
	v11 =	vmul.f32 v11, v11;
	s0 =	sadd.s32 $0x100, s0  }
0x2c1: {  	v4 =	vsub.f32 v4, v3;
	s15 =	sadd.s32 $0x20, s15;
	v15 =	vmul.f32 v17, v17;
	v3 =	vld [tilespmem:s0+$0xFFFFFFF0];
	v7 =	vsub.f32 v7, v9  }
0x2c2: {  	s10 =	sand.u32 $0x7E0, s15;
	v17 =	vld [tilespmem:s17+$0xFFFFFFE0];
	v9 =	vadd.f32 v13, v10;
	v10 =	vadd.f32 v11, v14;
	v11 =	vmul.f32 v12, v12  }
0x2c3: {  	v12 =	vmul.f32 v4, v4;
	v13 =	vld [tilespmem:s10+$0x3C80];
	v6 =	vsub.f32 v6, v8  }
0x2c4: {  	v7 =	vmul.f32 v7, v7;
	v19 =	vld [tilespmem:s0+$0xFFFFFFE0];
	v8 =	vadd.f32 v15, v9;
	v9 =	vadd.f32 v11, v10  }
0x2c5: {  	v11 =	vld [tilespmem:s17+$0xFFFFFFD0];
	v4 =	vmov v18  }
0x2c6: {  	v6 =	vmul.f32 v6, v6;
	v14 =	vld [tilespmem:s0+$0xFFFFFFD0];
	v8 =	vadd.f32 v12, v8;
	v7 =	vadd.f32 v7, v9  }
0x2c7: {  	v9 =	vld [tilespmem:s17+$0xFFFFFFC0]  }
0x2c8: {  	v10 =	vld [tilespmem:s0+$0xFFFFFFC0];
	v8 =	vmul.f32 v8, v13;
	v6 =	vadd.f32 v6, v7  }
0x2c9: {  	v7 =	vld [tilespmem:s17+$0xFFFFFFB0]  }
0x2ca: {  	v12 =	vld [tilespmem:s0+$0xFFFFFFB0];
	v2 =	vadd.f32 v8, v2;
	v5 =	vmul.f32 v6, v5  }
0x2cb: {  	v6 =	vld [tilespmem:s17+$0x20]  }
0x2cc: {  	v8 =	vld [tilespmem:s17+$0xFFFFFFA0];
	v2 =	vadd.f32 v5, v2  }
0x2cd: {  	v5 =	vld [tilespmem:s0+$0xFFFFFFA0]  }
0x2ce: {  	v13 =	vld [tilespmem:s17+$0x0]  }
0x2cf: {  	v15 =	vld [tilespmem:s0+$0x0]  }
0x2d0: {  	v16 =	vld [tilespmem:s17+$0xFFFFFF80]  }
0x2d1: {  	v18 =	vld [tilespmem:s0+$0xFFFFFF80]  }
0x2d2: {  	v20 =	vld [tilespmem:s17+$0xFFFFFF90]  }
0x2d3: {  	s16 =	sadd.s32 $0x2, s16;
	v21 =	vld [tilespmem:s0+$0xFFFFFF90]  }
0x2d4: {  	p0 =	slt.u32 s16, $0x7E;
	v22 =	vld [tilespmem:s17+$0x10]  }
0x2d5: {  	v23 =	vld [tilespmem:s0+$0x10]  }
0x2d6: {  	v24 =	vld [tilespmem:s0+$0x20]  }
0x2d7: {  	v25 =	vld [tilespmem:s17+$0x30]  }
0x2d8: {  	v16 =	vsub.f32 v16, v18;
	v18 =	vsub.f32 v20, v21;
	v20 =	vld [tilespmem:s0+$0x30]  }
0x2d9: {  	v5 =	vsub.f32 v8, v5;
	v8 =	vsub.f32 v13, v15;
	v13 =	vld [tilespmem:s17+$0x40]  }
0x2da: {  	v15 =	vmul.f32 v16, v16;
	v16 =	vmul.f32 v18, v18;
	v18 =	vsub.f32 v22, v23;
	v21 =	vld [tilespmem:s0+$0x40]  }
0x2db: {  	v7 =	vsub.f32 v7, v12;
	v5 =	vmul.f32 v5, v5;
	v6 =	vsub.f32 v6, v24;
	v12 =	vld [tilespmem:s17+$0x50]  }
0x2dc: {  	v8 =	vmul.f32 v8, v8;
	v15 =	vadd.f32 v16, v15;
	v16 =	vmul.f32 v18, v18;
	v18 =	vld [tilespmem:s0+$0x50]  }
.Ltmp5:
0x2dd: {  	v10 =	vsub.f32 v9, v10;
	v22 =	vmul.f32 v7, v7;
	v20 =	vsub.f32 v25, v20;
	v7 =	vld [tilespmem:s17+$0x60];
	(pc) =	sbr.rel @p0 .LBB2_12-.Ltmp5, $4  }
0x2de: {  	v5 =	vadd.f32 v5, v15;
	v8 =	vadd.f32 v16, v8;
	v15 =	vmul.f32 v6, v6;
	v9 =	vld [tilespmem:s0+$0x60]  }
0x2df: {  	v10 =	vmul.f32 v10, v10;
	v23 =	vsub.f32 v11, v14;
	v11 =	vsub.f32 v13, v21;
	v6 =	vld [tilespmem:s17+$0x70]  }
0x2e0: {  	s2 =	sadd.s32 $0x20, s2;
	v16 =	vmul.f32 v20, v20;
	v14 =	vadd.f32 v22, v5;
	v15 =	vadd.f32 v15, v8;
	v8 =	vld [tilespmem:s0+$0x70]  }
0x2e1: {  	v17 =	vsub.f32 v17, v19;
	v13 =	vmul.f32 v23, v23;
	s17 =	sadd.s32 $0x100, s17;
	v12 =	vsub.f32 v12, v18;
	v5 =	vld [tilespmem:s2+$0x0]  }
0x2e2: {  	v10 =	vadd.f32 v10, v14;
	v56 =	vadd.f32 v16, v15;
	v11 =	vmul.f32 v11, v11  }
0x2e3: {  	v3 =	vsub.f32 v4, v3;
	s0 =	sadd.s32 $0x20, s15;
	v57 =	vmul.f32 v17, v17;
	v58 =	vsub.f32 v7, v9  }
0x2e4: {  	s0 =	sand.u32 $0x7E0, s0;
	v61 =	vmul.f32 v12, v12;
	v59 =	vadd.f32 v13, v10;
	v60 =	vadd.f32 v11, v56  }
0x2e5: {  	v3 =	vmul.f32 v3, v3;
	v62 =	vld [tilespmem:s0+$0x3C80];
	v6 =	vsub.f32 v6, v8  }
0x2e6: {  	v4 =	vmul.f32 v58, v58;
	v7 =	vadd.f32 v57, v59;
	v63 =	vadd.f32 v61, v60;
	_ =	sdelay $0x1  }
0x2e7: {  	v6 =	vmul.f32 v6, v6;
	v3 =	vadd.f32 v3, v7;
	v4 =	vadd.f32 v4, v63;
	_ =	sdelay $0x1  }
0x2e8: {  	v3 =	vmul.f32 v3, v62;
	v4 =	vadd.f32 v6, v4;
	_ =	sdelay $0x1  }
0x2e9: {  	v2 =	vadd.f32 v3, v2;
	v3 =	vmul.f32 v4, v5;
	_ =	sdelay $0x1  }
0x2ea: {  	v2 =	vadd.f32 v3, v2  }
0x2eb: {  	s8 =	sadd.s32 $0x1, s8  }
0x2ec: {  	s17 =	simm.s32 $0x4480;
	p0 =	sne.s32 s8, s23;
	[tilespmem:$0x4480] =	vst v2  }
0x2ed: {  	[hbm4b:s22+s4] =	stream.linear.scatter [tilespmem:s17], [sflag:$0x9], $0x10, $0x200038;
	[tilespmem:$0x1DD80] =	vst v63  }
.Ltmp6:
0x2ee: {  	_ = 	snop;
	(pc) =	sbr.rel @p0 .LBB2_1-.Ltmp6, $4  }
0x2ef: {  	_ =	swait.ge [sflag:s14], $0x10  }
0x2f0: {  	[sflag:s14] =	ssyncset.done $0x0  }
0x2f1: {  	[sflag:s14] =	ssyncadd.s32 $0xFFFFFFF0  }
0x2f2: {  	_ =	strace $0x9000004A  }
0x2f3: {  	_ =	sfence.sel $0x180000  }
0x2f4: {  	[bflag:$0x0] =	sbarrier.arrive $0xFFFF  }
0x2f5: {  	_ =	strace $0x90000047  }
0x2f6: {  	s0 =	stileid.u32;
	[bflag:$0x2] =	sbarrier.arrive $0xFFFF  }
0x2f7: {  	p0 =	sne.s32 s0, $0x0;
	s0 =	rddreg [dreg:$0x5]  }
0x2f8: {  	s0 =	sadd.s32 @!p0 $0x100000, s0  }
0x2f9: {  	[sflag:s0] =	ssyncadd.tile.s32 @!p0 $0x1;
	_ =	shalt  }
.Lfunc_end2:
_tile_overlayer_lowered:
.L_overlay_start_2:
0x2fa: {  	(tag) =	ssettag $0x2  }
0x2fb: {  	s0 =	rddreg [dreg:$0x0];
	s2 =	stileid.u32  }
0x2fc: {  	s1 =	rddreg [dreg:$0x1];
	p0 =	sne.s32 s2, $0x0  }
0x2fd: {  	s3 =	rddreg [dreg:$0x2];
	[bflag:$0x3] =	sbarrier.arrive $0xFFFF;
	s2 =	simm.s32 @!p0 $0x1C09  }
0x2fe: {  	[timem:s3], [sflag:s2] =	dma.local @!p0 [hbm:s0], s1  }
0x2ff: {  	s0 =	simm.s32 @!p0 $0x9  }
0x300: {  	_ =	swait.ge @!p0 [sflag:s0], s1  }
0x301: {  	s1 =	ssub.s32 @!p0 $0x0, s1;
	[sflag:s0] =	ssyncset.done @!p0 $0x0  }
0x302: {  	[sflag:s0] =	ssyncadd.s32 @!p0 s1  }
0x303: {  	[bflag:$0x3] =	sbarrier.arrive $0xFFFF  }
0x304: {  	_ =	shalt  }

</sc_bundles>
